<compile_context>
chip_gen: v7x
topology: tpu7x:2x2x1
jax: 0.10.2.dev20260603
libtpu: 0.0.44.dev20260713+nightly
codegen_flags: <defaults>
</compile_context>

<pallas_src>
import functools

import jax
import jax.numpy as jnp
from jax import lax
from jax.experimental import pallas as pl
from jax.experimental.pallas import tpu as pltpu, tpu_sc as plsc

N = 10000
D = 128
E = 320000
EPS = 1e-5

NC = 2
NS = 16
NW = NC * NS
CHUNK = 96
ST0 = 109
ST1 = 100
TOTSTEPS = NS * (ST0 + ST1)
EPAD = TOTSTEPS * CHUNK
RPT = -(-(N + 1) // (NS * 8)) * 8
NPAD = RPT * NS


@functools.cache
def _sc_mesh():
    return plsc.VectorSubcoreMesh(
        core_axis_name="c", subcore_axis_name="s",
        num_cores=NC, num_subcores=NS)


@functools.cache
def _sc_aggregate_kernel():
    return pl.kernel(
        _sc_aggregate_body,
        out_type=jax.ShapeDtypeStruct((NC, NPAD, D), jnp.float32),
        mesh=_sc_mesh(),
        scratch_types=[
            pltpu.VMEM((8, CHUNK), jnp.int32),
            pltpu.VMEM((8, CHUNK), jnp.int32),
            pltpu.VMEM((3, CHUNK, D), jnp.float32),
            pltpu.VMEM_SHARED((NPAD, D), jnp.float32),
            pltpu.SemaphoreType.DMA,
            pltpu.SemaphoreType.DMA,
            pltpu.SemaphoreType.DMA((3,)),
        ],
    )


def _sc_aggregate_body(y_hbm, src_hbm, dst_hbm, zeros_hbm, out_hbm,
                       src_v, dst_v, rows_v, acc_sh, isem, gsem, ssem):
    c = lax.axis_index("c")
    s = lax.axis_index("s")
    base = jnp.where(c == 0, s * ST0, NS * ST0 + s * ST1)
    nst = jnp.where(c == 0, ST0, ST1)

    pltpu.sync_copy(zeros_hbm.at[pl.ds(s * RPT, RPT)],
                    acc_sh.at[pl.ds(s * RPT, RPT)])
    pltpu.sync_copy(src_hbm.at[base], src_v.at[0])
    pltpu.sync_copy(dst_hbm.at[base], dst_v.at[0])
    pltpu.sync_copy(src_hbm.at[base + 1], src_v.at[1])
    pltpu.sync_copy(dst_hbm.at[base + 1], dst_v.at[1])
    plsc.subcore_barrier()
    pltpu.async_copy(y_hbm.at[src_v.at[0]], rows_v.at[0], gsem)

    def body(j, carry):
        buf = lax.rem(j, 3)

        @pl.when(j + 2 < nst)
        def _():
            slot = lax.rem(j + 2, 8)
            pltpu.async_copy(src_hbm.at[base + j + 2], src_v.at[slot], isem)
            pltpu.async_copy(dst_hbm.at[base + j + 2], dst_v.at[slot], isem)

        @pl.when(j >= 2)
        def _():
            jo = j - 2
            slot3 = lax.rem(jo, 3)
            pltpu.make_async_copy(
                rows_v.at[slot3],
                acc_sh.at[dst_v.at[lax.rem(jo, 8)]], ssem.at[slot3]).wait()

        pltpu.make_async_copy(y_hbm.at[src_v.at[lax.rem(j, 8)]],
                              rows_v.at[buf], gsem).wait()

        @pl.when(j + 1 < nst)
        def _():
            pltpu.async_copy(y_hbm.at[src_v.at[lax.rem(j + 1, 8)]],
                             rows_v.at[lax.rem(j + 1, 3)], gsem)

        pltpu.async_copy(rows_v.at[buf], acc_sh.at[dst_v.at[lax.rem(j, 8)]],
                         ssem.at[buf], add=True)

        @pl.when(j + 2 < nst)
        def _():
            slot = lax.rem(j + 2, 8)
            pltpu.make_async_copy(src_hbm.at[base + j + 2], src_v.at[slot],
                                  isem).wait()
            pltpu.make_async_copy(dst_hbm.at[base + j + 2], dst_v.at[slot],
                                  isem).wait()

        return carry

    lax.fori_loop(0, nst, body, 0)
    for dd in (2, 1):
        jo = nst - dd
        pltpu.make_async_copy(
            rows_v.at[lax.rem(jo, 3)],
            acc_sh.at[dst_v.at[lax.rem(jo, 8)]], ssem.at[lax.rem(jo, 3)]).wait()
    plsc.subcore_barrier()
    pltpu.sync_copy(acc_sh.at[pl.ds(s * RPT, RPT)],
                    out_hbm.at[c, pl.ds(s * RPT, RPT)])


def _tc_first_body(x_ref, degs_ref, w_ref, y_ref, dinv_ref):
    deg = degs_ref[0, :N, 0] + degs_ref[1, :N, 0] + 1.0
    dinv = lax.rsqrt(deg)
    dinv_ref[...] = dinv[:, None]
    y_ref[...] = dinv[:, None] * jnp.dot(x_ref[...], w_ref[...],
                                         preferred_element_type=jnp.float32)


def _tc_mid_body(s_ref, y_ref, dinv_ref, b_ref, w_ref, o_ref):
    dinv = dinv_ref[...]
    agg = s_ref[0, :N, :] + s_ref[1, :N, :] + y_ref[...]
    z = agg * dinv + b_ref[...]
    mean = jnp.mean(z, axis=0, keepdims=True)
    var = jnp.mean((z - mean) ** 2, axis=0, keepdims=True)
    t = jnp.maximum((z - mean) / jnp.sqrt(var + EPS), 0.0)
    o_ref[...] = dinv * jnp.dot(t, w_ref[...],
                                preferred_element_type=jnp.float32)


def _tc_head_body(s_ref, y_ref, dinv_ref, b_ref, wl1_ref, bl1_ref, wl2_ref,
                  bl2_ref, o_ref):
    dinv = dinv_ref[...]
    agg = s_ref[0, :N, :] + s_ref[1, :N, :] + y_ref[...]
    z = agg * dinv + b_ref[...]
    mean = jnp.mean(z, axis=0, keepdims=True)
    var = jnp.mean((z - mean) ** 2, axis=0, keepdims=True)
    t = jnp.maximum((z - mean) / jnp.sqrt(var + EPS), 0.0)
    h = jnp.dot(t, wl1_ref[...],
                preferred_element_type=jnp.float32) + bl1_ref[...]
    mean = jnp.mean(h, axis=0, keepdims=True)
    var = jnp.mean((h - mean) ** 2, axis=0, keepdims=True)
    t = jnp.maximum((h - mean) / jnp.sqrt(var + EPS), 0.0)
    o_ref[...] = jnp.dot(t, wl2_ref[...],
                         preferred_element_type=jnp.float32) + bl2_ref[...]


_tc_first = pl.pallas_call(
    _tc_first_body, out_shape=(jax.ShapeDtypeStruct((N, D), jnp.float32),
                               jax.ShapeDtypeStruct((N, 1), jnp.float32)))
_tc_mid = pl.pallas_call(
    _tc_mid_body, out_shape=jax.ShapeDtypeStruct((N, D), jnp.float32))
_tc_head = pl.pallas_call(
    _tc_head_body, out_shape=jax.ShapeDtypeStruct((N, 2), jnp.float32))


def kernel(x, edge_index, W0, b0, W1, b1, W2, b2, Wl1, bl1, Wl2, bl2):
    src = edge_index[0]
    dst = edge_index[1]
    pad = EPAD - E
    src_p = jnp.concatenate([src, jnp.zeros((pad,), jnp.int32)])
    dst_p = jnp.concatenate([dst, jnp.full((pad,), N, jnp.int32)])
    src_r = src_p.reshape(TOTSTEPS, CHUNK)
    dst_r = dst_p.reshape(TOTSTEPS, CHUNK)

    ones_nd = jnp.ones((N, D), jnp.float32)
    zeros = jnp.zeros((NPAD, D), jnp.float32)
    b0r, b1r, b2r = b0[None, :], b1[None, :], b2[None, :]
    bl1r, bl2r = bl1[None, :], bl2[None, :]

    sc_aggregate = _sc_aggregate_kernel()

    degS = sc_aggregate(ones_nd, src_r, dst_r, zeros)
    y, dinv = _tc_first(x, degS, W0)
    S = sc_aggregate(y, src_r, dst_r, zeros)
    y = _tc_mid(S, y, dinv, b0r, W1)
    S = sc_aggregate(y, src_r, dst_r, zeros)
    y = _tc_mid(S, y, dinv, b1r, W2)
    S = sc_aggregate(y, src_r, dst_r, zeros)
    out = _tc_head(S, y, dinv, b2r, Wl1, bl1r, Wl2, bl2r)
    return out

# --- scband reference (transcript-rebuilt; emitter-appended) ---
"""Pipeline reference for scband-gcn-23862838297156 (READ-ONLY COPY).

The authoritative reference and input builder live on the scoring server;
editing this copy changes nothing except your own understanding.
"""

import jax, jax.numpy as jnp
import numpy as np

N = 10000
D = 128
H = 128
E = 320000
EPS = 1e-5


def gcn_conv(x, edge_index, W, b):
    n = x.shape[0]
    loop = jnp.arange(n, dtype=edge_index.dtype)
    src = jnp.concatenate([edge_index[0], loop])
    dst = jnp.concatenate([edge_index[1], loop])
    deg = jax.ops.segment_sum(jnp.ones(src.shape[0], dtype=x.dtype), dst, num_segments=n)
    dinv = jnp.where(deg > 0, deg ** -0.5, 0.0)
    norm = dinv[src] * dinv[dst]
    h = x @ W
    msg = h[src] * norm[:, None]
    out = jax.ops.segment_sum(msg, dst, num_segments=n)
    return out + b


def batchnorm(x):
    mean = jnp.mean(x, axis=0)
    var = jnp.var(x, axis=0)
    return (x - mean) / jnp.sqrt(var + EPS)


def setup_inputs(seed: int = 0):
    key = jax.random.key(seed)
    ks = jax.random.split(key, 16)
    d = {}
    d["x"] = jax.random.normal(ks[0], (N, D), dtype=jnp.float32)
    d["edge_index"] = jax.random.randint(ks[1], (2, E), 0, N, dtype=jnp.int32)
    s_in = 1.0 / np.sqrt(D)
    s_h = 1.0 / np.sqrt(H)
    d["W0"] = jax.random.normal(ks[2], (D, H), dtype=jnp.float32) * s_in
    d["b0"] = jnp.zeros((H,), dtype=jnp.float32)
    d["W1"] = jax.random.normal(ks[3], (H, H), dtype=jnp.float32) * s_h
    d["b1"] = jnp.zeros((H,), dtype=jnp.float32)
    d["W2"] = jax.random.normal(ks[4], (H, H), dtype=jnp.float32) * s_h
    d["b2"] = jnp.zeros((H,), dtype=jnp.float32)
    d["Wl1"] = jax.random.normal(ks[5], (H, H), dtype=jnp.float32) * s_h
    d["bl1"] = jax.random.uniform(ks[6], (H,), dtype=jnp.float32, minval=-s_h, maxval=s_h)
    d["Wl2"] = jax.random.normal(ks[7], (H, 2), dtype=jnp.float32) * s_h
    d["bl2"] = jax.random.uniform(ks[8], (2,), dtype=jnp.float32, minval=-s_h, maxval=s_h)
    return d


def reference(x, edge_index, W0, b0, W1, b1, W2, b2, Wl1, bl1, Wl2, bl2):
    # layer 0: GCNConv(num_features -> hidden) + BN + relu
    h = gcn_conv(x, edge_index, W0, b0)
    h = jax.nn.relu(batchnorm(h))
    # layer 1
    h = gcn_conv(h, edge_index, W1, b1)
    h = jax.nn.relu(batchnorm(h))
    # layer 2
    h = gcn_conv(h, edge_index, W2, b2)
    h = jax.nn.relu(batchnorm(h))
    # MLP head: lin1_1 + BN + relu + lin1_2
    h = h @ Wl1 + bl1
    h = jax.nn.relu(batchnorm(h))
    out = h @ Wl2 + bl2
    return out

if __name__ == "__main__":
    import jax
    _d = setup_inputs()
    print(jax.jit(kernel)(*tuple(_d.values())))

</pallas_src>

<mosaic_0001>
#map = affine_map<(d0, d1) -> (0, 0)>
#map1 = affine_map<(d0, d1) -> (0, 0, 0)>
module attributes {stable_mosaic.version = 14 : i64} {
  func.func @_sc_aggregate_body(%arg0: i32, %arg1: i32, %arg2: memref<10000x128xf32, #tpu.memory_space<hbm>>, %arg3: memref<3344x96xi32, #tpu.memory_space<hbm>>, %arg4: memref<3344x96xi32, #tpu.memory_space<hbm>>, %arg5: memref<10112x128xf32, #tpu.memory_space<hbm>>, %arg6: memref<2x10112x128xf32, #tpu.memory_space<hbm>>, %arg7: memref<8x96xi32, #tpu.memory_space<vmem>>, %arg8: memref<8x96xi32, #tpu.memory_space<vmem>>, %arg9: memref<3x96x128xf32, #tpu.memory_space<vmem>>, %arg10: memref<10112x128xf32, #tpu.memory_space<vmem_shared>>, %arg11: memref<!tpu.dma_semaphore, #tpu.memory_space<semaphore_mem>>, %arg12: memref<!tpu.dma_semaphore, #tpu.memory_space<semaphore_mem>>, %arg13: memref<3x!tpu.dma_semaphore, #tpu.memory_space<semaphore_mem>>) attributes {dimension_semantics = [#tpu.dimension_semantics<core_parallel>, #tpu.dimension_semantics<subcore_parallel>], iteration_bounds = array<i64: 2, 16>, scalar_prefetch = 0 : i64, scratch_operands = 7 : i64, tpu.core_type = #tpu.core_type<sc_vector_subcore>, window_params = [{transform_indices = #map}, {transform_indices = #map}, {transform_indices = #map}, {transform_indices = #map}, {transform_indices = #map1}]} {
    %eq3A = arith.constant 0 : i32
    %eq3A_0 = arith.cmpi eq, %arg0, %eq3A : i32
    %mul3A = arith.constant 109 : i32
    %mul3A_1 = arith.muli %arg1, %mul3A : i32
    %mul3A_2 = arith.constant 100 : i32
    %mul3A_3 = arith.muli %arg1, %mul3A_2 : i32
    %add3A = arith.constant 1744 : i32
    %add3A_4 = arith.addi %add3A, %mul3A_3 : i32
    %select_n3A = arith.select %eq3A_0, %mul3A_1, %add3A_4 : i32
    %eq3A_5 = arith.constant 0 : i32
    %eq3A_6 = arith.cmpi eq, %arg0, %eq3A_5 : i32
    %jit3A = arith.constant 109 : i32
    %jit3A_7 = arith.constant 100 : i32
    %select_n3A_8 = arith.select %eq3A_6, %jit3A, %jit3A_7 : i32
    %mul3A_9 = arith.constant 632 : i32
    %mul3A_10 = arith.muli %arg1, %mul3A_9 : i32
    %mul3A_11 = arith.constant 632 : i32
    %mul3A_12 = arith.muli %arg1, %mul3A_11 : i32
    "tpu.region"() ({
      %run_scoped3A_82 = tpu.sem_alloc : memref<!tpu.dma_semaphore, #tpu.memory_space<semaphore_mem>>
      %dma_start3A_83 = arith.constant 0 : i32
      %dma_start3A_84 = tpu.memref_slice %arg10[%mul3A_12, %dma_start3A_83] : memref<10112x128xf32, #tpu.memory_space<vmem_shared>> -> memref<632x128xf32, #tpu.memory_space<vmem_shared>>
      %dma_start3A_85 = arith.constant 0 : i32
      %dma_start3A_86 = tpu.memref_slice %arg5[%mul3A_10, %dma_start3A_85] : memref<10112x128xf32, #tpu.memory_space<hbm>> -> memref<632x128xf32, #tpu.memory_space<hbm>>
      tpu.enqueue_dma source(%dma_start3A_86 : memref<632x128xf32, #tpu.memory_space<hbm>>) target(%dma_start3A_84 : memref<632x128xf32, #tpu.memory_space<vmem_shared>>) target_semaphore(%run_scoped3A_82 : memref<!tpu.dma_semaphore, #tpu.memory_space<semaphore_mem>>)
      %dma_wait3A_87 = arith.constant 0 : i32
      %dma_wait3A_88 = tpu.memref_slice %arg10[%mul3A_12, %dma_wait3A_87] : memref<10112x128xf32, #tpu.memory_space<vmem_shared>> -> memref<632x128xf32, #tpu.memory_space<vmem_shared>>
      %dma_wait3A_89 = arith.constant 0 : i32
      %dma_wait3A_90 = tpu.memref_slice %arg5[%mul3A_10, %dma_wait3A_89] : memref<10112x128xf32, #tpu.memory_space<hbm>> -> memref<632x128xf32, #tpu.memory_space<hbm>>
      tpu.wait_dma2 semaphore(%run_scoped3A_82 : memref<!tpu.dma_semaphore, #tpu.memory_space<semaphore_mem>>) src(%dma_wait3A_90 : memref<632x128xf32, #tpu.memory_space<hbm>>) dst(%dma_wait3A_88 : memref<632x128xf32, #tpu.memory_space<vmem_shared>>)
      tpu.yield
    }) : () -> ()
    %run_scoped3A = arith.constant 0 : i32
    "tpu.region"() ({
      %run_scoped3A_82 = tpu.sem_alloc : memref<!tpu.dma_semaphore, #tpu.memory_space<semaphore_mem>>
      %dma_start3A_83 = arith.constant 0 : i32
      %dma_start3A_84 = tpu.memref_slice %arg7[%run_scoped3A, %dma_start3A_83] : memref<8x96xi32, #tpu.memory_space<vmem>> -> memref<1x96xi32, #tpu.memory_space<vmem>>
      %dma_start3A_85 = tpu.memref_squeeze %dma_start3A_84 : memref<1x96xi32, #tpu.memory_space<vmem>> -> memref<96xi32, #tpu.memory_space<vmem>>
      %dma_start3A_86 = arith.constant 0 : i32
      %dma_start3A_87 = tpu.memref_slice %arg3[%select_n3A, %dma_start3A_86] : memref<3344x96xi32, #tpu.memory_space<hbm>> -> memref<1x96xi32, #tpu.memory_space<hbm>>
      %dma_start3A_88 = tpu.memref_squeeze %dma_start3A_87 : memref<1x96xi32, #tpu.memory_space<hbm>> -> memref<96xi32, #tpu.memory_space<hbm>>
      %dma_start3A_89 = arith.constant 0 : i32
      %dma_start3A_90 = tpu.memref_slice %arg7[%run_scoped3A, %dma_start3A_89] : memref<8x96xi32, #tpu.memory_space<vmem>> -> memref<1x96xi32, #tpu.memory_space<vmem>>
      %dma_start3A_91 = tpu.memref_squeeze %dma_start3A_90 : memref<1x96xi32, #tpu.memory_space<vmem>> -> memref<96xi32, #tpu.memory_space<vmem>>
      %dma_start3A_92 = arith.constant 0 : i32
      %dma_start3A_93 = tpu.memref_slice %arg3[%select_n3A, %dma_start3A_92] : memref<3344x96xi32, #tpu.memory_space<hbm>> -> memref<1x96xi32, #tpu.memory_space<hbm>>
      %dma_start3A_94 = tpu.memref_squeeze %dma_start3A_93 : memref<1x96xi32, #tpu.memory_space<hbm>> -> memref<96xi32, #tpu.memory_space<hbm>>
      tpu.enqueue_dma source(%dma_start3A_94 : memref<96xi32, #tpu.memory_space<hbm>>) target(%dma_start3A_91 : memref<96xi32, #tpu.memory_space<vmem>>) target_semaphore(%run_scoped3A_82 : memref<!tpu.dma_semaphore, #tpu.memory_space<semaphore_mem>>)
      %dma_wait3A_95 = arith.constant 0 : i32
      %dma_wait3A_96 = tpu.memref_slice %arg7[%run_scoped3A, %dma_wait3A_95] : memref<8x96xi32, #tpu.memory_space<vmem>> -> memref<1x96xi32, #tpu.memory_space<vmem>>
      %dma_wait3A_97 = tpu.memref_squeeze %dma_wait3A_96 : memref<1x96xi32, #tpu.memory_space<vmem>> -> memref<96xi32, #tpu.memory_space<vmem>>
      %dma_wait3A_98 = arith.constant 0 : i32
      %dma_wait3A_99 = tpu.memref_slice %arg3[%select_n3A, %dma_wait3A_98] : memref<3344x96xi32, #tpu.memory_space<hbm>> -> memref<1x96xi32, #tpu.memory_space<hbm>>
      %dma_wait3A_100 = tpu.memref_squeeze %dma_wait3A_99 : memref<1x96xi32, #tpu.memory_space<hbm>> -> memref<96xi32, #tpu.memory_space<hbm>>
      %dma_wait3A_101 = arith.constant 0 : i32
      %dma_wait3A_102 = tpu.memref_slice %arg7[%run_scoped3A, %dma_wait3A_101] : memref<8x96xi32, #tpu.memory_space<vmem>> -> memref<1x96xi32, #tpu.memory_space<vmem>>
      %dma_wait3A_103 = tpu.memref_squeeze %dma_wait3A_102 : memref<1x96xi32, #tpu.memory_space<vmem>> -> memref<96xi32, #tpu.memory_space<vmem>>
      %dma_wait3A_104 = arith.constant 0 : i32
      %dma_wait3A_105 = tpu.memref_slice %arg3[%select_n3A, %dma_wait3A_104] : memref<3344x96xi32, #tpu.memory_space<hbm>> -> memref<1x96xi32, #tpu.memory_space<hbm>>
      %dma_wait3A_106 = tpu.memref_squeeze %dma_wait3A_105 : memref<1x96xi32, #tpu.memory_space<hbm>> -> memref<96xi32, #tpu.memory_space<hbm>>
      tpu.wait_dma2 semaphore(%run_scoped3A_82 : memref<!tpu.dma_semaphore, #tpu.memory_space<semaphore_mem>>) src(%dma_wait3A_106 : memref<96xi32, #tpu.memory_space<hbm>>) dst(%dma_wait3A_103 : memref<96xi32, #tpu.memory_space<vmem>>)
      tpu.yield
    }) : () -> ()
    %run_scoped3A_13 = arith.constant 0 : i32
    "tpu.region"() ({
      %run_scoped3A_82 = tpu.sem_alloc : memref<!tpu.dma_semaphore, #tpu.memory_space<semaphore_mem>>
      %dma_start3A_83 = arith.constant 0 : i32
      %dma_start3A_84 = tpu.memref_slice %arg8[%run_scoped3A_13, %dma_start3A_83] : memref<8x96xi32, #tpu.memory_space<vmem>> -> memref<1x96xi32, #tpu.memory_space<vmem>>
      %dma_start3A_85 = tpu.memref_squeeze %dma_start3A_84 : memref<1x96xi32, #tpu.memory_space<vmem>> -> memref<96xi32, #tpu.memory_space<vmem>>
      %dma_start3A_86 = arith.constant 0 : i32
      %dma_start3A_87 = tpu.memref_slice %arg4[%select_n3A, %dma_start3A_86] : memref<3344x96xi32, #tpu.memory_space<hbm>> -> memref<1x96xi32, #tpu.memory_space<hbm>>
      %dma_start3A_88 = tpu.memref_squeeze %dma_start3A_87 : memref<1x96xi32, #tpu.memory_space<hbm>> -> memref<96xi32, #tpu.memory_space<hbm>>
      %dma_start3A_89 = arith.constant 0 : i32
      %dma_start3A_90 = tpu.memref_slice %arg8[%run_scoped3A_13, %dma_start3A_89] : memref<8x96xi32, #tpu.memory_space<vmem>> -> memref<1x96xi32, #tpu.memory_space<vmem>>
      %dma_start3A_91 = tpu.memref_squeeze %dma_start3A_90 : memref<1x96xi32, #tpu.memory_space<vmem>> -> memref<96xi32, #tpu.memory_space<vmem>>
      %dma_start3A_92 = arith.constant 0 : i32
      %dma_start3A_93 = tpu.memref_slice %arg4[%select_n3A, %dma_start3A_92] : memref<3344x96xi32, #tpu.memory_space<hbm>> -> memref<1x96xi32, #tpu.memory_space<hbm>>
      %dma_start3A_94 = tpu.memref_squeeze %dma_start3A_93 : memref<1x96xi32, #tpu.memory_space<hbm>> -> memref<96xi32, #tpu.memory_space<hbm>>
      tpu.enqueue_dma source(%dma_start3A_94 : memref<96xi32, #tpu.memory_space<hbm>>) target(%dma_start3A_91 : memref<96xi32, #tpu.memory_space<vmem>>) target_semaphore(%run_scoped3A_82 : memref<!tpu.dma_semaphore, #tpu.memory_space<semaphore_mem>>)
      %dma_wait3A_95 = arith.constant 0 : i32
      %dma_wait3A_96 = tpu.memref_slice %arg8[%run_scoped3A_13, %dma_wait3A_95] : memref<8x96xi32, #tpu.memory_space<vmem>> -> memref<1x96xi32, #tpu.memory_space<vmem>>
      %dma_wait3A_97 = tpu.memref_squeeze %dma_wait3A_96 : memref<1x96xi32, #tpu.memory_space<vmem>> -> memref<96xi32, #tpu.memory_space<vmem>>
      %dma_wait3A_98 = arith.constant 0 : i32
      %dma_wait3A_99 = tpu.memref_slice %arg4[%select_n3A, %dma_wait3A_98] : memref<3344x96xi32, #tpu.memory_space<hbm>> -> memref<1x96xi32, #tpu.memory_space<hbm>>
      %dma_wait3A_100 = tpu.memref_squeeze %dma_wait3A_99 : memref<1x96xi32, #tpu.memory_space<hbm>> -> memref<96xi32, #tpu.memory_space<hbm>>
      %dma_wait3A_101 = arith.constant 0 : i32
      %dma_wait3A_102 = tpu.memref_slice %arg8[%run_scoped3A_13, %dma_wait3A_101] : memref<8x96xi32, #tpu.memory_space<vmem>> -> memref<1x96xi32, #tpu.memory_space<vmem>>
      %dma_wait3A_103 = tpu.memref_squeeze %dma_wait3A_102 : memref<1x96xi32, #tpu.memory_space<vmem>> -> memref<96xi32, #tpu.memory_space<vmem>>
      %dma_wait3A_104 = arith.constant 0 : i32
      %dma_wait3A_105 = tpu.memref_slice %arg4[%select_n3A, %dma_wait3A_104] : memref<3344x96xi32, #tpu.memory_space<hbm>> -> memref<1x96xi32, #tpu.memory_space<hbm>>
      %dma_wait3A_106 = tpu.memref_squeeze %dma_wait3A_105 : memref<1x96xi32, #tpu.memory_space<hbm>> -> memref<96xi32, #tpu.memory_space<hbm>>
      tpu.wait_dma2 semaphore(%run_scoped3A_82 : memref<!tpu.dma_semaphore, #tpu.memory_space<semaphore_mem>>) src(%dma_wait3A_106 : memref<96xi32, #tpu.memory_space<hbm>>) dst(%dma_wait3A_103 : memref<96xi32, #tpu.memory_space<vmem>>)
      tpu.yield
    }) : () -> ()
    %add3A_14 = arith.constant 1 : i32
    %add3A_15 = arith.addi %select_n3A, %add3A_14 : i32
    %run_scoped3A_16 = arith.constant 1 : i32
    "tpu.region"() ({
      %run_scoped3A_82 = tpu.sem_alloc : memref<!tpu.dma_semaphore, #tpu.memory_space<semaphore_mem>>
      %dma_start3A_83 = arith.constant 0 : i32
      %dma_start3A_84 = tpu.memref_slice %arg7[%run_scoped3A_16, %dma_start3A_83] : memref<8x96xi32, #tpu.memory_space<vmem>> -> memref<1x96xi32, #tpu.memory_space<vmem>>
      %dma_start3A_85 = tpu.memref_squeeze %dma_start3A_84 : memref<1x96xi32, #tpu.memory_space<vmem>> -> memref<96xi32, #tpu.memory_space<vmem>>
      %dma_start3A_86 = arith.constant 0 : i32
      %dma_start3A_87 = tpu.memref_slice %arg3[%add3A_15, %dma_start3A_86] : memref<3344x96xi32, #tpu.memory_space<hbm>> -> memref<1x96xi32, #tpu.memory_space<hbm>>
      %dma_start3A_88 = tpu.memref_squeeze %dma_start3A_87 : memref<1x96xi32, #tpu.memory_space<hbm>> -> memref<96xi32, #tpu.memory_space<hbm>>
      %dma_start3A_89 = arith.constant 0 : i32
      %dma_start3A_90 = tpu.memref_slice %arg7[%run_scoped3A_16, %dma_start3A_89] : memref<8x96xi32, #tpu.memory_space<vmem>> -> memref<1x96xi32, #tpu.memory_space<vmem>>
      %dma_start3A_91 = tpu.memref_squeeze %dma_start3A_90 : memref<1x96xi32, #tpu.memory_space<vmem>> -> memref<96xi32, #tpu.memory_space<vmem>>
      %dma_start3A_92 = arith.constant 0 : i32
      %dma_start3A_93 = tpu.memref_slice %arg3[%add3A_15, %dma_start3A_92] : memref<3344x96xi32, #tpu.memory_space<hbm>> -> memref<1x96xi32, #tpu.memory_space<hbm>>
      %dma_start3A_94 = tpu.memref_squeeze %dma_start3A_93 : memref<1x96xi32, #tpu.memory_space<hbm>> -> memref<96xi32, #tpu.memory_space<hbm>>
      tpu.enqueue_dma source(%dma_start3A_94 : memref<96xi32, #tpu.memory_space<hbm>>) target(%dma_start3A_91 : memref<96xi32, #tpu.memory_space<vmem>>) target_semaphore(%run_scoped3A_82 : memref<!tpu.dma_semaphore, #tpu.memory_space<semaphore_mem>>)
      %dma_wait3A_95 = arith.constant 0 : i32
      %dma_wait3A_96 = tpu.memref_slice %arg7[%run_scoped3A_16, %dma_wait3A_95] : memref<8x96xi32, #tpu.memory_space<vmem>> -> memref<1x96xi32, #tpu.memory_space<vmem>>
      %dma_wait3A_97 = tpu.memref_squeeze %dma_wait3A_96 : memref<1x96xi32, #tpu.memory_space<vmem>> -> memref<96xi32, #tpu.memory_space<vmem>>
      %dma_wait3A_98 = arith.constant 0 : i32
      %dma_wait3A_99 = tpu.memref_slice %arg3[%add3A_15, %dma_wait3A_98] : memref<3344x96xi32, #tpu.memory_space<hbm>> -> memref<1x96xi32, #tpu.memory_space<hbm>>
      %dma_wait3A_100 = tpu.memref_squeeze %dma_wait3A_99 : memref<1x96xi32, #tpu.memory_space<hbm>> -> memref<96xi32, #tpu.memory_space<hbm>>
      %dma_wait3A_101 = arith.constant 0 : i32
      %dma_wait3A_102 = tpu.memref_slice %arg7[%run_scoped3A_16, %dma_wait3A_101] : memref<8x96xi32, #tpu.memory_space<vmem>> -> memref<1x96xi32, #tpu.memory_space<vmem>>
      %dma_wait3A_103 = tpu.memref_squeeze %dma_wait3A_102 : memref<1x96xi32, #tpu.memory_space<vmem>> -> memref<96xi32, #tpu.memory_space<vmem>>
      %dma_wait3A_104 = arith.constant 0 : i32
      %dma_wait3A_105 = tpu.memref_slice %arg3[%add3A_15, %dma_wait3A_104] : memref<3344x96xi32, #tpu.memory_space<hbm>> -> memref<1x96xi32, #tpu.memory_space<hbm>>
      %dma_wait3A_106 = tpu.memref_squeeze %dma_wait3A_105 : memref<1x96xi32, #tpu.memory_space<hbm>> -> memref<96xi32, #tpu.memory_space<hbm>>
      tpu.wait_dma2 semaphore(%run_scoped3A_82 : memref<!tpu.dma_semaphore, #tpu.memory_space<semaphore_mem>>) src(%dma_wait3A_106 : memref<96xi32, #tpu.memory_space<hbm>>) dst(%dma_wait3A_103 : memref<96xi32, #tpu.memory_space<vmem>>)
      tpu.yield
    }) : () -> ()
    %add3A_17 = arith.constant 1 : i32
    %add3A_18 = arith.addi %select_n3A, %add3A_17 : i32
    %run_scoped3A_19 = arith.constant 1 : i32
    "tpu.region"() ({
      %run_scoped3A_82 = tpu.sem_alloc : memref<!tpu.dma_semaphore, #tpu.memory_space<semaphore_mem>>
      %dma_start3A_83 = arith.constant 0 : i32
      %dma_start3A_84 = tpu.memref_slice %arg8[%run_scoped3A_19, %dma_start3A_83] : memref<8x96xi32, #tpu.memory_space<vmem>> -> memref<1x96xi32, #tpu.memory_space<vmem>>
      %dma_start3A_85 = tpu.memref_squeeze %dma_start3A_84 : memref<1x96xi32, #tpu.memory_space<vmem>> -> memref<96xi32, #tpu.memory_space<vmem>>
      %dma_start3A_86 = arith.constant 0 : i32
      %dma_start3A_87 = tpu.memref_slice %arg4[%add3A_18, %dma_start3A_86] : memref<3344x96xi32, #tpu.memory_space<hbm>> -> memref<1x96xi32, #tpu.memory_space<hbm>>
      %dma_start3A_88 = tpu.memref_squeeze %dma_start3A_87 : memref<1x96xi32, #tpu.memory_space<hbm>> -> memref<96xi32, #tpu.memory_space<hbm>>
      %dma_start3A_89 = arith.constant 0 : i32
      %dma_start3A_90 = tpu.memref_slice %arg8[%run_scoped3A_19, %dma_start3A_89] : memref<8x96xi32, #tpu.memory_space<vmem>> -> memref<1x96xi32, #tpu.memory_space<vmem>>
      %dma_start3A_91 = tpu.memref_squeeze %dma_start3A_90 : memref<1x96xi32, #tpu.memory_space<vmem>> -> memref<96xi32, #tpu.memory_space<vmem>>
      %dma_start3A_92 = arith.constant 0 : i32
      %dma_start3A_93 = tpu.memref_slice %arg4[%add3A_18, %dma_start3A_92] : memref<3344x96xi32, #tpu.memory_space<hbm>> -> memref<1x96xi32, #tpu.memory_space<hbm>>
      %dma_start3A_94 = tpu.memref_squeeze %dma_start3A_93 : memref<1x96xi32, #tpu.memory_space<hbm>> -> memref<96xi32, #tpu.memory_space<hbm>>
      tpu.enqueue_dma source(%dma_start3A_94 : memref<96xi32, #tpu.memory_space<hbm>>) target(%dma_start3A_91 : memref<96xi32, #tpu.memory_space<vmem>>) target_semaphore(%run_scoped3A_82 : memref<!tpu.dma_semaphore, #tpu.memory_space<semaphore_mem>>)
      %dma_wait3A_95 = arith.constant 0 : i32
      %dma_wait3A_96 = tpu.memref_slice %arg8[%run_scoped3A_19, %dma_wait3A_95] : memref<8x96xi32, #tpu.memory_space<vmem>> -> memref<1x96xi32, #tpu.memory_space<vmem>>
      %dma_wait3A_97 = tpu.memref_squeeze %dma_wait3A_96 : memref<1x96xi32, #tpu.memory_space<vmem>> -> memref<96xi32, #tpu.memory_space<vmem>>
      %dma_wait3A_98 = arith.constant 0 : i32
      %dma_wait3A_99 = tpu.memref_slice %arg4[%add3A_18, %dma_wait3A_98] : memref<3344x96xi32, #tpu.memory_space<hbm>> -> memref<1x96xi32, #tpu.memory_space<hbm>>
      %dma_wait3A_100 = tpu.memref_squeeze %dma_wait3A_99 : memref<1x96xi32, #tpu.memory_space<hbm>> -> memref<96xi32, #tpu.memory_space<hbm>>
      %dma_wait3A_101 = arith.constant 0 : i32
      %dma_wait3A_102 = tpu.memref_slice %arg8[%run_scoped3A_19, %dma_wait3A_101] : memref<8x96xi32, #tpu.memory_space<vmem>> -> memref<1x96xi32, #tpu.memory_space<vmem>>
      %dma_wait3A_103 = tpu.memref_squeeze %dma_wait3A_102 : memref<1x96xi32, #tpu.memory_space<vmem>> -> memref<96xi32, #tpu.memory_space<vmem>>
      %dma_wait3A_104 = arith.constant 0 : i32
      %dma_wait3A_105 = tpu.memref_slice %arg4[%add3A_18, %dma_wait3A_104] : memref<3344x96xi32, #tpu.memory_space<hbm>> -> memref<1x96xi32, #tpu.memory_space<hbm>>
      %dma_wait3A_106 = tpu.memref_squeeze %dma_wait3A_105 : memref<1x96xi32, #tpu.memory_space<hbm>> -> memref<96xi32, #tpu.memory_space<hbm>>
      tpu.wait_dma2 semaphore(%run_scoped3A_82 : memref<!tpu.dma_semaphore, #tpu.memory_space<semaphore_mem>>) src(%dma_wait3A_106 : memref<96xi32, #tpu.memory_space<hbm>>) dst(%dma_wait3A_103 : memref<96xi32, #tpu.memory_space<vmem>>)
      tpu.yield
    }) : () -> ()
    %barrier3A = arith.constant 0 : index
    tpu.barrier barrier_id(%barrier3A)
    %dma_start3A = arith.constant 0 : i32
    %dma_start3A_20 = arith.constant 0 : i32
    %dma_start3A_21 = arith.constant 0 : i32
    %dma_start3A_22 = arith.constant 0 : i32
    %dma_start3A_23 = tpu.memref_slice %arg9[%dma_start3A_20, %dma_start3A_21, %dma_start3A_22] : memref<3x96x128xf32, #tpu.memory_space<vmem>> -> memref<1x96x128xf32, #tpu.memory_space<vmem>>
    %dma_start3A_24 = tpu.memref_squeeze %dma_start3A_23 : memref<1x96x128xf32, #tpu.memory_space<vmem>> -> memref<96x128xf32, #tpu.memory_space<vmem>>
    %dma_start3A_25 = arith.constant 0 : i32
    %dma_start3A_26 = tpu.memref_slice %arg7[%dma_start3A, %dma_start3A_25] : memref<8x96xi32, #tpu.memory_space<vmem>> -> memref<1x96xi32, #tpu.memory_space<vmem>>
    %dma_start3A_27 = tpu.memref_squeeze %dma_start3A_26 : memref<1x96xi32, #tpu.memory_space<vmem>> -> memref<96xi32, #tpu.memory_space<vmem>>
    %dma_start3A_28 = arith.constant 0 : i32
    %dma_start3A_29 = arith.constant 0 : i32
    %dma_start3A_30 = tpu.memref_slice %arg2[%dma_start3A_28, %dma_start3A_29] : memref<10000x128xf32, #tpu.memory_space<hbm>> -> memref<10000x128xf32, #tpu.memory_space<hbm>>
    tpu.enqueue_indirect_dma source(%dma_start3A_30 : memref<10000x128xf32, #tpu.memory_space<hbm>>) target(%dma_start3A_24 : memref<96x128xf32, #tpu.memory_space<vmem>>) offsets(%dma_start3A_27 : memref<96xi32, #tpu.memory_space<vmem>>) semaphore(%arg12 : memref<!tpu.dma_semaphore, #tpu.memory_space<semaphore_mem>>)
    %while3A = arith.constant 0 : i32
    %while3A_31 = arith.constant 0 : i32
    %while3A_32 = arith.subi %select_n3A_8, %while3A_31 : i32
    %while3A_33 = arith.addi %while3A_31, %while3A_32 : i32
    %while3A_34 = arith.constant 1 : i32
    %while3A_35 = arith.divsi %while3A_32, %while3A_34 : i32
    %while3A_36 = arith.muli %while3A_35, %while3A_34 : i32
    %while3A_37 = arith.addi %while3A_31, %while3A_36 : i32
    %while3A_38 = arith.constant 1 : i32
    scf.for %while3A_82 = %while3A_31 to %while3A_37 step %while3A_38  : i32 {
      %rem3A_83 = arith.constant 3 : i32
      %rem3A_84 = arith.remsi %while3A_82, %rem3A_83 : i32
      %add3A_85 = arith.constant 2 : i32
      %add3A_86 = arith.addi %while3A_82, %add3A_85 : i32
      %lt3A = arith.cmpi slt, %add3A_86, %select_n3A_8 : i32
      %convert_element_type3A = arith.extui %lt3A : i1 to i32
      %cond3A = arith.constant 0 : i32
      %cond3A_87 = arith.cmpi ne, %convert_element_type3A, %cond3A : i32
      scf.if %cond3A_87 {
        %add3A_130 = arith.constant 2 : i32
        %add3A_131 = arith.addi %while3A_82, %add3A_130 : i32
        %rem3A_132 = arith.constant 8 : i32
        %rem3A_133 = arith.remsi %add3A_131, %rem3A_132 : i32
        %add3A_134 = arith.addi %select_n3A, %while3A_82 : i32
        %add3A_135 = arith.constant 2 : i32
        %add3A_136 = arith.addi %add3A_134, %add3A_135 : i32
        %dma_start3A_137 = arith.constant 0 : i32
        %dma_start3A_138 = tpu.memref_slice %arg7[%rem3A_133, %dma_start3A_137] : memref<8x96xi32, #tpu.memory_space<vmem>> -> memref<1x96xi32, #tpu.memory_space<vmem>>
        %dma_start3A_139 = tpu.memref_squeeze %dma_start3A_138 : memref<1x96xi32, #tpu.memory_space<vmem>> -> memref<96xi32, #tpu.memory_space<vmem>>
        %dma_start3A_140 = arith.constant 0 : i32
        %dma_start3A_141 = tpu.memref_slice %arg3[%add3A_136, %dma_start3A_140] : memref<3344x96xi32, #tpu.memory_space<hbm>> -> memref<1x96xi32, #tpu.memory_space<hbm>>
        %dma_start3A_142 = tpu.memref_squeeze %dma_start3A_141 : memref<1x96xi32, #tpu.memory_space<hbm>> -> memref<96xi32, #tpu.memory_space<hbm>>
        %dma_start3A_143 = arith.constant 0 : i32
        %dma_start3A_144 = tpu.memref_slice %arg7[%rem3A_133, %dma_start3A_143] : memref<8x96xi32, #tpu.memory_space<vmem>> -> memref<1x96xi32, #tpu.memory_space<vmem>>
        %dma_start3A_145 = tpu.memref_squeeze %dma_start3A_144 : memref<1x96xi32, #tpu.memory_space<vmem>> -> memref<96xi32, #tpu.memory_space<vmem>>
        %dma_start3A_146 = arith.constant 0 : i32
        %dma_start3A_147 = tpu.memref_slice %arg3[%add3A_136, %dma_start3A_146] : memref<3344x96xi32, #tpu.memory_space<hbm>> -> memref<1x96xi32, #tpu.memory_space<hbm>>
        %dma_start3A_148 = tpu.memref_squeeze %dma_start3A_147 : memref<1x96xi32, #tpu.memory_space<hbm>> -> memref<96xi32, #tpu.memory_space<hbm>>
        tpu.enqueue_dma source(%dma_start3A_148 : memref<96xi32, #tpu.memory_space<hbm>>) target(%dma_start3A_145 : memref<96xi32, #tpu.memory_space<vmem>>) target_semaphore(%arg11 : memref<!tpu.dma_semaphore, #tpu.memory_space<semaphore_mem>>)
        %add3A_149 = arith.addi %select_n3A, %while3A_82 : i32
        %add3A_150 = arith.constant 2 : i32
        %add3A_151 = arith.addi %add3A_149, %add3A_150 : i32
        %dma_start3A_152 = arith.constant 0 : i32
        %dma_start3A_153 = tpu.memref_slice %arg8[%rem3A_133, %dma_start3A_152] : memref<8x96xi32, #tpu.memory_space<vmem>> -> memref<1x96xi32, #tpu.memory_space<vmem>>
        %dma_start3A_154 = tpu.memref_squeeze %dma_start3A_153 : memref<1x96xi32, #tpu.memory_space<vmem>> -> memref<96xi32, #tpu.memory_space<vmem>>
        %dma_start3A_155 = arith.constant 0 : i32
        %dma_start3A_156 = tpu.memref_slice %arg4[%add3A_151, %dma_start3A_155] : memref<3344x96xi32, #tpu.memory_space<hbm>> -> memref<1x96xi32, #tpu.memory_space<hbm>>
        %dma_start3A_157 = tpu.memref_squeeze %dma_start3A_156 : memref<1x96xi32, #tpu.memory_space<hbm>> -> memref<96xi32, #tpu.memory_space<hbm>>
        %dma_start3A_158 = arith.constant 0 : i32
        %dma_start3A_159 = tpu.memref_slice %arg8[%rem3A_133, %dma_start3A_158] : memref<8x96xi32, #tpu.memory_space<vmem>> -> memref<1x96xi32, #tpu.memory_space<vmem>>
        %dma_start3A_160 = tpu.memref_squeeze %dma_start3A_159 : memref<1x96xi32, #tpu.memory_space<vmem>> -> memref<96xi32, #tpu.memory_space<vmem>>
        %dma_start3A_161 = arith.constant 0 : i32
        %dma_start3A_162 = tpu.memref_slice %arg4[%add3A_151, %dma_start3A_161] : memref<3344x96xi32, #tpu.memory_space<hbm>> -> memref<1x96xi32, #tpu.memory_space<hbm>>
        %dma_start3A_163 = tpu.memref_squeeze %dma_start3A_162 : memref<1x96xi32, #tpu.memory_space<hbm>> -> memref<96xi32, #tpu.memory_space<hbm>>
        tpu.enqueue_dma source(%dma_start3A_163 : memref<96xi32, #tpu.memory_space<hbm>>) target(%dma_start3A_160 : memref<96xi32, #tpu.memory_space<vmem>>) target_semaphore(%arg11 : memref<!tpu.dma_semaphore, #tpu.memory_space<semaphore_mem>>)
      } else {
      }
      %ge3A = arith.constant 2 : i32
      %ge3A_88 = arith.cmpi sge, %while3A_82, %ge3A : i32
      %convert_element_type3A_89 = arith.extui %ge3A_88 : i1 to i32
      %cond3A_90 = arith.constant 0 : i32
      %cond3A_91 = arith.cmpi ne, %convert_element_type3A_89, %cond3A_90 : i32
      scf.if %cond3A_91 {
        %sub3A_130 = arith.constant 2 : i32
        %sub3A_131 = arith.subi %while3A_82, %sub3A_130 : i32
        %rem3A_132 = arith.constant 3 : i32
        %rem3A_133 = arith.remsi %sub3A_131, %rem3A_132 : i32
        %rem3A_134 = arith.constant 8 : i32
        %rem3A_135 = arith.remsi %sub3A_131, %rem3A_134 : i32
        %dma_wait3A_136 = arith.constant 0 : i32
        %dma_wait3A_137 = arith.constant 0 : i32
        %dma_wait3A_138 = tpu.memref_slice %arg9[%rem3A_133, %dma_wait3A_136, %dma_wait3A_137] : memref<3x96x128xf32, #tpu.memory_space<vmem>> -> memref<1x96x128xf32, #tpu.memory_space<vmem>>
        %dma_wait3A_139 = tpu.memref_squeeze %dma_wait3A_138 : memref<1x96x128xf32, #tpu.memory_space<vmem>> -> memref<96x128xf32, #tpu.memory_space<vmem>>
        %dma_wait3A_140 = arith.constant 0 : i32
        %dma_wait3A_141 = tpu.memref_slice %arg8[%rem3A_135, %dma_wait3A_140] : memref<8x96xi32, #tpu.memory_space<vmem>> -> memref<1x96xi32, #tpu.memory_space<vmem>>
        %dma_wait3A_142 = tpu.memref_squeeze %dma_wait3A_141 : memref<1x96xi32, #tpu.memory_space<vmem>> -> memref<96xi32, #tpu.memory_space<vmem>>
        %dma_wait3A_143 = arith.constant 0 : i32
        %dma_wait3A_144 = arith.constant 0 : i32
        %dma_wait3A_145 = tpu.memref_slice %arg10[%dma_wait3A_143, %dma_wait3A_144] : memref<10112x128xf32, #tpu.memory_space<vmem_shared>> -> memref<10112x128xf32, #tpu.memory_space<vmem_shared>>
        %dma_wait3A_146 = tpu.memref_slice %arg13[%rem3A_133] : memref<3x!tpu.dma_semaphore, #tpu.memory_space<semaphore_mem>> -> memref<1x!tpu.dma_semaphore, #tpu.memory_space<semaphore_mem>>
        %dma_wait3A_147 = tpu.memref_squeeze %dma_wait3A_146 : memref<1x!tpu.dma_semaphore, #tpu.memory_space<semaphore_mem>> -> memref<!tpu.dma_semaphore, #tpu.memory_space<semaphore_mem>>
        tpu.wait_indirect_dma semaphore(%dma_wait3A_147 : memref<!tpu.dma_semaphore, #tpu.memory_space<semaphore_mem>>) src(%dma_wait3A_139 : memref<96x128xf32, #tpu.memory_space<vmem>>) dst(%dma_wait3A_145 : memref<10112x128xf32, #tpu.memory_space<vmem_shared>>)
      } else {
      }
      %rem3A_92 = arith.constant 8 : i32
      %rem3A_93 = arith.remsi %while3A_82, %rem3A_92 : i32
      %dma_wait3A_94 = arith.constant 0 : i32
      %dma_wait3A_95 = arith.constant 0 : i32
      %dma_wait3A_96 = tpu.memref_slice %arg9[%rem3A_84, %dma_wait3A_94, %dma_wait3A_95] : memref<3x96x128xf32, #tpu.memory_space<vmem>> -> memref<1x96x128xf32, #tpu.memory_space<vmem>>
      %dma_wait3A_97 = tpu.memref_squeeze %dma_wait3A_96 : memref<1x96x128xf32, #tpu.memory_space<vmem>> -> memref<96x128xf32, #tpu.memory_space<vmem>>
      %dma_wait3A_98 = arith.constant 0 : i32
      %dma_wait3A_99 = tpu.memref_slice %arg7[%rem3A_93, %dma_wait3A_98] : memref<8x96xi32, #tpu.memory_space<vmem>> -> memref<1x96xi32, #tpu.memory_space<vmem>>
      %dma_wait3A_100 = tpu.memref_squeeze %dma_wait3A_99 : memref<1x96xi32, #tpu.memory_space<vmem>> -> memref<96xi32, #tpu.memory_space<vmem>>
      %dma_wait3A_101 = arith.constant 0 : i32
      %dma_wait3A_102 = arith.constant 0 : i32
      %dma_wait3A_103 = tpu.memref_slice %arg2[%dma_wait3A_101, %dma_wait3A_102] : memref<10000x128xf32, #tpu.memory_space<hbm>> -> memref<10000x128xf32, #tpu.memory_space<hbm>>
      tpu.wait_indirect_dma semaphore(%arg12 : memref<!tpu.dma_semaphore, #tpu.memory_space<semaphore_mem>>) src(%dma_wait3A_103 : memref<10000x128xf32, #tpu.memory_space<hbm>>) dst(%dma_wait3A_97 : memref<96x128xf32, #tpu.memory_space<vmem>>)
      %add3A_104 = arith.constant 1 : i32
      %add3A_105 = arith.addi %while3A_82, %add3A_104 : i32
      %lt3A_106 = arith.cmpi slt, %add3A_105, %select_n3A_8 : i32
      %convert_element_type3A_107 = arith.extui %lt3A_106 : i1 to i32
      %cond3A_108 = arith.constant 0 : i32
      %cond3A_109 = arith.cmpi ne, %convert_element_type3A_107, %cond3A_108 : i32
      scf.if %cond3A_109 {
        %add3A_130 = arith.constant 1 : i32
        %add3A_131 = arith.addi %while3A_82, %add3A_130 : i32
        %rem3A_132 = arith.constant 8 : i32
        %rem3A_133 = arith.remsi %add3A_131, %rem3A_132 : i32
        %add3A_134 = arith.constant 1 : i32
        %add3A_135 = arith.addi %while3A_82, %add3A_134 : i32
        %rem3A_136 = arith.constant 3 : i32
        %rem3A_137 = arith.remsi %add3A_135, %rem3A_136 : i32
        %dma_start3A_138 = arith.constant 0 : i32
        %dma_start3A_139 = arith.constant 0 : i32
        %dma_start3A_140 = tpu.memref_slice %arg9[%rem3A_137, %dma_start3A_138, %dma_start3A_139] : memref<3x96x128xf32, #tpu.memory_space<vmem>> -> memref<1x96x128xf32, #tpu.memory_space<vmem>>
        %dma_start3A_141 = tpu.memref_squeeze %dma_start3A_140 : memref<1x96x128xf32, #tpu.memory_space<vmem>> -> memref<96x128xf32, #tpu.memory_space<vmem>>
        %dma_start3A_142 = arith.constant 0 : i32
        %dma_start3A_143 = tpu.memref_slice %arg7[%rem3A_133, %dma_start3A_142] : memref<8x96xi32, #tpu.memory_space<vmem>> -> memref<1x96xi32, #tpu.memory_space<vmem>>
        %dma_start3A_144 = tpu.memref_squeeze %dma_start3A_143 : memref<1x96xi32, #tpu.memory_space<vmem>> -> memref<96xi32, #tpu.memory_space<vmem>>
        %dma_start3A_145 = arith.constant 0 : i32
        %dma_start3A_146 = arith.constant 0 : i32
        %dma_start3A_147 = tpu.memref_slice %arg2[%dma_start3A_145, %dma_start3A_146] : memref<10000x128xf32, #tpu.memory_space<hbm>> -> memref<10000x128xf32, #tpu.memory_space<hbm>>
        tpu.enqueue_indirect_dma source(%dma_start3A_147 : memref<10000x128xf32, #tpu.memory_space<hbm>>) target(%dma_start3A_141 : memref<96x128xf32, #tpu.memory_space<vmem>>) offsets(%dma_start3A_144 : memref<96xi32, #tpu.memory_space<vmem>>) semaphore(%arg12 : memref<!tpu.dma_semaphore, #tpu.memory_space<semaphore_mem>>)
      } else {
      }
      %rem3A_110 = arith.constant 8 : i32
      %rem3A_111 = arith.remsi %while3A_82, %rem3A_110 : i32
      %dma_start3A_112 = arith.constant 0 : i32
      %dma_start3A_113 = arith.constant 0 : i32
      %dma_start3A_114 = tpu.memref_slice %arg9[%rem3A_84, %dma_start3A_112, %dma_start3A_113] : memref<3x96x128xf32, #tpu.memory_space<vmem>> -> memref<1x96x128xf32, #tpu.memory_space<vmem>>
      %dma_start3A_115 = tpu.memref_squeeze %dma_start3A_114 : memref<1x96x128xf32, #tpu.memory_space<vmem>> -> memref<96x128xf32, #tpu.memory_space<vmem>>
      %dma_start3A_116 = arith.constant 0 : i32
      %dma_start3A_117 = tpu.memref_slice %arg8[%rem3A_111, %dma_start3A_116] : memref<8x96xi32, #tpu.memory_space<vmem>> -> memref<1x96xi32, #tpu.memory_space<vmem>>
      %dma_start3A_118 = tpu.memref_squeeze %dma_start3A_117 : memref<1x96xi32, #tpu.memory_space<vmem>> -> memref<96xi32, #tpu.memory_space<vmem>>
      %dma_start3A_119 = arith.constant 0 : i32
      %dma_start3A_120 = arith.constant 0 : i32
      %dma_start3A_121 = tpu.memref_slice %arg10[%dma_start3A_119, %dma_start3A_120] : memref<10112x128xf32, #tpu.memory_space<vmem_shared>> -> memref<10112x128xf32, #tpu.memory_space<vmem_shared>>
      %dma_start3A_122 = tpu.memref_slice %arg13[%rem3A_84] : memref<3x!tpu.dma_semaphore, #tpu.memory_space<semaphore_mem>> -> memref<1x!tpu.dma_semaphore, #tpu.memory_space<semaphore_mem>>
      %dma_start3A_123 = tpu.memref_squeeze %dma_start3A_122 : memref<1x!tpu.dma_semaphore, #tpu.memory_space<semaphore_mem>> -> memref<!tpu.dma_semaphore, #tpu.memory_space<semaphore_mem>>
      tpu.enqueue_indirect_dma source(%dma_start3A_115 : memref<96x128xf32, #tpu.memory_space<vmem>>) target(%dma_start3A_121 : memref<10112x128xf32, #tpu.memory_space<vmem_shared>>) offsets(%dma_start3A_118 : memref<96xi32, #tpu.memory_space<vmem>>) semaphore(%dma_start3A_123 : memref<!tpu.dma_semaphore, #tpu.memory_space<semaphore_mem>>) {add = true}
      %add3A_124 = arith.constant 2 : i32
      %add3A_125 = arith.addi %while3A_82, %add3A_124 : i32
      %lt3A_126 = arith.cmpi slt, %add3A_125, %select_n3A_8 : i32
      %convert_element_type3A_127 = arith.extui %lt3A_126 : i1 to i32
      %cond3A_128 = arith.constant 0 : i32
      %cond3A_129 = arith.cmpi ne, %convert_element_type3A_127, %cond3A_128 : i32
      scf.if %cond3A_129 {
        %add3A_130 = arith.constant 2 : i32
        %add3A_131 = arith.addi %while3A_82, %add3A_130 : i32
        %rem3A_132 = arith.constant 8 : i32
        %rem3A_133 = arith.remsi %add3A_131, %rem3A_132 : i32
        %add3A_134 = arith.addi %select_n3A, %while3A_82 : i32
        %add3A_135 = arith.constant 2 : i32
        %add3A_136 = arith.addi %add3A_134, %add3A_135 : i32
        %dma_wait3A_137 = arith.constant 0 : i32
        %dma_wait3A_138 = tpu.memref_slice %arg7[%rem3A_133, %dma_wait3A_137] : memref<8x96xi32, #tpu.memory_space<vmem>> -> memref<1x96xi32, #tpu.memory_space<vmem>>
        %dma_wait3A_139 = tpu.memref_squeeze %dma_wait3A_138 : memref<1x96xi32, #tpu.memory_space<vmem>> -> memref<96xi32, #tpu.memory_space<vmem>>
        %dma_wait3A_140 = arith.constant 0 : i32
        %dma_wait3A_141 = tpu.memref_slice %arg3[%add3A_136, %dma_wait3A_140] : memref<3344x96xi32, #tpu.memory_space<hbm>> -> memref<1x96xi32, #tpu.memory_space<hbm>>
        %dma_wait3A_142 = tpu.memref_squeeze %dma_wait3A_141 : memref<1x96xi32, #tpu.memory_space<hbm>> -> memref<96xi32, #tpu.memory_space<hbm>>
        %dma_wait3A_143 = arith.constant 0 : i32
        %dma_wait3A_144 = tpu.memref_slice %arg7[%rem3A_133, %dma_wait3A_143] : memref<8x96xi32, #tpu.memory_space<vmem>> -> memref<1x96xi32, #tpu.memory_space<vmem>>
        %dma_wait3A_145 = tpu.memref_squeeze %dma_wait3A_144 : memref<1x96xi32, #tpu.memory_space<vmem>> -> memref<96xi32, #tpu.memory_space<vmem>>
        %dma_wait3A_146 = arith.constant 0 : i32
        %dma_wait3A_147 = tpu.memref_slice %arg3[%add3A_136, %dma_wait3A_146] : memref<3344x96xi32, #tpu.memory_space<hbm>> -> memref<1x96xi32, #tpu.memory_space<hbm>>
        %dma_wait3A_148 = tpu.memref_squeeze %dma_wait3A_147 : memref<1x96xi32, #tpu.memory_space<hbm>> -> memref<96xi32, #tpu.memory_space<hbm>>
        tpu.wait_dma2 semaphore(%arg11 : memref<!tpu.dma_semaphore, #tpu.memory_space<semaphore_mem>>) src(%dma_wait3A_148 : memref<96xi32, #tpu.memory_space<hbm>>) dst(%dma_wait3A_145 : memref<96xi32, #tpu.memory_space<vmem>>)
        %add3A_149 = arith.addi %select_n3A, %while3A_82 : i32
        %add3A_150 = arith.constant 2 : i32
        %add3A_151 = arith.addi %add3A_149, %add3A_150 : i32
        %dma_wait3A_152 = arith.constant 0 : i32
        %dma_wait3A_153 = tpu.memref_slice %arg8[%rem3A_133, %dma_wait3A_152] : memref<8x96xi32, #tpu.memory_space<vmem>> -> memref<1x96xi32, #tpu.memory_space<vmem>>
        %dma_wait3A_154 = tpu.memref_squeeze %dma_wait3A_153 : memref<1x96xi32, #tpu.memory_space<vmem>> -> memref<96xi32, #tpu.memory_space<vmem>>
        %dma_wait3A_155 = arith.constant 0 : i32
        %dma_wait3A_156 = tpu.memref_slice %arg4[%add3A_151, %dma_wait3A_155] : memref<3344x96xi32, #tpu.memory_space<hbm>> -> memref<1x96xi32, #tpu.memory_space<hbm>>
        %dma_wait3A_157 = tpu.memref_squeeze %dma_wait3A_156 : memref<1x96xi32, #tpu.memory_space<hbm>> -> memref<96xi32, #tpu.memory_space<hbm>>
        %dma_wait3A_158 = arith.constant 0 : i32
        %dma_wait3A_159 = tpu.memref_slice %arg8[%rem3A_133, %dma_wait3A_158] : memref<8x96xi32, #tpu.memory_space<vmem>> -> memref<1x96xi32, #tpu.memory_space<vmem>>
        %dma_wait3A_160 = tpu.memref_squeeze %dma_wait3A_159 : memref<1x96xi32, #tpu.memory_space<vmem>> -> memref<96xi32, #tpu.memory_space<vmem>>
        %dma_wait3A_161 = arith.constant 0 : i32
        %dma_wait3A_162 = tpu.memref_slice %arg4[%add3A_151, %dma_wait3A_161] : memref<3344x96xi32, #tpu.memory_space<hbm>> -> memref<1x96xi32, #tpu.memory_space<hbm>>
        %dma_wait3A_163 = tpu.memref_squeeze %dma_wait3A_162 : memref<1x96xi32, #tpu.memory_space<hbm>> -> memref<96xi32, #tpu.memory_space<hbm>>
        tpu.wait_dma2 semaphore(%arg11 : memref<!tpu.dma_semaphore, #tpu.memory_space<semaphore_mem>>) src(%dma_wait3A_163 : memref<96xi32, #tpu.memory_space<hbm>>) dst(%dma_wait3A_160 : memref<96xi32, #tpu.memory_space<vmem>>)
      } else {
      }
    }
    %while3A_39 = arith.constant 1 : i32
    scf.for %while3A_82 = %while3A_37 to %while3A_33 step %while3A_39  : i32 {
      %rem3A_83 = arith.constant 3 : i32
      %rem3A_84 = arith.remsi %while3A_82, %rem3A_83 : i32
      %add3A_85 = arith.constant 2 : i32
      %add3A_86 = arith.addi %while3A_82, %add3A_85 : i32
      %lt3A = arith.cmpi slt, %add3A_86, %select_n3A_8 : i32
      %convert_element_type3A = arith.extui %lt3A : i1 to i32
      %cond3A = arith.constant 0 : i32
      %cond3A_87 = arith.cmpi ne, %convert_element_type3A, %cond3A : i32
      scf.if %cond3A_87 {
        %add3A_130 = arith.constant 2 : i32
        %add3A_131 = arith.addi %while3A_82, %add3A_130 : i32
        %rem3A_132 = arith.constant 8 : i32
        %rem3A_133 = arith.remsi %add3A_131, %rem3A_132 : i32
        %add3A_134 = arith.addi %select_n3A, %while3A_82 : i32
        %add3A_135 = arith.constant 2 : i32
        %add3A_136 = arith.addi %add3A_134, %add3A_135 : i32
        %dma_start3A_137 = arith.constant 0 : i32
        %dma_start3A_138 = tpu.memref_slice %arg7[%rem3A_133, %dma_start3A_137] : memref<8x96xi32, #tpu.memory_space<vmem>> -> memref<1x96xi32, #tpu.memory_space<vmem>>
        %dma_start3A_139 = tpu.memref_squeeze %dma_start3A_138 : memref<1x96xi32, #tpu.memory_space<vmem>> -> memref<96xi32, #tpu.memory_space<vmem>>
        %dma_start3A_140 = arith.constant 0 : i32
        %dma_start3A_141 = tpu.memref_slice %arg3[%add3A_136, %dma_start3A_140] : memref<3344x96xi32, #tpu.memory_space<hbm>> -> memref<1x96xi32, #tpu.memory_space<hbm>>
        %dma_start3A_142 = tpu.memref_squeeze %dma_start3A_141 : memref<1x96xi32, #tpu.memory_space<hbm>> -> memref<96xi32, #tpu.memory_space<hbm>>
        %dma_start3A_143 = arith.constant 0 : i32
        %dma_start3A_144 = tpu.memref_slice %arg7[%rem3A_133, %dma_start3A_143] : memref<8x96xi32, #tpu.memory_space<vmem>> -> memref<1x96xi32, #tpu.memory_space<vmem>>
        %dma_start3A_145 = tpu.memref_squeeze %dma_start3A_144 : memref<1x96xi32, #tpu.memory_space<vmem>> -> memref<96xi32, #tpu.memory_space<vmem>>
        %dma_start3A_146 = arith.constant 0 : i32
        %dma_start3A_147 = tpu.memref_slice %arg3[%add3A_136, %dma_start3A_146] : memref<3344x96xi32, #tpu.memory_space<hbm>> -> memref<1x96xi32, #tpu.memory_space<hbm>>
        %dma_start3A_148 = tpu.memref_squeeze %dma_start3A_147 : memref<1x96xi32, #tpu.memory_space<hbm>> -> memref<96xi32, #tpu.memory_space<hbm>>
        tpu.enqueue_dma source(%dma_start3A_148 : memref<96xi32, #tpu.memory_space<hbm>>) target(%dma_start3A_145 : memref<96xi32, #tpu.memory_space<vmem>>) target_semaphore(%arg11 : memref<!tpu.dma_semaphore, #tpu.memory_space<semaphore_mem>>)
        %add3A_149 = arith.addi %select_n3A, %while3A_82 : i32
        %add3A_150 = arith.constant 2 : i32
        %add3A_151 = arith.addi %add3A_149, %add3A_150 : i32
        %dma_start3A_152 = arith.constant 0 : i32
        %dma_start3A_153 = tpu.memref_slice %arg8[%rem3A_133, %dma_start3A_152] : memref<8x96xi32, #tpu.memory_space<vmem>> -> memref<1x96xi32, #tpu.memory_space<vmem>>
        %dma_start3A_154 = tpu.memref_squeeze %dma_start3A_153 : memref<1x96xi32, #tpu.memory_space<vmem>> -> memref<96xi32, #tpu.memory_space<vmem>>
        %dma_start3A_155 = arith.constant 0 : i32
        %dma_start3A_156 = tpu.memref_slice %arg4[%add3A_151, %dma_start3A_155] : memref<3344x96xi32, #tpu.memory_space<hbm>> -> memref<1x96xi32, #tpu.memory_space<hbm>>
        %dma_start3A_157 = tpu.memref_squeeze %dma_start3A_156 : memref<1x96xi32, #tpu.memory_space<hbm>> -> memref<96xi32, #tpu.memory_space<hbm>>
        %dma_start3A_158 = arith.constant 0 : i32
        %dma_start3A_159 = tpu.memref_slice %arg8[%rem3A_133, %dma_start3A_158] : memref<8x96xi32, #tpu.memory_space<vmem>> -> memref<1x96xi32, #tpu.memory_space<vmem>>
        %dma_start3A_160 = tpu.memref_squeeze %dma_start3A_159 : memref<1x96xi32, #tpu.memory_space<vmem>> -> memref<96xi32, #tpu.memory_space<vmem>>
        %dma_start3A_161 = arith.constant 0 : i32
        %dma_start3A_162 = tpu.memref_slice %arg4[%add3A_151, %dma_start3A_161] : memref<3344x96xi32, #tpu.memory_space<hbm>> -> memref<1x96xi32, #tpu.memory_space<hbm>>
        %dma_start3A_163 = tpu.memref_squeeze %dma_start3A_162 : memref<1x96xi32, #tpu.memory_space<hbm>> -> memref<96xi32, #tpu.memory_space<hbm>>
        tpu.enqueue_dma source(%dma_start3A_163 : memref<96xi32, #tpu.memory_space<hbm>>) target(%dma_start3A_160 : memref<96xi32, #tpu.memory_space<vmem>>) target_semaphore(%arg11 : memref<!tpu.dma_semaphore, #tpu.memory_space<semaphore_mem>>)
      } else {
      }
      %ge3A = arith.constant 2 : i32
      %ge3A_88 = arith.cmpi sge, %while3A_82, %ge3A : i32
      %convert_element_type3A_89 = arith.extui %ge3A_88 : i1 to i32
      %cond3A_90 = arith.constant 0 : i32
      %cond3A_91 = arith.cmpi ne, %convert_element_type3A_89, %cond3A_90 : i32
      scf.if %cond3A_91 {
        %sub3A_130 = arith.constant 2 : i32
        %sub3A_131 = arith.subi %while3A_82, %sub3A_130 : i32
        %rem3A_132 = arith.constant 3 : i32
        %rem3A_133 = arith.remsi %sub3A_131, %rem3A_132 : i32
        %rem3A_134 = arith.constant 8 : i32
        %rem3A_135 = arith.remsi %sub3A_131, %rem3A_134 : i32
        %dma_wait3A_136 = arith.constant 0 : i32
        %dma_wait3A_137 = arith.constant 0 : i32
        %dma_wait3A_138 = tpu.memref_slice %arg9[%rem3A_133, %dma_wait3A_136, %dma_wait3A_137] : memref<3x96x128xf32, #tpu.memory_space<vmem>> -> memref<1x96x128xf32, #tpu.memory_space<vmem>>
        %dma_wait3A_139 = tpu.memref_squeeze %dma_wait3A_138 : memref<1x96x128xf32, #tpu.memory_space<vmem>> -> memref<96x128xf32, #tpu.memory_space<vmem>>
        %dma_wait3A_140 = arith.constant 0 : i32
        %dma_wait3A_141 = tpu.memref_slice %arg8[%rem3A_135, %dma_wait3A_140] : memref<8x96xi32, #tpu.memory_space<vmem>> -> memref<1x96xi32, #tpu.memory_space<vmem>>
        %dma_wait3A_142 = tpu.memref_squeeze %dma_wait3A_141 : memref<1x96xi32, #tpu.memory_space<vmem>> -> memref<96xi32, #tpu.memory_space<vmem>>
        %dma_wait3A_143 = arith.constant 0 : i32
        %dma_wait3A_144 = arith.constant 0 : i32
        %dma_wait3A_145 = tpu.memref_slice %arg10[%dma_wait3A_143, %dma_wait3A_144] : memref<10112x128xf32, #tpu.memory_space<vmem_shared>> -> memref<10112x128xf32, #tpu.memory_space<vmem_shared>>
        %dma_wait3A_146 = tpu.memref_slice %arg13[%rem3A_133] : memref<3x!tpu.dma_semaphore, #tpu.memory_space<semaphore_mem>> -> memref<1x!tpu.dma_semaphore, #tpu.memory_space<semaphore_mem>>
        %dma_wait3A_147 = tpu.memref_squeeze %dma_wait3A_146 : memref<1x!tpu.dma_semaphore, #tpu.memory_space<semaphore_mem>> -> memref<!tpu.dma_semaphore, #tpu.memory_space<semaphore_mem>>
        tpu.wait_indirect_dma semaphore(%dma_wait3A_147 : memref<!tpu.dma_semaphore, #tpu.memory_space<semaphore_mem>>) src(%dma_wait3A_139 : memref<96x128xf32, #tpu.memory_space<vmem>>) dst(%dma_wait3A_145 : memref<10112x128xf32, #tpu.memory_space<vmem_shared>>)
      } else {
      }
      %rem3A_92 = arith.constant 8 : i32
      %rem3A_93 = arith.remsi %while3A_82, %rem3A_92 : i32
      %dma_wait3A_94 = arith.constant 0 : i32
      %dma_wait3A_95 = arith.constant 0 : i32
      %dma_wait3A_96 = tpu.memref_slice %arg9[%rem3A_84, %dma_wait3A_94, %dma_wait3A_95] : memref<3x96x128xf32, #tpu.memory_space<vmem>> -> memref<1x96x128xf32, #tpu.memory_space<vmem>>
      %dma_wait3A_97 = tpu.memref_squeeze %dma_wait3A_96 : memref<1x96x128xf32, #tpu.memory_space<vmem>> -> memref<96x128xf32, #tpu.memory_space<vmem>>
      %dma_wait3A_98 = arith.constant 0 : i32
      %dma_wait3A_99 = tpu.memref_slice %arg7[%rem3A_93, %dma_wait3A_98] : memref<8x96xi32, #tpu.memory_space<vmem>> -> memref<1x96xi32, #tpu.memory_space<vmem>>
      %dma_wait3A_100 = tpu.memref_squeeze %dma_wait3A_99 : memref<1x96xi32, #tpu.memory_space<vmem>> -> memref<96xi32, #tpu.memory_space<vmem>>
      %dma_wait3A_101 = arith.constant 0 : i32
      %dma_wait3A_102 = arith.constant 0 : i32
      %dma_wait3A_103 = tpu.memref_slice %arg2[%dma_wait3A_101, %dma_wait3A_102] : memref<10000x128xf32, #tpu.memory_space<hbm>> -> memref<10000x128xf32, #tpu.memory_space<hbm>>
      tpu.wait_indirect_dma semaphore(%arg12 : memref<!tpu.dma_semaphore, #tpu.memory_space<semaphore_mem>>) src(%dma_wait3A_103 : memref<10000x128xf32, #tpu.memory_space<hbm>>) dst(%dma_wait3A_97 : memref<96x128xf32, #tpu.memory_space<vmem>>)
      %add3A_104 = arith.constant 1 : i32
      %add3A_105 = arith.addi %while3A_82, %add3A_104 : i32
      %lt3A_106 = arith.cmpi slt, %add3A_105, %select_n3A_8 : i32
      %convert_element_type3A_107 = arith.extui %lt3A_106 : i1 to i32
      %cond3A_108 = arith.constant 0 : i32
      %cond3A_109 = arith.cmpi ne, %convert_element_type3A_107, %cond3A_108 : i32
      scf.if %cond3A_109 {
        %add3A_130 = arith.constant 1 : i32
        %add3A_131 = arith.addi %while3A_82, %add3A_130 : i32
        %rem3A_132 = arith.constant 8 : i32
        %rem3A_133 = arith.remsi %add3A_131, %rem3A_132 : i32
        %add3A_134 = arith.constant 1 : i32
        %add3A_135 = arith.addi %while3A_82, %add3A_134 : i32
        %rem3A_136 = arith.constant 3 : i32
        %rem3A_137 = arith.remsi %add3A_135, %rem3A_136 : i32
        %dma_start3A_138 = arith.constant 0 : i32
        %dma_start3A_139 = arith.constant 0 : i32
        %dma_start3A_140 = tpu.memref_slice %arg9[%rem3A_137, %dma_start3A_138, %dma_start3A_139] : memref<3x96x128xf32, #tpu.memory_space<vmem>> -> memref<1x96x128xf32, #tpu.memory_space<vmem>>
        %dma_start3A_141 = tpu.memref_squeeze %dma_start3A_140 : memref<1x96x128xf32, #tpu.memory_space<vmem>> -> memref<96x128xf32, #tpu.memory_space<vmem>>
        %dma_start3A_142 = arith.constant 0 : i32
        %dma_start3A_143 = tpu.memref_slice %arg7[%rem3A_133, %dma_start3A_142] : memref<8x96xi32, #tpu.memory_space<vmem>> -> memref<1x96xi32, #tpu.memory_space<vmem>>
        %dma_start3A_144 = tpu.memref_squeeze %dma_start3A_143 : memref<1x96xi32, #tpu.memory_space<vmem>> -> memref<96xi32, #tpu.memory_space<vmem>>
        %dma_start3A_145 = arith.constant 0 : i32
        %dma_start3A_146 = arith.constant 0 : i32
        %dma_start3A_147 = tpu.memref_slice %arg2[%dma_start3A_145, %dma_start3A_146] : memref<10000x128xf32, #tpu.memory_space<hbm>> -> memref<10000x128xf32, #tpu.memory_space<hbm>>
        tpu.enqueue_indirect_dma source(%dma_start3A_147 : memref<10000x128xf32, #tpu.memory_space<hbm>>) target(%dma_start3A_141 : memref<96x128xf32, #tpu.memory_space<vmem>>) offsets(%dma_start3A_144 : memref<96xi32, #tpu.memory_space<vmem>>) semaphore(%arg12 : memref<!tpu.dma_semaphore, #tpu.memory_space<semaphore_mem>>)
      } else {
      }
      %rem3A_110 = arith.constant 8 : i32
      %rem3A_111 = arith.remsi %while3A_82, %rem3A_110 : i32
      %dma_start3A_112 = arith.constant 0 : i32
      %dma_start3A_113 = arith.constant 0 : i32
      %dma_start3A_114 = tpu.memref_slice %arg9[%rem3A_84, %dma_start3A_112, %dma_start3A_113] : memref<3x96x128xf32, #tpu.memory_space<vmem>> -> memref<1x96x128xf32, #tpu.memory_space<vmem>>
      %dma_start3A_115 = tpu.memref_squeeze %dma_start3A_114 : memref<1x96x128xf32, #tpu.memory_space<vmem>> -> memref<96x128xf32, #tpu.memory_space<vmem>>
      %dma_start3A_116 = arith.constant 0 : i32
      %dma_start3A_117 = tpu.memref_slice %arg8[%rem3A_111, %dma_start3A_116] : memref<8x96xi32, #tpu.memory_space<vmem>> -> memref<1x96xi32, #tpu.memory_space<vmem>>
      %dma_start3A_118 = tpu.memref_squeeze %dma_start3A_117 : memref<1x96xi32, #tpu.memory_space<vmem>> -> memref<96xi32, #tpu.memory_space<vmem>>
      %dma_start3A_119 = arith.constant 0 : i32
      %dma_start3A_120 = arith.constant 0 : i32
      %dma_start3A_121 = tpu.memref_slice %arg10[%dma_start3A_119, %dma_start3A_120] : memref<10112x128xf32, #tpu.memory_space<vmem_shared>> -> memref<10112x128xf32, #tpu.memory_space<vmem_shared>>
      %dma_start3A_122 = tpu.memref_slice %arg13[%rem3A_84] : memref<3x!tpu.dma_semaphore, #tpu.memory_space<semaphore_mem>> -> memref<1x!tpu.dma_semaphore, #tpu.memory_space<semaphore_mem>>
      %dma_start3A_123 = tpu.memref_squeeze %dma_start3A_122 : memref<1x!tpu.dma_semaphore, #tpu.memory_space<semaphore_mem>> -> memref<!tpu.dma_semaphore, #tpu.memory_space<semaphore_mem>>
      tpu.enqueue_indirect_dma source(%dma_start3A_115 : memref<96x128xf32, #tpu.memory_space<vmem>>) target(%dma_start3A_121 : memref<10112x128xf32, #tpu.memory_space<vmem_shared>>) offsets(%dma_start3A_118 : memref<96xi32, #tpu.memory_space<vmem>>) semaphore(%dma_start3A_123 : memref<!tpu.dma_semaphore, #tpu.memory_space<semaphore_mem>>) {add = true}
      %add3A_124 = arith.constant 2 : i32
      %add3A_125 = arith.addi %while3A_82, %add3A_124 : i32
      %lt3A_126 = arith.cmpi slt, %add3A_125, %select_n3A_8 : i32
      %convert_element_type3A_127 = arith.extui %lt3A_126 : i1 to i32
      %cond3A_128 = arith.constant 0 : i32
      %cond3A_129 = arith.cmpi ne, %convert_element_type3A_127, %cond3A_128 : i32
      scf.if %cond3A_129 {
        %add3A_130 = arith.constant 2 : i32
        %add3A_131 = arith.addi %while3A_82, %add3A_130 : i32
        %rem3A_132 = arith.constant 8 : i32
        %rem3A_133 = arith.remsi %add3A_131, %rem3A_132 : i32
        %add3A_134 = arith.addi %select_n3A, %while3A_82 : i32
        %add3A_135 = arith.constant 2 : i32
        %add3A_136 = arith.addi %add3A_134, %add3A_135 : i32
        %dma_wait3A_137 = arith.constant 0 : i32
        %dma_wait3A_138 = tpu.memref_slice %arg7[%rem3A_133, %dma_wait3A_137] : memref<8x96xi32, #tpu.memory_space<vmem>> -> memref<1x96xi32, #tpu.memory_space<vmem>>
        %dma_wait3A_139 = tpu.memref_squeeze %dma_wait3A_138 : memref<1x96xi32, #tpu.memory_space<vmem>> -> memref<96xi32, #tpu.memory_space<vmem>>
        %dma_wait3A_140 = arith.constant 0 : i32
        %dma_wait3A_141 = tpu.memref_slice %arg3[%add3A_136, %dma_wait3A_140] : memref<3344x96xi32, #tpu.memory_space<hbm>> -> memref<1x96xi32, #tpu.memory_space<hbm>>
        %dma_wait3A_142 = tpu.memref_squeeze %dma_wait3A_141 : memref<1x96xi32, #tpu.memory_space<hbm>> -> memref<96xi32, #tpu.memory_space<hbm>>
        %dma_wait3A_143 = arith.constant 0 : i32
        %dma_wait3A_144 = tpu.memref_slice %arg7[%rem3A_133, %dma_wait3A_143] : memref<8x96xi32, #tpu.memory_space<vmem>> -> memref<1x96xi32, #tpu.memory_space<vmem>>
        %dma_wait3A_145 = tpu.memref_squeeze %dma_wait3A_144 : memref<1x96xi32, #tpu.memory_space<vmem>> -> memref<96xi32, #tpu.memory_space<vmem>>
        %dma_wait3A_146 = arith.constant 0 : i32
        %dma_wait3A_147 = tpu.memref_slice %arg3[%add3A_136, %dma_wait3A_146] : memref<3344x96xi32, #tpu.memory_space<hbm>> -> memref<1x96xi32, #tpu.memory_space<hbm>>
        %dma_wait3A_148 = tpu.memref_squeeze %dma_wait3A_147 : memref<1x96xi32, #tpu.memory_space<hbm>> -> memref<96xi32, #tpu.memory_space<hbm>>
        tpu.wait_dma2 semaphore(%arg11 : memref<!tpu.dma_semaphore, #tpu.memory_space<semaphore_mem>>) src(%dma_wait3A_148 : memref<96xi32, #tpu.memory_space<hbm>>) dst(%dma_wait3A_145 : memref<96xi32, #tpu.memory_space<vmem>>)
        %add3A_149 = arith.addi %select_n3A, %while3A_82 : i32
        %add3A_150 = arith.constant 2 : i32
        %add3A_151 = arith.addi %add3A_149, %add3A_150 : i32
        %dma_wait3A_152 = arith.constant 0 : i32
        %dma_wait3A_153 = tpu.memref_slice %arg8[%rem3A_133, %dma_wait3A_152] : memref<8x96xi32, #tpu.memory_space<vmem>> -> memref<1x96xi32, #tpu.memory_space<vmem>>
        %dma_wait3A_154 = tpu.memref_squeeze %dma_wait3A_153 : memref<1x96xi32, #tpu.memory_space<vmem>> -> memref<96xi32, #tpu.memory_space<vmem>>
        %dma_wait3A_155 = arith.constant 0 : i32
        %dma_wait3A_156 = tpu.memref_slice %arg4[%add3A_151, %dma_wait3A_155] : memref<3344x96xi32, #tpu.memory_space<hbm>> -> memref<1x96xi32, #tpu.memory_space<hbm>>
        %dma_wait3A_157 = tpu.memref_squeeze %dma_wait3A_156 : memref<1x96xi32, #tpu.memory_space<hbm>> -> memref<96xi32, #tpu.memory_space<hbm>>
        %dma_wait3A_158 = arith.constant 0 : i32
        %dma_wait3A_159 = tpu.memref_slice %arg8[%rem3A_133, %dma_wait3A_158] : memref<8x96xi32, #tpu.memory_space<vmem>> -> memref<1x96xi32, #tpu.memory_space<vmem>>
        %dma_wait3A_160 = tpu.memref_squeeze %dma_wait3A_159 : memref<1x96xi32, #tpu.memory_space<vmem>> -> memref<96xi32, #tpu.memory_space<vmem>>
        %dma_wait3A_161 = arith.constant 0 : i32
        %dma_wait3A_162 = tpu.memref_slice %arg4[%add3A_151, %dma_wait3A_161] : memref<3344x96xi32, #tpu.memory_space<hbm>> -> memref<1x96xi32, #tpu.memory_space<hbm>>
        %dma_wait3A_163 = tpu.memref_squeeze %dma_wait3A_162 : memref<1x96xi32, #tpu.memory_space<hbm>> -> memref<96xi32, #tpu.memory_space<hbm>>
        tpu.wait_dma2 semaphore(%arg11 : memref<!tpu.dma_semaphore, #tpu.memory_space<semaphore_mem>>) src(%dma_wait3A_163 : memref<96xi32, #tpu.memory_space<hbm>>) dst(%dma_wait3A_160 : memref<96xi32, #tpu.memory_space<vmem>>)
      } else {
      }
    }
    %sub3A = arith.constant 2 : i32
    %sub3A_40 = arith.subi %select_n3A_8, %sub3A : i32
    %rem3A = arith.constant 3 : i32
    %rem3A_41 = arith.remsi %sub3A_40, %rem3A : i32
    %rem3A_42 = arith.constant 8 : i32
    %rem3A_43 = arith.remsi %sub3A_40, %rem3A_42 : i32
    %rem3A_44 = arith.constant 3 : i32
    %rem3A_45 = arith.remsi %sub3A_40, %rem3A_44 : i32
    %dma_wait3A = arith.constant 0 : i32
    %dma_wait3A_46 = arith.constant 0 : i32
    %dma_wait3A_47 = tpu.memref_slice %arg9[%rem3A_41, %dma_wait3A, %dma_wait3A_46] : memref<3x96x128xf32, #tpu.memory_space<vmem>> -> memref<1x96x128xf32, #tpu.memory_space<vmem>>
    %dma_wait3A_48 = tpu.memref_squeeze %dma_wait3A_47 : memref<1x96x128xf32, #tpu.memory_space<vmem>> -> memref<96x128xf32, #tpu.memory_space<vmem>>
    %dma_wait3A_49 = arith.constant 0 : i32
    %dma_wait3A_50 = tpu.memref_slice %arg8[%rem3A_43, %dma_wait3A_49] : memref<8x96xi32, #tpu.memory_space<vmem>> -> memref<1x96xi32, #tpu.memory_space<vmem>>
    %dma_wait3A_51 = tpu.memref_squeeze %dma_wait3A_50 : memref<1x96xi32, #tpu.memory_space<vmem>> -> memref<96xi32, #tpu.memory_space<vmem>>
    %dma_wait3A_52 = arith.constant 0 : i32
    %dma_wait3A_53 = arith.constant 0 : i32
    %dma_wait3A_54 = tpu.memref_slice %arg10[%dma_wait3A_52, %dma_wait3A_53] : memref<10112x128xf32, #tpu.memory_space<vmem_shared>> -> memref<10112x128xf32, #tpu.memory_space<vmem_shared>>
    %dma_wait3A_55 = tpu.memref_slice %arg13[%rem3A_45] : memref<3x!tpu.dma_semaphore, #tpu.memory_space<semaphore_mem>> -> memref<1x!tpu.dma_semaphore, #tpu.memory_space<semaphore_mem>>
    %dma_wait3A_56 = tpu.memref_squeeze %dma_wait3A_55 : memref<1x!tpu.dma_semaphore, #tpu.memory_space<semaphore_mem>> -> memref<!tpu.dma_semaphore, #tpu.memory_space<semaphore_mem>>
    tpu.wait_indirect_dma semaphore(%dma_wait3A_56 : memref<!tpu.dma_semaphore, #tpu.memory_space<semaphore_mem>>) src(%dma_wait3A_48 : memref<96x128xf32, #tpu.memory_space<vmem>>) dst(%dma_wait3A_54 : memref<10112x128xf32, #tpu.memory_space<vmem_shared>>)
    %sub3A_57 = arith.constant 1 : i32
    %sub3A_58 = arith.subi %select_n3A_8, %sub3A_57 : i32
    %rem3A_59 = arith.constant 3 : i32
    %rem3A_60 = arith.remsi %sub3A_58, %rem3A_59 : i32
    %rem3A_61 = arith.constant 8 : i32
    %rem3A_62 = arith.remsi %sub3A_58, %rem3A_61 : i32
    %rem3A_63 = arith.constant 3 : i32
    %rem3A_64 = arith.remsi %sub3A_58, %rem3A_63 : i32
    %dma_wait3A_65 = arith.constant 0 : i32
    %dma_wait3A_66 = arith.constant 0 : i32
    %dma_wait3A_67 = tpu.memref_slice %arg9[%rem3A_60, %dma_wait3A_65, %dma_wait3A_66] : memref<3x96x128xf32, #tpu.memory_space<vmem>> -> memref<1x96x128xf32, #tpu.memory_space<vmem>>
    %dma_wait3A_68 = tpu.memref_squeeze %dma_wait3A_67 : memref<1x96x128xf32, #tpu.memory_space<vmem>> -> memref<96x128xf32, #tpu.memory_space<vmem>>
    %dma_wait3A_69 = arith.constant 0 : i32
    %dma_wait3A_70 = tpu.memref_slice %arg8[%rem3A_62, %dma_wait3A_69] : memref<8x96xi32, #tpu.memory_space<vmem>> -> memref<1x96xi32, #tpu.memory_space<vmem>>
    %dma_wait3A_71 = tpu.memref_squeeze %dma_wait3A_70 : memref<1x96xi32, #tpu.memory_space<vmem>> -> memref<96xi32, #tpu.memory_space<vmem>>
    %dma_wait3A_72 = arith.constant 0 : i32
    %dma_wait3A_73 = arith.constant 0 : i32
    %dma_wait3A_74 = tpu.memref_slice %arg10[%dma_wait3A_72, %dma_wait3A_73] : memref<10112x128xf32, #tpu.memory_space<vmem_shared>> -> memref<10112x128xf32, #tpu.memory_space<vmem_shared>>
    %dma_wait3A_75 = tpu.memref_slice %arg13[%rem3A_64] : memref<3x!tpu.dma_semaphore, #tpu.memory_space<semaphore_mem>> -> memref<1x!tpu.dma_semaphore, #tpu.memory_space<semaphore_mem>>
    %dma_wait3A_76 = tpu.memref_squeeze %dma_wait3A_75 : memref<1x!tpu.dma_semaphore, #tpu.memory_space<semaphore_mem>> -> memref<!tpu.dma_semaphore, #tpu.memory_space<semaphore_mem>>
    tpu.wait_indirect_dma semaphore(%dma_wait3A_76 : memref<!tpu.dma_semaphore, #tpu.memory_space<semaphore_mem>>) src(%dma_wait3A_68 : memref<96x128xf32, #tpu.memory_space<vmem>>) dst(%dma_wait3A_74 : memref<10112x128xf32, #tpu.memory_space<vmem_shared>>)
    %barrier3A_77 = arith.constant 0 : index
    tpu.barrier barrier_id(%barrier3A_77)
    %mul3A_78 = arith.constant 632 : i32
    %mul3A_79 = arith.muli %arg1, %mul3A_78 : i32
    %mul3A_80 = arith.constant 632 : i32
    %mul3A_81 = arith.muli %arg1, %mul3A_80 : i32
    "tpu.region"() ({
      %run_scoped3A_82 = tpu.sem_alloc : memref<!tpu.dma_semaphore, #tpu.memory_space<semaphore_mem>>
      %dma_start3A_83 = arith.constant 0 : i32
      %dma_start3A_84 = tpu.memref_slice %arg6[%arg0, %mul3A_81, %dma_start3A_83] : memref<2x10112x128xf32, #tpu.memory_space<hbm>> -> memref<1x632x128xf32, #tpu.memory_space<hbm>>
      %dma_start3A_85 = tpu.memref_squeeze %dma_start3A_84 : memref<1x632x128xf32, #tpu.memory_space<hbm>> -> memref<632x128xf32, #tpu.memory_space<hbm>>
      %dma_start3A_86 = arith.constant 0 : i32
      %dma_start3A_87 = tpu.memref_slice %arg10[%mul3A_79, %dma_start3A_86] : memref<10112x128xf32, #tpu.memory_space<vmem_shared>> -> memref<632x128xf32, #tpu.memory_space<vmem_shared>>
      tpu.enqueue_dma source(%dma_start3A_87 : memref<632x128xf32, #tpu.memory_space<vmem_shared>>) target(%dma_start3A_85 : memref<632x128xf32, #tpu.memory_space<hbm>>) target_semaphore(%run_scoped3A_82 : memref<!tpu.dma_semaphore, #tpu.memory_space<semaphore_mem>>)
      %dma_wait3A_88 = arith.constant 0 : i32
      %dma_wait3A_89 = tpu.memref_slice %arg6[%arg0, %mul3A_81, %dma_wait3A_88] : memref<2x10112x128xf32, #tpu.memory_space<hbm>> -> memref<1x632x128xf32, #tpu.memory_space<hbm>>
      %dma_wait3A_90 = tpu.memref_squeeze %dma_wait3A_89 : memref<1x632x128xf32, #tpu.memory_space<hbm>> -> memref<632x128xf32, #tpu.memory_space<hbm>>
      %dma_wait3A_91 = arith.constant 0 : i32
      %dma_wait3A_92 = tpu.memref_slice %arg10[%mul3A_79, %dma_wait3A_91] : memref<10112x128xf32, #tpu.memory_space<vmem_shared>> -> memref<632x128xf32, #tpu.memory_space<vmem_shared>>
      tpu.wait_dma2 semaphore(%run_scoped3A_82 : memref<!tpu.dma_semaphore, #tpu.memory_space<semaphore_mem>>) src(%dma_wait3A_92 : memref<632x128xf32, #tpu.memory_space<vmem_shared>>) dst(%dma_wait3A_90 : memref<632x128xf32, #tpu.memory_space<hbm>>)
      tpu.yield
    }) : () -> ()
    return
  }
}

#map = affine_map<(d0, d1) -> (0, 0)>
#map1 = affine_map<(d0, d1) -> (0, 0, 0)>
module attributes {stable_mosaic.version = 14 : i64} {
  func.func @_sc_aggregate_body(%arg0: i32, %arg1: i32, %arg2: memref<10000x128xf32, #tpu.memory_space<hbm>>, %arg3: memref<3344x96xi32, #tpu.memory_space<hbm>>, %arg4: memref<3344x96xi32, #tpu.memory_space<hbm>>, %arg5: memref<10112x128xf32, #tpu.memory_space<hbm>>, %arg6: memref<2x10112x128xf32, #tpu.memory_space<hbm>>, %arg7: memref<8x96xi32, #tpu.memory_space<vmem>>, %arg8: memref<8x96xi32, #tpu.memory_space<vmem>>, %arg9: memref<3x96x128xf32, #tpu.memory_space<vmem>>, %arg10: memref<10112x128xf32, #tpu.memory_space<vmem_shared>>, %arg11: memref<!tpu.dma_semaphore, #tpu.memory_space<semaphore_mem>>, %arg12: memref<!tpu.dma_semaphore, #tpu.memory_space<semaphore_mem>>, %arg13: memref<3x!tpu.dma_semaphore, #tpu.memory_space<semaphore_mem>>) attributes {dimension_semantics = [#tpu.dimension_semantics<core_parallel>, #tpu.dimension_semantics<subcore_parallel>], iteration_bounds = array<i64: 2, 16>, scalar_prefetch = 0 : i64, scratch_operands = 7 : i64, tpu.core_type = #tpu.core_type<sc_vector_subcore>, window_params = [{transform_indices = #map}, {transform_indices = #map}, {transform_indices = #map}, {transform_indices = #map}, {transform_indices = #map1}]} {
    %eq3A = arith.constant 0 : i32
    %eq3A_0 = arith.cmpi eq, %arg0, %eq3A : i32
    %mul3A = arith.constant 109 : i32
    %mul3A_1 = arith.muli %arg1, %mul3A : i32
    %mul3A_2 = arith.constant 100 : i32
    %mul3A_3 = arith.muli %arg1, %mul3A_2 : i32
    %add3A = arith.constant 1744 : i32
    %add3A_4 = arith.addi %add3A, %mul3A_3 : i32
    %select_n3A = arith.select %eq3A_0, %mul3A_1, %add3A_4 : i32
    %eq3A_5 = arith.constant 0 : i32
    %eq3A_6 = arith.cmpi eq, %arg0, %eq3A_5 : i32
    %jit3A = arith.constant 109 : i32
    %jit3A_7 = arith.constant 100 : i32
    %select_n3A_8 = arith.select %eq3A_6, %jit3A, %jit3A_7 : i32
    %mul3A_9 = arith.constant 632 : i32
    %mul3A_10 = arith.muli %arg1, %mul3A_9 : i32
    %mul3A_11 = arith.constant 632 : i32
    %mul3A_12 = arith.muli %arg1, %mul3A_11 : i32
    "tpu.region"() ({
      %run_scoped3A_82 = tpu.sem_alloc : memref<!tpu.dma_semaphore, #tpu.memory_space<semaphore_mem>>
      %dma_start3A_83 = arith.constant 0 : i32
      %dma_start3A_84 = tpu.memref_slice %arg10[%mul3A_12, %dma_start3A_83] : memref<10112x128xf32, #tpu.memory_space<vmem_shared>> -> memref<632x128xf32, #tpu.memory_space<vmem_shared>>
      %dma_start3A_85 = arith.constant 0 : i32
      %dma_start3A_86 = tpu.memref_slice %arg5[%mul3A_10, %dma_start3A_85] : memref<10112x128xf32, #tpu.memory_space<hbm>> -> memref<632x128xf32, #tpu.memory_space<hbm>>
      tpu.enqueue_dma source(%dma_start3A_86 : memref<632x128xf32, #tpu.memory_space<hbm>>) target(%dma_start3A_84 : memref<632x128xf32, #tpu.memory_space<vmem_shared>>) target_semaphore(%run_scoped3A_82 : memref<!tpu.dma_semaphore, #tpu.memory_space<semaphore_mem>>)
      %dma_wait3A_87 = arith.constant 0 : i32
      %dma_wait3A_88 = tpu.memref_slice %arg10[%mul3A_12, %dma_wait3A_87] : memref<10112x128xf32, #tpu.memory_space<vmem_shared>> -> memref<632x128xf32, #tpu.memory_space<vmem_shared>>
      %dma_wait3A_89 = arith.constant 0 : i32
      %dma_wait3A_90 = tpu.memref_slice %arg5[%mul3A_10, %dma_wait3A_89] : memref<10112x128xf32, #tpu.memory_space<hbm>> -> memref<632x128xf32, #tpu.memory_space<hbm>>
      tpu.wait_dma2 semaphore(%run_scoped3A_82 : memref<!tpu.dma_semaphore, #tpu.memory_space<semaphore_mem>>) src(%dma_wait3A_90 : memref<632x128xf32, #tpu.memory_space<hbm>>) dst(%dma_wait3A_88 : memref<632x128xf32, #tpu.memory_space<vmem_shared>>)
      tpu.yield
    }) : () -> ()
    %run_scoped3A = arith.constant 0 : i32
    "tpu.region"() ({
      %run_scoped3A_82 = tpu.sem_alloc : memref<!tpu.dma_semaphore, #tpu.memory_space<semaphore_mem>>
      %dma_start3A_83 = arith.constant 0 : i32
      %dma_start3A_84 = tpu.memref_slice %arg7[%run_scoped3A, %dma_start3A_83] : memref<8x96xi32, #tpu.memory_space<vmem>> -> memref<1x96xi32, #tpu.memory_space<vmem>>
      %dma_start3A_85 = tpu.memref_squeeze %dma_start3A_84 : memref<1x96xi32, #tpu.memory_space<vmem>> -> memref<96xi32, #tpu.memory_space<vmem>>
      %dma_start3A_86 = arith.constant 0 : i32
      %dma_start3A_87 = tpu.memref_slice %arg3[%select_n3A, %dma_start3A_86] : memref<3344x96xi32, #tpu.memory_space<hbm>> -> memref<1x96xi32, #tpu.memory_space<hbm>>
      %dma_start3A_88 = tpu.memref_squeeze %dma_start3A_87 : memref<1x96xi32, #tpu.memory_space<hbm>> -> memref<96xi32, #tpu.memory_space<hbm>>
      %dma_start3A_89 = arith.constant 0 : i32
      %dma_start3A_90 = tpu.memref_slice %arg7[%run_scoped3A, %dma_start3A_89] : memref<8x96xi32, #tpu.memory_space<vmem>> -> memref<1x96xi32, #tpu.memory_space<vmem>>
      %dma_start3A_91 = tpu.memref_squeeze %dma_start3A_90 : memref<1x96xi32, #tpu.memory_space<vmem>> -> memref<96xi32, #tpu.memory_space<vmem>>
      %dma_start3A_92 = arith.constant 0 : i32
      %dma_start3A_93 = tpu.memref_slice %arg3[%select_n3A, %dma_start3A_92] : memref<3344x96xi32, #tpu.memory_space<hbm>> -> memref<1x96xi32, #tpu.memory_space<hbm>>
      %dma_start3A_94 = tpu.memref_squeeze %dma_start3A_93 : memref<1x96xi32, #tpu.memory_space<hbm>> -> memref<96xi32, #tpu.memory_space<hbm>>
      tpu.enqueue_dma source(%dma_start3A_94 : memref<96xi32, #tpu.memory_space<hbm>>) target(%dma_start3A_91 : memref<96xi32, #tpu.memory_space<vmem>>) target_semaphore(%run_scoped3A_82 : memref<!tpu.dma_semaphore, #tpu.memory_space<semaphore_mem>>)
      %dma_wait3A_95 = arith.constant 0 : i32
      %dma_wait3A_96 = tpu.memref_slice %arg7[%run_scoped3A, %dma_wait3A_95] : memref<8x96xi32, #tpu.memory_space<vmem>> -> memref<1x96xi32, #tpu.memory_space<vmem>>
      %dma_wait3A_97 = tpu.memref_squeeze %dma_wait3A_96 : memref<1x96xi32, #tpu.memory_space<vmem>> -> memref<96xi32, #tpu.memory_space<vmem>>
      %dma_wait3A_98 = arith.constant 0 : i32
      %dma_wait3A_99 = tpu.memref_slice %arg3[%select_n3A, %dma_wait3A_98] : memref<3344x96xi32, #tpu.memory_space<hbm>> -> memref<1x96xi32, #tpu.memory_space<hbm>>
      %dma_wait3A_100 = tpu.memref_squeeze %dma_wait3A_99 : memref<1x96xi32, #tpu.memory_space<hbm>> -> memref<96xi32, #tpu.memory_space<hbm>>
      %dma_wait3A_101 = arith.constant 0 : i32
      %dma_wait3A_102 = tpu.memref_slice %arg7[%run_scoped3A, %dma_wait3A_101] : memref<8x96xi32, #tpu.memory_space<vmem>> -> memref<1x96xi32, #tpu.memory_space<vmem>>
      %dma_wait3A_103 = tpu.memref_squeeze %dma_wait3A_102 : memref<1x96xi32, #tpu.memory_space<vmem>> -> memref<96xi32, #tpu.memory_space<vmem>>
      %dma_wait3A_104 = arith.constant 0 : i32
      %dma_wait3A_105 = tpu.memref_slice %arg3[%select_n3A, %dma_wait3A_104] : memref<3344x96xi32, #tpu.memory_space<hbm>> -> memref<1x96xi32, #tpu.memory_space<hbm>>
      %dma_wait3A_106 = tpu.memref_squeeze %dma_wait3A_105 : memref<1x96xi32, #tpu.memory_space<hbm>> -> memref<96xi32, #tpu.memory_space<hbm>>
      tpu.wait_dma2 semaphore(%run_scoped3A_82 : memref<!tpu.dma_semaphore, #tpu.memory_space<semaphore_mem>>) src(%dma_wait3A_106 : memref<96xi32, #tpu.memory_space<hbm>>) dst(%dma_wait3A_103 : memref<96xi32, #tpu.memory_space<vmem>>)
      tpu.yield
    }) : () -> ()
    %run_scoped3A_13 = arith.constant 0 : i32
    "tpu.region"() ({
      %run_scoped3A_82 = tpu.sem_alloc : memref<!tpu.dma_semaphore, #tpu.memory_space<semaphore_mem>>
      %dma_start3A_83 = arith.constant 0 : i32
      %dma_start3A_84 = tpu.memref_slice %arg8[%run_scoped3A_13, %dma_start3A_83] : memref<8x96xi32, #tpu.memory_space<vmem>> -> memref<1x96xi32, #tpu.memory_space<vmem>>
      %dma_start3A_85 = tpu.memref_squeeze %dma_start3A_84 : memref<1x96xi32, #tpu.memory_space<vmem>> -> memref<96xi32, #tpu.memory_space<vmem>>
      %dma_start3A_86 = arith.constant 0 : i32
      %dma_start3A_87 = tpu.memref_slice %arg4[%select_n3A, %dma_start3A_86] : memref<3344x96xi32, #tpu.memory_space<hbm>> -> memref<1x96xi32, #tpu.memory_space<hbm>>
      %dma_start3A_88 = tpu.memref_squeeze %dma_start3A_87 : memref<1x96xi32, #tpu.memory_space<hbm>> -> memref<96xi32, #tpu.memory_space<hbm>>
      %dma_start3A_89 = arith.constant 0 : i32
      %dma_start3A_90 = tpu.memref_slice %arg8[%run_scoped3A_13, %dma_start3A_89] : memref<8x96xi32, #tpu.memory_space<vmem>> -> memref<1x96xi32, #tpu.memory_space<vmem>>
      %dma_start3A_91 = tpu.memref_squeeze %dma_start3A_90 : memref<1x96xi32, #tpu.memory_space<vmem>> -> memref<96xi32, #tpu.memory_space<vmem>>
      %dma_start3A_92 = arith.constant 0 : i32
      %dma_start3A_93 = tpu.memref_slice %arg4[%select_n3A, %dma_start3A_92] : memref<3344x96xi32, #tpu.memory_space<hbm>> -> memref<1x96xi32, #tpu.memory_space<hbm>>
      %dma_start3A_94 = tpu.memref_squeeze %dma_start3A_93 : memref<1x96xi32, #tpu.memory_space<hbm>> -> memref<96xi32, #tpu.memory_space<hbm>>
      tpu.enqueue_dma source(%dma_start3A_94 : memref<96xi32, #tpu.memory_space<hbm>>) target(%dma_start3A_91 : memref<96xi32, #tpu.memory_space<vmem>>) target_semaphore(%run_scoped3A_82 : memref<!tpu.dma_semaphore, #tpu.memory_space<semaphore_mem>>)
      %dma_wait3A_95 = arith.constant 0 : i32
      %dma_wait3A_96 = tpu.memref_slice %arg8[%run_scoped3A_13, %dma_wait3A_95] : memref<8x96xi32, #tpu.memory_space<vmem>> -> memref<1x96xi32, #tpu.memory_space<vmem>>
      %dma_wait3A_97 = tpu.memref_squeeze %dma_wait3A_96 : memref<1x96xi32, #tpu.memory_space<vmem>> -> memref<96xi32, #tpu.memory_space<vmem>>
      %dma_wait3A_98 = arith.constant 0 : i32
      %dma_wait3A_99 = tpu.memref_slice %arg4[%select_n3A, %dma_wait3A_98] : memref<3344x96xi32, #tpu.memory_space<hbm>> -> memref<1x96xi32, #tpu.memory_space<hbm>>
      %dma_wait3A_100 = tpu.memref_squeeze %dma_wait3A_99 : memref<1x96xi32, #tpu.memory_space<hbm>> -> memref<96xi32, #tpu.memory_space<hbm>>
      %dma_wait3A_101 = arith.constant 0 : i32
      %dma_wait3A_102 = tpu.memref_slice %arg8[%run_scoped3A_13, %dma_wait3A_101] : memref<8x96xi32, #tpu.memory_space<vmem>> -> memref<1x96xi32, #tpu.memory_space<vmem>>
      %dma_wait3A_103 = tpu.memref_squeeze %dma_wait3A_102 : memref<1x96xi32, #tpu.memory_space<vmem>> -> memref<96xi32, #tpu.memory_space<vmem>>
      %dma_wait3A_104 = arith.constant 0 : i32
      %dma_wait3A_105 = tpu.memref_slice %arg4[%select_n3A, %dma_wait3A_104] : memref<3344x96xi32, #tpu.memory_space<hbm>> -> memref<1x96xi32, #tpu.memory_space<hbm>>
      %dma_wait3A_106 = tpu.memref_squeeze %dma_wait3A_105 : memref<1x96xi32, #tpu.memory_space<hbm>> -> memref<96xi32, #tpu.memory_space<hbm>>
      tpu.wait_dma2 semaphore(%run_scoped3A_82 : memref<!tpu.dma_semaphore, #tpu.memory_space<semaphore_mem>>) src(%dma_wait3A_106 : memref<96xi32, #tpu.memory_space<hbm>>) dst(%dma_wait3A_103 : memref<96xi32, #tpu.memory_space<vmem>>)
      tpu.yield
    }) : () -> ()
    %add3A_14 = arith.constant 1 : i32
    %add3A_15 = arith.addi %select_n3A, %add3A_14 : i32
    %run_scoped3A_16 = arith.constant 1 : i32
    "tpu.region"() ({
      %run_scoped3A_82 = tpu.sem_alloc : memref<!tpu.dma_semaphore, #tpu.memory_space<semaphore_mem>>
      %dma_start3A_83 = arith.constant 0 : i32
      %dma_start3A_84 = tpu.memref_slice %arg7[%run_scoped3A_16, %dma_start3A_83] : memref<8x96xi32, #tpu.memory_space<vmem>> -> memref<1x96xi32, #tpu.memory_space<vmem>>
      %dma_start3A_85 = tpu.memref_squeeze %dma_start3A_84 : memref<1x96xi32, #tpu.memory_space<vmem>> -> memref<96xi32, #tpu.memory_space<vmem>>
      %dma_start3A_86 = arith.constant 0 : i32
      %dma_start3A_87 = tpu.memref_slice %arg3[%add3A_15, %dma_start3A_86] : memref<3344x96xi32, #tpu.memory_space<hbm>> -> memref<1x96xi32, #tpu.memory_space<hbm>>
      %dma_start3A_88 = tpu.memref_squeeze %dma_start3A_87 : memref<1x96xi32, #tpu.memory_space<hbm>> -> memref<96xi32, #tpu.memory_space<hbm>>
      %dma_start3A_89 = arith.constant 0 : i32
      %dma_start3A_90 = tpu.memref_slice %arg7[%run_scoped3A_16, %dma_start3A_89] : memref<8x96xi32, #tpu.memory_space<vmem>> -> memref<1x96xi32, #tpu.memory_space<vmem>>
      %dma_start3A_91 = tpu.memref_squeeze %dma_start3A_90 : memref<1x96xi32, #tpu.memory_space<vmem>> -> memref<96xi32, #tpu.memory_space<vmem>>
      %dma_start3A_92 = arith.constant 0 : i32
      %dma_start3A_93 = tpu.memref_slice %arg3[%add3A_15, %dma_start3A_92] : memref<3344x96xi32, #tpu.memory_space<hbm>> -> memref<1x96xi32, #tpu.memory_space<hbm>>
      %dma_start3A_94 = tpu.memref_squeeze %dma_start3A_93 : memref<1x96xi32, #tpu.memory_space<hbm>> -> memref<96xi32, #tpu.memory_space<hbm>>
      tpu.enqueue_dma source(%dma_start3A_94 : memref<96xi32, #tpu.memory_space<hbm>>) target(%dma_start3A_91 : memref<96xi32, #tpu.memory_space<vmem>>) target_semaphore(%run_scoped3A_82 : memref<!tpu.dma_semaphore, #tpu.memory_space<semaphore_mem>>)
      %dma_wait3A_95 = arith.constant 0 : i32
      %dma_wait3A_96 = tpu.memref_slice %arg7[%run_scoped3A_16, %dma_wait3A_95] : memref<8x96xi32, #tpu.memory_space<vmem>> -> memref<1x96xi32, #tpu.memory_space<vmem>>
      %dma_wait3A_97 = tpu.memref_squeeze %dma_wait3A_96 : memref<1x96xi32, #tpu.memory_space<vmem>> -> memref<96xi32, #tpu.memory_space<vmem>>
      %dma_wait3A_98 = arith.constant 0 : i32
      %dma_wait3A_99 = tpu.memref_slice %arg3[%add3A_15, %dma_wait3A_98] : memref<3344x96xi32, #tpu.memory_space<hbm>> -> memref<1x96xi32, #tpu.memory_space<hbm>>
      %dma_wait3A_100 = tpu.memref_squeeze %dma_wait3A_99 : memref<1x96xi32, #tpu.memory_space<hbm>> -> memref<96xi32, #tpu.memory_space<hbm>>
      %dma_wait3A_101 = arith.constant 0 : i32
      %dma_wait3A_102 = tpu.memref_slice %arg7[%run_scoped3A_16, %dma_wait3A_101] : memref<8x96xi32, #tpu.memory_space<vmem>> -> memref<1x96xi32, #tpu.memory_space<vmem>>
      %dma_wait3A_103 = tpu.memref_squeeze %dma_wait3A_102 : memref<1x96xi32, #tpu.memory_space<vmem>> -> memref<96xi32, #tpu.memory_space<vmem>>
      %dma_wait3A_104 = arith.constant 0 : i32
      %dma_wait3A_105 = tpu.memref_slice %arg3[%add3A_15, %dma_wait3A_104] : memref<3344x96xi32, #tpu.memory_space<hbm>> -> memref<1x96xi32, #tpu.memory_space<hbm>>
      %dma_wait3A_106 = tpu.memref_squeeze %dma_wait3A_105 : memref<1x96xi32, #tpu.memory_space<hbm>> -> memref<96xi32, #tpu.memory_space<hbm>>
      tpu.wait_dma2 semaphore(%run_scoped3A_82 : memref<!tpu.dma_semaphore, #tpu.memory_space<semaphore_mem>>) src(%dma_wait3A_106 : memref<96xi32, #tpu.memory_space<hbm>>) dst(%dma_wait3A_103 : memref<96xi32, #tpu.memory_space<vmem>>)
      tpu.yield
    }) : () -> ()
    %add3A_17 = arith.constant 1 : i32
    %add3A_18 = arith.addi %select_n3A, %add3A_17 : i32
    %run_scoped3A_19 = arith.constant 1 : i32
    "tpu.region"() ({
      %run_scoped3A_82 = tpu.sem_alloc : memref<!tpu.dma_semaphore, #tpu.memory_space<semaphore_mem>>
      %dma_start3A_83 = arith.constant 0 : i32
      %dma_start3A_84 = tpu.memref_slice %arg8[%run_scoped3A_19, %dma_start3A_83] : memref<8x96xi32, #tpu.memory_space<vmem>> -> memref<1x96xi32, #tpu.memory_space<vmem>>
      %dma_start3A_85 = tpu.memref_squeeze %dma_start3A_84 : memref<1x96xi32, #tpu.memory_space<vmem>> -> memref<96xi32, #tpu.memory_space<vmem>>
      %dma_start3A_86 = arith.constant 0 : i32
      %dma_start3A_87 = tpu.memref_slice %arg4[%add3A_18, %dma_start3A_86] : memref<3344x96xi32, #tpu.memory_space<hbm>> -> memref<1x96xi32, #tpu.memory_space<hbm>>
      %dma_start3A_88 = tpu.memref_squeeze %dma_start3A_87 : memref<1x96xi32, #tpu.memory_space<hbm>> -> memref<96xi32, #tpu.memory_space<hbm>>
      %dma_start3A_89 = arith.constant 0 : i32
      %dma_start3A_90 = tpu.memref_slice %arg8[%run_scoped3A_19, %dma_start3A_89] : memref<8x96xi32, #tpu.memory_space<vmem>> -> memref<1x96xi32, #tpu.memory_space<vmem>>
      %dma_start3A_91 = tpu.memref_squeeze %dma_start3A_90 : memref<1x96xi32, #tpu.memory_space<vmem>> -> memref<96xi32, #tpu.memory_space<vmem>>
      %dma_start3A_92 = arith.constant 0 : i32
      %dma_start3A_93 = tpu.memref_slice %arg4[%add3A_18, %dma_start3A_92] : memref<3344x96xi32, #tpu.memory_space<hbm>> -> memref<1x96xi32, #tpu.memory_space<hbm>>
      %dma_start3A_94 = tpu.memref_squeeze %dma_start3A_93 : memref<1x96xi32, #tpu.memory_space<hbm>> -> memref<96xi32, #tpu.memory_space<hbm>>
      tpu.enqueue_dma source(%dma_start3A_94 : memref<96xi32, #tpu.memory_space<hbm>>) target(%dma_start3A_91 : memref<96xi32, #tpu.memory_space<vmem>>) target_semaphore(%run_scoped3A_82 : memref<!tpu.dma_semaphore, #tpu.memory_space<semaphore_mem>>)
      %dma_wait3A_95 = arith.constant 0 : i32
      %dma_wait3A_96 = tpu.memref_slice %arg8[%run_scoped3A_19, %dma_wait3A_95] : memref<8x96xi32, #tpu.memory_space<vmem>> -> memref<1x96xi32, #tpu.memory_space<vmem>>
      %dma_wait3A_97 = tpu.memref_squeeze %dma_wait3A_96 : memref<1x96xi32, #tpu.memory_space<vmem>> -> memref<96xi32, #tpu.memory_space<vmem>>
      %dma_wait3A_98 = arith.constant 0 : i32
      %dma_wait3A_99 = tpu.memref_slice %arg4[%add3A_18, %dma_wait3A_98] : memref<3344x96xi32, #tpu.memory_space<hbm>> -> memref<1x96xi32, #tpu.memory_space<hbm>>
      %dma_wait3A_100 = tpu.memref_squeeze %dma_wait3A_99 : memref<1x96xi32, #tpu.memory_space<hbm>> -> memref<96xi32, #tpu.memory_space<hbm>>
      %dma_wait3A_101 = arith.constant 0 : i32
      %dma_wait3A_102 = tpu.memref_slice %arg8[%run_scoped3A_19, %dma_wait3A_101] : memref<8x96xi32, #tpu.memory_space<vmem>> -> memref<1x96xi32, #tpu.memory_space<vmem>>
      %dma_wait3A_103 = tpu.memref_squeeze %dma_wait3A_102 : memref<1x96xi32, #tpu.memory_space<vmem>> -> memref<96xi32, #tpu.memory_space<vmem>>
      %dma_wait3A_104 = arith.constant 0 : i32
      %dma_wait3A_105 = tpu.memref_slice %arg4[%add3A_18, %dma_wait3A_104] : memref<3344x96xi32, #tpu.memory_space<hbm>> -> memref<1x96xi32, #tpu.memory_space<hbm>>
      %dma_wait3A_106 = tpu.memref_squeeze %dma_wait3A_105 : memref<1x96xi32, #tpu.memory_space<hbm>> -> memref<96xi32, #tpu.memory_space<hbm>>
      tpu.wait_dma2 semaphore(%run_scoped3A_82 : memref<!tpu.dma_semaphore, #tpu.memory_space<semaphore_mem>>) src(%dma_wait3A_106 : memref<96xi32, #tpu.memory_space<hbm>>) dst(%dma_wait3A_103 : memref<96xi32, #tpu.memory_space<vmem>>)
      tpu.yield
    }) : () -> ()
    %barrier3A = arith.constant 0 : index
    tpu.barrier barrier_id(%barrier3A)
    %dma_start3A = arith.constant 0 : i32
    %dma_start3A_20 = arith.constant 0 : i32
    %dma_start3A_21 = arith.constant 0 : i32
    %dma_start3A_22 = arith.constant 0 : i32
    %dma_start3A_23 = tpu.memref_slice %arg9[%dma_start3A_20, %dma_start3A_21, %dma_start3A_22] : memref<3x96x128xf32, #tpu.memory_space<vmem>> -> memref<1x96x128xf32, #tpu.memory_space<vmem>>
    %dma_start3A_24 = tpu.memref_squeeze %dma_start3A_23 : memref<1x96x128xf32, #tpu.memory_space<vmem>> -> memref<96x128xf32, #tpu.memory_space<vmem>>
    %dma_start3A_25 = arith.constant 0 : i32
    %dma_start3A_26 = tpu.memref_slice %arg7[%dma_start3A, %dma_start3A_25] : memref<8x96xi32, #tpu.memory_space<vmem>> -> memref<1x96xi32, #tpu.memory_space<vmem>>
    %dma_start3A_27 = tpu.memref_squeeze %dma_start3A_26 : memref<1x96xi32, #tpu.memory_space<vmem>> -> memref<96xi32, #tpu.memory_space<vmem>>
    %dma_start3A_28 = arith.constant 0 : i32
    %dma_start3A_29 = arith.constant 0 : i32
    %dma_start3A_30 = tpu.memref_slice %arg2[%dma_start3A_28, %dma_start3A_29] : memref<10000x128xf32, #tpu.memory_space<hbm>> -> memref<10000x128xf32, #tpu.memory_space<hbm>>
    tpu.enqueue_indirect_dma source(%dma_start3A_30 : memref<10000x128xf32, #tpu.memory_space<hbm>>) target(%dma_start3A_24 : memref<96x128xf32, #tpu.memory_space<vmem>>) offsets(%dma_start3A_27 : memref<96xi32, #tpu.memory_space<vmem>>) semaphore(%arg12 : memref<!tpu.dma_semaphore, #tpu.memory_space<semaphore_mem>>)
    %while3A = arith.constant 0 : i32
    %while3A_31 = arith.constant 0 : i32
    %while3A_32 = arith.subi %select_n3A_8, %while3A_31 : i32
    %while3A_33 = arith.addi %while3A_31, %while3A_32 : i32
    %while3A_34 = arith.constant 1 : i32
    %while3A_35 = arith.divsi %while3A_32, %while3A_34 : i32
    %while3A_36 = arith.muli %while3A_35, %while3A_34 : i32
    %while3A_37 = arith.addi %while3A_31, %while3A_36 : i32
    %while3A_38 = arith.constant 1 : i32
    scf.for %while3A_82 = %while3A_31 to %while3A_37 step %while3A_38  : i32 {
      %rem3A_83 = arith.constant 3 : i32
      %rem3A_84 = arith.remsi %while3A_82, %rem3A_83 : i32
      %add3A_85 = arith.constant 2 : i32
      %add3A_86 = arith.addi %while3A_82, %add3A_85 : i32
      %lt3A = arith.cmpi slt, %add3A_86, %select_n3A_8 : i32
      %convert_element_type3A = arith.extui %lt3A : i1 to i32
      %cond3A = arith.constant 0 : i32
      %cond3A_87 = arith.cmpi ne, %convert_element_type3A, %cond3A : i32
      scf.if %cond3A_87 {
        %add3A_130 = arith.constant 2 : i32
        %add3A_131 = arith.addi %while3A_82, %add3A_130 : i32
        %rem3A_132 = arith.constant 8 : i32
        %rem3A_133 = arith.remsi %add3A_131, %rem3A_132 : i32
        %add3A_134 = arith.addi %select_n3A, %while3A_82 : i32
        %add3A_135 = arith.constant 2 : i32
        %add3A_136 = arith.addi %add3A_134, %add3A_135 : i32
        %dma_start3A_137 = arith.constant 0 : i32
        %dma_start3A_138 = tpu.memref_slice %arg7[%rem3A_133, %dma_start3A_137] : memref<8x96xi32, #tpu.memory_space<vmem>> -> memref<1x96xi32, #tpu.memory_space<vmem>>
        %dma_start3A_139 = tpu.memref_squeeze %dma_start3A_138 : memref<1x96xi32, #tpu.memory_space<vmem>> -> memref<96xi32, #tpu.memory_space<vmem>>
        %dma_start3A_140 = arith.constant 0 : i32
        %dma_start3A_141 = tpu.memref_slice %arg3[%add3A_136, %dma_start3A_140] : memref<3344x96xi32, #tpu.memory_space<hbm>> -> memref<1x96xi32, #tpu.memory_space<hbm>>
        %dma_start3A_142 = tpu.memref_squeeze %dma_start3A_141 : memref<1x96xi32, #tpu.memory_space<hbm>> -> memref<96xi32, #tpu.memory_space<hbm>>
        %dma_start3A_143 = arith.constant 0 : i32
        %dma_start3A_144 = tpu.memref_slice %arg7[%rem3A_133, %dma_start3A_143] : memref<8x96xi32, #tpu.memory_space<vmem>> -> memref<1x96xi32, #tpu.memory_space<vmem>>
        %dma_start3A_145 = tpu.memref_squeeze %dma_start3A_144 : memref<1x96xi32, #tpu.memory_space<vmem>> -> memref<96xi32, #tpu.memory_space<vmem>>
        %dma_start3A_146 = arith.constant 0 : i32
        %dma_start3A_147 = tpu.memref_slice %arg3[%add3A_136, %dma_start3A_146] : memref<3344x96xi32, #tpu.memory_space<hbm>> -> memref<1x96xi32, #tpu.memory_space<hbm>>
        %dma_start3A_148 = tpu.memref_squeeze %dma_start3A_147 : memref<1x96xi32, #tpu.memory_space<hbm>> -> memref<96xi32, #tpu.memory_space<hbm>>
        tpu.enqueue_dma source(%dma_start3A_148 : memref<96xi32, #tpu.memory_space<hbm>>) target(%dma_start3A_145 : memref<96xi32, #tpu.memory_space<vmem>>) target_semaphore(%arg11 : memref<!tpu.dma_semaphore, #tpu.memory_space<semaphore_mem>>)
        %add3A_149 = arith.addi %select_n3A, %while3A_82 : i32
        %add3A_150 = arith.constant 2 : i32
        %add3A_151 = arith.addi %add3A_149, %add3A_150 : i32
        %dma_start3A_152 = arith.constant 0 : i32
        %dma_start3A_153 = tpu.memref_slice %arg8[%rem3A_133, %dma_start3A_152] : memref<8x96xi32, #tpu.memory_space<vmem>> -> memref<1x96xi32, #tpu.memory_space<vmem>>
        %dma_start3A_154 = tpu.memref_squeeze %dma_start3A_153 : memref<1x96xi32, #tpu.memory_space<vmem>> -> memref<96xi32, #tpu.memory_space<vmem>>
        %dma_start3A_155 = arith.constant 0 : i32
        %dma_start3A_156 = tpu.memref_slice %arg4[%add3A_151, %dma_start3A_155] : memref<3344x96xi32, #tpu.memory_space<hbm>> -> memref<1x96xi32, #tpu.memory_space<hbm>>
        %dma_start3A_157 = tpu.memref_squeeze %dma_start3A_156 : memref<1x96xi32, #tpu.memory_space<hbm>> -> memref<96xi32, #tpu.memory_space<hbm>>
        %dma_start3A_158 = arith.constant 0 : i32
        %dma_start3A_159 = tpu.memref_slice %arg8[%rem3A_133, %dma_start3A_158] : memref<8x96xi32, #tpu.memory_space<vmem>> -> memref<1x96xi32, #tpu.memory_space<vmem>>
        %dma_start3A_160 = tpu.memref_squeeze %dma_start3A_159 : memref<1x96xi32, #tpu.memory_space<vmem>> -> memref<96xi32, #tpu.memory_space<vmem>>
        %dma_start3A_161 = arith.constant 0 : i32
        %dma_start3A_162 = tpu.memref_slice %arg4[%add3A_151, %dma_start3A_161] : memref<3344x96xi32, #tpu.memory_space<hbm>> -> memref<1x96xi32, #tpu.memory_space<hbm>>
        %dma_start3A_163 = tpu.memref_squeeze %dma_start3A_162 : memref<1x96xi32, #tpu.memory_space<hbm>> -> memref<96xi32, #tpu.memory_space<hbm>>
        tpu.enqueue_dma source(%dma_start3A_163 : memref<96xi32, #tpu.memory_space<hbm>>) target(%dma_start3A_160 : memref<96xi32, #tpu.memory_space<vmem>>) target_semaphore(%arg11 : memref<!tpu.dma_semaphore, #tpu.memory_space<semaphore_mem>>)
      } else {
      }
      %ge3A = arith.constant 2 : i32
      %ge3A_88 = arith.cmpi sge, %while3A_82, %ge3A : i32
      %convert_element_type3A_89 = arith.extui %ge3A_88 : i1 to i32
      %cond3A_90 = arith.constant 0 : i32
      %cond3A_91 = arith.cmpi ne, %convert_element_type3A_89, %cond3A_90 : i32
      scf.if %cond3A_91 {
        %sub3A_130 = arith.constant 2 : i32
        %sub3A_131 = arith.subi %while3A_82, %sub3A_130 : i32
        %rem3A_132 = arith.constant 3 : i32
        %rem3A_133 = arith.remsi %sub3A_131, %rem3A_132 : i32
        %rem3A_134 = arith.constant 8 : i32
        %rem3A_135 = arith.remsi %sub3A_131, %rem3A_134 : i32
        %dma_wait3A_136 = arith.constant 0 : i32
        %dma_wait3A_137 = arith.constant 0 : i32
        %dma_wait3A_138 = tpu.memref_slice %arg9[%rem3A_133, %dma_wait3A_136, %dma_wait3A_137] : memref<3x96x128xf32, #tpu.memory_space<vmem>> -> memref<1x96x128xf32, #tpu.memory_space<vmem>>
        %dma_wait3A_139 = tpu.memref_squeeze %dma_wait3A_138 : memref<1x96x128xf32, #tpu.memory_space<vmem>> -> memref<96x128xf32, #tpu.memory_space<vmem>>
        %dma_wait3A_140 = arith.constant 0 : i32
        %dma_wait3A_141 = tpu.memref_slice %arg8[%rem3A_135, %dma_wait3A_140] : memref<8x96xi32, #tpu.memory_space<vmem>> -> memref<1x96xi32, #tpu.memory_space<vmem>>
        %dma_wait3A_142 = tpu.memref_squeeze %dma_wait3A_141 : memref<1x96xi32, #tpu.memory_space<vmem>> -> memref<96xi32, #tpu.memory_space<vmem>>
        %dma_wait3A_143 = arith.constant 0 : i32
        %dma_wait3A_144 = arith.constant 0 : i32
        %dma_wait3A_145 = tpu.memref_slice %arg10[%dma_wait3A_143, %dma_wait3A_144] : memref<10112x128xf32, #tpu.memory_space<vmem_shared>> -> memref<10112x128xf32, #tpu.memory_space<vmem_shared>>
        %dma_wait3A_146 = tpu.memref_slice %arg13[%rem3A_133] : memref<3x!tpu.dma_semaphore, #tpu.memory_space<semaphore_mem>> -> memref<1x!tpu.dma_semaphore, #tpu.memory_space<semaphore_mem>>
        %dma_wait3A_147 = tpu.memref_squeeze %dma_wait3A_146 : memref<1x!tpu.dma_semaphore, #tpu.memory_space<semaphore_mem>> -> memref<!tpu.dma_semaphore, #tpu.memory_space<semaphore_mem>>
        tpu.wait_indirect_dma semaphore(%dma_wait3A_147 : memref<!tpu.dma_semaphore, #tpu.memory_space<semaphore_mem>>) src(%dma_wait3A_139 : memref<96x128xf32, #tpu.memory_space<vmem>>) dst(%dma_wait3A_145 : memref<10112x128xf32, #tpu.memory_space<vmem_shared>>)
      } else {
      }
      %rem3A_92 = arith.constant 8 : i32
      %rem3A_93 = arith.remsi %while3A_82, %rem3A_92 : i32
      %dma_wait3A_94 = arith.constant 0 : i32
      %dma_wait3A_95 = arith.constant 0 : i32
      %dma_wait3A_96 = tpu.memref_slice %arg9[%rem3A_84, %dma_wait3A_94, %dma_wait3A_95] : memref<3x96x128xf32, #tpu.memory_space<vmem>> -> memref<1x96x128xf32, #tpu.memory_space<vmem>>
      %dma_wait3A_97 = tpu.memref_squeeze %dma_wait3A_96 : memref<1x96x128xf32, #tpu.memory_space<vmem>> -> memref<96x128xf32, #tpu.memory_space<vmem>>
      %dma_wait3A_98 = arith.constant 0 : i32
      %dma_wait3A_99 = tpu.memref_slice %arg7[%rem3A_93, %dma_wait3A_98] : memref<8x96xi32, #tpu.memory_space<vmem>> -> memref<1x96xi32, #tpu.memory_space<vmem>>
      %dma_wait3A_100 = tpu.memref_squeeze %dma_wait3A_99 : memref<1x96xi32, #tpu.memory_space<vmem>> -> memref<96xi32, #tpu.memory_space<vmem>>
      %dma_wait3A_101 = arith.constant 0 : i32
      %dma_wait3A_102 = arith.constant 0 : i32
      %dma_wait3A_103 = tpu.memref_slice %arg2[%dma_wait3A_101, %dma_wait3A_102] : memref<10000x128xf32, #tpu.memory_space<hbm>> -> memref<10000x128xf32, #tpu.memory_space<hbm>>
      tpu.wait_indirect_dma semaphore(%arg12 : memref<!tpu.dma_semaphore, #tpu.memory_space<semaphore_mem>>) src(%dma_wait3A_103 : memref<10000x128xf32, #tpu.memory_space<hbm>>) dst(%dma_wait3A_97 : memref<96x128xf32, #tpu.memory_space<vmem>>)
      %add3A_104 = arith.constant 1 : i32
      %add3A_105 = arith.addi %while3A_82, %add3A_104 : i32
      %lt3A_106 = arith.cmpi slt, %add3A_105, %select_n3A_8 : i32
      %convert_element_type3A_107 = arith.extui %lt3A_106 : i1 to i32
      %cond3A_108 = arith.constant 0 : i32
      %cond3A_109 = arith.cmpi ne, %convert_element_type3A_107, %cond3A_108 : i32
      scf.if %cond3A_109 {
        %add3A_130 = arith.constant 1 : i32
        %add3A_131 = arith.addi %while3A_82, %add3A_130 : i32
        %rem3A_132 = arith.constant 8 : i32
        %rem3A_133 = arith.remsi %add3A_131, %rem3A_132 : i32
        %add3A_134 = arith.constant 1 : i32
        %add3A_135 = arith.addi %while3A_82, %add3A_134 : i32
        %rem3A_136 = arith.constant 3 : i32
        %rem3A_137 = arith.remsi %add3A_135, %rem3A_136 : i32
        %dma_start3A_138 = arith.constant 0 : i32
        %dma_start3A_139 = arith.constant 0 : i32
        %dma_start3A_140 = tpu.memref_slice %arg9[%rem3A_137, %dma_start3A_138, %dma_start3A_139] : memref<3x96x128xf32, #tpu.memory_space<vmem>> -> memref<1x96x128xf32, #tpu.memory_space<vmem>>
        %dma_start3A_141 = tpu.memref_squeeze %dma_start3A_140 : memref<1x96x128xf32, #tpu.memory_space<vmem>> -> memref<96x128xf32, #tpu.memory_space<vmem>>
        %dma_start3A_142 = arith.constant 0 : i32
        %dma_start3A_143 = tpu.memref_slice %arg7[%rem3A_133, %dma_start3A_142] : memref<8x96xi32, #tpu.memory_space<vmem>> -> memref<1x96xi32, #tpu.memory_space<vmem>>
        %dma_start3A_144 = tpu.memref_squeeze %dma_start3A_143 : memref<1x96xi32, #tpu.memory_space<vmem>> -> memref<96xi32, #tpu.memory_space<vmem>>
        %dma_start3A_145 = arith.constant 0 : i32
        %dma_start3A_146 = arith.constant 0 : i32
        %dma_start3A_147 = tpu.memref_slice %arg2[%dma_start3A_145, %dma_start3A_146] : memref<10000x128xf32, #tpu.memory_space<hbm>> -> memref<10000x128xf32, #tpu.memory_space<hbm>>
        tpu.enqueue_indirect_dma source(%dma_start3A_147 : memref<10000x128xf32, #tpu.memory_space<hbm>>) target(%dma_start3A_141 : memref<96x128xf32, #tpu.memory_space<vmem>>) offsets(%dma_start3A_144 : memref<96xi32, #tpu.memory_space<vmem>>) semaphore(%arg12 : memref<!tpu.dma_semaphore, #tpu.memory_space<semaphore_mem>>)
      } else {
      }
      %rem3A_110 = arith.constant 8 : i32
      %rem3A_111 = arith.remsi %while3A_82, %rem3A_110 : i32
      %dma_start3A_112 = arith.constant 0 : i32
      %dma_start3A_113 = arith.constant 0 : i32
      %dma_start3A_114 = tpu.memref_slice %arg9[%rem3A_84, %dma_start3A_112, %dma_start3A_113] : memref<3x96x128xf32, #tpu.memory_space<vmem>> -> memref<1x96x128xf32, #tpu.memory_space<vmem>>
      %dma_start3A_115 = tpu.memref_squeeze %dma_start3A_114 : memref<1x96x128xf32, #tpu.memory_space<vmem>> -> memref<96x128xf32, #tpu.memory_space<vmem>>
      %dma_start3A_116 = arith.constant 0 : i32
      %dma_start3A_117 = tpu.memref_slice %arg8[%rem3A_111, %dma_start3A_116] : memref<8x96xi32, #tpu.memory_space<vmem>> -> memref<1x96xi32, #tpu.memory_space<vmem>>
      %dma_start3A_118 = tpu.memref_squeeze %dma_start3A_117 : memref<1x96xi32, #tpu.memory_space<vmem>> -> memref<96xi32, #tpu.memory_space<vmem>>
      %dma_start3A_119 = arith.constant 0 : i32
      %dma_start3A_120 = arith.constant 0 : i32
      %dma_start3A_121 = tpu.memref_slice %arg10[%dma_start3A_119, %dma_start3A_120] : memref<10112x128xf32, #tpu.memory_space<vmem_shared>> -> memref<10112x128xf32, #tpu.memory_space<vmem_shared>>
      %dma_start3A_122 = tpu.memref_slice %arg13[%rem3A_84] : memref<3x!tpu.dma_semaphore, #tpu.memory_space<semaphore_mem>> -> memref<1x!tpu.dma_semaphore, #tpu.memory_space<semaphore_mem>>
      %dma_start3A_123 = tpu.memref_squeeze %dma_start3A_122 : memref<1x!tpu.dma_semaphore, #tpu.memory_space<semaphore_mem>> -> memref<!tpu.dma_semaphore, #tpu.memory_space<semaphore_mem>>
      tpu.enqueue_indirect_dma source(%dma_start3A_115 : memref<96x128xf32, #tpu.memory_space<vmem>>) target(%dma_start3A_121 : memref<10112x128xf32, #tpu.memory_space<vmem_shared>>) offsets(%dma_start3A_118 : memref<96xi32, #tpu.memory_space<vmem>>) semaphore(%dma_start3A_123 : memref<!tpu.dma_semaphore, #tpu.memory_space<semaphore_mem>>) {add = true}
      %add3A_124 = arith.constant 2 : i32
      %add3A_125 = arith.addi %while3A_82, %add3A_124 : i32
      %lt3A_126 = arith.cmpi slt, %add3A_125, %select_n3A_8 : i32
      %convert_element_type3A_127 = arith.extui %lt3A_126 : i1 to i32
      %cond3A_128 = arith.constant 0 : i32
      %cond3A_129 = arith.cmpi ne, %convert_element_type3A_127, %cond3A_128 : i32
      scf.if %cond3A_129 {
        %add3A_130 = arith.constant 2 : i32
        %add3A_131 = arith.addi %while3A_82, %add3A_130 : i32
        %rem3A_132 = arith.constant 8 : i32
        %rem3A_133 = arith.remsi %add3A_131, %rem3A_132 : i32
        %add3A_134 = arith.addi %select_n3A, %while3A_82 : i32
        %add3A_135 = arith.constant 2 : i32
        %add3A_136 = arith.addi %add3A_134, %add3A_135 : i32
        %dma_wait3A_137 = arith.constant 0 : i32
        %dma_wait3A_138 = tpu.memref_slice %arg7[%rem3A_133, %dma_wait3A_137] : memref<8x96xi32, #tpu.memory_space<vmem>> -> memref<1x96xi32, #tpu.memory_space<vmem>>
        %dma_wait3A_139 = tpu.memref_squeeze %dma_wait3A_138 : memref<1x96xi32, #tpu.memory_space<vmem>> -> memref<96xi32, #tpu.memory_space<vmem>>
        %dma_wait3A_140 = arith.constant 0 : i32
        %dma_wait3A_141 = tpu.memref_slice %arg3[%add3A_136, %dma_wait3A_140] : memref<3344x96xi32, #tpu.memory_space<hbm>> -> memref<1x96xi32, #tpu.memory_space<hbm>>
        %dma_wait3A_142 = tpu.memref_squeeze %dma_wait3A_141 : memref<1x96xi32, #tpu.memory_space<hbm>> -> memref<96xi32, #tpu.memory_space<hbm>>
        %dma_wait3A_143 = arith.constant 0 : i32
        %dma_wait3A_144 = tpu.memref_slice %arg7[%rem3A_133, %dma_wait3A_143] : memref<8x96xi32, #tpu.memory_space<vmem>> -> memref<1x96xi32, #tpu.memory_space<vmem>>
        %dma_wait3A_145 = tpu.memref_squeeze %dma_wait3A_144 : memref<1x96xi32, #tpu.memory_space<vmem>> -> memref<96xi32, #tpu.memory_space<vmem>>
        %dma_wait3A_146 = arith.constant 0 : i32
        %dma_wait3A_147 = tpu.memref_slice %arg3[%add3A_136, %dma_wait3A_146] : memref<3344x96xi32, #tpu.memory_space<hbm>> -> memref<1x96xi32, #tpu.memory_space<hbm>>
        %dma_wait3A_148 = tpu.memref_squeeze %dma_wait3A_147 : memref<1x96xi32, #tpu.memory_space<hbm>> -> memref<96xi32, #tpu.memory_space<hbm>>
        tpu.wait_dma2 semaphore(%arg11 : memref<!tpu.dma_semaphore, #tpu.memory_space<semaphore_mem>>) src(%dma_wait3A_148 : memref<96xi32, #tpu.memory_space<hbm>>) dst(%dma_wait3A_145 : memref<96xi32, #tpu.memory_space<vmem>>)
        %add3A_149 = arith.addi %select_n3A, %while3A_82 : i32
        %add3A_150 = arith.constant 2 : i32
        %add3A_151 = arith.addi %add3A_149, %add3A_150 : i32
        %dma_wait3A_152 = arith.constant 0 : i32
        %dma_wait3A_153 = tpu.memref_slice %arg8[%rem3A_133, %dma_wait3A_152] : memref<8x96xi32, #tpu.memory_space<vmem>> -> memref<1x96xi32, #tpu.memory_space<vmem>>
        %dma_wait3A_154 = tpu.memref_squeeze %dma_wait3A_153 : memref<1x96xi32, #tpu.memory_space<vmem>> -> memref<96xi32, #tpu.memory_space<vmem>>
        %dma_wait3A_155 = arith.constant 0 : i32
        %dma_wait3A_156 = tpu.memref_slice %arg4[%add3A_151, %dma_wait3A_155] : memref<3344x96xi32, #tpu.memory_space<hbm>> -> memref<1x96xi32, #tpu.memory_space<hbm>>
        %dma_wait3A_157 = tpu.memref_squeeze %dma_wait3A_156 : memref<1x96xi32, #tpu.memory_space<hbm>> -> memref<96xi32, #tpu.memory_space<hbm>>
        %dma_wait3A_158 = arith.constant 0 : i32
        %dma_wait3A_159 = tpu.memref_slice %arg8[%rem3A_133, %dma_wait3A_158] : memref<8x96xi32, #tpu.memory_space<vmem>> -> memref<1x96xi32, #tpu.memory_space<vmem>>
        %dma_wait3A_160 = tpu.memref_squeeze %dma_wait3A_159 : memref<1x96xi32, #tpu.memory_space<vmem>> -> memref<96xi32, #tpu.memory_space<vmem>>
        %dma_wait3A_161 = arith.constant 0 : i32
        %dma_wait3A_162 = tpu.memref_slice %arg4[%add3A_151, %dma_wait3A_161] : memref<3344x96xi32, #tpu.memory_space<hbm>> -> memref<1x96xi32, #tpu.memory_space<hbm>>
        %dma_wait3A_163 = tpu.memref_squeeze %dma_wait3A_162 : memref<1x96xi32, #tpu.memory_space<hbm>> -> memref<96xi32, #tpu.memory_space<hbm>>
        tpu.wait_dma2 semaphore(%arg11 : memref<!tpu.dma_semaphore, #tpu.memory_space<semaphore_mem>>) src(%dma_wait3A_163 : memref<96xi32, #tpu.memory_space<hbm>>) dst(%dma_wait3A_160 : memref<96xi32, #tpu.memory_space<vmem>>)
      } else {
      }
    }
    %while3A_39 = arith.constant 1 : i32
    scf.for %while3A_82 = %while3A_37 to %while3A_33 step %while3A_39  : i32 {
      %rem3A_83 = arith.constant 3 : i32
      %rem3A_84 = arith.remsi %while3A_82, %rem3A_83 : i32
      %add3A_85 = arith.constant 2 : i32
      %add3A_86 = arith.addi %while3A_82, %add3A_85 : i32
      %lt3A = arith.cmpi slt, %add3A_86, %select_n3A_8 : i32
      %convert_element_type3A = arith.extui %lt3A : i1 to i32
      %cond3A = arith.constant 0 : i32
      %cond3A_87 = arith.cmpi ne, %convert_element_type3A, %cond3A : i32
      scf.if %cond3A_87 {
        %add3A_130 = arith.constant 2 : i32
        %add3A_131 = arith.addi %while3A_82, %add3A_130 : i32
        %rem3A_132 = arith.constant 8 : i32
        %rem3A_133 = arith.remsi %add3A_131, %rem3A_132 : i32
        %add3A_134 = arith.addi %select_n3A, %while3A_82 : i32
        %add3A_135 = arith.constant 2 : i32
        %add3A_136 = arith.addi %add3A_134, %add3A_135 : i32
        %dma_start3A_137 = arith.constant 0 : i32
        %dma_start3A_138 = tpu.memref_slice %arg7[%rem3A_133, %dma_start3A_137] : memref<8x96xi32, #tpu.memory_space<vmem>> -> memref<1x96xi32, #tpu.memory_space<vmem>>
        %dma_start3A_139 = tpu.memref_squeeze %dma_start3A_138 : memref<1x96xi32, #tpu.memory_space<vmem>> -> memref<96xi32, #tpu.memory_space<vmem>>
        %dma_start3A_140 = arith.constant 0 : i32
        %dma_start3A_141 = tpu.memref_slice %arg3[%add3A_136, %dma_start3A_140] : memref<3344x96xi32, #tpu.memory_space<hbm>> -> memref<1x96xi32, #tpu.memory_space<hbm>>
        %dma_start3A_142 = tpu.memref_squeeze %dma_start3A_141 : memref<1x96xi32, #tpu.memory_space<hbm>> -> memref<96xi32, #tpu.memory_space<hbm>>
        %dma_start3A_143 = arith.constant 0 : i32
        %dma_start3A_144 = tpu.memref_slice %arg7[%rem3A_133, %dma_start3A_143] : memref<8x96xi32, #tpu.memory_space<vmem>> -> memref<1x96xi32, #tpu.memory_space<vmem>>
        %dma_start3A_145 = tpu.memref_squeeze %dma_start3A_144 : memref<1x96xi32, #tpu.memory_space<vmem>> -> memref<96xi32, #tpu.memory_space<vmem>>
        %dma_start3A_146 = arith.constant 0 : i32
        %dma_start3A_147 = tpu.memref_slice %arg3[%add3A_136, %dma_start3A_146] : memref<3344x96xi32, #tpu.memory_space<hbm>> -> memref<1x96xi32, #tpu.memory_space<hbm>>
        %dma_start3A_148 = tpu.memref_squeeze %dma_start3A_147 : memref<1x96xi32, #tpu.memory_space<hbm>> -> memref<96xi32, #tpu.memory_space<hbm>>
        tpu.enqueue_dma source(%dma_start3A_148 : memref<96xi32, #tpu.memory_space<hbm>>) target(%dma_start3A_145 : memref<96xi32, #tpu.memory_space<vmem>>) target_semaphore(%arg11 : memref<!tpu.dma_semaphore, #tpu.memory_space<semaphore_mem>>)
        %add3A_149 = arith.addi %select_n3A, %while3A_82 : i32
        %add3A_150 = arith.constant 2 : i32
        %add3A_151 = arith.addi %add3A_149, %add3A_150 : i32
        %dma_start3A_152 = arith.constant 0 : i32
        %dma_start3A_153 = tpu.memref_slice %arg8[%rem3A_133, %dma_start3A_152] : memref<8x96xi32, #tpu.memory_space<vmem>> -> memref<1x96xi32, #tpu.memory_space<vmem>>
        %dma_start3A_154 = tpu.memref_squeeze %dma_start3A_153 : memref<1x96xi32, #tpu.memory_space<vmem>> -> memref<96xi32, #tpu.memory_space<vmem>>
        %dma_start3A_155 = arith.constant 0 : i32
        %dma_start3A_156 = tpu.memref_slice %arg4[%add3A_151, %dma_start3A_155] : memref<3344x96xi32, #tpu.memory_space<hbm>> -> memref<1x96xi32, #tpu.memory_space<hbm>>
        %dma_start3A_157 = tpu.memref_squeeze %dma_start3A_156 : memref<1x96xi32, #tpu.memory_space<hbm>> -> memref<96xi32, #tpu.memory_space<hbm>>
        %dma_start3A_158 = arith.constant 0 : i32
        %dma_start3A_159 = tpu.memref_slice %arg8[%rem3A_133, %dma_start3A_158] : memref<8x96xi32, #tpu.memory_space<vmem>> -> memref<1x96xi32, #tpu.memory_space<vmem>>
        %dma_start3A_160 = tpu.memref_squeeze %dma_start3A_159 : memref<1x96xi32, #tpu.memory_space<vmem>> -> memref<96xi32, #tpu.memory_space<vmem>>
        %dma_start3A_161 = arith.constant 0 : i32
        %dma_start3A_162 = tpu.memref_slice %arg4[%add3A_151, %dma_start3A_161] : memref<3344x96xi32, #tpu.memory_space<hbm>> -> memref<1x96xi32, #tpu.memory_space<hbm>>
        %dma_start3A_163 = tpu.memref_squeeze %dma_start3A_162 : memref<1x96xi32, #tpu.memory_space<hbm>> -> memref<96xi32, #tpu.memory_space<hbm>>
        tpu.enqueue_dma source(%dma_start3A_163 : memref<96xi32, #tpu.memory_space<hbm>>) target(%dma_start3A_160 : memref<96xi32, #tpu.memory_space<vmem>>) target_semaphore(%arg11 : memref<!tpu.dma_semaphore, #tpu.memory_space<semaphore_mem>>)
      } else {
      }
      %ge3A = arith.constant 2 : i32
      %ge3A_88 = arith.cmpi sge, %while3A_82, %ge3A : i32
      %convert_element_type3A_89 = arith.extui %ge3A_88 : i1 to i32
      %cond3A_90 = arith.constant 0 : i32
      %cond3A_91 = arith.cmpi ne, %convert_element_type3A_89, %cond3A_90 : i32
      scf.if %cond3A_91 {
        %sub3A_130 = arith.constant 2 : i32
        %sub3A_131 = arith.subi %while3A_82, %sub3A_130 : i32
        %rem3A_132 = arith.constant 3 : i32
        %rem3A_133 = arith.remsi %sub3A_131, %rem3A_132 : i32
        %rem3A_134 = arith.constant 8 : i32
        %rem3A_135 = arith.remsi %sub3A_131, %rem3A_134 : i32
        %dma_wait3A_136 = arith.constant 0 : i32
        %dma_wait3A_137 = arith.constant 0 : i32
        %dma_wait3A_138 = tpu.memref_slice %arg9[%rem3A_133, %dma_wait3A_136, %dma_wait3A_137] : memref<3x96x128xf32, #tpu.memory_space<vmem>> -> memref<1x96x128xf32, #tpu.memory_space<vmem>>
        %dma_wait3A_139 = tpu.memref_squeeze %dma_wait3A_138 : memref<1x96x128xf32, #tpu.memory_space<vmem>> -> memref<96x128xf32, #tpu.memory_space<vmem>>
        %dma_wait3A_140 = arith.constant 0 : i32
        %dma_wait3A_141 = tpu.memref_slice %arg8[%rem3A_135, %dma_wait3A_140] : memref<8x96xi32, #tpu.memory_space<vmem>> -> memref<1x96xi32, #tpu.memory_space<vmem>>
        %dma_wait3A_142 = tpu.memref_squeeze %dma_wait3A_141 : memref<1x96xi32, #tpu.memory_space<vmem>> -> memref<96xi32, #tpu.memory_space<vmem>>
        %dma_wait3A_143 = arith.constant 0 : i32
        %dma_wait3A_144 = arith.constant 0 : i32
        %dma_wait3A_145 = tpu.memref_slice %arg10[%dma_wait3A_143, %dma_wait3A_144] : memref<10112x128xf32, #tpu.memory_space<vmem_shared>> -> memref<10112x128xf32, #tpu.memory_space<vmem_shared>>
        %dma_wait3A_146 = tpu.memref_slice %arg13[%rem3A_133] : memref<3x!tpu.dma_semaphore, #tpu.memory_space<semaphore_mem>> -> memref<1x!tpu.dma_semaphore, #tpu.memory_space<semaphore_mem>>
        %dma_wait3A_147 = tpu.memref_squeeze %dma_wait3A_146 : memref<1x!tpu.dma_semaphore, #tpu.memory_space<semaphore_mem>> -> memref<!tpu.dma_semaphore, #tpu.memory_space<semaphore_mem>>
        tpu.wait_indirect_dma semaphore(%dma_wait3A_147 : memref<!tpu.dma_semaphore, #tpu.memory_space<semaphore_mem>>) src(%dma_wait3A_139 : memref<96x128xf32, #tpu.memory_space<vmem>>) dst(%dma_wait3A_145 : memref<10112x128xf32, #tpu.memory_space<vmem_shared>>)
      } else {
      }
      %rem3A_92 = arith.constant 8 : i32
      %rem3A_93 = arith.remsi %while3A_82, %rem3A_92 : i32
      %dma_wait3A_94 = arith.constant 0 : i32
      %dma_wait3A_95 = arith.constant 0 : i32
      %dma_wait3A_96 = tpu.memref_slice %arg9[%rem3A_84, %dma_wait3A_94, %dma_wait3A_95] : memref<3x96x128xf32, #tpu.memory_space<vmem>> -> memref<1x96x128xf32, #tpu.memory_space<vmem>>
      %dma_wait3A_97 = tpu.memref_squeeze %dma_wait3A_96 : memref<1x96x128xf32, #tpu.memory_space<vmem>> -> memref<96x128xf32, #tpu.memory_space<vmem>>
      %dma_wait3A_98 = arith.constant 0 : i32
      %dma_wait3A_99 = tpu.memref_slice %arg7[%rem3A_93, %dma_wait3A_98] : memref<8x96xi32, #tpu.memory_space<vmem>> -> memref<1x96xi32, #tpu.memory_space<vmem>>
      %dma_wait3A_100 = tpu.memref_squeeze %dma_wait3A_99 : memref<1x96xi32, #tpu.memory_space<vmem>> -> memref<96xi32, #tpu.memory_space<vmem>>
      %dma_wait3A_101 = arith.constant 0 : i32
      %dma_wait3A_102 = arith.constant 0 : i32
      %dma_wait3A_103 = tpu.memref_slice %arg2[%dma_wait3A_101, %dma_wait3A_102] : memref<10000x128xf32, #tpu.memory_space<hbm>> -> memref<10000x128xf32, #tpu.memory_space<hbm>>
      tpu.wait_indirect_dma semaphore(%arg12 : memref<!tpu.dma_semaphore, #tpu.memory_space<semaphore_mem>>) src(%dma_wait3A_103 : memref<10000x128xf32, #tpu.memory_space<hbm>>) dst(%dma_wait3A_97 : memref<96x128xf32, #tpu.memory_space<vmem>>)
      %add3A_104 = arith.constant 1 : i32
      %add3A_105 = arith.addi %while3A_82, %add3A_104 : i32
      %lt3A_106 = arith.cmpi slt, %add3A_105, %select_n3A_8 : i32
      %convert_element_type3A_107 = arith.extui %lt3A_106 : i1 to i32
      %cond3A_108 = arith.constant 0 : i32
      %cond3A_109 = arith.cmpi ne, %convert_element_type3A_107, %cond3A_108 : i32
      scf.if %cond3A_109 {
        %add3A_130 = arith.constant 1 : i32
        %add3A_131 = arith.addi %while3A_82, %add3A_130 : i32
        %rem3A_132 = arith.constant 8 : i32
        %rem3A_133 = arith.remsi %add3A_131, %rem3A_132 : i32
        %add3A_134 = arith.constant 1 : i32
        %add3A_135 = arith.addi %while3A_82, %add3A_134 : i32
        %rem3A_136 = arith.constant 3 : i32
        %rem3A_137 = arith.remsi %add3A_135, %rem3A_136 : i32
        %dma_start3A_138 = arith.constant 0 : i32
        %dma_start3A_139 = arith.constant 0 : i32
        %dma_start3A_140 = tpu.memref_slice %arg9[%rem3A_137, %dma_start3A_138, %dma_start3A_139] : memref<3x96x128xf32, #tpu.memory_space<vmem>> -> memref<1x96x128xf32, #tpu.memory_space<vmem>>
        %dma_start3A_141 = tpu.memref_squeeze %dma_start3A_140 : memref<1x96x128xf32, #tpu.memory_space<vmem>> -> memref<96x128xf32, #tpu.memory_space<vmem>>
        %dma_start3A_142 = arith.constant 0 : i32
        %dma_start3A_143 = tpu.memref_slice %arg7[%rem3A_133, %dma_start3A_142] : memref<8x96xi32, #tpu.memory_space<vmem>> -> memref<1x96xi32, #tpu.memory_space<vmem>>
        %dma_start3A_144 = tpu.memref_squeeze %dma_start3A_143 : memref<1x96xi32, #tpu.memory_space<vmem>> -> memref<96xi32, #tpu.memory_space<vmem>>
        %dma_start3A_145 = arith.constant 0 : i32
        %dma_start3A_146 = arith.constant 0 : i32
        %dma_start3A_147 = tpu.memref_slice %arg2[%dma_start3A_145, %dma_start3A_146] : memref<10000x128xf32, #tpu.memory_space<hbm>> -> memref<10000x128xf32, #tpu.memory_space<hbm>>
        tpu.enqueue_indirect_dma source(%dma_start3A_147 : memref<10000x128xf32, #tpu.memory_space<hbm>>) target(%dma_start3A_141 : memref<96x128xf32, #tpu.memory_space<vmem>>) offsets(%dma_start3A_144 : memref<96xi32, #tpu.memory_space<vmem>>) semaphore(%arg12 : memref<!tpu.dma_semaphore, #tpu.memory_space<semaphore_mem>>)
      } else {
      }
      %rem3A_110 = arith.constant 8 : i32
      %rem3A_111 = arith.remsi %while3A_82, %rem3A_110 : i32
      %dma_start3A_112 = arith.constant 0 : i32
      %dma_start3A_113 = arith.constant 0 : i32
      %dma_start3A_114 = tpu.memref_slice %arg9[%rem3A_84, %dma_start3A_112, %dma_start3A_113] : memref<3x96x128xf32, #tpu.memory_space<vmem>> -> memref<1x96x128xf32, #tpu.memory_space<vmem>>
      %dma_start3A_115 = tpu.memref_squeeze %dma_start3A_114 : memref<1x96x128xf32, #tpu.memory_space<vmem>> -> memref<96x128xf32, #tpu.memory_space<vmem>>
      %dma_start3A_116 = arith.constant 0 : i32
      %dma_start3A_117 = tpu.memref_slice %arg8[%rem3A_111, %dma_start3A_116] : memref<8x96xi32, #tpu.memory_space<vmem>> -> memref<1x96xi32, #tpu.memory_space<vmem>>
      %dma_start3A_118 = tpu.memref_squeeze %dma_start3A_117 : memref<1x96xi32, #tpu.memory_space<vmem>> -> memref<96xi32, #tpu.memory_space<vmem>>
      %dma_start3A_119 = arith.constant 0 : i32
      %dma_start3A_120 = arith.constant 0 : i32
      %dma_start3A_121 = tpu.memref_slice %arg10[%dma_start3A_119, %dma_start3A_120] : memref<10112x128xf32, #tpu.memory_space<vmem_shared>> -> memref<10112x128xf32, #tpu.memory_space<vmem_shared>>
      %dma_start3A_122 = tpu.memref_slice %arg13[%rem3A_84] : memref<3x!tpu.dma_semaphore, #tpu.memory_space<semaphore_mem>> -> memref<1x!tpu.dma_semaphore, #tpu.memory_space<semaphore_mem>>
      %dma_start3A_123 = tpu.memref_squeeze %dma_start3A_122 : memref<1x!tpu.dma_semaphore, #tpu.memory_space<semaphore_mem>> -> memref<!tpu.dma_semaphore, #tpu.memory_space<semaphore_mem>>
      tpu.enqueue_indirect_dma source(%dma_start3A_115 : memref<96x128xf32, #tpu.memory_space<vmem>>) target(%dma_start3A_121 : memref<10112x128xf32, #tpu.memory_space<vmem_shared>>) offsets(%dma_start3A_118 : memref<96xi32, #tpu.memory_space<vmem>>) semaphore(%dma_start3A_123 : memref<!tpu.dma_semaphore, #tpu.memory_space<semaphore_mem>>) {add = true}
      %add3A_124 = arith.constant 2 : i32
      %add3A_125 = arith.addi %while3A_82, %add3A_124 : i32
      %lt3A_126 = arith.cmpi slt, %add3A_125, %select_n3A_8 : i32
      %convert_element_type3A_127 = arith.extui %lt3A_126 : i1 to i32
      %cond3A_128 = arith.constant 0 : i32
      %cond3A_129 = arith.cmpi ne, %convert_element_type3A_127, %cond3A_128 : i32
      scf.if %cond3A_129 {
        %add3A_130 = arith.constant 2 : i32
        %add3A_131 = arith.addi %while3A_82, %add3A_130 : i32
        %rem3A_132 = arith.constant 8 : i32
        %rem3A_133 = arith.remsi %add3A_131, %rem3A_132 : i32
        %add3A_134 = arith.addi %select_n3A, %while3A_82 : i32
        %add3A_135 = arith.constant 2 : i32
        %add3A_136 = arith.addi %add3A_134, %add3A_135 : i32
        %dma_wait3A_137 = arith.constant 0 : i32
        %dma_wait3A_138 = tpu.memref_slice %arg7[%rem3A_133, %dma_wait3A_137] : memref<8x96xi32, #tpu.memory_space<vmem>> -> memref<1x96xi32, #tpu.memory_space<vmem>>
        %dma_wait3A_139 = tpu.memref_squeeze %dma_wait3A_138 : memref<1x96xi32, #tpu.memory_space<vmem>> -> memref<96xi32, #tpu.memory_space<vmem>>
        %dma_wait3A_140 = arith.constant 0 : i32
        %dma_wait3A_141 = tpu.memref_slice %arg3[%add3A_136, %dma_wait3A_140] : memref<3344x96xi32, #tpu.memory_space<hbm>> -> memref<1x96xi32, #tpu.memory_space<hbm>>
        %dma_wait3A_142 = tpu.memref_squeeze %dma_wait3A_141 : memref<1x96xi32, #tpu.memory_space<hbm>> -> memref<96xi32, #tpu.memory_space<hbm>>
        %dma_wait3A_143 = arith.constant 0 : i32
        %dma_wait3A_144 = tpu.memref_slice %arg7[%rem3A_133, %dma_wait3A_143] : memref<8x96xi32, #tpu.memory_space<vmem>> -> memref<1x96xi32, #tpu.memory_space<vmem>>
        %dma_wait3A_145 = tpu.memref_squeeze %dma_wait3A_144 : memref<1x96xi32, #tpu.memory_space<vmem>> -> memref<96xi32, #tpu.memory_space<vmem>>
        %dma_wait3A_146 = arith.constant 0 : i32
        %dma_wait3A_147 = tpu.memref_slice %arg3[%add3A_136, %dma_wait3A_146] : memref<3344x96xi32, #tpu.memory_space<hbm>> -> memref<1x96xi32, #tpu.memory_space<hbm>>
        %dma_wait3A_148 = tpu.memref_squeeze %dma_wait3A_147 : memref<1x96xi32, #tpu.memory_space<hbm>> -> memref<96xi32, #tpu.memory_space<hbm>>
        tpu.wait_dma2 semaphore(%arg11 : memref<!tpu.dma_semaphore, #tpu.memory_space<semaphore_mem>>) src(%dma_wait3A_148 : memref<96xi32, #tpu.memory_space<hbm>>) dst(%dma_wait3A_145 : memref<96xi32, #tpu.memory_space<vmem>>)
        %add3A_149 = arith.addi %select_n3A, %while3A_82 : i32
        %add3A_150 = arith.constant 2 : i32
        %add3A_151 = arith.addi %add3A_149, %add3A_150 : i32
        %dma_wait3A_152 = arith.constant 0 : i32
        %dma_wait3A_153 = tpu.memref_slice %arg8[%rem3A_133, %dma_wait3A_152] : memref<8x96xi32, #tpu.memory_space<vmem>> -> memref<1x96xi32, #tpu.memory_space<vmem>>
        %dma_wait3A_154 = tpu.memref_squeeze %dma_wait3A_153 : memref<1x96xi32, #tpu.memory_space<vmem>> -> memref<96xi32, #tpu.memory_space<vmem>>
        %dma_wait3A_155 = arith.constant 0 : i32
        %dma_wait3A_156 = tpu.memref_slice %arg4[%add3A_151, %dma_wait3A_155] : memref<3344x96xi32, #tpu.memory_space<hbm>> -> memref<1x96xi32, #tpu.memory_space<hbm>>
        %dma_wait3A_157 = tpu.memref_squeeze %dma_wait3A_156 : memref<1x96xi32, #tpu.memory_space<hbm>> -> memref<96xi32, #tpu.memory_space<hbm>>
        %dma_wait3A_158 = arith.constant 0 : i32
        %dma_wait3A_159 = tpu.memref_slice %arg8[%rem3A_133, %dma_wait3A_158] : memref<8x96xi32, #tpu.memory_space<vmem>> -> memref<1x96xi32, #tpu.memory_space<vmem>>
        %dma_wait3A_160 = tpu.memref_squeeze %dma_wait3A_159 : memref<1x96xi32, #tpu.memory_space<vmem>> -> memref<96xi32, #tpu.memory_space<vmem>>
        %dma_wait3A_161 = arith.constant 0 : i32
        %dma_wait3A_162 = tpu.memref_slice %arg4[%add3A_151, %dma_wait3A_161] : memref<3344x96xi32, #tpu.memory_space<hbm>> -> memref<1x96xi32, #tpu.memory_space<hbm>>
        %dma_wait3A_163 = tpu.memref_squeeze %dma_wait3A_162 : memref<1x96xi32, #tpu.memory_space<hbm>> -> memref<96xi32, #tpu.memory_space<hbm>>
        tpu.wait_dma2 semaphore(%arg11 : memref<!tpu.dma_semaphore, #tpu.memory_space<semaphore_mem>>) src(%dma_wait3A_163 : memref<96xi32, #tpu.memory_space<hbm>>) dst(%dma_wait3A_160 : memref<96xi32, #tpu.memory_space<vmem>>)
      } else {
      }
    }
    %sub3A = arith.constant 2 : i32
    %sub3A_40 = arith.subi %select_n3A_8, %sub3A : i32
    %rem3A = arith.constant 3 : i32
    %rem3A_41 = arith.remsi %sub3A_40, %rem3A : i32
    %rem3A_42 = arith.constant 8 : i32
    %rem3A_43 = arith.remsi %sub3A_40, %rem3A_42 : i32
    %rem3A_44 = arith.constant 3 : i32
    %rem3A_45 = arith.remsi %sub3A_40, %rem3A_44 : i32
    %dma_wait3A = arith.constant 0 : i32
    %dma_wait3A_46 = arith.constant 0 : i32
    %dma_wait3A_47 = tpu.memref_slice %arg9[%rem3A_41, %dma_wait3A, %dma_wait3A_46] : memref<3x96x128xf32, #tpu.memory_space<vmem>> -> memref<1x96x128xf32, #tpu.memory_space<vmem>>
    %dma_wait3A_48 = tpu.memref_squeeze %dma_wait3A_47 : memref<1x96x128xf32, #tpu.memory_space<vmem>> -> memref<96x128xf32, #tpu.memory_space<vmem>>
    %dma_wait3A_49 = arith.constant 0 : i32
    %dma_wait3A_50 = tpu.memref_slice %arg8[%rem3A_43, %dma_wait3A_49] : memref<8x96xi32, #tpu.memory_space<vmem>> -> memref<1x96xi32, #tpu.memory_space<vmem>>
    %dma_wait3A_51 = tpu.memref_squeeze %dma_wait3A_50 : memref<1x96xi32, #tpu.memory_space<vmem>> -> memref<96xi32, #tpu.memory_space<vmem>>
    %dma_wait3A_52 = arith.constant 0 : i32
    %dma_wait3A_53 = arith.constant 0 : i32
    %dma_wait3A_54 = tpu.memref_slice %arg10[%dma_wait3A_52, %dma_wait3A_53] : memref<10112x128xf32, #tpu.memory_space<vmem_shared>> -> memref<10112x128xf32, #tpu.memory_space<vmem_shared>>
    %dma_wait3A_55 = tpu.memref_slice %arg13[%rem3A_45] : memref<3x!tpu.dma_semaphore, #tpu.memory_space<semaphore_mem>> -> memref<1x!tpu.dma_semaphore, #tpu.memory_space<semaphore_mem>>
    %dma_wait3A_56 = tpu.memref_squeeze %dma_wait3A_55 : memref<1x!tpu.dma_semaphore, #tpu.memory_space<semaphore_mem>> -> memref<!tpu.dma_semaphore, #tpu.memory_space<semaphore_mem>>
    tpu.wait_indirect_dma semaphore(%dma_wait3A_56 : memref<!tpu.dma_semaphore, #tpu.memory_space<semaphore_mem>>) src(%dma_wait3A_48 : memref<96x128xf32, #tpu.memory_space<vmem>>) dst(%dma_wait3A_54 : memref<10112x128xf32, #tpu.memory_space<vmem_shared>>)
    %sub3A_57 = arith.constant 1 : i32
    %sub3A_58 = arith.subi %select_n3A_8, %sub3A_57 : i32
    %rem3A_59 = arith.constant 3 : i32
    %rem3A_60 = arith.remsi %sub3A_58, %rem3A_59 : i32
    %rem3A_61 = arith.constant 8 : i32
    %rem3A_62 = arith.remsi %sub3A_58, %rem3A_61 : i32
    %rem3A_63 = arith.constant 3 : i32
    %rem3A_64 = arith.remsi %sub3A_58, %rem3A_63 : i32
    %dma_wait3A_65 = arith.constant 0 : i32
    %dma_wait3A_66 = arith.constant 0 : i32
    %dma_wait3A_67 = tpu.memref_slice %arg9[%rem3A_60, %dma_wait3A_65, %dma_wait3A_66] : memref<3x96x128xf32, #tpu.memory_space<vmem>> -> memref<1x96x128xf32, #tpu.memory_space<vmem>>
    %dma_wait3A_68 = tpu.memref_squeeze %dma_wait3A_67 : memref<1x96x128xf32, #tpu.memory_space<vmem>> -> memref<96x128xf32, #tpu.memory_space<vmem>>
    %dma_wait3A_69 = arith.constant 0 : i32
    %dma_wait3A_70 = tpu.memref_slice %arg8[%rem3A_62, %dma_wait3A_69] : memref<8x96xi32, #tpu.memory_space<vmem>> -> memref<1x96xi32, #tpu.memory_space<vmem>>
    %dma_wait3A_71 = tpu.memref_squeeze %dma_wait3A_70 : memref<1x96xi32, #tpu.memory_space<vmem>> -> memref<96xi32, #tpu.memory_space<vmem>>
    %dma_wait3A_72 = arith.constant 0 : i32
    %dma_wait3A_73 = arith.constant 0 : i32
    %dma_wait3A_74 = tpu.memref_slice %arg10[%dma_wait3A_72, %dma_wait3A_73] : memref<10112x128xf32, #tpu.memory_space<vmem_shared>> -> memref<10112x128xf32, #tpu.memory_space<vmem_shared>>
    %dma_wait3A_75 = tpu.memref_slice %arg13[%rem3A_64] : memref<3x!tpu.dma_semaphore, #tpu.memory_space<semaphore_mem>> -> memref<1x!tpu.dma_semaphore, #tpu.memory_space<semaphore_mem>>
    %dma_wait3A_76 = tpu.memref_squeeze %dma_wait3A_75 : memref<1x!tpu.dma_semaphore, #tpu.memory_space<semaphore_mem>> -> memref<!tpu.dma_semaphore, #tpu.memory_space<semaphore_mem>>
    tpu.wait_indirect_dma semaphore(%dma_wait3A_76 : memref<!tpu.dma_semaphore, #tpu.memory_space<semaphore_mem>>) src(%dma_wait3A_68 : memref<96x128xf32, #tpu.memory_space<vmem>>) dst(%dma_wait3A_74 : memref<10112x128xf32, #tpu.memory_space<vmem_shared>>)
    %barrier3A_77 = arith.constant 0 : index
    tpu.barrier barrier_id(%barrier3A_77)
    %mul3A_78 = arith.constant 632 : i32
    %mul3A_79 = arith.muli %arg1, %mul3A_78 : i32
    %mul3A_80 = arith.constant 632 : i32
    %mul3A_81 = arith.muli %arg1, %mul3A_80 : i32
    "tpu.region"() ({
      %run_scoped3A_82 = tpu.sem_alloc : memref<!tpu.dma_semaphore, #tpu.memory_space<semaphore_mem>>
      %dma_start3A_83 = arith.constant 0 : i32
      %dma_start3A_84 = tpu.memref_slice %arg6[%arg0, %mul3A_81, %dma_start3A_83] : memref<2x10112x128xf32, #tpu.memory_space<hbm>> -> memref<1x632x128xf32, #tpu.memory_space<hbm>>
      %dma_start3A_85 = tpu.memref_squeeze %dma_start3A_84 : memref<1x632x128xf32, #tpu.memory_space<hbm>> -> memref<632x128xf32, #tpu.memory_space<hbm>>
      %dma_start3A_86 = arith.constant 0 : i32
      %dma_start3A_87 = tpu.memref_slice %arg10[%mul3A_79, %dma_start3A_86] : memref<10112x128xf32, #tpu.memory_space<vmem_shared>> -> memref<632x128xf32, #tpu.memory_space<vmem_shared>>
      tpu.enqueue_dma source(%dma_start3A_87 : memref<632x128xf32, #tpu.memory_space<vmem_shared>>) target(%dma_start3A_85 : memref<632x128xf32, #tpu.memory_space<hbm>>) target_semaphore(%run_scoped3A_82 : memref<!tpu.dma_semaphore, #tpu.memory_space<semaphore_mem>>)
      %dma_wait3A_88 = arith.constant 0 : i32
      %dma_wait3A_89 = tpu.memref_slice %arg6[%arg0, %mul3A_81, %dma_wait3A_88] : memref<2x10112x128xf32, #tpu.memory_space<hbm>> -> memref<1x632x128xf32, #tpu.memory_space<hbm>>
      %dma_wait3A_90 = tpu.memref_squeeze %dma_wait3A_89 : memref<1x632x128xf32, #tpu.memory_space<hbm>> -> memref<632x128xf32, #tpu.memory_space<hbm>>
      %dma_wait3A_91 = arith.constant 0 : i32
      %dma_wait3A_92 = tpu.memref_slice %arg10[%mul3A_79, %dma_wait3A_91] : memref<10112x128xf32, #tpu.memory_space<vmem_shared>> -> memref<632x128xf32, #tpu.memory_space<vmem_shared>>
      tpu.wait_dma2 semaphore(%run_scoped3A_82 : memref<!tpu.dma_semaphore, #tpu.memory_space<semaphore_mem>>) src(%dma_wait3A_92 : memref<632x128xf32, #tpu.memory_space<vmem_shared>>) dst(%dma_wait3A_90 : memref<632x128xf32, #tpu.memory_space<hbm>>)
      tpu.yield
    }) : () -> ()
    return
  }
}

#map = affine_map<(d0, d1) -> (0, 0)>
#map1 = affine_map<(d0, d1) -> (0, 0, 0)>
module attributes {stable_mosaic.version = 14 : i64} {
  func.func @_sc_aggregate_body(%arg0: i32, %arg1: i32, %arg2: memref<10000x128xf32, #tpu.memory_space<hbm>>, %arg3: memref<3344x96xi32, #tpu.memory_space<hbm>>, %arg4: memref<3344x96xi32, #tpu.memory_space<hbm>>, %arg5: memref<10112x128xf32, #tpu.memory_space<hbm>>, %arg6: memref<2x10112x128xf32, #tpu.memory_space<hbm>>, %arg7: memref<8x96xi32, #tpu.memory_space<vmem>>, %arg8: memref<8x96xi32, #tpu.memory_space<vmem>>, %arg9: memref<3x96x128xf32, #tpu.memory_space<vmem>>, %arg10: memref<10112x128xf32, #tpu.memory_space<vmem_shared>>, %arg11: memref<!tpu.dma_semaphore, #tpu.memory_space<semaphore_mem>>, %arg12: memref<!tpu.dma_semaphore, #tpu.memory_space<semaphore_mem>>, %arg13: memref<3x!tpu.dma_semaphore, #tpu.memory_space<semaphore_mem>>) attributes {dimension_semantics = [#tpu.dimension_semantics<core_parallel>, #tpu.dimension_semantics<subcore_parallel>], iteration_bounds = array<i64: 2, 16>, scalar_prefetch = 0 : i64, scratch_operands = 7 : i64, tpu.core_type = #tpu.core_type<sc_vector_subcore>, window_params = [{transform_indices = #map}, {transform_indices = #map}, {transform_indices = #map}, {transform_indices = #map}, {transform_indices = #map1}]} {
    %eq3A = arith.constant 0 : i32
    %eq3A_0 = arith.cmpi eq, %arg0, %eq3A : i32
    %mul3A = arith.constant 109 : i32
    %mul3A_1 = arith.muli %arg1, %mul3A : i32
    %mul3A_2 = arith.constant 100 : i32
    %mul3A_3 = arith.muli %arg1, %mul3A_2 : i32
    %add3A = arith.constant 1744 : i32
    %add3A_4 = arith.addi %add3A, %mul3A_3 : i32
    %select_n3A = arith.select %eq3A_0, %mul3A_1, %add3A_4 : i32
    %eq3A_5 = arith.constant 0 : i32
    %eq3A_6 = arith.cmpi eq, %arg0, %eq3A_5 : i32
    %jit3A = arith.constant 109 : i32
    %jit3A_7 = arith.constant 100 : i32
    %select_n3A_8 = arith.select %eq3A_6, %jit3A, %jit3A_7 : i32
    %mul3A_9 = arith.constant 632 : i32
    %mul3A_10 = arith.muli %arg1, %mul3A_9 : i32
    %mul3A_11 = arith.constant 632 : i32
    %mul3A_12 = arith.muli %arg1, %mul3A_11 : i32
    "tpu.region"() ({
      %run_scoped3A_82 = tpu.sem_alloc : memref<!tpu.dma_semaphore, #tpu.memory_space<semaphore_mem>>
      %dma_start3A_83 = arith.constant 0 : i32
      %dma_start3A_84 = tpu.memref_slice %arg10[%mul3A_12, %dma_start3A_83] : memref<10112x128xf32, #tpu.memory_space<vmem_shared>> -> memref<632x128xf32, #tpu.memory_space<vmem_shared>>
      %dma_start3A_85 = arith.constant 0 : i32
      %dma_start3A_86 = tpu.memref_slice %arg5[%mul3A_10, %dma_start3A_85] : memref<10112x128xf32, #tpu.memory_space<hbm>> -> memref<632x128xf32, #tpu.memory_space<hbm>>
      tpu.enqueue_dma source(%dma_start3A_86 : memref<632x128xf32, #tpu.memory_space<hbm>>) target(%dma_start3A_84 : memref<632x128xf32, #tpu.memory_space<vmem_shared>>) target_semaphore(%run_scoped3A_82 : memref<!tpu.dma_semaphore, #tpu.memory_space<semaphore_mem>>)
      %dma_wait3A_87 = arith.constant 0 : i32
      %dma_wait3A_88 = tpu.memref_slice %arg10[%mul3A_12, %dma_wait3A_87] : memref<10112x128xf32, #tpu.memory_space<vmem_shared>> -> memref<632x128xf32, #tpu.memory_space<vmem_shared>>
      %dma_wait3A_89 = arith.constant 0 : i32
      %dma_wait3A_90 = tpu.memref_slice %arg5[%mul3A_10, %dma_wait3A_89] : memref<10112x128xf32, #tpu.memory_space<hbm>> -> memref<632x128xf32, #tpu.memory_space<hbm>>
      tpu.wait_dma2 semaphore(%run_scoped3A_82 : memref<!tpu.dma_semaphore, #tpu.memory_space<semaphore_mem>>) src(%dma_wait3A_90 : memref<632x128xf32, #tpu.memory_space<hbm>>) dst(%dma_wait3A_88 : memref<632x128xf32, #tpu.memory_space<vmem_shared>>)
      tpu.yield
    }) : () -> ()
    %run_scoped3A = arith.constant 0 : i32
    "tpu.region"() ({
      %run_scoped3A_82 = tpu.sem_alloc : memref<!tpu.dma_semaphore, #tpu.memory_space<semaphore_mem>>
      %dma_start3A_83 = arith.constant 0 : i32
      %dma_start3A_84 = tpu.memref_slice %arg7[%run_scoped3A, %dma_start3A_83] : memref<8x96xi32, #tpu.memory_space<vmem>> -> memref<1x96xi32, #tpu.memory_space<vmem>>
      %dma_start3A_85 = tpu.memref_squeeze %dma_start3A_84 : memref<1x96xi32, #tpu.memory_space<vmem>> -> memref<96xi32, #tpu.memory_space<vmem>>
      %dma_start3A_86 = arith.constant 0 : i32
      %dma_start3A_87 = tpu.memref_slice %arg3[%select_n3A, %dma_start3A_86] : memref<3344x96xi32, #tpu.memory_space<hbm>> -> memref<1x96xi32, #tpu.memory_space<hbm>>
      %dma_start3A_88 = tpu.memref_squeeze %dma_start3A_87 : memref<1x96xi32, #tpu.memory_space<hbm>> -> memref<96xi32, #tpu.memory_space<hbm>>
      %dma_start3A_89 = arith.constant 0 : i32
      %dma_start3A_90 = tpu.memref_slice %arg7[%run_scoped3A, %dma_start3A_89] : memref<8x96xi32, #tpu.memory_space<vmem>> -> memref<1x96xi32, #tpu.memory_space<vmem>>
      %dma_start3A_91 = tpu.memref_squeeze %dma_start3A_90 : memref<1x96xi32, #tpu.memory_space<vmem>> -> memref<96xi32, #tpu.memory_space<vmem>>
      %dma_start3A_92 = arith.constant 0 : i32
      %dma_start3A_93 = tpu.memref_slice %arg3[%select_n3A, %dma_start3A_92] : memref<3344x96xi32, #tpu.memory_space<hbm>> -> memref<1x96xi32, #tpu.memory_space<hbm>>
      %dma_start3A_94 = tpu.memref_squeeze %dma_start3A_93 : memref<1x96xi32, #tpu.memory_space<hbm>> -> memref<96xi32, #tpu.memory_space<hbm>>
      tpu.enqueue_dma source(%dma_start3A_94 : memref<96xi32, #tpu.memory_space<hbm>>) target(%dma_start3A_91 : memref<96xi32, #tpu.memory_space<vmem>>) target_semaphore(%run_scoped3A_82 : memref<!tpu.dma_semaphore, #tpu.memory_space<semaphore_mem>>)
      %dma_wait3A_95 = arith.constant 0 : i32
      %dma_wait3A_96 = tpu.memref_slice %arg7[%run_scoped3A, %dma_wait3A_95] : memref<8x96xi32, #tpu.memory_space<vmem>> -> memref<1x96xi32, #tpu.memory_space<vmem>>
      %dma_wait3A_97 = tpu.memref_squeeze %dma_wait3A_96 : memref<1x96xi32, #tpu.memory_space<vmem>> -> memref<96xi32, #tpu.memory_space<vmem>>
      %dma_wait3A_98 = arith.constant 0 : i32
      %dma_wait3A_99 = tpu.memref_slice %arg3[%select_n3A, %dma_wait3A_98] : memref<3344x96xi32, #tpu.memory_space<hbm>> -> memref<1x96xi32, #tpu.memory_space<hbm>>
      %dma_wait3A_100 = tpu.memref_squeeze %dma_wait3A_99 : memref<1x96xi32, #tpu.memory_space<hbm>> -> memref<96xi32, #tpu.memory_space<hbm>>
      %dma_wait3A_101 = arith.constant 0 : i32
      %dma_wait3A_102 = tpu.memref_slice %arg7[%run_scoped3A, %dma_wait3A_101] : memref<8x96xi32, #tpu.memory_space<vmem>> -> memref<1x96xi32, #tpu.memory_space<vmem>>
      %dma_wait3A_103 = tpu.memref_squeeze %dma_wait3A_102 : memref<1x96xi32, #tpu.memory_space<vmem>> -> memref<96xi32, #tpu.memory_space<vmem>>
      %dma_wait3A_104 = arith.constant 0 : i32
      %dma_wait3A_105 = tpu.memref_slice %arg3[%select_n3A, %dma_wait3A_104] : memref<3344x96xi32, #tpu.memory_space<hbm>> -> memref<1x96xi32, #tpu.memory_space<hbm>>
      %dma_wait3A_106 = tpu.memref_squeeze %dma_wait3A_105 : memref<1x96xi32, #tpu.memory_space<hbm>> -> memref<96xi32, #tpu.memory_space<hbm>>
      tpu.wait_dma2 semaphore(%run_scoped3A_82 : memref<!tpu.dma_semaphore, #tpu.memory_space<semaphore_mem>>) src(%dma_wait3A_106 : memref<96xi32, #tpu.memory_space<hbm>>) dst(%dma_wait3A_103 : memref<96xi32, #tpu.memory_space<vmem>>)
      tpu.yield
    }) : () -> ()
    %run_scoped3A_13 = arith.constant 0 : i32
    "tpu.region"() ({
      %run_scoped3A_82 = tpu.sem_alloc : memref<!tpu.dma_semaphore, #tpu.memory_space<semaphore_mem>>
      %dma_start3A_83 = arith.constant 0 : i32
      %dma_start3A_84 = tpu.memref_slice %arg8[%run_scoped3A_13, %dma_start3A_83] : memref<8x96xi32, #tpu.memory_space<vmem>> -> memref<1x96xi32, #tpu.memory_space<vmem>>
      %dma_start3A_85 = tpu.memref_squeeze %dma_start3A_84 : memref<1x96xi32, #tpu.memory_space<vmem>> -> memref<96xi32, #tpu.memory_space<vmem>>
      %dma_start3A_86 = arith.constant 0 : i32
      %dma_start3A_87 = tpu.memref_slice %arg4[%select_n3A, %dma_start3A_86] : memref<3344x96xi32, #tpu.memory_space<hbm>> -> memref<1x96xi32, #tpu.memory_space<hbm>>
      %dma_start3A_88 = tpu.memref_squeeze %dma_start3A_87 : memref<1x96xi32, #tpu.memory_space<hbm>> -> memref<96xi32, #tpu.memory_space<hbm>>
      %dma_start3A_89 = arith.constant 0 : i32
      %dma_start3A_90 = tpu.memref_slice %arg8[%run_scoped3A_13, %dma_start3A_89] : memref<8x96xi32, #tpu.memory_space<vmem>> -> memref<1x96xi32, #tpu.memory_space<vmem>>
      %dma_start3A_91 = tpu.memref_squeeze %dma_start3A_90 : memref<1x96xi32, #tpu.memory_space<vmem>> -> memref<96xi32, #tpu.memory_space<vmem>>
      %dma_start3A_92 = arith.constant 0 : i32
      %dma_start3A_93 = tpu.memref_slice %arg4[%select_n3A, %dma_start3A_92] : memref<3344x96xi32, #tpu.memory_space<hbm>> -> memref<1x96xi32, #tpu.memory_space<hbm>>
      %dma_start3A_94 = tpu.memref_squeeze %dma_start3A_93 : memref<1x96xi32, #tpu.memory_space<hbm>> -> memref<96xi32, #tpu.memory_space<hbm>>
      tpu.enqueue_dma source(%dma_start3A_94 : memref<96xi32, #tpu.memory_space<hbm>>) target(%dma_start3A_91 : memref<96xi32, #tpu.memory_space<vmem>>) target_semaphore(%run_scoped3A_82 : memref<!tpu.dma_semaphore, #tpu.memory_space<semaphore_mem>>)
      %dma_wait3A_95 = arith.constant 0 : i32
      %dma_wait3A_96 = tpu.memref_slice %arg8[%run_scoped3A_13, %dma_wait3A_95] : memref<8x96xi32, #tpu.memory_space<vmem>> -> memref<1x96xi32, #tpu.memory_space<vmem>>
      %dma_wait3A_97 = tpu.memref_squeeze %dma_wait3A_96 : memref<1x96xi32, #tpu.memory_space<vmem>> -> memref<96xi32, #tpu.memory_space<vmem>>
      %dma_wait3A_98 = arith.constant 0 : i32
      %dma_wait3A_99 = tpu.memref_slice %arg4[%select_n3A, %dma_wait3A_98] : memref<3344x96xi32, #tpu.memory_space<hbm>> -> memref<1x96xi32, #tpu.memory_space<hbm>>
      %dma_wait3A_100 = tpu.memref_squeeze %dma_wait3A_99 : memref<1x96xi32, #tpu.memory_space<hbm>> -> memref<96xi32, #tpu.memory_space<hbm>>
      %dma_wait3A_101 = arith.constant 0 : i32
      %dma_wait3A_102 = tpu.memref_slice %arg8[%run_scoped3A_13, %dma_wait3A_101] : memref<8x96xi32, #tpu.memory_space<vmem>> -> memref<1x96xi32, #tpu.memory_space<vmem>>
      %dma_wait3A_103 = tpu.memref_squeeze %dma_wait3A_102 : memref<1x96xi32, #tpu.memory_space<vmem>> -> memref<96xi32, #tpu.memory_space<vmem>>
      %dma_wait3A_104 = arith.constant 0 : i32
      %dma_wait3A_105 = tpu.memref_slice %arg4[%select_n3A, %dma_wait3A_104] : memref<3344x96xi32, #tpu.memory_space<hbm>> -> memref<1x96xi32, #tpu.memory_space<hbm>>
      %dma_wait3A_106 = tpu.memref_squeeze %dma_wait3A_105 : memref<1x96xi32, #tpu.memory_space<hbm>> -> memref<96xi32, #tpu.memory_space<hbm>>
      tpu.wait_dma2 semaphore(%run_scoped3A_82 : memref<!tpu.dma_semaphore, #tpu.memory_space<semaphore_mem>>) src(%dma_wait3A_106 : memref<96xi32, #tpu.memory_space<hbm>>) dst(%dma_wait3A_103 : memref<96xi32, #tpu.memory_space<vmem>>)
      tpu.yield
    }) : () -> ()
    %add3A_14 = arith.constant 1 : i32
    %add3A_15 = arith.addi %select_n3A, %add3A_14 : i32
    %run_scoped3A_16 = arith.constant 1 : i32
    "tpu.region"() ({
      %run_scoped3A_82 = tpu.sem_alloc : memref<!tpu.dma_semaphore, #tpu.memory_space<semaphore_mem>>
      %dma_start3A_83 = arith.constant 0 : i32
      %dma_start3A_84 = tpu.memref_slice %arg7[%run_scoped3A_16, %dma_start3A_83] : memref<8x96xi32, #tpu.memory_space<vmem>> -> memref<1x96xi32, #tpu.memory_space<vmem>>
      %dma_start3A_85 = tpu.memref_squeeze %dma_start3A_84 : memref<1x96xi32, #tpu.memory_space<vmem>> -> memref<96xi32, #tpu.memory_space<vmem>>
      %dma_start3A_86 = arith.constant 0 : i32
      %dma_start3A_87 = tpu.memref_slice %arg3[%add3A_15, %dma_start3A_86] : memref<3344x96xi32, #tpu.memory_space<hbm>> -> memref<1x96xi32, #tpu.memory_space<hbm>>
      %dma_start3A_88 = tpu.memref_squeeze %dma_start3A_87 : memref<1x96xi32, #tpu.memory_space<hbm>> -> memref<96xi32, #tpu.memory_space<hbm>>
      %dma_start3A_89 = arith.constant 0 : i32
      %dma_start3A_90 = tpu.memref_slice %arg7[%run_scoped3A_16, %dma_start3A_89] : memref<8x96xi32, #tpu.memory_space<vmem>> -> memref<1x96xi32, #tpu.memory_space<vmem>>
      %dma_start3A_91 = tpu.memref_squeeze %dma_start3A_90 : memref<1x96xi32, #tpu.memory_space<vmem>> -> memref<96xi32, #tpu.memory_space<vmem>>
      %dma_start3A_92 = arith.constant 0 : i32
      %dma_start3A_93 = tpu.memref_slice %arg3[%add3A_15, %dma_start3A_92] : memref<3344x96xi32, #tpu.memory_space<hbm>> -> memref<1x96xi32, #tpu.memory_space<hbm>>
      %dma_start3A_94 = tpu.memref_squeeze %dma_start3A_93 : memref<1x96xi32, #tpu.memory_space<hbm>> -> memref<96xi32, #tpu.memory_space<hbm>>
      tpu.enqueue_dma source(%dma_start3A_94 : memref<96xi32, #tpu.memory_space<hbm>>) target(%dma_start3A_91 : memref<96xi32, #tpu.memory_space<vmem>>) target_semaphore(%run_scoped3A_82 : memref<!tpu.dma_semaphore, #tpu.memory_space<semaphore_mem>>)
      %dma_wait3A_95 = arith.constant 0 : i32
      %dma_wait3A_96 = tpu.memref_slice %arg7[%run_scoped3A_16, %dma_wait3A_95] : memref<8x96xi32, #tpu.memory_space<vmem>> -> memref<1x96xi32, #tpu.memory_space<vmem>>
      %dma_wait3A_97 = tpu.memref_squeeze %dma_wait3A_96 : memref<1x96xi32, #tpu.memory_space<vmem>> -> memref<96xi32, #tpu.memory_space<vmem>>
      %dma_wait3A_98 = arith.constant 0 : i32
      %dma_wait3A_99 = tpu.memref_slice %arg3[%add3A_15, %dma_wait3A_98] : memref<3344x96xi32, #tpu.memory_space<hbm>> -> memref<1x96xi32, #tpu.memory_space<hbm>>
      %dma_wait3A_100 = tpu.memref_squeeze %dma_wait3A_99 : memref<1x96xi32, #tpu.memory_space<hbm>> -> memref<96xi32, #tpu.memory_space<hbm>>
      %dma_wait3A_101 = arith.constant 0 : i32
      %dma_wait3A_102 = tpu.memref_slice %arg7[%run_scoped3A_16, %dma_wait3A_101] : memref<8x96xi32, #tpu.memory_space<vmem>> -> memref<1x96xi32, #tpu.memory_space<vmem>>
      %dma_wait3A_103 = tpu.memref_squeeze %dma_wait3A_102 : memref<1x96xi32, #tpu.memory_space<vmem>> -> memref<96xi32, #tpu.memory_space<vmem>>
      %dma_wait3A_104 = arith.constant 0 : i32
      %dma_wait3A_105 = tpu.memref_slice %arg3[%add3A_15, %dma_wait3A_104] : memref<3344x96xi32, #tpu.memory_space<hbm>> -> memref<1x96xi32, #tpu.memory_space<hbm>>
      %dma_wait3A_106 = tpu.memref_squeeze %dma_wait3A_105 : memref<1x96xi32, #tpu.memory_space<hbm>> -> memref<96xi32, #tpu.memory_space<hbm>>
      tpu.wait_dma2 semaphore(%run_scoped3A_82 : memref<!tpu.dma_semaphore, #tpu.memory_space<semaphore_mem>>) src(%dma_wait3A_106 : memref<96xi32, #tpu.memory_space<hbm>>) dst(%dma_wait3A_103 : memref<96xi32, #tpu.memory_space<vmem>>)
      tpu.yield
    }) : () -> ()
    %add3A_17 = arith.constant 1 : i32
    %add3A_18 = arith.addi %select_n3A, %add3A_17 : i32
    %run_scoped3A_19 = arith.constant 1 : i32
    "tpu.region"() ({
      %run_scoped3A_82 = tpu.sem_alloc : memref<!tpu.dma_semaphore, #tpu.memory_space<semaphore_mem>>
      %dma_start3A_83 = arith.constant 0 : i32
      %dma_start3A_84 = tpu.memref_slice %arg8[%run_scoped3A_19, %dma_start3A_83] : memref<8x96xi32, #tpu.memory_space<vmem>> -> memref<1x96xi32, #tpu.memory_space<vmem>>
      %dma_start3A_85 = tpu.memref_squeeze %dma_start3A_84 : memref<1x96xi32, #tpu.memory_space<vmem>> -> memref<96xi32, #tpu.memory_space<vmem>>
      %dma_start3A_86 = arith.constant 0 : i32
      %dma_start3A_87 = tpu.memref_slice %arg4[%add3A_18, %dma_start3A_86] : memref<3344x96xi32, #tpu.memory_space<hbm>> -> memref<1x96xi32, #tpu.memory_space<hbm>>
      %dma_start3A_88 = tpu.memref_squeeze %dma_start3A_87 : memref<1x96xi32, #tpu.memory_space<hbm>> -> memref<96xi32, #tpu.memory_space<hbm>>
      %dma_start3A_89 = arith.constant 0 : i32
      %dma_start3A_90 = tpu.memref_slice %arg8[%run_scoped3A_19, %dma_start3A_89] : memref<8x96xi32, #tpu.memory_space<vmem>> -> memref<1x96xi32, #tpu.memory_space<vmem>>
      %dma_start3A_91 = tpu.memref_squeeze %dma_start3A_90 : memref<1x96xi32, #tpu.memory_space<vmem>> -> memref<96xi32, #tpu.memory_space<vmem>>
      %dma_start3A_92 = arith.constant 0 : i32
      %dma_start3A_93 = tpu.memref_slice %arg4[%add3A_18, %dma_start3A_92] : memref<3344x96xi32, #tpu.memory_space<hbm>> -> memref<1x96xi32, #tpu.memory_space<hbm>>
      %dma_start3A_94 = tpu.memref_squeeze %dma_start3A_93 : memref<1x96xi32, #tpu.memory_space<hbm>> -> memref<96xi32, #tpu.memory_space<hbm>>
      tpu.enqueue_dma source(%dma_start3A_94 : memref<96xi32, #tpu.memory_space<hbm>>) target(%dma_start3A_91 : memref<96xi32, #tpu.memory_space<vmem>>) target_semaphore(%run_scoped3A_82 : memref<!tpu.dma_semaphore, #tpu.memory_space<semaphore_mem>>)
      %dma_wait3A_95 = arith.constant 0 : i32
      %dma_wait3A_96 = tpu.memref_slice %arg8[%run_scoped3A_19, %dma_wait3A_95] : memref<8x96xi32, #tpu.memory_space<vmem>> -> memref<1x96xi32, #tpu.memory_space<vmem>>
      %dma_wait3A_97 = tpu.memref_squeeze %dma_wait3A_96 : memref<1x96xi32, #tpu.memory_space<vmem>> -> memref<96xi32, #tpu.memory_space<vmem>>
      %dma_wait3A_98 = arith.constant 0 : i32
      %dma_wait3A_99 = tpu.memref_slice %arg4[%add3A_18, %dma_wait3A_98] : memref<3344x96xi32, #tpu.memory_space<hbm>> -> memref<1x96xi32, #tpu.memory_space<hbm>>
      %dma_wait3A_100 = tpu.memref_squeeze %dma_wait3A_99 : memref<1x96xi32, #tpu.memory_space<hbm>> -> memref<96xi32, #tpu.memory_space<hbm>>
      %dma_wait3A_101 = arith.constant 0 : i32
      %dma_wait3A_102 = tpu.memref_slice %arg8[%run_scoped3A_19, %dma_wait3A_101] : memref<8x96xi32, #tpu.memory_space<vmem>> -> memref<1x96xi32, #tpu.memory_space<vmem>>
      %dma_wait3A_103 = tpu.memref_squeeze %dma_wait3A_102 : memref<1x96xi32, #tpu.memory_space<vmem>> -> memref<96xi32, #tpu.memory_space<vmem>>
      %dma_wait3A_104 = arith.constant 0 : i32
      %dma_wait3A_105 = tpu.memref_slice %arg4[%add3A_18, %dma_wait3A_104] : memref<3344x96xi32, #tpu.memory_space<hbm>> -> memref<1x96xi32, #tpu.memory_space<hbm>>
      %dma_wait3A_106 = tpu.memref_squeeze %dma_wait3A_105 : memref<1x96xi32, #tpu.memory_space<hbm>> -> memref<96xi32, #tpu.memory_space<hbm>>
      tpu.wait_dma2 semaphore(%run_scoped3A_82 : memref<!tpu.dma_semaphore, #tpu.memory_space<semaphore_mem>>) src(%dma_wait3A_106 : memref<96xi32, #tpu.memory_space<hbm>>) dst(%dma_wait3A_103 : memref<96xi32, #tpu.memory_space<vmem>>)
      tpu.yield
    }) : () -> ()
    %barrier3A = arith.constant 0 : index
    tpu.barrier barrier_id(%barrier3A)
    %dma_start3A = arith.constant 0 : i32
    %dma_start3A_20 = arith.constant 0 : i32
    %dma_start3A_21 = arith.constant 0 : i32
    %dma_start3A_22 = arith.constant 0 : i32
    %dma_start3A_23 = tpu.memref_slice %arg9[%dma_start3A_20, %dma_start3A_21, %dma_start3A_22] : memref<3x96x128xf32, #tpu.memory_space<vmem>> -> memref<1x96x128xf32, #tpu.memory_space<vmem>>
    %dma_start3A_24 = tpu.memref_squeeze %dma_start3A_23 : memref<1x96x128xf32, #tpu.memory_space<vmem>> -> memref<96x128xf32, #tpu.memory_space<vmem>>
    %dma_start3A_25 = arith.constant 0 : i32
    %dma_start3A_26 = tpu.memref_slice %arg7[%dma_start3A, %dma_start3A_25] : memref<8x96xi32, #tpu.memory_space<vmem>> -> memref<1x96xi32, #tpu.memory_space<vmem>>
    %dma_start3A_27 = tpu.memref_squeeze %dma_start3A_26 : memref<1x96xi32, #tpu.memory_space<vmem>> -> memref<96xi32, #tpu.memory_space<vmem>>
    %dma_start3A_28 = arith.constant 0 : i32
    %dma_start3A_29 = arith.constant 0 : i32
    %dma_start3A_30 = tpu.memref_slice %arg2[%dma_start3A_28, %dma_start3A_29] : memref<10000x128xf32, #tpu.memory_space<hbm>> -> memref<10000x128xf32, #tpu.memory_space<hbm>>
    tpu.enqueue_indirect_dma source(%dma_start3A_30 : memref<10000x128xf32, #tpu.memory_space<hbm>>) target(%dma_start3A_24 : memref<96x128xf32, #tpu.memory_space<vmem>>) offsets(%dma_start3A_27 : memref<96xi32, #tpu.memory_space<vmem>>) semaphore(%arg12 : memref<!tpu.dma_semaphore, #tpu.memory_space<semaphore_mem>>)
    %while3A = arith.constant 0 : i32
    %while3A_31 = arith.constant 0 : i32
    %while3A_32 = arith.subi %select_n3A_8, %while3A_31 : i32
    %while3A_33 = arith.addi %while3A_31, %while3A_32 : i32
    %while3A_34 = arith.constant 1 : i32
    %while3A_35 = arith.divsi %while3A_32, %while3A_34 : i32
    %while3A_36 = arith.muli %while3A_35, %while3A_34 : i32
    %while3A_37 = arith.addi %while3A_31, %while3A_36 : i32
    %while3A_38 = arith.constant 1 : i32
    scf.for %while3A_82 = %while3A_31 to %while3A_37 step %while3A_38  : i32 {
      %rem3A_83 = arith.constant 3 : i32
      %rem3A_84 = arith.remsi %while3A_82, %rem3A_83 : i32
      %add3A_85 = arith.constant 2 : i32
      %add3A_86 = arith.addi %while3A_82, %add3A_85 : i32
      %lt3A = arith.cmpi slt, %add3A_86, %select_n3A_8 : i32
      %convert_element_type3A = arith.extui %lt3A : i1 to i32
      %cond3A = arith.constant 0 : i32
      %cond3A_87 = arith.cmpi ne, %convert_element_type3A, %cond3A : i32
      scf.if %cond3A_87 {
        %add3A_130 = arith.constant 2 : i32
        %add3A_131 = arith.addi %while3A_82, %add3A_130 : i32
        %rem3A_132 = arith.constant 8 : i32
        %rem3A_133 = arith.remsi %add3A_131, %rem3A_132 : i32
        %add3A_134 = arith.addi %select_n3A, %while3A_82 : i32
        %add3A_135 = arith.constant 2 : i32
        %add3A_136 = arith.addi %add3A_134, %add3A_135 : i32
        %dma_start3A_137 = arith.constant 0 : i32
        %dma_start3A_138 = tpu.memref_slice %arg7[%rem3A_133, %dma_start3A_137] : memref<8x96xi32, #tpu.memory_space<vmem>> -> memref<1x96xi32, #tpu.memory_space<vmem>>
        %dma_start3A_139 = tpu.memref_squeeze %dma_start3A_138 : memref<1x96xi32, #tpu.memory_space<vmem>> -> memref<96xi32, #tpu.memory_space<vmem>>
        %dma_start3A_140 = arith.constant 0 : i32
        %dma_start3A_141 = tpu.memref_slice %arg3[%add3A_136, %dma_start3A_140] : memref<3344x96xi32, #tpu.memory_space<hbm>> -> memref<1x96xi32, #tpu.memory_space<hbm>>
        %dma_start3A_142 = tpu.memref_squeeze %dma_start3A_141 : memref<1x96xi32, #tpu.memory_space<hbm>> -> memref<96xi32, #tpu.memory_space<hbm>>
        %dma_start3A_143 = arith.constant 0 : i32
        %dma_start3A_144 = tpu.memref_slice %arg7[%rem3A_133, %dma_start3A_143] : memref<8x96xi32, #tpu.memory_space<vmem>> -> memref<1x96xi32, #tpu.memory_space<vmem>>
        %dma_start3A_145 = tpu.memref_squeeze %dma_start3A_144 : memref<1x96xi32, #tpu.memory_space<vmem>> -> memref<96xi32, #tpu.memory_space<vmem>>
        %dma_start3A_146 = arith.constant 0 : i32
        %dma_start3A_147 = tpu.memref_slice %arg3[%add3A_136, %dma_start3A_146] : memref<3344x96xi32, #tpu.memory_space<hbm>> -> memref<1x96xi32, #tpu.memory_space<hbm>>
        %dma_start3A_148 = tpu.memref_squeeze %dma_start3A_147 : memref<1x96xi32, #tpu.memory_space<hbm>> -> memref<96xi32, #tpu.memory_space<hbm>>
        tpu.enqueue_dma source(%dma_start3A_148 : memref<96xi32, #tpu.memory_space<hbm>>) target(%dma_start3A_145 : memref<96xi32, #tpu.memory_space<vmem>>) target_semaphore(%arg11 : memref<!tpu.dma_semaphore, #tpu.memory_space<semaphore_mem>>)
        %add3A_149 = arith.addi %select_n3A, %while3A_82 : i32
        %add3A_150 = arith.constant 2 : i32
        %add3A_151 = arith.addi %add3A_149, %add3A_150 : i32
        %dma_start3A_152 = arith.constant 0 : i32
        %dma_start3A_153 = tpu.memref_slice %arg8[%rem3A_133, %dma_start3A_152] : memref<8x96xi32, #tpu.memory_space<vmem>> -> memref<1x96xi32, #tpu.memory_space<vmem>>
        %dma_start3A_154 = tpu.memref_squeeze %dma_start3A_153 : memref<1x96xi32, #tpu.memory_space<vmem>> -> memref<96xi32, #tpu.memory_space<vmem>>
        %dma_start3A_155 = arith.constant 0 : i32
        %dma_start3A_156 = tpu.memref_slice %arg4[%add3A_151, %dma_start3A_155] : memref<3344x96xi32, #tpu.memory_space<hbm>> -> memref<1x96xi32, #tpu.memory_space<hbm>>
        %dma_start3A_157 = tpu.memref_squeeze %dma_start3A_156 : memref<1x96xi32, #tpu.memory_space<hbm>> -> memref<96xi32, #tpu.memory_space<hbm>>
        %dma_start3A_158 = arith.constant 0 : i32
        %dma_start3A_159 = tpu.memref_slice %arg8[%rem3A_133, %dma_start3A_158] : memref<8x96xi32, #tpu.memory_space<vmem>> -> memref<1x96xi32, #tpu.memory_space<vmem>>
        %dma_start3A_160 = tpu.memref_squeeze %dma_start3A_159 : memref<1x96xi32, #tpu.memory_space<vmem>> -> memref<96xi32, #tpu.memory_space<vmem>>
        %dma_start3A_161 = arith.constant 0 : i32
        %dma_start3A_162 = tpu.memref_slice %arg4[%add3A_151, %dma_start3A_161] : memref<3344x96xi32, #tpu.memory_space<hbm>> -> memref<1x96xi32, #tpu.memory_space<hbm>>
        %dma_start3A_163 = tpu.memref_squeeze %dma_start3A_162 : memref<1x96xi32, #tpu.memory_space<hbm>> -> memref<96xi32, #tpu.memory_space<hbm>>
        tpu.enqueue_dma source(%dma_start3A_163 : memref<96xi32, #tpu.memory_space<hbm>>) target(%dma_start3A_160 : memref<96xi32, #tpu.memory_space<vmem>>) target_semaphore(%arg11 : memref<!tpu.dma_semaphore, #tpu.memory_space<semaphore_mem>>)
      } else {
      }
      %ge3A = arith.constant 2 : i32
      %ge3A_88 = arith.cmpi sge, %while3A_82, %ge3A : i32
      %convert_element_type3A_89 = arith.extui %ge3A_88 : i1 to i32
      %cond3A_90 = arith.constant 0 : i32
      %cond3A_91 = arith.cmpi ne, %convert_element_type3A_89, %cond3A_90 : i32
      scf.if %cond3A_91 {
        %sub3A_130 = arith.constant 2 : i32
        %sub3A_131 = arith.subi %while3A_82, %sub3A_130 : i32
        %rem3A_132 = arith.constant 3 : i32
        %rem3A_133 = arith.remsi %sub3A_131, %rem3A_132 : i32
        %rem3A_134 = arith.constant 8 : i32
        %rem3A_135 = arith.remsi %sub3A_131, %rem3A_134 : i32
        %dma_wait3A_136 = arith.constant 0 : i32
        %dma_wait3A_137 = arith.constant 0 : i32
        %dma_wait3A_138 = tpu.memref_slice %arg9[%rem3A_133, %dma_wait3A_136, %dma_wait3A_137] : memref<3x96x128xf32, #tpu.memory_space<vmem>> -> memref<1x96x128xf32, #tpu.memory_space<vmem>>
        %dma_wait3A_139 = tpu.memref_squeeze %dma_wait3A_138 : memref<1x96x128xf32, #tpu.memory_space<vmem>> -> memref<96x128xf32, #tpu.memory_space<vmem>>
        %dma_wait3A_140 = arith.constant 0 : i32
        %dma_wait3A_141 = tpu.memref_slice %arg8[%rem3A_135, %dma_wait3A_140] : memref<8x96xi32, #tpu.memory_space<vmem>> -> memref<1x96xi32, #tpu.memory_space<vmem>>
        %dma_wait3A_142 = tpu.memref_squeeze %dma_wait3A_141 : memref<1x96xi32, #tpu.memory_space<vmem>> -> memref<96xi32, #tpu.memory_space<vmem>>
        %dma_wait3A_143 = arith.constant 0 : i32
        %dma_wait3A_144 = arith.constant 0 : i32
        %dma_wait3A_145 = tpu.memref_slice %arg10[%dma_wait3A_143, %dma_wait3A_144] : memref<10112x128xf32, #tpu.memory_space<vmem_shared>> -> memref<10112x128xf32, #tpu.memory_space<vmem_shared>>
        %dma_wait3A_146 = tpu.memref_slice %arg13[%rem3A_133] : memref<3x!tpu.dma_semaphore, #tpu.memory_space<semaphore_mem>> -> memref<1x!tpu.dma_semaphore, #tpu.memory_space<semaphore_mem>>
        %dma_wait3A_147 = tpu.memref_squeeze %dma_wait3A_146 : memref<1x!tpu.dma_semaphore, #tpu.memory_space<semaphore_mem>> -> memref<!tpu.dma_semaphore, #tpu.memory_space<semaphore_mem>>
        tpu.wait_indirect_dma semaphore(%dma_wait3A_147 : memref<!tpu.dma_semaphore, #tpu.memory_space<semaphore_mem>>) src(%dma_wait3A_139 : memref<96x128xf32, #tpu.memory_space<vmem>>) dst(%dma_wait3A_145 : memref<10112x128xf32, #tpu.memory_space<vmem_shared>>)
      } else {
      }
      %rem3A_92 = arith.constant 8 : i32
      %rem3A_93 = arith.remsi %while3A_82, %rem3A_92 : i32
      %dma_wait3A_94 = arith.constant 0 : i32
      %dma_wait3A_95 = arith.constant 0 : i32
      %dma_wait3A_96 = tpu.memref_slice %arg9[%rem3A_84, %dma_wait3A_94, %dma_wait3A_95] : memref<3x96x128xf32, #tpu.memory_space<vmem>> -> memref<1x96x128xf32, #tpu.memory_space<vmem>>
      %dma_wait3A_97 = tpu.memref_squeeze %dma_wait3A_96 : memref<1x96x128xf32, #tpu.memory_space<vmem>> -> memref<96x128xf32, #tpu.memory_space<vmem>>
      %dma_wait3A_98 = arith.constant 0 : i32
      %dma_wait3A_99 = tpu.memref_slice %arg7[%rem3A_93, %dma_wait3A_98] : memref<8x96xi32, #tpu.memory_space<vmem>> -> memref<1x96xi32, #tpu.memory_space<vmem>>
      %dma_wait3A_100 = tpu.memref_squeeze %dma_wait3A_99 : memref<1x96xi32, #tpu.memory_space<vmem>> -> memref<96xi32, #tpu.memory_space<vmem>>
      %dma_wait3A_101 = arith.constant 0 : i32
      %dma_wait3A_102 = arith.constant 0 : i32
      %dma_wait3A_103 = tpu.memref_slice %arg2[%dma_wait3A_101, %dma_wait3A_102] : memref<10000x128xf32, #tpu.memory_space<hbm>> -> memref<10000x128xf32, #tpu.memory_space<hbm>>
      tpu.wait_indirect_dma semaphore(%arg12 : memref<!tpu.dma_semaphore, #tpu.memory_space<semaphore_mem>>) src(%dma_wait3A_103 : memref<10000x128xf32, #tpu.memory_space<hbm>>) dst(%dma_wait3A_97 : memref<96x128xf32, #tpu.memory_space<vmem>>)
      %add3A_104 = arith.constant 1 : i32
      %add3A_105 = arith.addi %while3A_82, %add3A_104 : i32
      %lt3A_106 = arith.cmpi slt, %add3A_105, %select_n3A_8 : i32
      %convert_element_type3A_107 = arith.extui %lt3A_106 : i1 to i32
      %cond3A_108 = arith.constant 0 : i32
      %cond3A_109 = arith.cmpi ne, %convert_element_type3A_107, %cond3A_108 : i32
      scf.if %cond3A_109 {
        %add3A_130 = arith.constant 1 : i32
        %add3A_131 = arith.addi %while3A_82, %add3A_130 : i32
        %rem3A_132 = arith.constant 8 : i32
        %rem3A_133 = arith.remsi %add3A_131, %rem3A_132 : i32
        %add3A_134 = arith.constant 1 : i32
        %add3A_135 = arith.addi %while3A_82, %add3A_134 : i32
        %rem3A_136 = arith.constant 3 : i32
        %rem3A_137 = arith.remsi %add3A_135, %rem3A_136 : i32
        %dma_start3A_138 = arith.constant 0 : i32
        %dma_start3A_139 = arith.constant 0 : i32
        %dma_start3A_140 = tpu.memref_slice %arg9[%rem3A_137, %dma_start3A_138, %dma_start3A_139] : memref<3x96x128xf32, #tpu.memory_space<vmem>> -> memref<1x96x128xf32, #tpu.memory_space<vmem>>
        %dma_start3A_141 = tpu.memref_squeeze %dma_start3A_140 : memref<1x96x128xf32, #tpu.memory_space<vmem>> -> memref<96x128xf32, #tpu.memory_space<vmem>>
        %dma_start3A_142 = arith.constant 0 : i32
        %dma_start3A_143 = tpu.memref_slice %arg7[%rem3A_133, %dma_start3A_142] : memref<8x96xi32, #tpu.memory_space<vmem>> -> memref<1x96xi32, #tpu.memory_space<vmem>>
        %dma_start3A_144 = tpu.memref_squeeze %dma_start3A_143 : memref<1x96xi32, #tpu.memory_space<vmem>> -> memref<96xi32, #tpu.memory_space<vmem>>
        %dma_start3A_145 = arith.constant 0 : i32
        %dma_start3A_146 = arith.constant 0 : i32
        %dma_start3A_147 = tpu.memref_slice %arg2[%dma_start3A_145, %dma_start3A_146] : memref<10000x128xf32, #tpu.memory_space<hbm>> -> memref<10000x128xf32, #tpu.memory_space<hbm>>
        tpu.enqueue_indirect_dma source(%dma_start3A_147 : memref<10000x128xf32, #tpu.memory_space<hbm>>) target(%dma_start3A_141 : memref<96x128xf32, #tpu.memory_space<vmem>>) offsets(%dma_start3A_144 : memref<96xi32, #tpu.memory_space<vmem>>) semaphore(%arg12 : memref<!tpu.dma_semaphore, #tpu.memory_space<semaphore_mem>>)
      } else {
      }
      %rem3A_110 = arith.constant 8 : i32
      %rem3A_111 = arith.remsi %while3A_82, %rem3A_110 : i32
      %dma_start3A_112 = arith.constant 0 : i32
      %dma_start3A_113 = arith.constant 0 : i32
      %dma_start3A_114 = tpu.memref_slice %arg9[%rem3A_84, %dma_start3A_112, %dma_start3A_113] : memref<3x96x128xf32, #tpu.memory_space<vmem>> -> memref<1x96x128xf32, #tpu.memory_space<vmem>>
      %dma_start3A_115 = tpu.memref_squeeze %dma_start3A_114 : memref<1x96x128xf32, #tpu.memory_space<vmem>> -> memref<96x128xf32, #tpu.memory_space<vmem>>
      %dma_start3A_116 = arith.constant 0 : i32
      %dma_start3A_117 = tpu.memref_slice %arg8[%rem3A_111, %dma_start3A_116] : memref<8x96xi32, #tpu.memory_space<vmem>> -> memref<1x96xi32, #tpu.memory_space<vmem>>
      %dma_start3A_118 = tpu.memref_squeeze %dma_start3A_117 : memref<1x96xi32, #tpu.memory_space<vmem>> -> memref<96xi32, #tpu.memory_space<vmem>>
      %dma_start3A_119 = arith.constant 0 : i32
      %dma_start3A_120 = arith.constant 0 : i32
      %dma_start3A_121 = tpu.memref_slice %arg10[%dma_start3A_119, %dma_start3A_120] : memref<10112x128xf32, #tpu.memory_space<vmem_shared>> -> memref<10112x128xf32, #tpu.memory_space<vmem_shared>>
      %dma_start3A_122 = tpu.memref_slice %arg13[%rem3A_84] : memref<3x!tpu.dma_semaphore, #tpu.memory_space<semaphore_mem>> -> memref<1x!tpu.dma_semaphore, #tpu.memory_space<semaphore_mem>>
      %dma_start3A_123 = tpu.memref_squeeze %dma_start3A_122 : memref<1x!tpu.dma_semaphore, #tpu.memory_space<semaphore_mem>> -> memref<!tpu.dma_semaphore, #tpu.memory_space<semaphore_mem>>
      tpu.enqueue_indirect_dma source(%dma_start3A_115 : memref<96x128xf32, #tpu.memory_space<vmem>>) target(%dma_start3A_121 : memref<10112x128xf32, #tpu.memory_space<vmem_shared>>) offsets(%dma_start3A_118 : memref<96xi32, #tpu.memory_space<vmem>>) semaphore(%dma_start3A_123 : memref<!tpu.dma_semaphore, #tpu.memory_space<semaphore_mem>>) {add = true}
      %add3A_124 = arith.constant 2 : i32
      %add3A_125 = arith.addi %while3A_82, %add3A_124 : i32
      %lt3A_126 = arith.cmpi slt, %add3A_125, %select_n3A_8 : i32
      %convert_element_type3A_127 = arith.extui %lt3A_126 : i1 to i32
      %cond3A_128 = arith.constant 0 : i32
      %cond3A_129 = arith.cmpi ne, %convert_element_type3A_127, %cond3A_128 : i32
      scf.if %cond3A_129 {
        %add3A_130 = arith.constant 2 : i32
        %add3A_131 = arith.addi %while3A_82, %add3A_130 : i32
        %rem3A_132 = arith.constant 8 : i32
        %rem3A_133 = arith.remsi %add3A_131, %rem3A_132 : i32
        %add3A_134 = arith.addi %select_n3A, %while3A_82 : i32
        %add3A_135 = arith.constant 2 : i32
        %add3A_136 = arith.addi %add3A_134, %add3A_135 : i32
        %dma_wait3A_137 = arith.constant 0 : i32
        %dma_wait3A_138 = tpu.memref_slice %arg7[%rem3A_133, %dma_wait3A_137] : memref<8x96xi32, #tpu.memory_space<vmem>> -> memref<1x96xi32, #tpu.memory_space<vmem>>
        %dma_wait3A_139 = tpu.memref_squeeze %dma_wait3A_138 : memref<1x96xi32, #tpu.memory_space<vmem>> -> memref<96xi32, #tpu.memory_space<vmem>>
        %dma_wait3A_140 = arith.constant 0 : i32
        %dma_wait3A_141 = tpu.memref_slice %arg3[%add3A_136, %dma_wait3A_140] : memref<3344x96xi32, #tpu.memory_space<hbm>> -> memref<1x96xi32, #tpu.memory_space<hbm>>
        %dma_wait3A_142 = tpu.memref_squeeze %dma_wait3A_141 : memref<1x96xi32, #tpu.memory_space<hbm>> -> memref<96xi32, #tpu.memory_space<hbm>>
        %dma_wait3A_143 = arith.constant 0 : i32
        %dma_wait3A_144 = tpu.memref_slice %arg7[%rem3A_133, %dma_wait3A_143] : memref<8x96xi32, #tpu.memory_space<vmem>> -> memref<1x96xi32, #tpu.memory_space<vmem>>
        %dma_wait3A_145 = tpu.memref_squeeze %dma_wait3A_144 : memref<1x96xi32, #tpu.memory_space<vmem>> -> memref<96xi32, #tpu.memory_space<vmem>>
        %dma_wait3A_146 = arith.constant 0 : i32
        %dma_wait3A_147 = tpu.memref_slice %arg3[%add3A_136, %dma_wait3A_146] : memref<3344x96xi32, #tpu.memory_space<hbm>> -> memref<1x96xi32, #tpu.memory_space<hbm>>
        %dma_wait3A_148 = tpu.memref_squeeze %dma_wait3A_147 : memref<1x96xi32, #tpu.memory_space<hbm>> -> memref<96xi32, #tpu.memory_space<hbm>>
        tpu.wait_dma2 semaphore(%arg11 : memref<!tpu.dma_semaphore, #tpu.memory_space<semaphore_mem>>) src(%dma_wait3A_148 : memref<96xi32, #tpu.memory_space<hbm>>) dst(%dma_wait3A_145 : memref<96xi32, #tpu.memory_space<vmem>>)
        %add3A_149 = arith.addi %select_n3A, %while3A_82 : i32
        %add3A_150 = arith.constant 2 : i32
        %add3A_151 = arith.addi %add3A_149, %add3A_150 : i32
        %dma_wait3A_152 = arith.constant 0 : i32
        %dma_wait3A_153 = tpu.memref_slice %arg8[%rem3A_133, %dma_wait3A_152] : memref<8x96xi32, #tpu.memory_space<vmem>> -> memref<1x96xi32, #tpu.memory_space<vmem>>
        %dma_wait3A_154 = tpu.memref_squeeze %dma_wait3A_153 : memref<1x96xi32, #tpu.memory_space<vmem>> -> memref<96xi32, #tpu.memory_space<vmem>>
        %dma_wait3A_155 = arith.constant 0 : i32
        %dma_wait3A_156 = tpu.memref_slice %arg4[%add3A_151, %dma_wait3A_155] : memref<3344x96xi32, #tpu.memory_space<hbm>> -> memref<1x96xi32, #tpu.memory_space<hbm>>
        %dma_wait3A_157 = tpu.memref_squeeze %dma_wait3A_156 : memref<1x96xi32, #tpu.memory_space<hbm>> -> memref<96xi32, #tpu.memory_space<hbm>>
        %dma_wait3A_158 = arith.constant 0 : i32
        %dma_wait3A_159 = tpu.memref_slice %arg8[%rem3A_133, %dma_wait3A_158] : memref<8x96xi32, #tpu.memory_space<vmem>> -> memref<1x96xi32, #tpu.memory_space<vmem>>
        %dma_wait3A_160 = tpu.memref_squeeze %dma_wait3A_159 : memref<1x96xi32, #tpu.memory_space<vmem>> -> memref<96xi32, #tpu.memory_space<vmem>>
        %dma_wait3A_161 = arith.constant 0 : i32
        %dma_wait3A_162 = tpu.memref_slice %arg4[%add3A_151, %dma_wait3A_161] : memref<3344x96xi32, #tpu.memory_space<hbm>> -> memref<1x96xi32, #tpu.memory_space<hbm>>
        %dma_wait3A_163 = tpu.memref_squeeze %dma_wait3A_162 : memref<1x96xi32, #tpu.memory_space<hbm>> -> memref<96xi32, #tpu.memory_space<hbm>>
        tpu.wait_dma2 semaphore(%arg11 : memref<!tpu.dma_semaphore, #tpu.memory_space<semaphore_mem>>) src(%dma_wait3A_163 : memref<96xi32, #tpu.memory_space<hbm>>) dst(%dma_wait3A_160 : memref<96xi32, #tpu.memory_space<vmem>>)
      } else {
      }
    }
    %while3A_39 = arith.constant 1 : i32
    scf.for %while3A_82 = %while3A_37 to %while3A_33 step %while3A_39  : i32 {
      %rem3A_83 = arith.constant 3 : i32
      %rem3A_84 = arith.remsi %while3A_82, %rem3A_83 : i32
      %add3A_85 = arith.constant 2 : i32
      %add3A_86 = arith.addi %while3A_82, %add3A_85 : i32
      %lt3A = arith.cmpi slt, %add3A_86, %select_n3A_8 : i32
      %convert_element_type3A = arith.extui %lt3A : i1 to i32
      %cond3A = arith.constant 0 : i32
      %cond3A_87 = arith.cmpi ne, %convert_element_type3A, %cond3A : i32
      scf.if %cond3A_87 {
        %add3A_130 = arith.constant 2 : i32
        %add3A_131 = arith.addi %while3A_82, %add3A_130 : i32
        %rem3A_132 = arith.constant 8 : i32
        %rem3A_133 = arith.remsi %add3A_131, %rem3A_132 : i32
        %add3A_134 = arith.addi %select_n3A, %while3A_82 : i32
        %add3A_135 = arith.constant 2 : i32
        %add3A_136 = arith.addi %add3A_134, %add3A_135 : i32
        %dma_start3A_137 = arith.constant 0 : i32
        %dma_start3A_138 = tpu.memref_slice %arg7[%rem3A_133, %dma_start3A_137] : memref<8x96xi32, #tpu.memory_space<vmem>> -> memref<1x96xi32, #tpu.memory_space<vmem>>
        %dma_start3A_139 = tpu.memref_squeeze %dma_start3A_138 : memref<1x96xi32, #tpu.memory_space<vmem>> -> memref<96xi32, #tpu.memory_space<vmem>>
        %dma_start3A_140 = arith.constant 0 : i32
        %dma_start3A_141 = tpu.memref_slice %arg3[%add3A_136, %dma_start3A_140] : memref<3344x96xi32, #tpu.memory_space<hbm>> -> memref<1x96xi32, #tpu.memory_space<hbm>>
        %dma_start3A_142 = tpu.memref_squeeze %dma_start3A_141 : memref<1x96xi32, #tpu.memory_space<hbm>> -> memref<96xi32, #tpu.memory_space<hbm>>
        %dma_start3A_143 = arith.constant 0 : i32
        %dma_start3A_144 = tpu.memref_slice %arg7[%rem3A_133, %dma_start3A_143] : memref<8x96xi32, #tpu.memory_space<vmem>> -> memref<1x96xi32, #tpu.memory_space<vmem>>
        %dma_start3A_145 = tpu.memref_squeeze %dma_start3A_144 : memref<1x96xi32, #tpu.memory_space<vmem>> -> memref<96xi32, #tpu.memory_space<vmem>>
        %dma_start3A_146 = arith.constant 0 : i32
        %dma_start3A_147 = tpu.memref_slice %arg3[%add3A_136, %dma_start3A_146] : memref<3344x96xi32, #tpu.memory_space<hbm>> -> memref<1x96xi32, #tpu.memory_space<hbm>>
        %dma_start3A_148 = tpu.memref_squeeze %dma_start3A_147 : memref<1x96xi32, #tpu.memory_space<hbm>> -> memref<96xi32, #tpu.memory_space<hbm>>
        tpu.enqueue_dma source(%dma_start3A_148 : memref<96xi32, #tpu.memory_space<hbm>>) target(%dma_start3A_145 : memref<96xi32, #tpu.memory_space<vmem>>) target_semaphore(%arg11 : memref<!tpu.dma_semaphore, #tpu.memory_space<semaphore_mem>>)
        %add3A_149 = arith.addi %select_n3A, %while3A_82 : i32
        %add3A_150 = arith.constant 2 : i32
        %add3A_151 = arith.addi %add3A_149, %add3A_150 : i32
        %dma_start3A_152 = arith.constant 0 : i32
        %dma_start3A_153 = tpu.memref_slice %arg8[%rem3A_133, %dma_start3A_152] : memref<8x96xi32, #tpu.memory_space<vmem>> -> memref<1x96xi32, #tpu.memory_space<vmem>>
        %dma_start3A_154 = tpu.memref_squeeze %dma_start3A_153 : memref<1x96xi32, #tpu.memory_space<vmem>> -> memref<96xi32, #tpu.memory_space<vmem>>
        %dma_start3A_155 = arith.constant 0 : i32
        %dma_start3A_156 = tpu.memref_slice %arg4[%add3A_151, %dma_start3A_155] : memref<3344x96xi32, #tpu.memory_space<hbm>> -> memref<1x96xi32, #tpu.memory_space<hbm>>
        %dma_start3A_157 = tpu.memref_squeeze %dma_start3A_156 : memref<1x96xi32, #tpu.memory_space<hbm>> -> memref<96xi32, #tpu.memory_space<hbm>>
        %dma_start3A_158 = arith.constant 0 : i32
        %dma_start3A_159 = tpu.memref_slice %arg8[%rem3A_133, %dma_start3A_158] : memref<8x96xi32, #tpu.memory_space<vmem>> -> memref<1x96xi32, #tpu.memory_space<vmem>>
        %dma_start3A_160 = tpu.memref_squeeze %dma_start3A_159 : memref<1x96xi32, #tpu.memory_space<vmem>> -> memref<96xi32, #tpu.memory_space<vmem>>
        %dma_start3A_161 = arith.constant 0 : i32
        %dma_start3A_162 = tpu.memref_slice %arg4[%add3A_151, %dma_start3A_161] : memref<3344x96xi32, #tpu.memory_space<hbm>> -> memref<1x96xi32, #tpu.memory_space<hbm>>
        %dma_start3A_163 = tpu.memref_squeeze %dma_start3A_162 : memref<1x96xi32, #tpu.memory_space<hbm>> -> memref<96xi32, #tpu.memory_space<hbm>>
        tpu.enqueue_dma source(%dma_start3A_163 : memref<96xi32, #tpu.memory_space<hbm>>) target(%dma_start3A_160 : memref<96xi32, #tpu.memory_space<vmem>>) target_semaphore(%arg11 : memref<!tpu.dma_semaphore, #tpu.memory_space<semaphore_mem>>)
      } else {
      }
      %ge3A = arith.constant 2 : i32
      %ge3A_88 = arith.cmpi sge, %while3A_82, %ge3A : i32
      %convert_element_type3A_89 = arith.extui %ge3A_88 : i1 to i32
      %cond3A_90 = arith.constant 0 : i32
      %cond3A_91 = arith.cmpi ne, %convert_element_type3A_89, %cond3A_90 : i32
      scf.if %cond3A_91 {
        %sub3A_130 = arith.constant 2 : i32
        %sub3A_131 = arith.subi %while3A_82, %sub3A_130 : i32
        %rem3A_132 = arith.constant 3 : i32
        %rem3A_133 = arith.remsi %sub3A_131, %rem3A_132 : i32
        %rem3A_134 = arith.constant 8 : i32
        %rem3A_135 = arith.remsi %sub3A_131, %rem3A_134 : i32
        %dma_wait3A_136 = arith.constant 0 : i32
        %dma_wait3A_137 = arith.constant 0 : i32
        %dma_wait3A_138 = tpu.memref_slice %arg9[%rem3A_133, %dma_wait3A_136, %dma_wait3A_137] : memref<3x96x128xf32, #tpu.memory_space<vmem>> -> memref<1x96x128xf32, #tpu.memory_space<vmem>>
        %dma_wait3A_139 = tpu.memref_squeeze %dma_wait3A_138 : memref<1x96x128xf32, #tpu.memory_space<vmem>> -> memref<96x128xf32, #tpu.memory_space<vmem>>
        %dma_wait3A_140 = arith.constant 0 : i32
        %dma_wait3A_141 = tpu.memref_slice %arg8[%rem3A_135, %dma_wait3A_140] : memref<8x96xi32, #tpu.memory_space<vmem>> -> memref<1x96xi32, #tpu.memory_space<vmem>>
        %dma_wait3A_142 = tpu.memref_squeeze %dma_wait3A_141 : memref<1x96xi32, #tpu.memory_space<vmem>> -> memref<96xi32, #tpu.memory_space<vmem>>
        %dma_wait3A_143 = arith.constant 0 : i32
        %dma_wait3A_144 = arith.constant 0 : i32
        %dma_wait3A_145 = tpu.memref_slice %arg10[%dma_wait3A_143, %dma_wait3A_144] : memref<10112x128xf32, #tpu.memory_space<vmem_shared>> -> memref<10112x128xf32, #tpu.memory_space<vmem_shared>>
        %dma_wait3A_146 = tpu.memref_slice %arg13[%rem3A_133] : memref<3x!tpu.dma_semaphore, #tpu.memory_space<semaphore_mem>> -> memref<1x!tpu.dma_semaphore, #tpu.memory_space<semaphore_mem>>
        %dma_wait3A_147 = tpu.memref_squeeze %dma_wait3A_146 : memref<1x!tpu.dma_semaphore, #tpu.memory_space<semaphore_mem>> -> memref<!tpu.dma_semaphore, #tpu.memory_space<semaphore_mem>>
        tpu.wait_indirect_dma semaphore(%dma_wait3A_147 : memref<!tpu.dma_semaphore, #tpu.memory_space<semaphore_mem>>) src(%dma_wait3A_139 : memref<96x128xf32, #tpu.memory_space<vmem>>) dst(%dma_wait3A_145 : memref<10112x128xf32, #tpu.memory_space<vmem_shared>>)
      } else {
      }
      %rem3A_92 = arith.constant 8 : i32
      %rem3A_93 = arith.remsi %while3A_82, %rem3A_92 : i32
      %dma_wait3A_94 = arith.constant 0 : i32
      %dma_wait3A_95 = arith.constant 0 : i32
      %dma_wait3A_96 = tpu.memref_slice %arg9[%rem3A_84, %dma_wait3A_94, %dma_wait3A_95] : memref<3x96x128xf32, #tpu.memory_space<vmem>> -> memref<1x96x128xf32, #tpu.memory_space<vmem>>
      %dma_wait3A_97 = tpu.memref_squeeze %dma_wait3A_96 : memref<1x96x128xf32, #tpu.memory_space<vmem>> -> memref<96x128xf32, #tpu.memory_space<vmem>>
      %dma_wait3A_98 = arith.constant 0 : i32
      %dma_wait3A_99 = tpu.memref_slice %arg7[%rem3A_93, %dma_wait3A_98] : memref<8x96xi32, #tpu.memory_space<vmem>> -> memref<1x96xi32, #tpu.memory_space<vmem>>
      %dma_wait3A_100 = tpu.memref_squeeze %dma_wait3A_99 : memref<1x96xi32, #tpu.memory_space<vmem>> -> memref<96xi32, #tpu.memory_space<vmem>>
      %dma_wait3A_101 = arith.constant 0 : i32
      %dma_wait3A_102 = arith.constant 0 : i32
      %dma_wait3A_103 = tpu.memref_slice %arg2[%dma_wait3A_101, %dma_wait3A_102] : memref<10000x128xf32, #tpu.memory_space<hbm>> -> memref<10000x128xf32, #tpu.memory_space<hbm>>
      tpu.wait_indirect_dma semaphore(%arg12 : memref<!tpu.dma_semaphore, #tpu.memory_space<semaphore_mem>>) src(%dma_wait3A_103 : memref<10000x128xf32, #tpu.memory_space<hbm>>) dst(%dma_wait3A_97 : memref<96x128xf32, #tpu.memory_space<vmem>>)
      %add3A_104 = arith.constant 1 : i32
      %add3A_105 = arith.addi %while3A_82, %add3A_104 : i32
      %lt3A_106 = arith.cmpi slt, %add3A_105, %select_n3A_8 : i32
      %convert_element_type3A_107 = arith.extui %lt3A_106 : i1 to i32
      %cond3A_108 = arith.constant 0 : i32
      %cond3A_109 = arith.cmpi ne, %convert_element_type3A_107, %cond3A_108 : i32
      scf.if %cond3A_109 {
        %add3A_130 = arith.constant 1 : i32
        %add3A_131 = arith.addi %while3A_82, %add3A_130 : i32
        %rem3A_132 = arith.constant 8 : i32
        %rem3A_133 = arith.remsi %add3A_131, %rem3A_132 : i32
        %add3A_134 = arith.constant 1 : i32
        %add3A_135 = arith.addi %while3A_82, %add3A_134 : i32
        %rem3A_136 = arith.constant 3 : i32
        %rem3A_137 = arith.remsi %add3A_135, %rem3A_136 : i32
        %dma_start3A_138 = arith.constant 0 : i32
        %dma_start3A_139 = arith.constant 0 : i32
        %dma_start3A_140 = tpu.memref_slice %arg9[%rem3A_137, %dma_start3A_138, %dma_start3A_139] : memref<3x96x128xf32, #tpu.memory_space<vmem>> -> memref<1x96x128xf32, #tpu.memory_space<vmem>>
        %dma_start3A_141 = tpu.memref_squeeze %dma_start3A_140 : memref<1x96x128xf32, #tpu.memory_space<vmem>> -> memref<96x128xf32, #tpu.memory_space<vmem>>
        %dma_start3A_142 = arith.constant 0 : i32
        %dma_start3A_143 = tpu.memref_slice %arg7[%rem3A_133, %dma_start3A_142] : memref<8x96xi32, #tpu.memory_space<vmem>> -> memref<1x96xi32, #tpu.memory_space<vmem>>
        %dma_start3A_144 = tpu.memref_squeeze %dma_start3A_143 : memref<1x96xi32, #tpu.memory_space<vmem>> -> memref<96xi32, #tpu.memory_space<vmem>>
        %dma_start3A_145 = arith.constant 0 : i32
        %dma_start3A_146 = arith.constant 0 : i32
        %dma_start3A_147 = tpu.memref_slice %arg2[%dma_start3A_145, %dma_start3A_146] : memref<10000x128xf32, #tpu.memory_space<hbm>> -> memref<10000x128xf32, #tpu.memory_space<hbm>>
        tpu.enqueue_indirect_dma source(%dma_start3A_147 : memref<10000x128xf32, #tpu.memory_space<hbm>>) target(%dma_start3A_141 : memref<96x128xf32, #tpu.memory_space<vmem>>) offsets(%dma_start3A_144 : memref<96xi32, #tpu.memory_space<vmem>>) semaphore(%arg12 : memref<!tpu.dma_semaphore, #tpu.memory_space<semaphore_mem>>)
      } else {
      }
      %rem3A_110 = arith.constant 8 : i32
      %rem3A_111 = arith.remsi %while3A_82, %rem3A_110 : i32
      %dma_start3A_112 = arith.constant 0 : i32
      %dma_start3A_113 = arith.constant 0 : i32
      %dma_start3A_114 = tpu.memref_slice %arg9[%rem3A_84, %dma_start3A_112, %dma_start3A_113] : memref<3x96x128xf32, #tpu.memory_space<vmem>> -> memref<1x96x128xf32, #tpu.memory_space<vmem>>
      %dma_start3A_115 = tpu.memref_squeeze %dma_start3A_114 : memref<1x96x128xf32, #tpu.memory_space<vmem>> -> memref<96x128xf32, #tpu.memory_space<vmem>>
      %dma_start3A_116 = arith.constant 0 : i32
      %dma_start3A_117 = tpu.memref_slice %arg8[%rem3A_111, %dma_start3A_116] : memref<8x96xi32, #tpu.memory_space<vmem>> -> memref<1x96xi32, #tpu.memory_space<vmem>>
      %dma_start3A_118 = tpu.memref_squeeze %dma_start3A_117 : memref<1x96xi32, #tpu.memory_space<vmem>> -> memref<96xi32, #tpu.memory_space<vmem>>
      %dma_start3A_119 = arith.constant 0 : i32
      %dma_start3A_120 = arith.constant 0 : i32
      %dma_start3A_121 = tpu.memref_slice %arg10[%dma_start3A_119, %dma_start3A_120] : memref<10112x128xf32, #tpu.memory_space<vmem_shared>> -> memref<10112x128xf32, #tpu.memory_space<vmem_shared>>
      %dma_start3A_122 = tpu.memref_slice %arg13[%rem3A_84] : memref<3x!tpu.dma_semaphore, #tpu.memory_space<semaphore_mem>> -> memref<1x!tpu.dma_semaphore, #tpu.memory_space<semaphore_mem>>
      %dma_start3A_123 = tpu.memref_squeeze %dma_start3A_122 : memref<1x!tpu.dma_semaphore, #tpu.memory_space<semaphore_mem>> -> memref<!tpu.dma_semaphore, #tpu.memory_space<semaphore_mem>>
      tpu.enqueue_indirect_dma source(%dma_start3A_115 : memref<96x128xf32, #tpu.memory_space<vmem>>) target(%dma_start3A_121 : memref<10112x128xf32, #tpu.memory_space<vmem_shared>>) offsets(%dma_start3A_118 : memref<96xi32, #tpu.memory_space<vmem>>) semaphore(%dma_start3A_123 : memref<!tpu.dma_semaphore, #tpu.memory_space<semaphore_mem>>) {add = true}
      %add3A_124 = arith.constant 2 : i32
      %add3A_125 = arith.addi %while3A_82, %add3A_124 : i32
      %lt3A_126 = arith.cmpi slt, %add3A_125, %select_n3A_8 : i32
      %convert_element_type3A_127 = arith.extui %lt3A_126 : i1 to i32
      %cond3A_128 = arith.constant 0 : i32
      %cond3A_129 = arith.cmpi ne, %convert_element_type3A_127, %cond3A_128 : i32
      scf.if %cond3A_129 {
        %add3A_130 = arith.constant 2 : i32
        %add3A_131 = arith.addi %while3A_82, %add3A_130 : i32
        %rem3A_132 = arith.constant 8 : i32
        %rem3A_133 = arith.remsi %add3A_131, %rem3A_132 : i32
        %add3A_134 = arith.addi %select_n3A, %while3A_82 : i32
        %add3A_135 = arith.constant 2 : i32
        %add3A_136 = arith.addi %add3A_134, %add3A_135 : i32
        %dma_wait3A_137 = arith.constant 0 : i32
        %dma_wait3A_138 = tpu.memref_slice %arg7[%rem3A_133, %dma_wait3A_137] : memref<8x96xi32, #tpu.memory_space<vmem>> -> memref<1x96xi32, #tpu.memory_space<vmem>>
        %dma_wait3A_139 = tpu.memref_squeeze %dma_wait3A_138 : memref<1x96xi32, #tpu.memory_space<vmem>> -> memref<96xi32, #tpu.memory_space<vmem>>
        %dma_wait3A_140 = arith.constant 0 : i32
        %dma_wait3A_141 = tpu.memref_slice %arg3[%add3A_136, %dma_wait3A_140] : memref<3344x96xi32, #tpu.memory_space<hbm>> -> memref<1x96xi32, #tpu.memory_space<hbm>>
        %dma_wait3A_142 = tpu.memref_squeeze %dma_wait3A_141 : memref<1x96xi32, #tpu.memory_space<hbm>> -> memref<96xi32, #tpu.memory_space<hbm>>
        %dma_wait3A_143 = arith.constant 0 : i32
        %dma_wait3A_144 = tpu.memref_slice %arg7[%rem3A_133, %dma_wait3A_143] : memref<8x96xi32, #tpu.memory_space<vmem>> -> memref<1x96xi32, #tpu.memory_space<vmem>>
        %dma_wait3A_145 = tpu.memref_squeeze %dma_wait3A_144 : memref<1x96xi32, #tpu.memory_space<vmem>> -> memref<96xi32, #tpu.memory_space<vmem>>
        %dma_wait3A_146 = arith.constant 0 : i32
        %dma_wait3A_147 = tpu.memref_slice %arg3[%add3A_136, %dma_wait3A_146] : memref<3344x96xi32, #tpu.memory_space<hbm>> -> memref<1x96xi32, #tpu.memory_space<hbm>>
        %dma_wait3A_148 = tpu.memref_squeeze %dma_wait3A_147 : memref<1x96xi32, #tpu.memory_space<hbm>> -> memref<96xi32, #tpu.memory_space<hbm>>
        tpu.wait_dma2 semaphore(%arg11 : memref<!tpu.dma_semaphore, #tpu.memory_space<semaphore_mem>>) src(%dma_wait3A_148 : memref<96xi32, #tpu.memory_space<hbm>>) dst(%dma_wait3A_145 : memref<96xi32, #tpu.memory_space<vmem>>)
        %add3A_149 = arith.addi %select_n3A, %while3A_82 : i32
        %add3A_150 = arith.constant 2 : i32
        %add3A_151 = arith.addi %add3A_149, %add3A_150 : i32
        %dma_wait3A_152 = arith.constant 0 : i32
        %dma_wait3A_153 = tpu.memref_slice %arg8[%rem3A_133, %dma_wait3A_152] : memref<8x96xi32, #tpu.memory_space<vmem>> -> memref<1x96xi32, #tpu.memory_space<vmem>>
        %dma_wait3A_154 = tpu.memref_squeeze %dma_wait3A_153 : memref<1x96xi32, #tpu.memory_space<vmem>> -> memref<96xi32, #tpu.memory_space<vmem>>
        %dma_wait3A_155 = arith.constant 0 : i32
        %dma_wait3A_156 = tpu.memref_slice %arg4[%add3A_151, %dma_wait3A_155] : memref<3344x96xi32, #tpu.memory_space<hbm>> -> memref<1x96xi32, #tpu.memory_space<hbm>>
        %dma_wait3A_157 = tpu.memref_squeeze %dma_wait3A_156 : memref<1x96xi32, #tpu.memory_space<hbm>> -> memref<96xi32, #tpu.memory_space<hbm>>
        %dma_wait3A_158 = arith.constant 0 : i32
        %dma_wait3A_159 = tpu.memref_slice %arg8[%rem3A_133, %dma_wait3A_158] : memref<8x96xi32, #tpu.memory_space<vmem>> -> memref<1x96xi32, #tpu.memory_space<vmem>>
        %dma_wait3A_160 = tpu.memref_squeeze %dma_wait3A_159 : memref<1x96xi32, #tpu.memory_space<vmem>> -> memref<96xi32, #tpu.memory_space<vmem>>
        %dma_wait3A_161 = arith.constant 0 : i32
        %dma_wait3A_162 = tpu.memref_slice %arg4[%add3A_151, %dma_wait3A_161] : memref<3344x96xi32, #tpu.memory_space<hbm>> -> memref<1x96xi32, #tpu.memory_space<hbm>>
        %dma_wait3A_163 = tpu.memref_squeeze %dma_wait3A_162 : memref<1x96xi32, #tpu.memory_space<hbm>> -> memref<96xi32, #tpu.memory_space<hbm>>
        tpu.wait_dma2 semaphore(%arg11 : memref<!tpu.dma_semaphore, #tpu.memory_space<semaphore_mem>>) src(%dma_wait3A_163 : memref<96xi32, #tpu.memory_space<hbm>>) dst(%dma_wait3A_160 : memref<96xi32, #tpu.memory_space<vmem>>)
      } else {
      }
    }
    %sub3A = arith.constant 2 : i32
    %sub3A_40 = arith.subi %select_n3A_8, %sub3A : i32
    %rem3A = arith.constant 3 : i32
    %rem3A_41 = arith.remsi %sub3A_40, %rem3A : i32
    %rem3A_42 = arith.constant 8 : i32
    %rem3A_43 = arith.remsi %sub3A_40, %rem3A_42 : i32
    %rem3A_44 = arith.constant 3 : i32
    %rem3A_45 = arith.remsi %sub3A_40, %rem3A_44 : i32
    %dma_wait3A = arith.constant 0 : i32
    %dma_wait3A_46 = arith.constant 0 : i32
    %dma_wait3A_47 = tpu.memref_slice %arg9[%rem3A_41, %dma_wait3A, %dma_wait3A_46] : memref<3x96x128xf32, #tpu.memory_space<vmem>> -> memref<1x96x128xf32, #tpu.memory_space<vmem>>
    %dma_wait3A_48 = tpu.memref_squeeze %dma_wait3A_47 : memref<1x96x128xf32, #tpu.memory_space<vmem>> -> memref<96x128xf32, #tpu.memory_space<vmem>>
    %dma_wait3A_49 = arith.constant 0 : i32
    %dma_wait3A_50 = tpu.memref_slice %arg8[%rem3A_43, %dma_wait3A_49] : memref<8x96xi32, #tpu.memory_space<vmem>> -> memref<1x96xi32, #tpu.memory_space<vmem>>
    %dma_wait3A_51 = tpu.memref_squeeze %dma_wait3A_50 : memref<1x96xi32, #tpu.memory_space<vmem>> -> memref<96xi32, #tpu.memory_space<vmem>>
    %dma_wait3A_52 = arith.constant 0 : i32
    %dma_wait3A_53 = arith.constant 0 : i32
    %dma_wait3A_54 = tpu.memref_slice %arg10[%dma_wait3A_52, %dma_wait3A_53] : memref<10112x128xf32, #tpu.memory_space<vmem_shared>> -> memref<10112x128xf32, #tpu.memory_space<vmem_shared>>
    %dma_wait3A_55 = tpu.memref_slice %arg13[%rem3A_45] : memref<3x!tpu.dma_semaphore, #tpu.memory_space<semaphore_mem>> -> memref<1x!tpu.dma_semaphore, #tpu.memory_space<semaphore_mem>>
    %dma_wait3A_56 = tpu.memref_squeeze %dma_wait3A_55 : memref<1x!tpu.dma_semaphore, #tpu.memory_space<semaphore_mem>> -> memref<!tpu.dma_semaphore, #tpu.memory_space<semaphore_mem>>
    tpu.wait_indirect_dma semaphore(%dma_wait3A_56 : memref<!tpu.dma_semaphore, #tpu.memory_space<semaphore_mem>>) src(%dma_wait3A_48 : memref<96x128xf32, #tpu.memory_space<vmem>>) dst(%dma_wait3A_54 : memref<10112x128xf32, #tpu.memory_space<vmem_shared>>)
    %sub3A_57 = arith.constant 1 : i32
    %sub3A_58 = arith.subi %select_n3A_8, %sub3A_57 : i32
    %rem3A_59 = arith.constant 3 : i32
    %rem3A_60 = arith.remsi %sub3A_58, %rem3A_59 : i32
    %rem3A_61 = arith.constant 8 : i32
    %rem3A_62 = arith.remsi %sub3A_58, %rem3A_61 : i32
    %rem3A_63 = arith.constant 3 : i32
    %rem3A_64 = arith.remsi %sub3A_58, %rem3A_63 : i32
    %dma_wait3A_65 = arith.constant 0 : i32
    %dma_wait3A_66 = arith.constant 0 : i32
    %dma_wait3A_67 = tpu.memref_slice %arg9[%rem3A_60, %dma_wait3A_65, %dma_wait3A_66] : memref<3x96x128xf32, #tpu.memory_space<vmem>> -> memref<1x96x128xf32, #tpu.memory_space<vmem>>
    %dma_wait3A_68 = tpu.memref_squeeze %dma_wait3A_67 : memref<1x96x128xf32, #tpu.memory_space<vmem>> -> memref<96x128xf32, #tpu.memory_space<vmem>>
    %dma_wait3A_69 = arith.constant 0 : i32
    %dma_wait3A_70 = tpu.memref_slice %arg8[%rem3A_62, %dma_wait3A_69] : memref<8x96xi32, #tpu.memory_space<vmem>> -> memref<1x96xi32, #tpu.memory_space<vmem>>
    %dma_wait3A_71 = tpu.memref_squeeze %dma_wait3A_70 : memref<1x96xi32, #tpu.memory_space<vmem>> -> memref<96xi32, #tpu.memory_space<vmem>>
    %dma_wait3A_72 = arith.constant 0 : i32
    %dma_wait3A_73 = arith.constant 0 : i32
    %dma_wait3A_74 = tpu.memref_slice %arg10[%dma_wait3A_72, %dma_wait3A_73] : memref<10112x128xf32, #tpu.memory_space<vmem_shared>> -> memref<10112x128xf32, #tpu.memory_space<vmem_shared>>
    %dma_wait3A_75 = tpu.memref_slice %arg13[%rem3A_64] : memref<3x!tpu.dma_semaphore, #tpu.memory_space<semaphore_mem>> -> memref<1x!tpu.dma_semaphore, #tpu.memory_space<semaphore_mem>>
    %dma_wait3A_76 = tpu.memref_squeeze %dma_wait3A_75 : memref<1x!tpu.dma_semaphore, #tpu.memory_space<semaphore_mem>> -> memref<!tpu.dma_semaphore, #tpu.memory_space<semaphore_mem>>
    tpu.wait_indirect_dma semaphore(%dma_wait3A_76 : memref<!tpu.dma_semaphore, #tpu.memory_space<semaphore_mem>>) src(%dma_wait3A_68 : memref<96x128xf32, #tpu.memory_space<vmem>>) dst(%dma_wait3A_74 : memref<10112x128xf32, #tpu.memory_space<vmem_shared>>)
    %barrier3A_77 = arith.constant 0 : index
    tpu.barrier barrier_id(%barrier3A_77)
    %mul3A_78 = arith.constant 632 : i32
    %mul3A_79 = arith.muli %arg1, %mul3A_78 : i32
    %mul3A_80 = arith.constant 632 : i32
    %mul3A_81 = arith.muli %arg1, %mul3A_80 : i32
    "tpu.region"() ({
      %run_scoped3A_82 = tpu.sem_alloc : memref<!tpu.dma_semaphore, #tpu.memory_space<semaphore_mem>>
      %dma_start3A_83 = arith.constant 0 : i32
      %dma_start3A_84 = tpu.memref_slice %arg6[%arg0, %mul3A_81, %dma_start3A_83] : memref<2x10112x128xf32, #tpu.memory_space<hbm>> -> memref<1x632x128xf32, #tpu.memory_space<hbm>>
      %dma_start3A_85 = tpu.memref_squeeze %dma_start3A_84 : memref<1x632x128xf32, #tpu.memory_space<hbm>> -> memref<632x128xf32, #tpu.memory_space<hbm>>
      %dma_start3A_86 = arith.constant 0 : i32
      %dma_start3A_87 = tpu.memref_slice %arg10[%mul3A_79, %dma_start3A_86] : memref<10112x128xf32, #tpu.memory_space<vmem_shared>> -> memref<632x128xf32, #tpu.memory_space<vmem_shared>>
      tpu.enqueue_dma source(%dma_start3A_87 : memref<632x128xf32, #tpu.memory_space<vmem_shared>>) target(%dma_start3A_85 : memref<632x128xf32, #tpu.memory_space<hbm>>) target_semaphore(%run_scoped3A_82 : memref<!tpu.dma_semaphore, #tpu.memory_space<semaphore_mem>>)
      %dma_wait3A_88 = arith.constant 0 : i32
      %dma_wait3A_89 = tpu.memref_slice %arg6[%arg0, %mul3A_81, %dma_wait3A_88] : memref<2x10112x128xf32, #tpu.memory_space<hbm>> -> memref<1x632x128xf32, #tpu.memory_space<hbm>>
      %dma_wait3A_90 = tpu.memref_squeeze %dma_wait3A_89 : memref<1x632x128xf32, #tpu.memory_space<hbm>> -> memref<632x128xf32, #tpu.memory_space<hbm>>
      %dma_wait3A_91 = arith.constant 0 : i32
      %dma_wait3A_92 = tpu.memref_slice %arg10[%mul3A_79, %dma_wait3A_91] : memref<10112x128xf32, #tpu.memory_space<vmem_shared>> -> memref<632x128xf32, #tpu.memory_space<vmem_shared>>
      tpu.wait_dma2 semaphore(%run_scoped3A_82 : memref<!tpu.dma_semaphore, #tpu.memory_space<semaphore_mem>>) src(%dma_wait3A_92 : memref<632x128xf32, #tpu.memory_space<vmem_shared>>) dst(%dma_wait3A_90 : memref<632x128xf32, #tpu.memory_space<hbm>>)
      tpu.yield
    }) : () -> ()
    return
  }
}

#map = affine_map<(d0, d1) -> (0, 0)>
#map1 = affine_map<(d0, d1) -> (0, 0, 0)>
module attributes {stable_mosaic.version = 14 : i64} {
  func.func @_sc_aggregate_body(%arg0: i32, %arg1: i32, %arg2: memref<10000x128xf32, #tpu.memory_space<hbm>>, %arg3: memref<3344x96xi32, #tpu.memory_space<hbm>>, %arg4: memref<3344x96xi32, #tpu.memory_space<hbm>>, %arg5: memref<10112x128xf32, #tpu.memory_space<hbm>>, %arg6: memref<2x10112x128xf32, #tpu.memory_space<hbm>>, %arg7: memref<8x96xi32, #tpu.memory_space<vmem>>, %arg8: memref<8x96xi32, #tpu.memory_space<vmem>>, %arg9: memref<3x96x128xf32, #tpu.memory_space<vmem>>, %arg10: memref<10112x128xf32, #tpu.memory_space<vmem_shared>>, %arg11: memref<!tpu.dma_semaphore, #tpu.memory_space<semaphore_mem>>, %arg12: memref<!tpu.dma_semaphore, #tpu.memory_space<semaphore_mem>>, %arg13: memref<3x!tpu.dma_semaphore, #tpu.memory_space<semaphore_mem>>) attributes {dimension_semantics = [#tpu.dimension_semantics<core_parallel>, #tpu.dimension_semantics<subcore_parallel>], iteration_bounds = array<i64: 2, 16>, scalar_prefetch = 0 : i64, scratch_operands = 7 : i64, tpu.core_type = #tpu.core_type<sc_vector_subcore>, window_params = [{transform_indices = #map}, {transform_indices = #map}, {transform_indices = #map}, {transform_indices = #map}, {transform_indices = #map1}]} {
    %eq3A = arith.constant 0 : i32
    %eq3A_0 = arith.cmpi eq, %arg0, %eq3A : i32
    %mul3A = arith.constant 109 : i32
    %mul3A_1 = arith.muli %arg1, %mul3A : i32
    %mul3A_2 = arith.constant 100 : i32
    %mul3A_3 = arith.muli %arg1, %mul3A_2 : i32
    %add3A = arith.constant 1744 : i32
    %add3A_4 = arith.addi %add3A, %mul3A_3 : i32
    %select_n3A = arith.select %eq3A_0, %mul3A_1, %add3A_4 : i32
    %eq3A_5 = arith.constant 0 : i32
    %eq3A_6 = arith.cmpi eq, %arg0, %eq3A_5 : i32
    %jit3A = arith.constant 109 : i32
    %jit3A_7 = arith.constant 100 : i32
    %select_n3A_8 = arith.select %eq3A_6, %jit3A, %jit3A_7 : i32
    %mul3A_9 = arith.constant 632 : i32
    %mul3A_10 = arith.muli %arg1, %mul3A_9 : i32
    %mul3A_11 = arith.constant 632 : i32
    %mul3A_12 = arith.muli %arg1, %mul3A_11 : i32
    "tpu.region"() ({
      %run_scoped3A_82 = tpu.sem_alloc : memref<!tpu.dma_semaphore, #tpu.memory_space<semaphore_mem>>
      %dma_start3A_83 = arith.constant 0 : i32
      %dma_start3A_84 = tpu.memref_slice %arg10[%mul3A_12, %dma_start3A_83] : memref<10112x128xf32, #tpu.memory_space<vmem_shared>> -> memref<632x128xf32, #tpu.memory_space<vmem_shared>>
      %dma_start3A_85 = arith.constant 0 : i32
      %dma_start3A_86 = tpu.memref_slice %arg5[%mul3A_10, %dma_start3A_85] : memref<10112x128xf32, #tpu.memory_space<hbm>> -> memref<632x128xf32, #tpu.memory_space<hbm>>
      tpu.enqueue_dma source(%dma_start3A_86 : memref<632x128xf32, #tpu.memory_space<hbm>>) target(%dma_start3A_84 : memref<632x128xf32, #tpu.memory_space<vmem_shared>>) target_semaphore(%run_scoped3A_82 : memref<!tpu.dma_semaphore, #tpu.memory_space<semaphore_mem>>)
      %dma_wait3A_87 = arith.constant 0 : i32
      %dma_wait3A_88 = tpu.memref_slice %arg10[%mul3A_12, %dma_wait3A_87] : memref<10112x128xf32, #tpu.memory_space<vmem_shared>> -> memref<632x128xf32, #tpu.memory_space<vmem_shared>>
      %dma_wait3A_89 = arith.constant 0 : i32
      %dma_wait3A_90 = tpu.memref_slice %arg5[%mul3A_10, %dma_wait3A_89] : memref<10112x128xf32, #tpu.memory_space<hbm>> -> memref<632x128xf32, #tpu.memory_space<hbm>>
      tpu.wait_dma2 semaphore(%run_scoped3A_82 : memref<!tpu.dma_semaphore, #tpu.memory_space<semaphore_mem>>) src(%dma_wait3A_90 : memref<632x128xf32, #tpu.memory_space<hbm>>) dst(%dma_wait3A_88 : memref<632x128xf32, #tpu.memory_space<vmem_shared>>)
      tpu.yield
    }) : () -> ()
    %run_scoped3A = arith.constant 0 : i32
    "tpu.region"() ({
      %run_scoped3A_82 = tpu.sem_alloc : memref<!tpu.dma_semaphore, #tpu.memory_space<semaphore_mem>>
      %dma_start3A_83 = arith.constant 0 : i32
      %dma_start3A_84 = tpu.memref_slice %arg7[%run_scoped3A, %dma_start3A_83] : memref<8x96xi32, #tpu.memory_space<vmem>> -> memref<1x96xi32, #tpu.memory_space<vmem>>
      %dma_start3A_85 = tpu.memref_squeeze %dma_start3A_84 : memref<1x96xi32, #tpu.memory_space<vmem>> -> memref<96xi32, #tpu.memory_space<vmem>>
      %dma_start3A_86 = arith.constant 0 : i32
      %dma_start3A_87 = tpu.memref_slice %arg3[%select_n3A, %dma_start3A_86] : memref<3344x96xi32, #tpu.memory_space<hbm>> -> memref<1x96xi32, #tpu.memory_space<hbm>>
      %dma_start3A_88 = tpu.memref_squeeze %dma_start3A_87 : memref<1x96xi32, #tpu.memory_space<hbm>> -> memref<96xi32, #tpu.memory_space<hbm>>
      %dma_start3A_89 = arith.constant 0 : i32
      %dma_start3A_90 = tpu.memref_slice %arg7[%run_scoped3A, %dma_start3A_89] : memref<8x96xi32, #tpu.memory_space<vmem>> -> memref<1x96xi32, #tpu.memory_space<vmem>>
      %dma_start3A_91 = tpu.memref_squeeze %dma_start3A_90 : memref<1x96xi32, #tpu.memory_space<vmem>> -> memref<96xi32, #tpu.memory_space<vmem>>
      %dma_start3A_92 = arith.constant 0 : i32
      %dma_start3A_93 = tpu.memref_slice %arg3[%select_n3A, %dma_start3A_92] : memref<3344x96xi32, #tpu.memory_space<hbm>> -> memref<1x96xi32, #tpu.memory_space<hbm>>
      %dma_start3A_94 = tpu.memref_squeeze %dma_start3A_93 : memref<1x96xi32, #tpu.memory_space<hbm>> -> memref<96xi32, #tpu.memory_space<hbm>>
      tpu.enqueue_dma source(%dma_start3A_94 : memref<96xi32, #tpu.memory_space<hbm>>) target(%dma_start3A_91 : memref<96xi32, #tpu.memory_space<vmem>>) target_semaphore(%run_scoped3A_82 : memref<!tpu.dma_semaphore, #tpu.memory_space<semaphore_mem>>)
      %dma_wait3A_95 = arith.constant 0 : i32
      %dma_wait3A_96 = tpu.memref_slice %arg7[%run_scoped3A, %dma_wait3A_95] : memref<8x96xi32, #tpu.memory_space<vmem>> -> memref<1x96xi32, #tpu.memory_space<vmem>>
      %dma_wait3A_97 = tpu.memref_squeeze %dma_wait3A_96 : memref<1x96xi32, #tpu.memory_space<vmem>> -> memref<96xi32, #tpu.memory_space<vmem>>
      %dma_wait3A_98 = arith.constant 0 : i32
      %dma_wait3A_99 = tpu.memref_slice %arg3[%select_n3A, %dma_wait3A_98] : memref<3344x96xi32, #tpu.memory_space<hbm>> -> memref<1x96xi32, #tpu.memory_space<hbm>>
      %dma_wait3A_100 = tpu.memref_squeeze %dma_wait3A_99 : memref<1x96xi32, #tpu.memory_space<hbm>> -> memref<96xi32, #tpu.memory_space<hbm>>
      %dma_wait3A_101 = arith.constant 0 : i32
      %dma_wait3A_102 = tpu.memref_slice %arg7[%run_scoped3A, %dma_wait3A_101] : memref<8x96xi32, #tpu.memory_space<vmem>> -> memref<1x96xi32, #tpu.memory_space<vmem>>
      %dma_wait3A_103 = tpu.memref_squeeze %dma_wait3A_102 : memref<1x96xi32, #tpu.memory_space<vmem>> -> memref<96xi32, #tpu.memory_space<vmem>>
      %dma_wait3A_104 = arith.constant 0 : i32
      %dma_wait3A_105 = tpu.memref_slice %arg3[%select_n3A, %dma_wait3A_104] : memref<3344x96xi32, #tpu.memory_space<hbm>> -> memref<1x96xi32, #tpu.memory_space<hbm>>
      %dma_wait3A_106 = tpu.memref_squeeze %dma_wait3A_105 : memref<1x96xi32, #tpu.memory_space<hbm>> -> memref<96xi32, #tpu.memory_space<hbm>>
      tpu.wait_dma2 semaphore(%run_scoped3A_82 : memref<!tpu.dma_semaphore, #tpu.memory_space<semaphore_mem>>) src(%dma_wait3A_106 : memref<96xi32, #tpu.memory_space<hbm>>) dst(%dma_wait3A_103 : memref<96xi32, #tpu.memory_space<vmem>>)
      tpu.yield
    }) : () -> ()
    %run_scoped3A_13 = arith.constant 0 : i32
    "tpu.region"() ({
      %run_scoped3A_82 = tpu.sem_alloc : memref<!tpu.dma_semaphore, #tpu.memory_space<semaphore_mem>>
      %dma_start3A_83 = arith.constant 0 : i32
      %dma_start3A_84 = tpu.memref_slice %arg8[%run_scoped3A_13, %dma_start3A_83] : memref<8x96xi32, #tpu.memory_space<vmem>> -> memref<1x96xi32, #tpu.memory_space<vmem>>
      %dma_start3A_85 = tpu.memref_squeeze %dma_start3A_84 : memref<1x96xi32, #tpu.memory_space<vmem>> -> memref<96xi32, #tpu.memory_space<vmem>>
      %dma_start3A_86 = arith.constant 0 : i32
      %dma_start3A_87 = tpu.memref_slice %arg4[%select_n3A, %dma_start3A_86] : memref<3344x96xi32, #tpu.memory_space<hbm>> -> memref<1x96xi32, #tpu.memory_space<hbm>>
      %dma_start3A_88 = tpu.memref_squeeze %dma_start3A_87 : memref<1x96xi32, #tpu.memory_space<hbm>> -> memref<96xi32, #tpu.memory_space<hbm>>
      %dma_start3A_89 = arith.constant 0 : i32
      %dma_start3A_90 = tpu.memref_slice %arg8[%run_scoped3A_13, %dma_start3A_89] : memref<8x96xi32, #tpu.memory_space<vmem>> -> memref<1x96xi32, #tpu.memory_space<vmem>>
      %dma_start3A_91 = tpu.memref_squeeze %dma_start3A_90 : memref<1x96xi32, #tpu.memory_space<vmem>> -> memref<96xi32, #tpu.memory_space<vmem>>
      %dma_start3A_92 = arith.constant 0 : i32
      %dma_start3A_93 = tpu.memref_slice %arg4[%select_n3A, %dma_start3A_92] : memref<3344x96xi32, #tpu.memory_space<hbm>> -> memref<1x96xi32, #tpu.memory_space<hbm>>
      %dma_start3A_94 = tpu.memref_squeeze %dma_start3A_93 : memref<1x96xi32, #tpu.memory_space<hbm>> -> memref<96xi32, #tpu.memory_space<hbm>>
      tpu.enqueue_dma source(%dma_start3A_94 : memref<96xi32, #tpu.memory_space<hbm>>) target(%dma_start3A_91 : memref<96xi32, #tpu.memory_space<vmem>>) target_semaphore(%run_scoped3A_82 : memref<!tpu.dma_semaphore, #tpu.memory_space<semaphore_mem>>)
      %dma_wait3A_95 = arith.constant 0 : i32
      %dma_wait3A_96 = tpu.memref_slice %arg8[%run_scoped3A_13, %dma_wait3A_95] : memref<8x96xi32, #tpu.memory_space<vmem>> -> memref<1x96xi32, #tpu.memory_space<vmem>>
      %dma_wait3A_97 = tpu.memref_squeeze %dma_wait3A_96 : memref<1x96xi32, #tpu.memory_space<vmem>> -> memref<96xi32, #tpu.memory_space<vmem>>
      %dma_wait3A_98 = arith.constant 0 : i32
      %dma_wait3A_99 = tpu.memref_slice %arg4[%select_n3A, %dma_wait3A_98] : memref<3344x96xi32, #tpu.memory_space<hbm>> -> memref<1x96xi32, #tpu.memory_space<hbm>>
      %dma_wait3A_100 = tpu.memref_squeeze %dma_wait3A_99 : memref<1x96xi32, #tpu.memory_space<hbm>> -> memref<96xi32, #tpu.memory_space<hbm>>
      %dma_wait3A_101 = arith.constant 0 : i32
      %dma_wait3A_102 = tpu.memref_slice %arg8[%run_scoped3A_13, %dma_wait3A_101] : memref<8x96xi32, #tpu.memory_space<vmem>> -> memref<1x96xi32, #tpu.memory_space<vmem>>
      %dma_wait3A_103 = tpu.memref_squeeze %dma_wait3A_102 : memref<1x96xi32, #tpu.memory_space<vmem>> -> memref<96xi32, #tpu.memory_space<vmem>>
      %dma_wait3A_104 = arith.constant 0 : i32
      %dma_wait3A_105 = tpu.memref_slice %arg4[%select_n3A, %dma_wait3A_104] : memref<3344x96xi32, #tpu.memory_space<hbm>> -> memref<1x96xi32, #tpu.memory_space<hbm>>
      %dma_wait3A_106 = tpu.memref_squeeze %dma_wait3A_105 : memref<1x96xi32, #tpu.memory_space<hbm>> -> memref<96xi32, #tpu.memory_space<hbm>>
      tpu.wait_dma2 semaphore(%run_scoped3A_82 : memref<!tpu.dma_semaphore, #tpu.memory_space<semaphore_mem>>) src(%dma_wait3A_106 : memref<96xi32, #tpu.memory_space<hbm>>) dst(%dma_wait3A_103 : memref<96xi32, #tpu.memory_space<vmem>>)
      tpu.yield
    }) : () -> ()
    %add3A_14 = arith.constant 1 : i32
    %add3A_15 = arith.addi %select_n3A, %add3A_14 : i32
    %run_scoped3A_16 = arith.constant 1 : i32
    "tpu.region"() ({
      %run_scoped3A_82 = tpu.sem_alloc : memref<!tpu.dma_semaphore, #tpu.memory_space<semaphore_mem>>
      %dma_start3A_83 = arith.constant 0 : i32
      %dma_start3A_84 = tpu.memref_slice %arg7[%run_scoped3A_16, %dma_start3A_83] : memref<8x96xi32, #tpu.memory_space<vmem>> -> memref<1x96xi32, #tpu.memory_space<vmem>>
      %dma_start3A_85 = tpu.memref_squeeze %dma_start3A_84 : memref<1x96xi32, #tpu.memory_space<vmem>> -> memref<96xi32, #tpu.memory_space<vmem>>
      %dma_start3A_86 = arith.constant 0 : i32
      %dma_start3A_87 = tpu.memref_slice %arg3[%add3A_15, %dma_start3A_86] : memref<3344x96xi32, #tpu.memory_space<hbm>> -> memref<1x96xi32, #tpu.memory_space<hbm>>
      %dma_start3A_88 = tpu.memref_squeeze %dma_start3A_87 : memref<1x96xi32, #tpu.memory_space<hbm>> -> memref<96xi32, #tpu.memory_space<hbm>>
      %dma_start3A_89 = arith.constant 0 : i32
      %dma_start3A_90 = tpu.memref_slice %arg7[%run_scoped3A_16, %dma_start3A_89] : memref<8x96xi32, #tpu.memory_space<vmem>> -> memref<1x96xi32, #tpu.memory_space<vmem>>
      %dma_start3A_91 = tpu.memref_squeeze %dma_start3A_90 : memref<1x96xi32, #tpu.memory_space<vmem>> -> memref<96xi32, #tpu.memory_space<vmem>>
      %dma_start3A_92 = arith.constant 0 : i32
      %dma_start3A_93 = tpu.memref_slice %arg3[%add3A_15, %dma_start3A_92] : memref<3344x96xi32, #tpu.memory_space<hbm>> -> memref<1x96xi32, #tpu.memory_space<hbm>>
      %dma_start3A_94 = tpu.memref_squeeze %dma_start3A_93 : memref<1x96xi32, #tpu.memory_space<hbm>> -> memref<96xi32, #tpu.memory_space<hbm>>
      tpu.enqueue_dma source(%dma_start3A_94 : memref<96xi32, #tpu.memory_space<hbm>>) target(%dma_start3A_91 : memref<96xi32, #tpu.memory_space<vmem>>) target_semaphore(%run_scoped3A_82 : memref<!tpu.dma_semaphore, #tpu.memory_space<semaphore_mem>>)
      %dma_wait3A_95 = arith.constant 0 : i32
      %dma_wait3A_96 = tpu.memref_slice %arg7[%run_scoped3A_16, %dma_wait3A_95] : memref<8x96xi32, #tpu.memory_space<vmem>> -> memref<1x96xi32, #tpu.memory_space<vmem>>
      %dma_wait3A_97 = tpu.memref_squeeze %dma_wait3A_96 : memref<1x96xi32, #tpu.memory_space<vmem>> -> memref<96xi32, #tpu.memory_space<vmem>>
      %dma_wait3A_98 = arith.constant 0 : i32
      %dma_wait3A_99 = tpu.memref_slice %arg3[%add3A_15, %dma_wait3A_98] : memref<3344x96xi32, #tpu.memory_space<hbm>> -> memref<1x96xi32, #tpu.memory_space<hbm>>
      %dma_wait3A_100 = tpu.memref_squeeze %dma_wait3A_99 : memref<1x96xi32, #tpu.memory_space<hbm>> -> memref<96xi32, #tpu.memory_space<hbm>>
      %dma_wait3A_101 = arith.constant 0 : i32
      %dma_wait3A_102 = tpu.memref_slice %arg7[%run_scoped3A_16, %dma_wait3A_101] : memref<8x96xi32, #tpu.memory_space<vmem>> -> memref<1x96xi32, #tpu.memory_space<vmem>>
      %dma_wait3A_103 = tpu.memref_squeeze %dma_wait3A_102 : memref<1x96xi32, #tpu.memory_space<vmem>> -> memref<96xi32, #tpu.memory_space<vmem>>
      %dma_wait3A_104 = arith.constant 0 : i32
      %dma_wait3A_105 = tpu.memref_slice %arg3[%add3A_15, %dma_wait3A_104] : memref<3344x96xi32, #tpu.memory_space<hbm>> -> memref<1x96xi32, #tpu.memory_space<hbm>>
      %dma_wait3A_106 = tpu.memref_squeeze %dma_wait3A_105 : memref<1x96xi32, #tpu.memory_space<hbm>> -> memref<96xi32, #tpu.memory_space<hbm>>
      tpu.wait_dma2 semaphore(%run_scoped3A_82 : memref<!tpu.dma_semaphore, #tpu.memory_space<semaphore_mem>>) src(%dma_wait3A_106 : memref<96xi32, #tpu.memory_space<hbm>>) dst(%dma_wait3A_103 : memref<96xi32, #tpu.memory_space<vmem>>)
      tpu.yield
    }) : () -> ()
    %add3A_17 = arith.constant 1 : i32
    %add3A_18 = arith.addi %select_n3A, %add3A_17 : i32
    %run_scoped3A_19 = arith.constant 1 : i32
    "tpu.region"() ({
      %run_scoped3A_82 = tpu.sem_alloc : memref<!tpu.dma_semaphore, #tpu.memory_space<semaphore_mem>>
      %dma_start3A_83 = arith.constant 0 : i32
      %dma_start3A_84 = tpu.memref_slice %arg8[%run_scoped3A_19, %dma_start3A_83] : memref<8x96xi32, #tpu.memory_space<vmem>> -> memref<1x96xi32, #tpu.memory_space<vmem>>
      %dma_start3A_85 = tpu.memref_squeeze %dma_start3A_84 : memref<1x96xi32, #tpu.memory_space<vmem>> -> memref<96xi32, #tpu.memory_space<vmem>>
      %dma_start3A_86 = arith.constant 0 : i32
      %dma_start3A_87 = tpu.memref_slice %arg4[%add3A_18, %dma_start3A_86] : memref<3344x96xi32, #tpu.memory_space<hbm>> -> memref<1x96xi32, #tpu.memory_space<hbm>>
      %dma_start3A_88 = tpu.memref_squeeze %dma_start3A_87 : memref<1x96xi32, #tpu.memory_space<hbm>> -> memref<96xi32, #tpu.memory_space<hbm>>
      %dma_start3A_89 = arith.constant 0 : i32
      %dma_start3A_90 = tpu.memref_slice %arg8[%run_scoped3A_19, %dma_start3A_89] : memref<8x96xi32, #tpu.memory_space<vmem>> -> memref<1x96xi32, #tpu.memory_space<vmem>>
      %dma_start3A_91 = tpu.memref_squeeze %dma_start3A_90 : memref<1x96xi32, #tpu.memory_space<vmem>> -> memref<96xi32, #tpu.memory_space<vmem>>
      %dma_start3A_92 = arith.constant 0 : i32
      %dma_start3A_93 = tpu.memref_slice %arg4[%add3A_18, %dma_start3A_92] : memref<3344x96xi32, #tpu.memory_space<hbm>> -> memref<1x96xi32, #tpu.memory_space<hbm>>
      %dma_start3A_94 = tpu.memref_squeeze %dma_start3A_93 : memref<1x96xi32, #tpu.memory_space<hbm>> -> memref<96xi32, #tpu.memory_space<hbm>>
      tpu.enqueue_dma source(%dma_start3A_94 : memref<96xi32, #tpu.memory_space<hbm>>) target(%dma_start3A_91 : memref<96xi32, #tpu.memory_space<vmem>>) target_semaphore(%run_scoped3A_82 : memref<!tpu.dma_semaphore, #tpu.memory_space<semaphore_mem>>)
      %dma_wait3A_95 = arith.constant 0 : i32
      %dma_wait3A_96 = tpu.memref_slice %arg8[%run_scoped3A_19, %dma_wait3A_95] : memref<8x96xi32, #tpu.memory_space<vmem>> -> memref<1x96xi32, #tpu.memory_space<vmem>>
      %dma_wait3A_97 = tpu.memref_squeeze %dma_wait3A_96 : memref<1x96xi32, #tpu.memory_space<vmem>> -> memref<96xi32, #tpu.memory_space<vmem>>
      %dma_wait3A_98 = arith.constant 0 : i32
      %dma_wait3A_99 = tpu.memref_slice %arg4[%add3A_18, %dma_wait3A_98] : memref<3344x96xi32, #tpu.memory_space<hbm>> -> memref<1x96xi32, #tpu.memory_space<hbm>>
      %dma_wait3A_100 = tpu.memref_squeeze %dma_wait3A_99 : memref<1x96xi32, #tpu.memory_space<hbm>> -> memref<96xi32, #tpu.memory_space<hbm>>
      %dma_wait3A_101 = arith.constant 0 : i32
      %dma_wait3A_102 = tpu.memref_slice %arg8[%run_scoped3A_19, %dma_wait3A_101] : memref<8x96xi32, #tpu.memory_space<vmem>> -> memref<1x96xi32, #tpu.memory_space<vmem>>
      %dma_wait3A_103 = tpu.memref_squeeze %dma_wait3A_102 : memref<1x96xi32, #tpu.memory_space<vmem>> -> memref<96xi32, #tpu.memory_space<vmem>>
      %dma_wait3A_104 = arith.constant 0 : i32
      %dma_wait3A_105 = tpu.memref_slice %arg4[%add3A_18, %dma_wait3A_104] : memref<3344x96xi32, #tpu.memory_space<hbm>> -> memref<1x96xi32, #tpu.memory_space<hbm>>
      %dma_wait3A_106 = tpu.memref_squeeze %dma_wait3A_105 : memref<1x96xi32, #tpu.memory_space<hbm>> -> memref<96xi32, #tpu.memory_space<hbm>>
      tpu.wait_dma2 semaphore(%run_scoped3A_82 : memref<!tpu.dma_semaphore, #tpu.memory_space<semaphore_mem>>) src(%dma_wait3A_106 : memref<96xi32, #tpu.memory_space<hbm>>) dst(%dma_wait3A_103 : memref<96xi32, #tpu.memory_space<vmem>>)
      tpu.yield
    }) : () -> ()
    %barrier3A = arith.constant 0 : index
    tpu.barrier barrier_id(%barrier3A)
    %dma_start3A = arith.constant 0 : i32
    %dma_start3A_20 = arith.constant 0 : i32
    %dma_start3A_21 = arith.constant 0 : i32
    %dma_start3A_22 = arith.constant 0 : i32
    %dma_start3A_23 = tpu.memref_slice %arg9[%dma_start3A_20, %dma_start3A_21, %dma_start3A_22] : memref<3x96x128xf32, #tpu.memory_space<vmem>> -> memref<1x96x128xf32, #tpu.memory_space<vmem>>
    %dma_start3A_24 = tpu.memref_squeeze %dma_start3A_23 : memref<1x96x128xf32, #tpu.memory_space<vmem>> -> memref<96x128xf32, #tpu.memory_space<vmem>>
    %dma_start3A_25 = arith.constant 0 : i32
    %dma_start3A_26 = tpu.memref_slice %arg7[%dma_start3A, %dma_start3A_25] : memref<8x96xi32, #tpu.memory_space<vmem>> -> memref<1x96xi32, #tpu.memory_space<vmem>>
    %dma_start3A_27 = tpu.memref_squeeze %dma_start3A_26 : memref<1x96xi32, #tpu.memory_space<vmem>> -> memref<96xi32, #tpu.memory_space<vmem>>
    %dma_start3A_28 = arith.constant 0 : i32
    %dma_start3A_29 = arith.constant 0 : i32
    %dma_start3A_30 = tpu.memref_slice %arg2[%dma_start3A_28, %dma_start3A_29] : memref<10000x128xf32, #tpu.memory_space<hbm>> -> memref<10000x128xf32, #tpu.memory_space<hbm>>
    tpu.enqueue_indirect_dma source(%dma_start3A_30 : memref<10000x128xf32, #tpu.memory_space<hbm>>) target(%dma_start3A_24 : memref<96x128xf32, #tpu.memory_space<vmem>>) offsets(%dma_start3A_27 : memref<96xi32, #tpu.memory_space<vmem>>) semaphore(%arg12 : memref<!tpu.dma_semaphore, #tpu.memory_space<semaphore_mem>>)
    %while3A = arith.constant 0 : i32
    %while3A_31 = arith.constant 0 : i32
    %while3A_32 = arith.subi %select_n3A_8, %while3A_31 : i32
    %while3A_33 = arith.addi %while3A_31, %while3A_32 : i32
    %while3A_34 = arith.constant 1 : i32
    %while3A_35 = arith.divsi %while3A_32, %while3A_34 : i32
    %while3A_36 = arith.muli %while3A_35, %while3A_34 : i32
    %while3A_37 = arith.addi %while3A_31, %while3A_36 : i32
    %while3A_38 = arith.constant 1 : i32
    scf.for %while3A_82 = %while3A_31 to %while3A_37 step %while3A_38  : i32 {
      %rem3A_83 = arith.constant 3 : i32
      %rem3A_84 = arith.remsi %while3A_82, %rem3A_83 : i32
      %add3A_85 = arith.constant 2 : i32
      %add3A_86 = arith.addi %while3A_82, %add3A_85 : i32
      %lt3A = arith.cmpi slt, %add3A_86, %select_n3A_8 : i32
      %convert_element_type3A = arith.extui %lt3A : i1 to i32
      %cond3A = arith.constant 0 : i32
      %cond3A_87 = arith.cmpi ne, %convert_element_type3A, %cond3A : i32
      scf.if %cond3A_87 {
        %add3A_130 = arith.constant 2 : i32
        %add3A_131 = arith.addi %while3A_82, %add3A_130 : i32
        %rem3A_132 = arith.constant 8 : i32
        %rem3A_133 = arith.remsi %add3A_131, %rem3A_132 : i32
        %add3A_134 = arith.addi %select_n3A, %while3A_82 : i32
        %add3A_135 = arith.constant 2 : i32
        %add3A_136 = arith.addi %add3A_134, %add3A_135 : i32
        %dma_start3A_137 = arith.constant 0 : i32
        %dma_start3A_138 = tpu.memref_slice %arg7[%rem3A_133, %dma_start3A_137] : memref<8x96xi32, #tpu.memory_space<vmem>> -> memref<1x96xi32, #tpu.memory_space<vmem>>
        %dma_start3A_139 = tpu.memref_squeeze %dma_start3A_138 : memref<1x96xi32, #tpu.memory_space<vmem>> -> memref<96xi32, #tpu.memory_space<vmem>>
        %dma_start3A_140 = arith.constant 0 : i32
        %dma_start3A_141 = tpu.memref_slice %arg3[%add3A_136, %dma_start3A_140] : memref<3344x96xi32, #tpu.memory_space<hbm>> -> memref<1x96xi32, #tpu.memory_space<hbm>>
        %dma_start3A_142 = tpu.memref_squeeze %dma_start3A_141 : memref<1x96xi32, #tpu.memory_space<hbm>> -> memref<96xi32, #tpu.memory_space<hbm>>
        %dma_start3A_143 = arith.constant 0 : i32
        %dma_start3A_144 = tpu.memref_slice %arg7[%rem3A_133, %dma_start3A_143] : memref<8x96xi32, #tpu.memory_space<vmem>> -> memref<1x96xi32, #tpu.memory_space<vmem>>
        %dma_start3A_145 = tpu.memref_squeeze %dma_start3A_144 : memref<1x96xi32, #tpu.memory_space<vmem>> -> memref<96xi32, #tpu.memory_space<vmem>>
        %dma_start3A_146 = arith.constant 0 : i32
        %dma_start3A_147 = tpu.memref_slice %arg3[%add3A_136, %dma_start3A_146] : memref<3344x96xi32, #tpu.memory_space<hbm>> -> memref<1x96xi32, #tpu.memory_space<hbm>>
        %dma_start3A_148 = tpu.memref_squeeze %dma_start3A_147 : memref<1x96xi32, #tpu.memory_space<hbm>> -> memref<96xi32, #tpu.memory_space<hbm>>
        tpu.enqueue_dma source(%dma_start3A_148 : memref<96xi32, #tpu.memory_space<hbm>>) target(%dma_start3A_145 : memref<96xi32, #tpu.memory_space<vmem>>) target_semaphore(%arg11 : memref<!tpu.dma_semaphore, #tpu.memory_space<semaphore_mem>>)
        %add3A_149 = arith.addi %select_n3A, %while3A_82 : i32
        %add3A_150 = arith.constant 2 : i32
        %add3A_151 = arith.addi %add3A_149, %add3A_150 : i32
        %dma_start3A_152 = arith.constant 0 : i32
        %dma_start3A_153 = tpu.memref_slice %arg8[%rem3A_133, %dma_start3A_152] : memref<8x96xi32, #tpu.memory_space<vmem>> -> memref<1x96xi32, #tpu.memory_space<vmem>>
        %dma_start3A_154 = tpu.memref_squeeze %dma_start3A_153 : memref<1x96xi32, #tpu.memory_space<vmem>> -> memref<96xi32, #tpu.memory_space<vmem>>
        %dma_start3A_155 = arith.constant 0 : i32
        %dma_start3A_156 = tpu.memref_slice %arg4[%add3A_151, %dma_start3A_155] : memref<3344x96xi32, #tpu.memory_space<hbm>> -> memref<1x96xi32, #tpu.memory_space<hbm>>
        %dma_start3A_157 = tpu.memref_squeeze %dma_start3A_156 : memref<1x96xi32, #tpu.memory_space<hbm>> -> memref<96xi32, #tpu.memory_space<hbm>>
        %dma_start3A_158 = arith.constant 0 : i32
        %dma_start3A_159 = tpu.memref_slice %arg8[%rem3A_133, %dma_start3A_158] : memref<8x96xi32, #tpu.memory_space<vmem>> -> memref<1x96xi32, #tpu.memory_space<vmem>>
        %dma_start3A_160 = tpu.memref_squeeze %dma_start3A_159 : memref<1x96xi32, #tpu.memory_space<vmem>> -> memref<96xi32, #tpu.memory_space<vmem>>
        %dma_start3A_161 = arith.constant 0 : i32
        %dma_start3A_162 = tpu.memref_slice %arg4[%add3A_151, %dma_start3A_161] : memref<3344x96xi32, #tpu.memory_space<hbm>> -> memref<1x96xi32, #tpu.memory_space<hbm>>
        %dma_start3A_163 = tpu.memref_squeeze %dma_start3A_162 : memref<1x96xi32, #tpu.memory_space<hbm>> -> memref<96xi32, #tpu.memory_space<hbm>>
        tpu.enqueue_dma source(%dma_start3A_163 : memref<96xi32, #tpu.memory_space<hbm>>) target(%dma_start3A_160 : memref<96xi32, #tpu.memory_space<vmem>>) target_semaphore(%arg11 : memref<!tpu.dma_semaphore, #tpu.memory_space<semaphore_mem>>)
      } else {
      }
      %ge3A = arith.constant 2 : i32
      %ge3A_88 = arith.cmpi sge, %while3A_82, %ge3A : i32
      %convert_element_type3A_89 = arith.extui %ge3A_88 : i1 to i32
      %cond3A_90 = arith.constant 0 : i32
      %cond3A_91 = arith.cmpi ne, %convert_element_type3A_89, %cond3A_90 : i32
      scf.if %cond3A_91 {
        %sub3A_130 = arith.constant 2 : i32
        %sub3A_131 = arith.subi %while3A_82, %sub3A_130 : i32
        %rem3A_132 = arith.constant 3 : i32
        %rem3A_133 = arith.remsi %sub3A_131, %rem3A_132 : i32
        %rem3A_134 = arith.constant 8 : i32
        %rem3A_135 = arith.remsi %sub3A_131, %rem3A_134 : i32
        %dma_wait3A_136 = arith.constant 0 : i32
        %dma_wait3A_137 = arith.constant 0 : i32
        %dma_wait3A_138 = tpu.memref_slice %arg9[%rem3A_133, %dma_wait3A_136, %dma_wait3A_137] : memref<3x96x128xf32, #tpu.memory_space<vmem>> -> memref<1x96x128xf32, #tpu.memory_space<vmem>>
        %dma_wait3A_139 = tpu.memref_squeeze %dma_wait3A_138 : memref<1x96x128xf32, #tpu.memory_space<vmem>> -> memref<96x128xf32, #tpu.memory_space<vmem>>
        %dma_wait3A_140 = arith.constant 0 : i32
        %dma_wait3A_141 = tpu.memref_slice %arg8[%rem3A_135, %dma_wait3A_140] : memref<8x96xi32, #tpu.memory_space<vmem>> -> memref<1x96xi32, #tpu.memory_space<vmem>>
        %dma_wait3A_142 = tpu.memref_squeeze %dma_wait3A_141 : memref<1x96xi32, #tpu.memory_space<vmem>> -> memref<96xi32, #tpu.memory_space<vmem>>
        %dma_wait3A_143 = arith.constant 0 : i32
        %dma_wait3A_144 = arith.constant 0 : i32
        %dma_wait3A_145 = tpu.memref_slice %arg10[%dma_wait3A_143, %dma_wait3A_144] : memref<10112x128xf32, #tpu.memory_space<vmem_shared>> -> memref<10112x128xf32, #tpu.memory_space<vmem_shared>>
        %dma_wait3A_146 = tpu.memref_slice %arg13[%rem3A_133] : memref<3x!tpu.dma_semaphore, #tpu.memory_space<semaphore_mem>> -> memref<1x!tpu.dma_semaphore, #tpu.memory_space<semaphore_mem>>
        %dma_wait3A_147 = tpu.memref_squeeze %dma_wait3A_146 : memref<1x!tpu.dma_semaphore, #tpu.memory_space<semaphore_mem>> -> memref<!tpu.dma_semaphore, #tpu.memory_space<semaphore_mem>>
        tpu.wait_indirect_dma semaphore(%dma_wait3A_147 : memref<!tpu.dma_semaphore, #tpu.memory_space<semaphore_mem>>) src(%dma_wait3A_139 : memref<96x128xf32, #tpu.memory_space<vmem>>) dst(%dma_wait3A_145 : memref<10112x128xf32, #tpu.memory_space<vmem_shared>>)
      } else {
      }
      %rem3A_92 = arith.constant 8 : i32
      %rem3A_93 = arith.remsi %while3A_82, %rem3A_92 : i32
      %dma_wait3A_94 = arith.constant 0 : i32
      %dma_wait3A_95 = arith.constant 0 : i32
      %dma_wait3A_96 = tpu.memref_slice %arg9[%rem3A_84, %dma_wait3A_94, %dma_wait3A_95] : memref<3x96x128xf32, #tpu.memory_space<vmem>> -> memref<1x96x128xf32, #tpu.memory_space<vmem>>
      %dma_wait3A_97 = tpu.memref_squeeze %dma_wait3A_96 : memref<1x96x128xf32, #tpu.memory_space<vmem>> -> memref<96x128xf32, #tpu.memory_space<vmem>>
      %dma_wait3A_98 = arith.constant 0 : i32
      %dma_wait3A_99 = tpu.memref_slice %arg7[%rem3A_93, %dma_wait3A_98] : memref<8x96xi32, #tpu.memory_space<vmem>> -> memref<1x96xi32, #tpu.memory_space<vmem>>
      %dma_wait3A_100 = tpu.memref_squeeze %dma_wait3A_99 : memref<1x96xi32, #tpu.memory_space<vmem>> -> memref<96xi32, #tpu.memory_space<vmem>>
      %dma_wait3A_101 = arith.constant 0 : i32
      %dma_wait3A_102 = arith.constant 0 : i32
      %dma_wait3A_103 = tpu.memref_slice %arg2[%dma_wait3A_101, %dma_wait3A_102] : memref<10000x128xf32, #tpu.memory_space<hbm>> -> memref<10000x128xf32, #tpu.memory_space<hbm>>
      tpu.wait_indirect_dma semaphore(%arg12 : memref<!tpu.dma_semaphore, #tpu.memory_space<semaphore_mem>>) src(%dma_wait3A_103 : memref<10000x128xf32, #tpu.memory_space<hbm>>) dst(%dma_wait3A_97 : memref<96x128xf32, #tpu.memory_space<vmem>>)
      %add3A_104 = arith.constant 1 : i32
      %add3A_105 = arith.addi %while3A_82, %add3A_104 : i32
      %lt3A_106 = arith.cmpi slt, %add3A_105, %select_n3A_8 : i32
      %convert_element_type3A_107 = arith.extui %lt3A_106 : i1 to i32
      %cond3A_108 = arith.constant 0 : i32
      %cond3A_109 = arith.cmpi ne, %convert_element_type3A_107, %cond3A_108 : i32
      scf.if %cond3A_109 {
        %add3A_130 = arith.constant 1 : i32
        %add3A_131 = arith.addi %while3A_82, %add3A_130 : i32
        %rem3A_132 = arith.constant 8 : i32
        %rem3A_133 = arith.remsi %add3A_131, %rem3A_132 : i32
        %add3A_134 = arith.constant 1 : i32
        %add3A_135 = arith.addi %while3A_82, %add3A_134 : i32
        %rem3A_136 = arith.constant 3 : i32
        %rem3A_137 = arith.remsi %add3A_135, %rem3A_136 : i32
        %dma_start3A_138 = arith.constant 0 : i32
        %dma_start3A_139 = arith.constant 0 : i32
        %dma_start3A_140 = tpu.memref_slice %arg9[%rem3A_137, %dma_start3A_138, %dma_start3A_139] : memref<3x96x128xf32, #tpu.memory_space<vmem>> -> memref<1x96x128xf32, #tpu.memory_space<vmem>>
        %dma_start3A_141 = tpu.memref_squeeze %dma_start3A_140 : memref<1x96x128xf32, #tpu.memory_space<vmem>> -> memref<96x128xf32, #tpu.memory_space<vmem>>
        %dma_start3A_142 = arith.constant 0 : i32
        %dma_start3A_143 = tpu.memref_slice %arg7[%rem3A_133, %dma_start3A_142] : memref<8x96xi32, #tpu.memory_space<vmem>> -> memref<1x96xi32, #tpu.memory_space<vmem>>
        %dma_start3A_144 = tpu.memref_squeeze %dma_start3A_143 : memref<1x96xi32, #tpu.memory_space<vmem>> -> memref<96xi32, #tpu.memory_space<vmem>>
        %dma_start3A_145 = arith.constant 0 : i32
        %dma_start3A_146 = arith.constant 0 : i32
        %dma_start3A_147 = tpu.memref_slice %arg2[%dma_start3A_145, %dma_start3A_146] : memref<10000x128xf32, #tpu.memory_space<hbm>> -> memref<10000x128xf32, #tpu.memory_space<hbm>>
        tpu.enqueue_indirect_dma source(%dma_start3A_147 : memref<10000x128xf32, #tpu.memory_space<hbm>>) target(%dma_start3A_141 : memref<96x128xf32, #tpu.memory_space<vmem>>) offsets(%dma_start3A_144 : memref<96xi32, #tpu.memory_space<vmem>>) semaphore(%arg12 : memref<!tpu.dma_semaphore, #tpu.memory_space<semaphore_mem>>)
      } else {
      }
      %rem3A_110 = arith.constant 8 : i32
      %rem3A_111 = arith.remsi %while3A_82, %rem3A_110 : i32
      %dma_start3A_112 = arith.constant 0 : i32
      %dma_start3A_113 = arith.constant 0 : i32
      %dma_start3A_114 = tpu.memref_slice %arg9[%rem3A_84, %dma_start3A_112, %dma_start3A_113] : memref<3x96x128xf32, #tpu.memory_space<vmem>> -> memref<1x96x128xf32, #tpu.memory_space<vmem>>
      %dma_start3A_115 = tpu.memref_squeeze %dma_start3A_114 : memref<1x96x128xf32, #tpu.memory_space<vmem>> -> memref<96x128xf32, #tpu.memory_space<vmem>>
      %dma_start3A_116 = arith.constant 0 : i32
      %dma_start3A_117 = tpu.memref_slice %arg8[%rem3A_111, %dma_start3A_116] : memref<8x96xi32, #tpu.memory_space<vmem>> -> memref<1x96xi32, #tpu.memory_space<vmem>>
      %dma_start3A_118 = tpu.memref_squeeze %dma_start3A_117 : memref<1x96xi32, #tpu.memory_space<vmem>> -> memref<96xi32, #tpu.memory_space<vmem>>
      %dma_start3A_119 = arith.constant 0 : i32
      %dma_start3A_120 = arith.constant 0 : i32
      %dma_start3A_121 = tpu.memref_slice %arg10[%dma_start3A_119, %dma_start3A_120] : memref<10112x128xf32, #tpu.memory_space<vmem_shared>> -> memref<10112x128xf32, #tpu.memory_space<vmem_shared>>
      %dma_start3A_122 = tpu.memref_slice %arg13[%rem3A_84] : memref<3x!tpu.dma_semaphore, #tpu.memory_space<semaphore_mem>> -> memref<1x!tpu.dma_semaphore, #tpu.memory_space<semaphore_mem>>
      %dma_start3A_123 = tpu.memref_squeeze %dma_start3A_122 : memref<1x!tpu.dma_semaphore, #tpu.memory_space<semaphore_mem>> -> memref<!tpu.dma_semaphore, #tpu.memory_space<semaphore_mem>>
      tpu.enqueue_indirect_dma source(%dma_start3A_115 : memref<96x128xf32, #tpu.memory_space<vmem>>) target(%dma_start3A_121 : memref<10112x128xf32, #tpu.memory_space<vmem_shared>>) offsets(%dma_start3A_118 : memref<96xi32, #tpu.memory_space<vmem>>) semaphore(%dma_start3A_123 : memref<!tpu.dma_semaphore, #tpu.memory_space<semaphore_mem>>) {add = true}
      %add3A_124 = arith.constant 2 : i32
      %add3A_125 = arith.addi %while3A_82, %add3A_124 : i32
      %lt3A_126 = arith.cmpi slt, %add3A_125, %select_n3A_8 : i32
      %convert_element_type3A_127 = arith.extui %lt3A_126 : i1 to i32
      %cond3A_128 = arith.constant 0 : i32
      %cond3A_129 = arith.cmpi ne, %convert_element_type3A_127, %cond3A_128 : i32
      scf.if %cond3A_129 {
        %add3A_130 = arith.constant 2 : i32
        %add3A_131 = arith.addi %while3A_82, %add3A_130 : i32
        %rem3A_132 = arith.constant 8 : i32
        %rem3A_133 = arith.remsi %add3A_131, %rem3A_132 : i32
        %add3A_134 = arith.addi %select_n3A, %while3A_82 : i32
        %add3A_135 = arith.constant 2 : i32
        %add3A_136 = arith.addi %add3A_134, %add3A_135 : i32
        %dma_wait3A_137 = arith.constant 0 : i32
        %dma_wait3A_138 = tpu.memref_slice %arg7[%rem3A_133, %dma_wait3A_137] : memref<8x96xi32, #tpu.memory_space<vmem>> -> memref<1x96xi32, #tpu.memory_space<vmem>>
        %dma_wait3A_139 = tpu.memref_squeeze %dma_wait3A_138 : memref<1x96xi32, #tpu.memory_space<vmem>> -> memref<96xi32, #tpu.memory_space<vmem>>
        %dma_wait3A_140 = arith.constant 0 : i32
        %dma_wait3A_141 = tpu.memref_slice %arg3[%add3A_136, %dma_wait3A_140] : memref<3344x96xi32, #tpu.memory_space<hbm>> -> memref<1x96xi32, #tpu.memory_space<hbm>>
        %dma_wait3A_142 = tpu.memref_squeeze %dma_wait3A_141 : memref<1x96xi32, #tpu.memory_space<hbm>> -> memref<96xi32, #tpu.memory_space<hbm>>
        %dma_wait3A_143 = arith.constant 0 : i32
        %dma_wait3A_144 = tpu.memref_slice %arg7[%rem3A_133, %dma_wait3A_143] : memref<8x96xi32, #tpu.memory_space<vmem>> -> memref<1x96xi32, #tpu.memory_space<vmem>>
        %dma_wait3A_145 = tpu.memref_squeeze %dma_wait3A_144 : memref<1x96xi32, #tpu.memory_space<vmem>> -> memref<96xi32, #tpu.memory_space<vmem>>
        %dma_wait3A_146 = arith.constant 0 : i32
        %dma_wait3A_147 = tpu.memref_slice %arg3[%add3A_136, %dma_wait3A_146] : memref<3344x96xi32, #tpu.memory_space<hbm>> -> memref<1x96xi32, #tpu.memory_space<hbm>>
        %dma_wait3A_148 = tpu.memref_squeeze %dma_wait3A_147 : memref<1x96xi32, #tpu.memory_space<hbm>> -> memref<96xi32, #tpu.memory_space<hbm>>
        tpu.wait_dma2 semaphore(%arg11 : memref<!tpu.dma_semaphore, #tpu.memory_space<semaphore_mem>>) src(%dma_wait3A_148 : memref<96xi32, #tpu.memory_space<hbm>>) dst(%dma_wait3A_145 : memref<96xi32, #tpu.memory_space<vmem>>)
        %add3A_149 = arith.addi %select_n3A, %while3A_82 : i32
        %add3A_150 = arith.constant 2 : i32
        %add3A_151 = arith.addi %add3A_149, %add3A_150 : i32
        %dma_wait3A_152 = arith.constant 0 : i32
        %dma_wait3A_153 = tpu.memref_slice %arg8[%rem3A_133, %dma_wait3A_152] : memref<8x96xi32, #tpu.memory_space<vmem>> -> memref<1x96xi32, #tpu.memory_space<vmem>>
        %dma_wait3A_154 = tpu.memref_squeeze %dma_wait3A_153 : memref<1x96xi32, #tpu.memory_space<vmem>> -> memref<96xi32, #tpu.memory_space<vmem>>
        %dma_wait3A_155 = arith.constant 0 : i32
        %dma_wait3A_156 = tpu.memref_slice %arg4[%add3A_151, %dma_wait3A_155] : memref<3344x96xi32, #tpu.memory_space<hbm>> -> memref<1x96xi32, #tpu.memory_space<hbm>>
        %dma_wait3A_157 = tpu.memref_squeeze %dma_wait3A_156 : memref<1x96xi32, #tpu.memory_space<hbm>> -> memref<96xi32, #tpu.memory_space<hbm>>
        %dma_wait3A_158 = arith.constant 0 : i32
        %dma_wait3A_159 = tpu.memref_slice %arg8[%rem3A_133, %dma_wait3A_158] : memref<8x96xi32, #tpu.memory_space<vmem>> -> memref<1x96xi32, #tpu.memory_space<vmem>>
        %dma_wait3A_160 = tpu.memref_squeeze %dma_wait3A_159 : memref<1x96xi32, #tpu.memory_space<vmem>> -> memref<96xi32, #tpu.memory_space<vmem>>
        %dma_wait3A_161 = arith.constant 0 : i32
        %dma_wait3A_162 = tpu.memref_slice %arg4[%add3A_151, %dma_wait3A_161] : memref<3344x96xi32, #tpu.memory_space<hbm>> -> memref<1x96xi32, #tpu.memory_space<hbm>>
        %dma_wait3A_163 = tpu.memref_squeeze %dma_wait3A_162 : memref<1x96xi32, #tpu.memory_space<hbm>> -> memref<96xi32, #tpu.memory_space<hbm>>
        tpu.wait_dma2 semaphore(%arg11 : memref<!tpu.dma_semaphore, #tpu.memory_space<semaphore_mem>>) src(%dma_wait3A_163 : memref<96xi32, #tpu.memory_space<hbm>>) dst(%dma_wait3A_160 : memref<96xi32, #tpu.memory_space<vmem>>)
      } else {
      }
    }
    %while3A_39 = arith.constant 1 : i32
    scf.for %while3A_82 = %while3A_37 to %while3A_33 step %while3A_39  : i32 {
      %rem3A_83 = arith.constant 3 : i32
      %rem3A_84 = arith.remsi %while3A_82, %rem3A_83 : i32
      %add3A_85 = arith.constant 2 : i32
      %add3A_86 = arith.addi %while3A_82, %add3A_85 : i32
      %lt3A = arith.cmpi slt, %add3A_86, %select_n3A_8 : i32
      %convert_element_type3A = arith.extui %lt3A : i1 to i32
      %cond3A = arith.constant 0 : i32
      %cond3A_87 = arith.cmpi ne, %convert_element_type3A, %cond3A : i32
      scf.if %cond3A_87 {
        %add3A_130 = arith.constant 2 : i32
        %add3A_131 = arith.addi %while3A_82, %add3A_130 : i32
        %rem3A_132 = arith.constant 8 : i32
        %rem3A_133 = arith.remsi %add3A_131, %rem3A_132 : i32
        %add3A_134 = arith.addi %select_n3A, %while3A_82 : i32
        %add3A_135 = arith.constant 2 : i32
        %add3A_136 = arith.addi %add3A_134, %add3A_135 : i32
        %dma_start3A_137 = arith.constant 0 : i32
        %dma_start3A_138 = tpu.memref_slice %arg7[%rem3A_133, %dma_start3A_137] : memref<8x96xi32, #tpu.memory_space<vmem>> -> memref<1x96xi32, #tpu.memory_space<vmem>>
        %dma_start3A_139 = tpu.memref_squeeze %dma_start3A_138 : memref<1x96xi32, #tpu.memory_space<vmem>> -> memref<96xi32, #tpu.memory_space<vmem>>
        %dma_start3A_140 = arith.constant 0 : i32
        %dma_start3A_141 = tpu.memref_slice %arg3[%add3A_136, %dma_start3A_140] : memref<3344x96xi32, #tpu.memory_space<hbm>> -> memref<1x96xi32, #tpu.memory_space<hbm>>
        %dma_start3A_142 = tpu.memref_squeeze %dma_start3A_141 : memref<1x96xi32, #tpu.memory_space<hbm>> -> memref<96xi32, #tpu.memory_space<hbm>>
        %dma_start3A_143 = arith.constant 0 : i32
        %dma_start3A_144 = tpu.memref_slice %arg7[%rem3A_133, %dma_start3A_143] : memref<8x96xi32, #tpu.memory_space<vmem>> -> memref<1x96xi32, #tpu.memory_space<vmem>>
        %dma_start3A_145 = tpu.memref_squeeze %dma_start3A_144 : memref<1x96xi32, #tpu.memory_space<vmem>> -> memref<96xi32, #tpu.memory_space<vmem>>
        %dma_start3A_146 = arith.constant 0 : i32
        %dma_start3A_147 = tpu.memref_slice %arg3[%add3A_136, %dma_start3A_146] : memref<3344x96xi32, #tpu.memory_space<hbm>> -> memref<1x96xi32, #tpu.memory_space<hbm>>
        %dma_start3A_148 = tpu.memref_squeeze %dma_start3A_147 : memref<1x96xi32, #tpu.memory_space<hbm>> -> memref<96xi32, #tpu.memory_space<hbm>>
        tpu.enqueue_dma source(%dma_start3A_148 : memref<96xi32, #tpu.memory_space<hbm>>) target(%dma_start3A_145 : memref<96xi32, #tpu.memory_space<vmem>>) target_semaphore(%arg11 : memref<!tpu.dma_semaphore, #tpu.memory_space<semaphore_mem>>)
        %add3A_149 = arith.addi %select_n3A, %while3A_82 : i32
        %add3A_150 = arith.constant 2 : i32
        %add3A_151 = arith.addi %add3A_149, %add3A_150 : i32
        %dma_start3A_152 = arith.constant 0 : i32
        %dma_start3A_153 = tpu.memref_slice %arg8[%rem3A_133, %dma_start3A_152] : memref<8x96xi32, #tpu.memory_space<vmem>> -> memref<1x96xi32, #tpu.memory_space<vmem>>
        %dma_start3A_154 = tpu.memref_squeeze %dma_start3A_153 : memref<1x96xi32, #tpu.memory_space<vmem>> -> memref<96xi32, #tpu.memory_space<vmem>>
        %dma_start3A_155 = arith.constant 0 : i32
        %dma_start3A_156 = tpu.memref_slice %arg4[%add3A_151, %dma_start3A_155] : memref<3344x96xi32, #tpu.memory_space<hbm>> -> memref<1x96xi32, #tpu.memory_space<hbm>>
        %dma_start3A_157 = tpu.memref_squeeze %dma_start3A_156 : memref<1x96xi32, #tpu.memory_space<hbm>> -> memref<96xi32, #tpu.memory_space<hbm>>
        %dma_start3A_158 = arith.constant 0 : i32
        %dma_start3A_159 = tpu.memref_slice %arg8[%rem3A_133, %dma_start3A_158] : memref<8x96xi32, #tpu.memory_space<vmem>> -> memref<1x96xi32, #tpu.memory_space<vmem>>
        %dma_start3A_160 = tpu.memref_squeeze %dma_start3A_159 : memref<1x96xi32, #tpu.memory_space<vmem>> -> memref<96xi32, #tpu.memory_space<vmem>>
        %dma_start3A_161 = arith.constant 0 : i32
        %dma_start3A_162 = tpu.memref_slice %arg4[%add3A_151, %dma_start3A_161] : memref<3344x96xi32, #tpu.memory_space<hbm>> -> memref<1x96xi32, #tpu.memory_space<hbm>>
        %dma_start3A_163 = tpu.memref_squeeze %dma_start3A_162 : memref<1x96xi32, #tpu.memory_space<hbm>> -> memref<96xi32, #tpu.memory_space<hbm>>
        tpu.enqueue_dma source(%dma_start3A_163 : memref<96xi32, #tpu.memory_space<hbm>>) target(%dma_start3A_160 : memref<96xi32, #tpu.memory_space<vmem>>) target_semaphore(%arg11 : memref<!tpu.dma_semaphore, #tpu.memory_space<semaphore_mem>>)
      } else {
      }
      %ge3A = arith.constant 2 : i32
      %ge3A_88 = arith.cmpi sge, %while3A_82, %ge3A : i32
      %convert_element_type3A_89 = arith.extui %ge3A_88 : i1 to i32
      %cond3A_90 = arith.constant 0 : i32
      %cond3A_91 = arith.cmpi ne, %convert_element_type3A_89, %cond3A_90 : i32
      scf.if %cond3A_91 {
        %sub3A_130 = arith.constant 2 : i32
        %sub3A_131 = arith.subi %while3A_82, %sub3A_130 : i32
        %rem3A_132 = arith.constant 3 : i32
        %rem3A_133 = arith.remsi %sub3A_131, %rem3A_132 : i32
        %rem3A_134 = arith.constant 8 : i32
        %rem3A_135 = arith.remsi %sub3A_131, %rem3A_134 : i32
        %dma_wait3A_136 = arith.constant 0 : i32
        %dma_wait3A_137 = arith.constant 0 : i32
        %dma_wait3A_138 = tpu.memref_slice %arg9[%rem3A_133, %dma_wait3A_136, %dma_wait3A_137] : memref<3x96x128xf32, #tpu.memory_space<vmem>> -> memref<1x96x128xf32, #tpu.memory_space<vmem>>
        %dma_wait3A_139 = tpu.memref_squeeze %dma_wait3A_138 : memref<1x96x128xf32, #tpu.memory_space<vmem>> -> memref<96x128xf32, #tpu.memory_space<vmem>>
        %dma_wait3A_140 = arith.constant 0 : i32
        %dma_wait3A_141 = tpu.memref_slice %arg8[%rem3A_135, %dma_wait3A_140] : memref<8x96xi32, #tpu.memory_space<vmem>> -> memref<1x96xi32, #tpu.memory_space<vmem>>
        %dma_wait3A_142 = tpu.memref_squeeze %dma_wait3A_141 : memref<1x96xi32, #tpu.memory_space<vmem>> -> memref<96xi32, #tpu.memory_space<vmem>>
        %dma_wait3A_143 = arith.constant 0 : i32
        %dma_wait3A_144 = arith.constant 0 : i32
        %dma_wait3A_145 = tpu.memref_slice %arg10[%dma_wait3A_143, %dma_wait3A_144] : memref<10112x128xf32, #tpu.memory_space<vmem_shared>> -> memref<10112x128xf32, #tpu.memory_space<vmem_shared>>
        %dma_wait3A_146 = tpu.memref_slice %arg13[%rem3A_133] : memref<3x!tpu.dma_semaphore, #tpu.memory_space<semaphore_mem>> -> memref<1x!tpu.dma_semaphore, #tpu.memory_space<semaphore_mem>>
        %dma_wait3A_147 = tpu.memref_squeeze %dma_wait3A_146 : memref<1x!tpu.dma_semaphore, #tpu.memory_space<semaphore_mem>> -> memref<!tpu.dma_semaphore, #tpu.memory_space<semaphore_mem>>
        tpu.wait_indirect_dma semaphore(%dma_wait3A_147 : memref<!tpu.dma_semaphore, #tpu.memory_space<semaphore_mem>>) src(%dma_wait3A_139 : memref<96x128xf32, #tpu.memory_space<vmem>>) dst(%dma_wait3A_145 : memref<10112x128xf32, #tpu.memory_space<vmem_shared>>)
      } else {
      }
      %rem3A_92 = arith.constant 8 : i32
      %rem3A_93 = arith.remsi %while3A_82, %rem3A_92 : i32
      %dma_wait3A_94 = arith.constant 0 : i32
      %dma_wait3A_95 = arith.constant 0 : i32
      %dma_wait3A_96 = tpu.memref_slice %arg9[%rem3A_84, %dma_wait3A_94, %dma_wait3A_95] : memref<3x96x128xf32, #tpu.memory_space<vmem>> -> memref<1x96x128xf32, #tpu.memory_space<vmem>>
      %dma_wait3A_97 = tpu.memref_squeeze %dma_wait3A_96 : memref<1x96x128xf32, #tpu.memory_space<vmem>> -> memref<96x128xf32, #tpu.memory_space<vmem>>
      %dma_wait3A_98 = arith.constant 0 : i32
      %dma_wait3A_99 = tpu.memref_slice %arg7[%rem3A_93, %dma_wait3A_98] : memref<8x96xi32, #tpu.memory_space<vmem>> -> memref<1x96xi32, #tpu.memory_space<vmem>>
      %dma_wait3A_100 = tpu.memref_squeeze %dma_wait3A_99 : memref<1x96xi32, #tpu.memory_space<vmem>> -> memref<96xi32, #tpu.memory_space<vmem>>
      %dma_wait3A_101 = arith.constant 0 : i32
      %dma_wait3A_102 = arith.constant 0 : i32
      %dma_wait3A_103 = tpu.memref_slice %arg2[%dma_wait3A_101, %dma_wait3A_102] : memref<10000x128xf32, #tpu.memory_space<hbm>> -> memref<10000x128xf32, #tpu.memory_space<hbm>>
      tpu.wait_indirect_dma semaphore(%arg12 : memref<!tpu.dma_semaphore, #tpu.memory_space<semaphore_mem>>) src(%dma_wait3A_103 : memref<10000x128xf32, #tpu.memory_space<hbm>>) dst(%dma_wait3A_97 : memref<96x128xf32, #tpu.memory_space<vmem>>)
      %add3A_104 = arith.constant 1 : i32
      %add3A_105 = arith.addi %while3A_82, %add3A_104 : i32
      %lt3A_106 = arith.cmpi slt, %add3A_105, %select_n3A_8 : i32
      %convert_element_type3A_107 = arith.extui %lt3A_106 : i1 to i32
      %cond3A_108 = arith.constant 0 : i32
      %cond3A_109 = arith.cmpi ne, %convert_element_type3A_107, %cond3A_108 : i32
      scf.if %cond3A_109 {
        %add3A_130 = arith.constant 1 : i32
        %add3A_131 = arith.addi %while3A_82, %add3A_130 : i32
        %rem3A_132 = arith.constant 8 : i32
        %rem3A_133 = arith.remsi %add3A_131, %rem3A_132 : i32
        %add3A_134 = arith.constant 1 : i32
        %add3A_135 = arith.addi %while3A_82, %add3A_134 : i32
        %rem3A_136 = arith.constant 3 : i32
        %rem3A_137 = arith.remsi %add3A_135, %rem3A_136 : i32
        %dma_start3A_138 = arith.constant 0 : i32
        %dma_start3A_139 = arith.constant 0 : i32
        %dma_start3A_140 = tpu.memref_slice %arg9[%rem3A_137, %dma_start3A_138, %dma_start3A_139] : memref<3x96x128xf32, #tpu.memory_space<vmem>> -> memref<1x96x128xf32, #tpu.memory_space<vmem>>
        %dma_start3A_141 = tpu.memref_squeeze %dma_start3A_140 : memref<1x96x128xf32, #tpu.memory_space<vmem>> -> memref<96x128xf32, #tpu.memory_space<vmem>>
        %dma_start3A_142 = arith.constant 0 : i32
        %dma_start3A_143 = tpu.memref_slice %arg7[%rem3A_133, %dma_start3A_142] : memref<8x96xi32, #tpu.memory_space<vmem>> -> memref<1x96xi32, #tpu.memory_space<vmem>>
        %dma_start3A_144 = tpu.memref_squeeze %dma_start3A_143 : memref<1x96xi32, #tpu.memory_space<vmem>> -> memref<96xi32, #tpu.memory_space<vmem>>
        %dma_start3A_145 = arith.constant 0 : i32
        %dma_start3A_146 = arith.constant 0 : i32
        %dma_start3A_147 = tpu.memref_slice %arg2[%dma_start3A_145, %dma_start3A_146] : memref<10000x128xf32, #tpu.memory_space<hbm>> -> memref<10000x128xf32, #tpu.memory_space<hbm>>
        tpu.enqueue_indirect_dma source(%dma_start3A_147 : memref<10000x128xf32, #tpu.memory_space<hbm>>) target(%dma_start3A_141 : memref<96x128xf32, #tpu.memory_space<vmem>>) offsets(%dma_start3A_144 : memref<96xi32, #tpu.memory_space<vmem>>) semaphore(%arg12 : memref<!tpu.dma_semaphore, #tpu.memory_space<semaphore_mem>>)
      } else {
      }
      %rem3A_110 = arith.constant 8 : i32
      %rem3A_111 = arith.remsi %while3A_82, %rem3A_110 : i32
      %dma_start3A_112 = arith.constant 0 : i32
      %dma_start3A_113 = arith.constant 0 : i32
      %dma_start3A_114 = tpu.memref_slice %arg9[%rem3A_84, %dma_start3A_112, %dma_start3A_113] : memref<3x96x128xf32, #tpu.memory_space<vmem>> -> memref<1x96x128xf32, #tpu.memory_space<vmem>>
      %dma_start3A_115 = tpu.memref_squeeze %dma_start3A_114 : memref<1x96x128xf32, #tpu.memory_space<vmem>> -> memref<96x128xf32, #tpu.memory_space<vmem>>
      %dma_start3A_116 = arith.constant 0 : i32
      %dma_start3A_117 = tpu.memref_slice %arg8[%rem3A_111, %dma_start3A_116] : memref<8x96xi32, #tpu.memory_space<vmem>> -> memref<1x96xi32, #tpu.memory_space<vmem>>
      %dma_start3A_118 = tpu.memref_squeeze %dma_start3A_117 : memref<1x96xi32, #tpu.memory_space<vmem>> -> memref<96xi32, #tpu.memory_space<vmem>>
      %dma_start3A_119 = arith.constant 0 : i32
      %dma_start3A_120 = arith.constant 0 : i32
      %dma_start3A_121 = tpu.memref_slice %arg10[%dma_start3A_119, %dma_start3A_120] : memref<10112x128xf32, #tpu.memory_space<vmem_shared>> -> memref<10112x128xf32, #tpu.memory_space<vmem_shared>>
      %dma_start3A_122 = tpu.memref_slice %arg13[%rem3A_84] : memref<3x!tpu.dma_semaphore, #tpu.memory_space<semaphore_mem>> -> memref<1x!tpu.dma_semaphore, #tpu.memory_space<semaphore_mem>>
      %dma_start3A_123 = tpu.memref_squeeze %dma_start3A_122 : memref<1x!tpu.dma_semaphore, #tpu.memory_space<semaphore_mem>> -> memref<!tpu.dma_semaphore, #tpu.memory_space<semaphore_mem>>
      tpu.enqueue_indirect_dma source(%dma_start3A_115 : memref<96x128xf32, #tpu.memory_space<vmem>>) target(%dma_start3A_121 : memref<10112x128xf32, #tpu.memory_space<vmem_shared>>) offsets(%dma_start3A_118 : memref<96xi32, #tpu.memory_space<vmem>>) semaphore(%dma_start3A_123 : memref<!tpu.dma_semaphore, #tpu.memory_space<semaphore_mem>>) {add = true}
      %add3A_124 = arith.constant 2 : i32
      %add3A_125 = arith.addi %while3A_82, %add3A_124 : i32
      %lt3A_126 = arith.cmpi slt, %add3A_125, %select_n3A_8 : i32
      %convert_element_type3A_127 = arith.extui %lt3A_126 : i1 to i32
      %cond3A_128 = arith.constant 0 : i32
      %cond3A_129 = arith.cmpi ne, %convert_element_type3A_127, %cond3A_128 : i32
      scf.if %cond3A_129 {
        %add3A_130 = arith.constant 2 : i32
        %add3A_131 = arith.addi %while3A_82, %add3A_130 : i32
        %rem3A_132 = arith.constant 8 : i32
        %rem3A_133 = arith.remsi %add3A_131, %rem3A_132 : i32
        %add3A_134 = arith.addi %select_n3A, %while3A_82 : i32
        %add3A_135 = arith.constant 2 : i32
        %add3A_136 = arith.addi %add3A_134, %add3A_135 : i32
        %dma_wait3A_137 = arith.constant 0 : i32
        %dma_wait3A_138 = tpu.memref_slice %arg7[%rem3A_133, %dma_wait3A_137] : memref<8x96xi32, #tpu.memory_space<vmem>> -> memref<1x96xi32, #tpu.memory_space<vmem>>
        %dma_wait3A_139 = tpu.memref_squeeze %dma_wait3A_138 : memref<1x96xi32, #tpu.memory_space<vmem>> -> memref<96xi32, #tpu.memory_space<vmem>>
        %dma_wait3A_140 = arith.constant 0 : i32
        %dma_wait3A_141 = tpu.memref_slice %arg3[%add3A_136, %dma_wait3A_140] : memref<3344x96xi32, #tpu.memory_space<hbm>> -> memref<1x96xi32, #tpu.memory_space<hbm>>
        %dma_wait3A_142 = tpu.memref_squeeze %dma_wait3A_141 : memref<1x96xi32, #tpu.memory_space<hbm>> -> memref<96xi32, #tpu.memory_space<hbm>>
        %dma_wait3A_143 = arith.constant 0 : i32
        %dma_wait3A_144 = tpu.memref_slice %arg7[%rem3A_133, %dma_wait3A_143] : memref<8x96xi32, #tpu.memory_space<vmem>> -> memref<1x96xi32, #tpu.memory_space<vmem>>
        %dma_wait3A_145 = tpu.memref_squeeze %dma_wait3A_144 : memref<1x96xi32, #tpu.memory_space<vmem>> -> memref<96xi32, #tpu.memory_space<vmem>>
        %dma_wait3A_146 = arith.constant 0 : i32
        %dma_wait3A_147 = tpu.memref_slice %arg3[%add3A_136, %dma_wait3A_146] : memref<3344x96xi32, #tpu.memory_space<hbm>> -> memref<1x96xi32, #tpu.memory_space<hbm>>
        %dma_wait3A_148 = tpu.memref_squeeze %dma_wait3A_147 : memref<1x96xi32, #tpu.memory_space<hbm>> -> memref<96xi32, #tpu.memory_space<hbm>>
        tpu.wait_dma2 semaphore(%arg11 : memref<!tpu.dma_semaphore, #tpu.memory_space<semaphore_mem>>) src(%dma_wait3A_148 : memref<96xi32, #tpu.memory_space<hbm>>) dst(%dma_wait3A_145 : memref<96xi32, #tpu.memory_space<vmem>>)
        %add3A_149 = arith.addi %select_n3A, %while3A_82 : i32
        %add3A_150 = arith.constant 2 : i32
        %add3A_151 = arith.addi %add3A_149, %add3A_150 : i32
        %dma_wait3A_152 = arith.constant 0 : i32
        %dma_wait3A_153 = tpu.memref_slice %arg8[%rem3A_133, %dma_wait3A_152] : memref<8x96xi32, #tpu.memory_space<vmem>> -> memref<1x96xi32, #tpu.memory_space<vmem>>
        %dma_wait3A_154 = tpu.memref_squeeze %dma_wait3A_153 : memref<1x96xi32, #tpu.memory_space<vmem>> -> memref<96xi32, #tpu.memory_space<vmem>>
        %dma_wait3A_155 = arith.constant 0 : i32
        %dma_wait3A_156 = tpu.memref_slice %arg4[%add3A_151, %dma_wait3A_155] : memref<3344x96xi32, #tpu.memory_space<hbm>> -> memref<1x96xi32, #tpu.memory_space<hbm>>
        %dma_wait3A_157 = tpu.memref_squeeze %dma_wait3A_156 : memref<1x96xi32, #tpu.memory_space<hbm>> -> memref<96xi32, #tpu.memory_space<hbm>>
        %dma_wait3A_158 = arith.constant 0 : i32
        %dma_wait3A_159 = tpu.memref_slice %arg8[%rem3A_133, %dma_wait3A_158] : memref<8x96xi32, #tpu.memory_space<vmem>> -> memref<1x96xi32, #tpu.memory_space<vmem>>
        %dma_wait3A_160 = tpu.memref_squeeze %dma_wait3A_159 : memref<1x96xi32, #tpu.memory_space<vmem>> -> memref<96xi32, #tpu.memory_space<vmem>>
        %dma_wait3A_161 = arith.constant 0 : i32
        %dma_wait3A_162 = tpu.memref_slice %arg4[%add3A_151, %dma_wait3A_161] : memref<3344x96xi32, #tpu.memory_space<hbm>> -> memref<1x96xi32, #tpu.memory_space<hbm>>
        %dma_wait3A_163 = tpu.memref_squeeze %dma_wait3A_162 : memref<1x96xi32, #tpu.memory_space<hbm>> -> memref<96xi32, #tpu.memory_space<hbm>>
        tpu.wait_dma2 semaphore(%arg11 : memref<!tpu.dma_semaphore, #tpu.memory_space<semaphore_mem>>) src(%dma_wait3A_163 : memref<96xi32, #tpu.memory_space<hbm>>) dst(%dma_wait3A_160 : memref<96xi32, #tpu.memory_space<vmem>>)
      } else {
      }
    }
    %sub3A = arith.constant 2 : i32
    %sub3A_40 = arith.subi %select_n3A_8, %sub3A : i32
    %rem3A = arith.constant 3 : i32
    %rem3A_41 = arith.remsi %sub3A_40, %rem3A : i32
    %rem3A_42 = arith.constant 8 : i32
    %rem3A_43 = arith.remsi %sub3A_40, %rem3A_42 : i32
    %rem3A_44 = arith.constant 3 : i32
    %rem3A_45 = arith.remsi %sub3A_40, %rem3A_44 : i32
    %dma_wait3A = arith.constant 0 : i32
    %dma_wait3A_46 = arith.constant 0 : i32
    %dma_wait3A_47 = tpu.memref_slice %arg9[%rem3A_41, %dma_wait3A, %dma_wait3A_46] : memref<3x96x128xf32, #tpu.memory_space<vmem>> -> memref<1x96x128xf32, #tpu.memory_space<vmem>>
    %dma_wait3A_48 = tpu.memref_squeeze %dma_wait3A_47 : memref<1x96x128xf32, #tpu.memory_space<vmem>> -> memref<96x128xf32, #tpu.memory_space<vmem>>
    %dma_wait3A_49 = arith.constant 0 : i32
    %dma_wait3A_50 = tpu.memref_slice %arg8[%rem3A_43, %dma_wait3A_49] : memref<8x96xi32, #tpu.memory_space<vmem>> -> memref<1x96xi32, #tpu.memory_space<vmem>>
    %dma_wait3A_51 = tpu.memref_squeeze %dma_wait3A_50 : memref<1x96xi32, #tpu.memory_space<vmem>> -> memref<96xi32, #tpu.memory_space<vmem>>
    %dma_wait3A_52 = arith.constant 0 : i32
    %dma_wait3A_53 = arith.constant 0 : i32
    %dma_wait3A_54 = tpu.memref_slice %arg10[%dma_wait3A_52, %dma_wait3A_53] : memref<10112x128xf32, #tpu.memory_space<vmem_shared>> -> memref<10112x128xf32, #tpu.memory_space<vmem_shared>>
    %dma_wait3A_55 = tpu.memref_slice %arg13[%rem3A_45] : memref<3x!tpu.dma_semaphore, #tpu.memory_space<semaphore_mem>> -> memref<1x!tpu.dma_semaphore, #tpu.memory_space<semaphore_mem>>
    %dma_wait3A_56 = tpu.memref_squeeze %dma_wait3A_55 : memref<1x!tpu.dma_semaphore, #tpu.memory_space<semaphore_mem>> -> memref<!tpu.dma_semaphore, #tpu.memory_space<semaphore_mem>>
    tpu.wait_indirect_dma semaphore(%dma_wait3A_56 : memref<!tpu.dma_semaphore, #tpu.memory_space<semaphore_mem>>) src(%dma_wait3A_48 : memref<96x128xf32, #tpu.memory_space<vmem>>) dst(%dma_wait3A_54 : memref<10112x128xf32, #tpu.memory_space<vmem_shared>>)
    %sub3A_57 = arith.constant 1 : i32
    %sub3A_58 = arith.subi %select_n3A_8, %sub3A_57 : i32
    %rem3A_59 = arith.constant 3 : i32
    %rem3A_60 = arith.remsi %sub3A_58, %rem3A_59 : i32
    %rem3A_61 = arith.constant 8 : i32
    %rem3A_62 = arith.remsi %sub3A_58, %rem3A_61 : i32
    %rem3A_63 = arith.constant 3 : i32
    %rem3A_64 = arith.remsi %sub3A_58, %rem3A_63 : i32
    %dma_wait3A_65 = arith.constant 0 : i32
    %dma_wait3A_66 = arith.constant 0 : i32
    %dma_wait3A_67 = tpu.memref_slice %arg9[%rem3A_60, %dma_wait3A_65, %dma_wait3A_66] : memref<3x96x128xf32, #tpu.memory_space<vmem>> -> memref<1x96x128xf32, #tpu.memory_space<vmem>>
    %dma_wait3A_68 = tpu.memref_squeeze %dma_wait3A_67 : memref<1x96x128xf32, #tpu.memory_space<vmem>> -> memref<96x128xf32, #tpu.memory_space<vmem>>
    %dma_wait3A_69 = arith.constant 0 : i32
    %dma_wait3A_70 = tpu.memref_slice %arg8[%rem3A_62, %dma_wait3A_69] : memref<8x96xi32, #tpu.memory_space<vmem>> -> memref<1x96xi32, #tpu.memory_space<vmem>>
    %dma_wait3A_71 = tpu.memref_squeeze %dma_wait3A_70 : memref<1x96xi32, #tpu.memory_space<vmem>> -> memref<96xi32, #tpu.memory_space<vmem>>
    %dma_wait3A_72 = arith.constant 0 : i32
    %dma_wait3A_73 = arith.constant 0 : i32
    %dma_wait3A_74 = tpu.memref_slice %arg10[%dma_wait3A_72, %dma_wait3A_73] : memref<10112x128xf32, #tpu.memory_space<vmem_shared>> -> memref<10112x128xf32, #tpu.memory_space<vmem_shared>>
    %dma_wait3A_75 = tpu.memref_slice %arg13[%rem3A_64] : memref<3x!tpu.dma_semaphore, #tpu.memory_space<semaphore_mem>> -> memref<1x!tpu.dma_semaphore, #tpu.memory_space<semaphore_mem>>
    %dma_wait3A_76 = tpu.memref_squeeze %dma_wait3A_75 : memref<1x!tpu.dma_semaphore, #tpu.memory_space<semaphore_mem>> -> memref<!tpu.dma_semaphore, #tpu.memory_space<semaphore_mem>>
    tpu.wait_indirect_dma semaphore(%dma_wait3A_76 : memref<!tpu.dma_semaphore, #tpu.memory_space<semaphore_mem>>) src(%dma_wait3A_68 : memref<96x128xf32, #tpu.memory_space<vmem>>) dst(%dma_wait3A_74 : memref<10112x128xf32, #tpu.memory_space<vmem_shared>>)
    %barrier3A_77 = arith.constant 0 : index
    tpu.barrier barrier_id(%barrier3A_77)
    %mul3A_78 = arith.constant 632 : i32
    %mul3A_79 = arith.muli %arg1, %mul3A_78 : i32
    %mul3A_80 = arith.constant 632 : i32
    %mul3A_81 = arith.muli %arg1, %mul3A_80 : i32
    "tpu.region"() ({
      %run_scoped3A_82 = tpu.sem_alloc : memref<!tpu.dma_semaphore, #tpu.memory_space<semaphore_mem>>
      %dma_start3A_83 = arith.constant 0 : i32
      %dma_start3A_84 = tpu.memref_slice %arg6[%arg0, %mul3A_81, %dma_start3A_83] : memref<2x10112x128xf32, #tpu.memory_space<hbm>> -> memref<1x632x128xf32, #tpu.memory_space<hbm>>
      %dma_start3A_85 = tpu.memref_squeeze %dma_start3A_84 : memref<1x632x128xf32, #tpu.memory_space<hbm>> -> memref<632x128xf32, #tpu.memory_space<hbm>>
      %dma_start3A_86 = arith.constant 0 : i32
      %dma_start3A_87 = tpu.memref_slice %arg10[%mul3A_79, %dma_start3A_86] : memref<10112x128xf32, #tpu.memory_space<vmem_shared>> -> memref<632x128xf32, #tpu.memory_space<vmem_shared>>
      tpu.enqueue_dma source(%dma_start3A_87 : memref<632x128xf32, #tpu.memory_space<vmem_shared>>) target(%dma_start3A_85 : memref<632x128xf32, #tpu.memory_space<hbm>>) target_semaphore(%run_scoped3A_82 : memref<!tpu.dma_semaphore, #tpu.memory_space<semaphore_mem>>)
      %dma_wait3A_88 = arith.constant 0 : i32
      %dma_wait3A_89 = tpu.memref_slice %arg6[%arg0, %mul3A_81, %dma_wait3A_88] : memref<2x10112x128xf32, #tpu.memory_space<hbm>> -> memref<1x632x128xf32, #tpu.memory_space<hbm>>
      %dma_wait3A_90 = tpu.memref_squeeze %dma_wait3A_89 : memref<1x632x128xf32, #tpu.memory_space<hbm>> -> memref<632x128xf32, #tpu.memory_space<hbm>>
      %dma_wait3A_91 = arith.constant 0 : i32
      %dma_wait3A_92 = tpu.memref_slice %arg10[%mul3A_79, %dma_wait3A_91] : memref<10112x128xf32, #tpu.memory_space<vmem_shared>> -> memref<632x128xf32, #tpu.memory_space<vmem_shared>>
      tpu.wait_dma2 semaphore(%run_scoped3A_82 : memref<!tpu.dma_semaphore, #tpu.memory_space<semaphore_mem>>) src(%dma_wait3A_92 : memref<632x128xf32, #tpu.memory_space<vmem_shared>>) dst(%dma_wait3A_90 : memref<632x128xf32, #tpu.memory_space<hbm>>)
      tpu.yield
    }) : () -> ()
    return
  }
}

module attributes {stable_mosaic.version = 14 : i64} {
  func.func @_tc_first_body(%arg0: memref<10000x128xf32, #tpu.memory_space<vmem>>, %arg1: memref<2x10112x128xf32, #tpu.memory_space<vmem>>, %arg2: memref<128x128xf32, #tpu.memory_space<vmem>>, %arg3: memref<10000x128xf32, #tpu.memory_space<vmem>>, %arg4: memref<10000x1xf32, #tpu.memory_space<vmem>>) attributes {dimension_semantics = [], scalar_prefetch = 0 : i64, scratch_operands = 0 : i64, tpu.core_type = #tpu.core_type<tc>} {
    %get3A = arith.constant 0 : index
    %get3A_0 = arith.constant 0 : index
    %get3A_1 = arith.constant 0 : index
    %get3A_2 = vector.load %arg1[%get3A, %get3A_0, %get3A_1] : memref<2x10112x128xf32, #tpu.memory_space<vmem>>, vector<1x10000x1xf32>
    %get3A_3 = vector.shape_cast %get3A_2 : vector<1x10000x1xf32> to vector<10000xf32>
    %get3A_4 = arith.constant 1 : index
    %get3A_5 = arith.constant 0 : index
    %get3A_6 = arith.constant 0 : index
    %get3A_7 = vector.load %arg1[%get3A_4, %get3A_5, %get3A_6] : memref<2x10112x128xf32, #tpu.memory_space<vmem>>, vector<1x10000x1xf32>
    %get3A_8 = vector.shape_cast %get3A_7 : vector<1x10000x1xf32> to vector<10000xf32>
    %add3A = arith.addf %get3A_3, %get3A_8 : vector<10000xf32>
    %add3A_9 = arith.constant 1.000000e+00 : f32
    %add3A_10 = vector.broadcast %add3A_9 : f32 to vector<10000xf32>
    %add3A_11 = arith.addf %add3A, %add3A_10 : vector<10000xf32>
    %rsqrt3A = math.rsqrt %add3A_11 : vector<10000xf32>
    %broadcast_in_dim3A = vector.shape_cast %rsqrt3A : vector<10000xf32> to vector<10000x1xf32>
    %swap3A = arith.constant 0 : index
    %swap3A_12 = arith.constant 0 : index
    %swap3A_13 = vector.load %arg4[%swap3A, %swap3A_12] : memref<10000x1xf32, #tpu.memory_space<vmem>>, vector<10000x1xf32>
    tpu.vector_store %arg4[%swap3A, %swap3A_12], %broadcast_in_dim3A {strides = array<i32>} : memref<10000x1xf32, #tpu.memory_space<vmem>>, vector<10000x1xf32>,
    %broadcast_in_dim3A_14 = vector.shape_cast %rsqrt3A : vector<10000xf32> to vector<10000x1xf32>
    %get3A_15 = arith.constant 0 : index
    %get3A_16 = arith.constant 0 : index
    %get3A_17 = vector.load %arg0[%get3A_15, %get3A_16] : memref<10000x128xf32, #tpu.memory_space<vmem>>, vector<10000x128xf32>
    %get3A_18 = arith.constant 0 : index
    %get3A_19 = arith.constant 0 : index
    %get3A_20 = vector.load %arg2[%get3A_18, %get3A_19] : memref<128x128xf32, #tpu.memory_space<vmem>>, vector<128x128xf32>
    %dot_general3A = arith.constant dense<0.000000e+00> : vector<10000x128xf32>
    %dot_general3A_21 = tpu.matmul %get3A_17, %get3A_20, %dot_general3A {dimension_numbers = #tpu.dot_dimension_numbers<[1], [0], [0], [1], [0, 0, 1, 1], [], []>, transpose_lhs_hint = false} : vector<10000x128xf32>, vector<128x128xf32>, vector<10000x128xf32> -> vector<10000x128xf32>
    %mul3A = vector.broadcast %broadcast_in_dim3A_14 : vector<10000x1xf32> to vector<10000x128xf32>
    %mul3A_22 = arith.mulf %mul3A, %dot_general3A_21 : vector<10000x128xf32>
    %swap3A_23 = arith.constant 0 : index
    %swap3A_24 = arith.constant 0 : index
    %swap3A_25 = vector.load %arg3[%swap3A_23, %swap3A_24] : memref<10000x128xf32, #tpu.memory_space<vmem>>, vector<10000x128xf32>
    tpu.vector_store %arg3[%swap3A_23, %swap3A_24], %mul3A_22 {strides = array<i32>} : memref<10000x128xf32, #tpu.memory_space<vmem>>, vector<10000x128xf32>,
    return
  }
}

module attributes {stable_mosaic.version = 14 : i64} {
  func.func @_tc_mid_body(%arg0: memref<2x10112x128xf32, #tpu.memory_space<vmem>>, %arg1: memref<10000x128xf32, #tpu.memory_space<vmem>>, %arg2: memref<10000x1xf32, #tpu.memory_space<vmem>>, %arg3: memref<1x128xf32, #tpu.memory_space<vmem>>, %arg4: memref<128x128xf32, #tpu.memory_space<vmem>>, %arg5: memref<10000x128xf32, #tpu.memory_space<vmem>>) attributes {dimension_semantics = [], scalar_prefetch = 0 : i64, scratch_operands = 0 : i64, tpu.core_type = #tpu.core_type<tc>} {
    %get3A = arith.constant 0 : index
    %get3A_0 = arith.constant 0 : index
    %get3A_1 = vector.load %arg2[%get3A, %get3A_0] : memref<10000x1xf32, #tpu.memory_space<vmem>>, vector<10000x1xf32>
    %get3A_2 = arith.constant 0 : index
    %get3A_3 = arith.constant 0 : index
    %get3A_4 = arith.constant 0 : index
    %get3A_5 = vector.load %arg0[%get3A_2, %get3A_3, %get3A_4] : memref<2x10112x128xf32, #tpu.memory_space<vmem>>, vector<1x10000x128xf32>
    %get3A_6 = vector.shape_cast %get3A_5 : vector<1x10000x128xf32> to vector<10000x128xf32>
    %get3A_7 = arith.constant 1 : index
    %get3A_8 = arith.constant 0 : index
    %get3A_9 = arith.constant 0 : index
    %get3A_10 = vector.load %arg0[%get3A_7, %get3A_8, %get3A_9] : memref<2x10112x128xf32, #tpu.memory_space<vmem>>, vector<1x10000x128xf32>
    %get3A_11 = vector.shape_cast %get3A_10 : vector<1x10000x128xf32> to vector<10000x128xf32>
    %add3A = arith.addf %get3A_6, %get3A_11 : vector<10000x128xf32>
    %get3A_12 = arith.constant 0 : index
    %get3A_13 = arith.constant 0 : index
    %get3A_14 = vector.load %arg1[%get3A_12, %get3A_13] : memref<10000x128xf32, #tpu.memory_space<vmem>>, vector<10000x128xf32>
    %add3A_15 = arith.addf %add3A, %get3A_14 : vector<10000x128xf32>
    %mul3A = vector.broadcast %get3A_1 : vector<10000x1xf32> to vector<10000x128xf32>
    %mul3A_16 = arith.mulf %add3A_15, %mul3A : vector<10000x128xf32>
    %get3A_17 = arith.constant 0 : index
    %get3A_18 = arith.constant 0 : index
    %get3A_19 = vector.load %arg3[%get3A_17, %get3A_18] : memref<1x128xf32, #tpu.memory_space<vmem>>, vector<1x128xf32>
    %add3A_20 = vector.broadcast %get3A_19 : vector<1x128xf32> to vector<10000x128xf32>
    %add3A_21 = arith.addf %mul3A_16, %add3A_20 : vector<10000x128xf32>
    %reduce_sum3A = arith.constant dense<0.000000e+00> : vector<128xf32>
    %reduce_sum3A_22 = vector.multi_reduction <add>, %add3A_21, %reduce_sum3A [0] : vector<10000x128xf32> to vector<128xf32>
    %broadcast_in_dim3A = vector.shape_cast %reduce_sum3A_22 : vector<128xf32> to vector<1x128xf32>
    %div3A = arith.constant 1.000000e+04 : f32
    %div3A_23 = vector.broadcast %div3A : f32 to vector<1x128xf32>
    %div3A_24 = arith.divf %broadcast_in_dim3A, %div3A_23 : vector<1x128xf32>
    %sub3A = vector.broadcast %div3A_24 : vector<1x128xf32> to vector<10000x128xf32>
    %sub3A_25 = arith.subf %add3A_21, %sub3A : vector<10000x128xf32>
    %integer_pow3A = arith.mulf %sub3A_25, %sub3A_25 : vector<10000x128xf32>
    %reduce_sum3A_26 = arith.constant dense<0.000000e+00> : vector<128xf32>
    %reduce_sum3A_27 = vector.multi_reduction <add>, %integer_pow3A, %reduce_sum3A_26 [0] : vector<10000x128xf32> to vector<128xf32>
    %broadcast_in_dim3A_28 = vector.shape_cast %reduce_sum3A_27 : vector<128xf32> to vector<1x128xf32>
    %div3A_29 = arith.constant 1.000000e+04 : f32
    %div3A_30 = vector.broadcast %div3A_29 : f32 to vector<1x128xf32>
    %div3A_31 = arith.divf %broadcast_in_dim3A_28, %div3A_30 : vector<1x128xf32>
    %sub3A_32 = vector.broadcast %div3A_24 : vector<1x128xf32> to vector<10000x128xf32>
    %sub3A_33 = arith.subf %add3A_21, %sub3A_32 : vector<10000x128xf32>
    %add3A_34 = arith.constant 9.99999974E-6 : f32
    %add3A_35 = vector.broadcast %add3A_34 : f32 to vector<1x128xf32>
    %add3A_36 = arith.addf %div3A_31, %add3A_35 : vector<1x128xf32>
    %sqrt3A = math.sqrt %add3A_36 : vector<1x128xf32>
    %div3A_37 = vector.broadcast %sqrt3A : vector<1x128xf32> to vector<10000x128xf32>
    %div3A_38 = arith.divf %sub3A_33, %div3A_37 : vector<10000x128xf32>
    %max3A = arith.constant 0.000000e+00 : f32
    %max3A_39 = vector.broadcast %max3A : f32 to vector<10000x128xf32>
    %max3A_40 = arith.maximumf %div3A_38, %max3A_39 : vector<10000x128xf32>
    %get3A_41 = arith.constant 0 : index
    %get3A_42 = arith.constant 0 : index
    %get3A_43 = vector.load %arg4[%get3A_41, %get3A_42] : memref<128x128xf32, #tpu.memory_space<vmem>>, vector<128x128xf32>
    %dot_general3A = arith.constant dense<0.000000e+00> : vector<10000x128xf32>
    %dot_general3A_44 = tpu.matmul %max3A_40, %get3A_43, %dot_general3A {dimension_numbers = #tpu.dot_dimension_numbers<[1], [0], [0], [1], [0, 0, 1, 1], [], []>, transpose_lhs_hint = false} : vector<10000x128xf32>, vector<128x128xf32>, vector<10000x128xf32> -> vector<10000x128xf32>
    %mul3A_45 = vector.broadcast %get3A_1 : vector<10000x1xf32> to vector<10000x128xf32>
    %mul3A_46 = arith.mulf %mul3A_45, %dot_general3A_44 : vector<10000x128xf32>
    %swap3A = arith.constant 0 : index
    %swap3A_47 = arith.constant 0 : index
    %swap3A_48 = vector.load %arg5[%swap3A, %swap3A_47] : memref<10000x128xf32, #tpu.memory_space<vmem>>, vector<10000x128xf32>
    tpu.vector_store %arg5[%swap3A, %swap3A_47], %mul3A_46 {strides = array<i32>} : memref<10000x128xf32, #tpu.memory_space<vmem>>, vector<10000x128xf32>,
    return
  }
}

module attributes {stable_mosaic.version = 14 : i64} {
  func.func @_tc_head_body(%arg0: memref<2x10112x128xf32, #tpu.memory_space<vmem>>, %arg1: memref<10000x128xf32, #tpu.memory_space<vmem>>, %arg2: memref<10000x1xf32, #tpu.memory_space<vmem>>, %arg3: memref<1x128xf32, #tpu.memory_space<vmem>>, %arg4: memref<128x128xf32, #tpu.memory_space<vmem>>, %arg5: memref<1x128xf32, #tpu.memory_space<vmem>>, %arg6: memref<128x2xf32, #tpu.memory_space<vmem>>, %arg7: memref<1x2xf32, #tpu.memory_space<vmem>>, %arg8: memref<10000x2xf32, #tpu.memory_space<vmem>>) attributes {dimension_semantics = [], scalar_prefetch = 0 : i64, scratch_operands = 0 : i64, tpu.core_type = #tpu.core_type<tc>} {
    %get3A = arith.constant 0 : index
    %get3A_0 = arith.constant 0 : index
    %get3A_1 = vector.load %arg2[%get3A, %get3A_0] : memref<10000x1xf32, #tpu.memory_space<vmem>>, vector<10000x1xf32>
    %get3A_2 = arith.constant 0 : index
    %get3A_3 = arith.constant 0 : index
    %get3A_4 = arith.constant 0 : index
    %get3A_5 = vector.load %arg0[%get3A_2, %get3A_3, %get3A_4] : memref<2x10112x128xf32, #tpu.memory_space<vmem>>, vector<1x10000x128xf32>
    %get3A_6 = vector.shape_cast %get3A_5 : vector<1x10000x128xf32> to vector<10000x128xf32>
    %get3A_7 = arith.constant 1 : index
    %get3A_8 = arith.constant 0 : index
    %get3A_9 = arith.constant 0 : index
    %get3A_10 = vector.load %arg0[%get3A_7, %get3A_8, %get3A_9] : memref<2x10112x128xf32, #tpu.memory_space<vmem>>, vector<1x10000x128xf32>
    %get3A_11 = vector.shape_cast %get3A_10 : vector<1x10000x128xf32> to vector<10000x128xf32>
    %add3A = arith.addf %get3A_6, %get3A_11 : vector<10000x128xf32>
    %get3A_12 = arith.constant 0 : index
    %get3A_13 = arith.constant 0 : index
    %get3A_14 = vector.load %arg1[%get3A_12, %get3A_13] : memref<10000x128xf32, #tpu.memory_space<vmem>>, vector<10000x128xf32>
    %add3A_15 = arith.addf %add3A, %get3A_14 : vector<10000x128xf32>
    %mul3A = vector.broadcast %get3A_1 : vector<10000x1xf32> to vector<10000x128xf32>
    %mul3A_16 = arith.mulf %add3A_15, %mul3A : vector<10000x128xf32>
    %get3A_17 = arith.constant 0 : index
    %get3A_18 = arith.constant 0 : index
    %get3A_19 = vector.load %arg3[%get3A_17, %get3A_18] : memref<1x128xf32, #tpu.memory_space<vmem>>, vector<1x128xf32>
    %add3A_20 = vector.broadcast %get3A_19 : vector<1x128xf32> to vector<10000x128xf32>
    %add3A_21 = arith.addf %mul3A_16, %add3A_20 : vector<10000x128xf32>
    %reduce_sum3A = arith.constant dense<0.000000e+00> : vector<128xf32>
    %reduce_sum3A_22 = vector.multi_reduction <add>, %add3A_21, %reduce_sum3A [0] : vector<10000x128xf32> to vector<128xf32>
    %broadcast_in_dim3A = vector.shape_cast %reduce_sum3A_22 : vector<128xf32> to vector<1x128xf32>
    %div3A = arith.constant 1.000000e+04 : f32
    %div3A_23 = vector.broadcast %div3A : f32 to vector<1x128xf32>
    %div3A_24 = arith.divf %broadcast_in_dim3A, %div3A_23 : vector<1x128xf32>
    %sub3A = vector.broadcast %div3A_24 : vector<1x128xf32> to vector<10000x128xf32>
    %sub3A_25 = arith.subf %add3A_21, %sub3A : vector<10000x128xf32>
    %integer_pow3A = arith.mulf %sub3A_25, %sub3A_25 : vector<10000x128xf32>
    %reduce_sum3A_26 = arith.constant dense<0.000000e+00> : vector<128xf32>
    %reduce_sum3A_27 = vector.multi_reduction <add>, %integer_pow3A, %reduce_sum3A_26 [0] : vector<10000x128xf32> to vector<128xf32>
    %broadcast_in_dim3A_28 = vector.shape_cast %reduce_sum3A_27 : vector<128xf32> to vector<1x128xf32>
    %div3A_29 = arith.constant 1.000000e+04 : f32
    %div3A_30 = vector.broadcast %div3A_29 : f32 to vector<1x128xf32>
    %div3A_31 = arith.divf %broadcast_in_dim3A_28, %div3A_30 : vector<1x128xf32>
    %sub3A_32 = vector.broadcast %div3A_24 : vector<1x128xf32> to vector<10000x128xf32>
    %sub3A_33 = arith.subf %add3A_21, %sub3A_32 : vector<10000x128xf32>
    %add3A_34 = arith.constant 9.99999974E-6 : f32
    %add3A_35 = vector.broadcast %add3A_34 : f32 to vector<1x128xf32>
    %add3A_36 = arith.addf %div3A_31, %add3A_35 : vector<1x128xf32>
    %sqrt3A = math.sqrt %add3A_36 : vector<1x128xf32>
    %div3A_37 = vector.broadcast %sqrt3A : vector<1x128xf32> to vector<10000x128xf32>
    %div3A_38 = arith.divf %sub3A_33, %div3A_37 : vector<10000x128xf32>
    %max3A = arith.constant 0.000000e+00 : f32
    %max3A_39 = vector.broadcast %max3A : f32 to vector<10000x128xf32>
    %max3A_40 = arith.maximumf %div3A_38, %max3A_39 : vector<10000x128xf32>
    %get3A_41 = arith.constant 0 : index
    %get3A_42 = arith.constant 0 : index
    %get3A_43 = vector.load %arg4[%get3A_41, %get3A_42] : memref<128x128xf32, #tpu.memory_space<vmem>>, vector<128x128xf32>
    %dot_general3A = arith.constant dense<0.000000e+00> : vector<10000x128xf32>
    %dot_general3A_44 = tpu.matmul %max3A_40, %get3A_43, %dot_general3A {dimension_numbers = #tpu.dot_dimension_numbers<[1], [0], [0], [1], [0, 0, 1, 1], [], []>, transpose_lhs_hint = false} : vector<10000x128xf32>, vector<128x128xf32>, vector<10000x128xf32> -> vector<10000x128xf32>
    %get3A_45 = arith.constant 0 : index
    %get3A_46 = arith.constant 0 : index
    %get3A_47 = vector.load %arg5[%get3A_45, %get3A_46] : memref<1x128xf32, #tpu.memory_space<vmem>>, vector<1x128xf32>
    %add3A_48 = vector.broadcast %get3A_47 : vector<1x128xf32> to vector<10000x128xf32>
    %add3A_49 = arith.addf %dot_general3A_44, %add3A_48 : vector<10000x128xf32>
    %reduce_sum3A_50 = arith.constant dense<0.000000e+00> : vector<128xf32>
    %reduce_sum3A_51 = vector.multi_reduction <add>, %add3A_49, %reduce_sum3A_50 [0] : vector<10000x128xf32> to vector<128xf32>
    %broadcast_in_dim3A_52 = vector.shape_cast %reduce_sum3A_51 : vector<128xf32> to vector<1x128xf32>
    %div3A_53 = arith.constant 1.000000e+04 : f32
    %div3A_54 = vector.broadcast %div3A_53 : f32 to vector<1x128xf32>
    %div3A_55 = arith.divf %broadcast_in_dim3A_52, %div3A_54 : vector<1x128xf32>
    %sub3A_56 = vector.broadcast %div3A_55 : vector<1x128xf32> to vector<10000x128xf32>
    %sub3A_57 = arith.subf %add3A_49, %sub3A_56 : vector<10000x128xf32>
    %integer_pow3A_58 = arith.mulf %sub3A_57, %sub3A_57 : vector<10000x128xf32>
    %reduce_sum3A_59 = arith.constant dense<0.000000e+00> : vector<128xf32>
    %reduce_sum3A_60 = vector.multi_reduction <add>, %integer_pow3A_58, %reduce_sum3A_59 [0] : vector<10000x128xf32> to vector<128xf32>
    %broadcast_in_dim3A_61 = vector.shape_cast %reduce_sum3A_60 : vector<128xf32> to vector<1x128xf32>
    %div3A_62 = arith.constant 1.000000e+04 : f32
    %div3A_63 = vector.broadcast %div3A_62 : f32 to vector<1x128xf32>
    %div3A_64 = arith.divf %broadcast_in_dim3A_61, %div3A_63 : vector<1x128xf32>
    %sub3A_65 = vector.broadcast %div3A_55 : vector<1x128xf32> to vector<10000x128xf32>
    %sub3A_66 = arith.subf %add3A_49, %sub3A_65 : vector<10000x128xf32>
    %add3A_67 = arith.constant 9.99999974E-6 : f32
    %add3A_68 = vector.broadcast %add3A_67 : f32 to vector<1x128xf32>
    %add3A_69 = arith.addf %div3A_64, %add3A_68 : vector<1x128xf32>
    %sqrt3A_70 = math.sqrt %add3A_69 : vector<1x128xf32>
    %div3A_71 = vector.broadcast %sqrt3A_70 : vector<1x128xf32> to vector<10000x128xf32>
    %div3A_72 = arith.divf %sub3A_66, %div3A_71 : vector<10000x128xf32>
    %max3A_73 = arith.constant 0.000000e+00 : f32
    %max3A_74 = vector.broadcast %max3A_73 : f32 to vector<10000x128xf32>
    %max3A_75 = arith.maximumf %div3A_72, %max3A_74 : vector<10000x128xf32>
    %get3A_76 = arith.constant 0 : index
    %get3A_77 = arith.constant 0 : index
    %get3A_78 = vector.load %arg6[%get3A_76, %get3A_77] : memref<128x2xf32, #tpu.memory_space<vmem>>, vector<128x2xf32>
    %dot_general3A_79 = arith.constant dense<0.000000e+00> : vector<10000x2xf32>
    %dot_general3A_80 = tpu.matmul %max3A_75, %get3A_78, %dot_general3A_79 {dimension_numbers = #tpu.dot_dimension_numbers<[1], [0], [0], [1], [0, 0, 1, 1], [], []>, transpose_lhs_hint = false} : vector<10000x128xf32>, vector<128x2xf32>, vector<10000x2xf32> -> vector<10000x2xf32>
    %get3A_81 = arith.constant 0 : index
    %get3A_82 = arith.constant 0 : index
    %get3A_83 = vector.load %arg7[%get3A_81, %get3A_82] : memref<1x2xf32, #tpu.memory_space<vmem>>, vector<1x2xf32>
    %add3A_84 = vector.broadcast %get3A_83 : vector<1x2xf32> to vector<10000x2xf32>
    %add3A_85 = arith.addf %dot_general3A_80, %add3A_84 : vector<10000x2xf32>
    %swap3A = arith.constant 0 : index
    %swap3A_86 = arith.constant 0 : index
    %swap3A_87 = vector.load %arg8[%swap3A, %swap3A_86] : memref<10000x2xf32, #tpu.memory_space<vmem>>, vector<10000x2xf32>
    tpu.vector_store %arg8[%swap3A, %swap3A_86], %add3A_85 {strides = array<i32>} : memref<10000x2xf32, #tpu.memory_space<vmem>>, vector<10000x2xf32>,
    return
  }
}

</mosaic_0001>

<sc_bundles>
// kernel: kernel.10.cloned.1.call-start
scs
__scs_entry_jumppad:
0x0: {  	(pc) =	sbr.rel $0x88, $3  }
0x1: {  	(tag) =	ssettag $0x0;
	lr =	simm.s32 $0x1  }
0x2: {  	[smem:$0x3F95] =	sst lr;
	_ =	strace $0xD0000000  }
0x3: {  	_ = 	snop  }
0x4: {  	_ = 	snop  }
0x5: {  	_ = 	snop  }
0x6: {  	_ = 	snop  }
0x7: {  	_ = 	snop  }
__scs_overlays_trampoline_lowered:
0x8: {  	[smem:$0x3FA4] =	sst s0  }
0x9: {  	[smem:$0x3FA5] =	sst s1  }
0xa: {  	[smem:$0x3FA6] =	sst s2  }
0xb: {  	[smem:$0x3FA7] =	sst s3  }
0xc: {  	[smem:$0x3FA8] =	sst s4  }
0xd: {  	[smem:$0x3FA9] =	sst s5  }
0xe: {  	[smem:$0x3FAA] =	sst s6  }
0xf: {  	[smem:$0x3FAB] =	sst s7  }
0x10: {  	[smem:$0x3FAC] =	sst s8  }
0x11: {  	[smem:$0x3FAD] =	sst s9;
	s0 =	simm.s32 @!p0 $0x0  }
0x12: {  	s1 =	sld [smem:$0x3F93];
	s0 =	simm.s32 @p0 $0x1  }
0x13: {  	[smem:$0x3FAE] =	sst s0;
	s0 =	simm.s32 @!p1 $0x0  }
0x14: {  	s2 =	sld [smem:$0x3F92];
	s0 =	simm.s32 @p1 $0x1  }
0x15: {  	[smem:$0x3FAF] =	sst s0;
	s0 =	simm.s32 @!p2 $0x0  }
0x16: {  	s3 =	sld [smem:$0x3FDB];
	s0 =	simm.s32 @p2 $0x1  }
0x17: {  	s4 =	simm.s32 $0x1BF5;
	[smem:$0x3FB1] =	sst s0  }
0x18: {  	s0 =	sld [smem:$0x3F94];
	_ =	swait.ge [sflag:s4], $0x0  }
0x19: {  	s7 =	sld [smem:$0x3F95]  }
0x1a: {  	s8 =	sadd.s32 $0xFFFFE003, lr  }
0x1b: {  	s9 =	sadd.s32 $0xFFFFFEF7, lr;
	s5 =	simm.s32 $0xFFFFFFFF;
	p2 =	slt.u32 s8, $0xFFFFF086  }
0x1c: {  	p1 =	slt.u32 s9, $0xF7A;
	s5 =	simm.s32 @!p2 $0x0  }
0x1d: {  	s5 =	simm.s32 @p1 $0x1;
	p0 =	seq.s32 s7, s2  }
0x1e: {  	s7 =	smul.u32 @!p0 $0xF7A, s2;
	p2 =	seq.s32 @!p0 s5, $0x0  }
0x1f: {  	s9 =	smul.u32 $0xF7A, s1;
	s8 =	simm.s32 @!p0 $0x1BF5;
	p2 =	por !p2, p0  }
0x20: {  	[sflag:s8] =	ssyncset.s32 @!p0 $0xFFFFF086;
	s6 =	sadd.s32 @!p0 s3, s7;
	s7 =	simm.s32 @!p0 $0x108  }
0x21: {  	s3 =	sadd.s32 s3, s9;
	s6 =	sadd.s32 @!p0 $0x88, s6;
	s7 =	simm.s32 @p2 $0x1082  }
0x22: {  	[simem:s7], [sflag:s8] =	dma.local @!p0 [hbm:s6], $0xF7A  }
0x23: {  	s9 =	sor.u32 $0xD0000000, s2;
	s6 =	simm.s32 $0x108;
	_ =	swait.ge @!p0 [sflag:s8], $0x0  }
0x24: {  	s3 =	sadd.s32 $0x88, s3;
	s6 =	simm.s32 @!p1 $0x1082;
	[sflag:s4] =	ssyncset.s32 $0xFFFFF086  }
0x25: {  	[simem:s6], [sflag:s4] =	dma.local [hbm:s3], $0xF7A  }
0x26: {  	[smem:$0x3F95] =	sst s1;
	(tag) =	ssettag s2;
	_ =	strace s9  }
0x27: {  	s1 =	sld [smem:$0x3FA5]  }
0x28: {  	s2 =	sld [smem:$0x3FA6]  }
0x29: {  	s4 =	sld [smem:$0x3FA8]  }
0x2a: {  	p0 =	seq.s32 s5, $0x0;
	s5 =	sld [smem:$0x3FA9]  }
0x2b: {  	s6 =	sld [smem:$0x3FAA]  }
0x2c: {  	s7 =	sld [smem:$0x3FAB]  }
0x2d: {  	s3 =	simm.s32 $0x108;
	s8 =	sld [smem:$0x3FAC]  }
0x2e: {  	s3 =	simm.s32 @!p0 $0x1082;
	s9 =	sld [smem:$0x3FAD]  }
0x2f: {  	lr =	sadd.s32 s0, s3;
	s0 =	sld [smem:$0x3FA4]  }
0x30: {  	s3 =	sld [smem:$0x3FA7]  }
0x31: {  	[smem:$0x3FB0] =	sst s10  }
0x32: {  	s10 =	sld [smem:$0x3FAE];
	_ =	sdelay $0x3  }
0x33: {  	p0 =	seq.s32 s10, $0x1;
	s10 =	sld [smem:$0x3FB0];
	_ =	sdelay $0x3  }
0x34: {  	[smem:$0x3FB0] =	sst s10  }
0x35: {  	s10 =	sld [smem:$0x3FAF];
	_ =	sdelay $0x3  }
0x36: {  	p1 =	seq.s32 s10, $0x1;
	s10 =	sld [smem:$0x3FB0];
	_ =	sdelay $0x3  }
0x37: {  	[smem:$0x3FB0] =	sst s10  }
0x38: {  	s10 =	sld [smem:$0x3FB1]  }
0x39: {  	_ = 	snop;
	(pc) =	sbr.ind lr, $3  }
0x3a: {  	_ = 	snop  }
0x3b: {  	_ = 	snop  }
0x3c: {  	p2 =	seq.s32 s10, $0x1;
	s10 =	sld [smem:$0x3FB0]  }
0x3d: {  	_ =	shalt  }
0x3e: {  	_ =	shalt  }
0x3f: {  	_ =	shalt  }
0x40: {  	_ =	shalt  }
0x41: {  	_ =	shalt  }
0x42: {  	_ =	shalt  }
0x43: {  	_ =	shalt  }
0x44: {  	_ =	shalt  }
0x45: {  	_ =	shalt  }
0x46: {  	_ =	shalt  }
0x47: {  	_ =	shalt  }
0x48: {  	_ =	shalt  }
0x49: {  	_ =	shalt  }
0x4a: {  	_ =	shalt  }
0x4b: {  	_ =	shalt  }
0x4c: {  	_ =	shalt  }
0x4d: {  	_ =	shalt  }
0x4e: {  	_ =	shalt  }
0x4f: {  	_ =	shalt  }
0x50: {  	_ =	shalt  }
0x51: {  	_ =	shalt  }
0x52: {  	_ =	shalt  }
0x53: {  	_ =	shalt  }
0x54: {  	_ =	shalt  }
0x55: {  	_ =	shalt  }
0x56: {  	_ =	shalt  }
0x57: {  	_ =	shalt  }
0x58: {  	_ =	shalt  }
0x59: {  	_ =	shalt  }
0x5a: {  	_ =	shalt  }
0x5b: {  	_ =	shalt  }
0x5c: {  	_ =	shalt  }
0x5d: {  	_ =	shalt  }
0x5e: {  	_ =	shalt  }
0x5f: {  	_ =	shalt  }
0x60: {  	_ =	shalt  }
0x61: {  	_ =	shalt  }
0x62: {  	_ =	shalt  }
0x63: {  	_ =	shalt  }
0x64: {  	_ =	shalt  }
0x65: {  	_ =	shalt  }
0x66: {  	_ =	shalt  }
0x67: {  	_ =	shalt  }
0x68: {  	_ =	shalt  }
0x69: {  	_ =	shalt  }
0x6a: {  	_ =	shalt  }
0x6b: {  	_ =	shalt  }
0x6c: {  	_ =	shalt  }
0x6d: {  	_ =	shalt  }
0x6e: {  	_ =	shalt  }
0x6f: {  	_ =	shalt  }
0x70: {  	_ =	shalt  }
0x71: {  	_ =	shalt  }
0x72: {  	_ =	shalt  }
0x73: {  	_ =	shalt  }
0x74: {  	_ =	shalt  }
0x75: {  	_ =	shalt  }
0x76: {  	_ =	shalt  }
0x77: {  	_ =	shalt  }
0x78: {  	_ =	shalt  }
0x79: {  	_ =	shalt  }
0x7a: {  	_ =	shalt  }
0x7b: {  	_ =	shalt  }
0x7c: {  	_ =	shalt  }
0x7d: {  	_ =	shalt  }
0x7e: {  	_ =	shalt  }
0x7f: {  	_ =	shalt  }
0x80: {  	_ =	shalt  }
0x81: {  	_ =	shalt  }
0x82: {  	_ =	shalt  }
0x83: {  	_ =	shalt  }
0x84: {  	_ =	shalt  }
0x85: {  	_ =	shalt  }
0x86: {  	_ =	shalt  }
0x87: {  	_ =	shalt  }
.Lfunc_end0:
.L_simem_size_0:
called_computation_lowered:
.L_overlay_start_0:
0x88: {  	s2 =	sld [smem:$0x3FD9]  }
0x89: {  	s3 =	sld [smem:$0x3FFE];
	_ =	sdelay $0x1  }
0x8a: {  	s1 =	srdreg.scid  }
0x8b: {  	s0 =	sand.u32 $0x1, s1  }
0x8c: {  	s16 =	sshll.u32 s0, $0xA;
	s2 =	sadd.s32 s3, s2  }
0x8d: {  	s2 =	sadd.s32 s2, s16  }
0x8e: {  	[smem:$0x3FBC] =	sst s2  }
0x8f: {  	_ = 	snop  }
0x90: {  	(tm) =	ssettm $0x1  }
0x91: {  	s17 =	sld [smem:$0x3FFB];
	_ =	sdelay $0x3  }
0x92: {  	_ =	strace s17  }
0x93: {  	s2 =	sld [smem:$0x3FFC];
	_ =	sdelay $0x3  }
0x94: {  	_ =	strace s2  }
0x95: {  	s2 =	sld [smem:$0x3FFD];
	_ =	sdelay $0x3  }
0x96: {  	_ =	strace s2  }
0x97: {  	_ =	strace $0x8FFFFFFF  }
0x98: {  	s18 =	sld [smem:$0x3FDB];
	_ =	sdelay $0x1  }
0x99: {  	s19 =	simm.s32 $_scs_section_size  }
0x9a: {  	s4 =	simm.s32 $_size__tile_overlayer_lowered;
	s5 =	simm.s32 $_tile_overlayer_lowered  }
0x9b: {  	s22 =	simm.s32 $0x1BFF;
	s21 =	sshll.u32 s5, $0x1;
	s2 =	sadd.s32 s19, s18  }
0x9c: {  	s6 =	simm.s32 $0x0;
	s20 =	sshll.u32 s4, $0x1;
	s4 =	sadd.s32 s21, s2  }
0x9d: {  	[timem:s6], [sflag:s22] =	dma.local [hbm:s4], s20  }
0x9e: {  	_ =	swait.ge [sflag:s22], s20  }
0x9f: {  	s3 =	ssub.s32 $0x0, s20;
	[sflag:s22] =	ssyncset.done $0x0  }
0xa0: {  	[sflag:s22] =	ssyncadd.s32 s3;
	_ =	sdelay $0x1  }
0xa1: {  	s23 =	simm.s32 $0x1B8B  }
0xa2: {  	_ =	swait.ge [sflag:s23], $0x1  }
0xa3: {  	[sflag:s23] =	ssyncset.done $0x0  }
0xa4: {  	s25 =	simm.s32 $0x1B8E;
	s24 =	sld [smem:$0x3FFE];
	[sflag:s23] =	ssyncadd.s32 $0xFFFFFFFF  }
0xa5: {  	s26 =	simm.s32 $execute0_lowered;
	[smem:$0x3FD2] =	sst s25  }
0xa6: {  	s4 =	sshll.u32 s26, $0x1;
	_ =	strace $0x80000046;
	[dreg:$0x1] =	wrdreg $0xFFFFFFFF  }
0xa7: {  	s28 =	simm.s32 $_size_execute0_lowered;
	s2 =	sadd.s32 s2, s4;
	[dreg:$0x0] =	wrdreg $0x0  }
0xa8: {  	s4 =	sshll.u32 s28, $0x1;
	[dreg:$0x2] =	wrdreg s2  }
0xa9: {  	[dreg:$0x3] =	wrdreg s4  }
0xaa: {  	[dreg:$0x4] =	wrdreg $0xC0  }
0xab: {  	_ =	task [dreg:s6], $0x5FFFF  }
0xac: {  	[dreg:$0x1] =	wrdreg $0xFFFFFFFF  }
0xad: {  	[dreg:$0x0] =	wrdreg $0x60  }
0xae: {  	[dreg:$0x2] =	wrdreg s24  }
0xaf: {  	[dreg:$0x3] =	wrdreg $0x98000  }
0xb0: {  	[dreg:$0x4] =	wrdreg $0x9  }
0xb1: {  	_ =	task.clear_ibuf [dreg:s6], $0x5FFFF;
	_ =	strace $0x90000046  }
0xb2: {  	s29 =	simm.s32 $0x9;
	_ =	strace $0x80000048  }
0xb3: {  	_ =	swait.ge [sflag:s29], $0x1  }
0xb4: {  	[sflag:s29] =	ssyncadd.s32 $0xFFFFFFFF  }
0xb5: {  	_ =	strace $0x90000048  }
0xb6: {  	_ =	sfence  }
0xb7: {  	s30 =	sld [smem:$0x0];
	_ =	sdelay $0x2  }
0xb8: {  	s31 =	sshll.u32 s1, $0xD;
	s1 =	sshrl.u32 s1, $0x2  }
0xb9: {  	s3 =	sand.u32 $0x4000, s31;
	s1 =	sadd.s32 s1, s30  }
0xba: {  	s0 =	sor.u32 s3, s0;
	s1 =	sshll.u32 s1, $0x11  }
0xbb: {  	s0 =	sor.u32 s1, s0  }
0xbc: {  	s0 =	sadd.s32 $0x8F2B, s0  }
0xbd: {  	[sflag:s0] =	ssyncadd.remote.s32 $0x1  }
0xbe: {  	_ =	sfence.sel $0xFFFF  }
0xbf: {  	[dreg:$0x0] =	wrdreg $0xFFFFFFFF;
	(pc) =	sbr.abs _section_cstart, $3  }
0xc0: {  	[dreg:$0x1] =	wrdreg $0xFFFFFFFF  }
0xc1: {  	_ =	task.clear_ibuf [dreg:s6], $0x2FFFF;
	_ =	strace $0x9FFFFFFF  }
0xc2: {  	(tm) =	ssettm $0x7FFFFFFF  }
0xc3: {  	_ =	shalt  }
tec
execute0_lowered:
.L_overlay_start_1:
0x0: {  	(tag) =	ssettag $0x1  }
0x1: {  	s0 =	rddreg [dreg:$0x0]  }
0x2: {  	s2 =	rddreg [dreg:$0x1];
	s14 =	stileid.u32  }
0x3: {  	s1 =	srdreg.scid;
	s5 =	smul.u32 $0x13C00, s14  }
0x4: {  	s3 =	simm.s32 $0x0;
	s1 =	sand.u32 $0x1, s1;
	s8 =	smul.u32 $0x6D, s14  }
0x5: {  	[smem:$0x7FF] =	sst s3;
	s4 =	sadd.s32 $0x44E00, s0;
	s9 =	smul.u32 $0x64, s14  }
0x6: {  	s10 =	sadd.s32 $0x3200, s0;
	s11 =	sadd.s32 $0x10400, s0;
	s12 =	smul.u32 $0x4F000, s14  }
0x7: {  	s22 =	sshll.u32 s14, $0x6;
	s6 =	smul.u32 $0x13C000, s1;
	_ =	strace $0x80000047  }
0x8: {  	p0 =	seq.s32 s1, $0x0;
	s1 =	ssub.s32 $0x2, s1;
	s7 =	sshrl.u32 s5, $0x3  }
0x9: {  	s17 =	sshrl.u32 s1, $0x1;
	s9 =	sadd.s32 $0x6D0, s9;
	s18 =	sshrl.u32 s12, $0x2  }
0xa: {  	s5 =	sadd.s32 s5, s6;
	s15 =	sadd.s32 s7, s0;
	s1 =	ssub.s32 s1, s17  }
0xb: {  	s9 =	smov.u32 @p0 s8;
	s7 =	sor.u32 $0x1C06, s22;
	s16 =	sshrl.u32 s5, $0x3  }
0xc: {  	s5 =	simm.s32 $0x6D;
	s6 =	sadd.s32 $0x1D600, s15;
	s24 =	sshll.u32 s9, $0x4  }
0xd: {  	s1 =	smax.u32 s1, $0x1;
	s5 =	simm.s32 @!p0 $0x64;
	s0 =	sadd.s32 s16, s0  }
0xe: {  	s16 =	sadd.s32 s18, s2;
	[dreg:$0x4] =	wrdreg s6;
	s25 =	sadd.s32 s10, s24  }
0xf: {  	s9 =	sadd.s32 s11, s24;
	[dreg:$0x9] =	wrdreg s1;
	s13 =	smul.u32 $0x56, s5  }
0x10: {  	s0 =	sadd.s32 $0x6C000, s0;
	s30 =	ssub.s32 $0x0, s5;
	[dreg:$0x5] =	wrdreg s9  }
0x11: {  	s31 =	sadd.s32 $0x20, s9;
	s1 =	sadd.s32 $0x20, s25;
	[dreg:$0x8] =	wrdreg s0  }
0x12: {  	s18 =	sshrl.u32 s16, $0x3;
	[dreg:$0x3] =	wrdreg s30;
	s19 =	sadd.s32 $0xFFFFFF54, s13  }
0x13: {  	[dreg:$0xa] =	wrdreg s31;
	s21 =	sadd.s32 $0xFFFFFFAA, s13;
	s20 =	sshrl.u32 s19, $0x8  }
0x14: {  	s13 =	sadd.s32 $0x10, s24;
	s23 =	sshrl.u32 s21, $0x8;
	s6 =	smul.u32 $0x3, s20  }
0x15: {  	s24 =	simm.s32 $0x2;
	s10 =	sadd.s32 s10, s13;
	s12 =	smul.u32 $0x3, s23  }
0x16: {  	s28 =	sadd.s32 s11, s13;
	s19 =	simm.s32 $0x6;
	[dreg:$0x6] =	wrdreg s10  }
0x17: {  	[dreg:$0x7] =	wrdreg s28;
	s6 =	ssub.s32 s5, s6;
	s12 =	sxor.u32 $0xFFFFFFFF, s12  }
0x18: {  	s20 =	smov.u32 s25;
	s6 =	sadd.s32 $0xFFFFFFFE, s6;
	s26 =	sadd.s32 s5, s12  }
0x19: {  	s23 =	simm.s32 $0x60;
	s6 =	sand.u32 $0xFF, s6;
	s29 =	sand.u32 $0xFF, s26  }
0x1a: {  	s25 =	simm.s32 $0x0;
	s12 =	sadd.s32 $0x3, s6;
	s13 =	sadd.s32 $0x3, s29  }
.LBB2_1:
0x1b: {  	s0 =	rddreg [dreg:$0x4]  }
0x1c: {  	[spmem:s18], [sflag:s7] =	dma.local [hbm:s0], $0x2780  }
0x1d: {  	_ =	swait.ge [sflag:s19], $0x2780  }
0x1e: {  	[sflag:s19] =	ssyncset.done $0x0  }
0x1f: {  	[sflag:s19] =	ssyncadd.s32 $0xFFFFD880  }
0x20: {  	[tilespmem:s3], [sflag:$0x6] =	stream.linear.gather [hbm4b:s20+s3], $0x80, $0x38;
	[tilespmem:$0x1D400] =	vst v63  }
0x21: {  	_ =	swait.ge [sflag:s19], $0x80  }
0x22: {  	[sflag:s19] =	ssyncset.done $0x0  }
0x23: {  	s6 =	simm.s32 $0x400;
	s16 =	rddreg [dreg:$0x5];
	[sflag:s19] =	ssyncadd.s32 $0xFFFFFF80  }
0x24: {  	[tilespmem:s6], [sflag:$0x6] =	stream.linear.gather [hbm4b:s16+s3], $0x80, $0x38;
	[tilespmem:$0x1D400] =	vst v63  }
0x25: {  	_ =	swait.ge [sflag:s19], $0x80  }
0x26: {  	[sflag:s19] =	ssyncset.done $0x0  }
0x27: {  	s21 =	simm.s32 $0x80;
	s17 =	rddreg [dreg:$0x6];
	[sflag:s19] =	ssyncadd.s32 $0xFFFFFF80  }
0x28: {  	[tilespmem:s21], [sflag:$0x6] =	stream.linear.gather [hbm4b:s17+s3], $0x80, $0x38;
	[tilespmem:$0x1D400] =	vst v63  }
0x29: {  	_ =	swait.ge [sflag:s19], $0x80  }
0x2a: {  	[sflag:s19] =	ssyncset.done $0x0  }
0x2b: {  	s26 =	simm.s32 $0x480;
	s22 =	rddreg [dreg:$0x7];
	[sflag:s19] =	ssyncadd.s32 $0xFFFFFF80  }
0x2c: {  	[tilespmem:s26], [sflag:$0x6] =	stream.linear.gather [hbm4b:s22+s3], $0x80, $0x38;
	[tilespmem:$0x1D400] =	vst v63  }
0x2d: {  	s28 =	simm.s32 $0xFFFFFFFE;
	s29 =	simm.s32 $0x3800;
	_ =	swait.ge [sflag:s19], $0x80  }
0x2e: {  	s30 =	simm.s32 $0x200;
	s31 =	simm.s32 $0x100;
	[sflag:s19] =	ssyncset.done $0x0  }
0x2f: {  	s0 =	simm.s32 $0x3;
	s6 =	simm.s32 $0x1;
	[sflag:s19] =	ssyncadd.s32 $0xFFFFFF80  }
0x30: {  	s17 =	smov.u32 s1;
	s26 =	simm.s32 $0x800;
	[bflag:$0x0] =	sbarrier.arrive $0xFFFF  }
0x31: {  	[tilespmem:s26], [sflag:$0x2] =	stream.indirect.gather [hbm4b:s4+s23], $0x80, s3, s23, $0xb8;
	[tilespmem:$0x1D400] =	vst v63  }
0x32: {  	s21 =	simm.s32 $0x1;
	s22 =	simm.s32 $0x0;
	s16 =	rddreg [dreg:$0xa]  }
.LBB2_2:
0x33: {  	s8 =	smulhi.u32 $0xAAAAAAAB, s28  }
0x34: {  	s9 =	sadd.s32 $0x1, s6;
	s10 =	smulhi.u32 $0xAAAAAAAB, s6  }
0x35: {  	s15 =	sadd.s32 $0xFFFFFFFF, s6;
	p0 =	sge.u32 s9, s5;
	s8 =	sshrl.u32 s8, $0x1  }
0x36: {  	s11 =	sand.u32 @!p0 $0x380, s31;
	s14 =	simm.s32 @!p0 $0x0;
	s8 =	smul.u32 $0xFFFFFFF4, s8  }
0x37: {  	[tilespmem:s11], [sflag:$0x1] =	stream.linear.gather @!p0 [hbm4b:s17+s14], $0x80, $0x38;
	[tilespmem:$0x1D400] =	vst v63  }
0x38: {  	s10 =	sshrl.u32 s10, $0x1;
	s11 =	sor.u32 @!p0 $0x400, s11;
	s8 =	sshra.s32 s8, $0x2  }
0x39: {  	[tilespmem:s11], [sflag:$0x1] =	stream.linear.gather @!p0 [hbm4b:s16+s14], $0x80, $0x38;
	[tilespmem:$0x1D400] =	vst v63  }
0x3a: {  	p1 =	slt.u32 s15, $0x2;
	s10 =	smul.u32 $0xFFFDC000, s10;
	s8 =	sadd.s32 s8, s21  }
0x3b: {  	_ =	swait.ge @!p1 [sflag:s8], $0x3000  }
0x3c: {  	s10 =	sshra.s32 s10, $0x2;
	s14 =	smulhi.u32 $0xAAAAAAAB, s22;
	[sflag:s8] =	ssyncset.done @!p1 $0x0  }
0x3d: {  	s10 =	sadd.s32 s10, s29;
	[sflag:s8] =	ssyncadd.s32 @!p1 $0xFFFFD000  }
0x3e: {  	s8 =	sshrl.u32 s14, $0x1;
	p1 =	sge.u32 s6, s5;
	_ =	swait.ge [sflag:s24], $0x3000  }
0x3f: {  	s15 =	smul.u32 $0xFFFFFFF4, s8;
	s11 =	sand.u32 @!p1 $0xE00, s30;
	[sflag:s24] =	ssyncset.done $0x0  }
0x40: {  	s14 =	simm.s32 @!p1 $0x60;
	s11 =	sshrl.u32 @!p1 s11, $0x2;
	[sflag:s24] =	ssyncadd.s32 $0xFFFFD000  }
0x41: {  	[tilespmem:s10], [sflag:$0x2] =	stream.indirect.gather @!p1 [hbm4b:s4+s14], $0x80, s11, s14, $0xb8;
	[tilespmem:$0x1D400] =	vst v63  }
0x42: {  	s8 =	smul.u32 $0xFFFDC000, s8;
	s11 =	sadd.s32 $0xFFFFFE00, s30  }
0x43: {  	s10 =	sand.u32 $0xE00, s11  }
0x44: {  	s6 =	sshra.s32 s15, $0x2;
	s8 =	sshra.s32 s8, $0x2;
	s10 =	sshrl.u32 s10, $0x2  }
0x45: {  	s6 =	sadd.s32 s6, s0;
	s8 =	sadd.s32 s8, s26;
	s10 =	sor.u32 $0x400, s10  }
0x46: {  	[spmem:s2] =	stream.indirect.scatter.add.f32 [tilespmem:s8], [sflag:s6], $0x80, s10, s23, $0xb8;
	[tilespmem:$0x1D400] =	vst v63  }
0x47: {  	s6 =	simm.s32 @!p0 $0x1  }
0x48: {  	_ =	swait.ge @!p0 [sflag:s6], $0x80  }
0x49: {  	[sflag:s6] =	ssyncset.done @!p0 $0x0  }
0x4a: {  	[sflag:s6] =	ssyncadd.s32 @!p0 $0xFFFFFF80  }
0x4b: {  	_ =	swait.ge @!p0 [sflag:s6], $0x80  }
0x4c: {  	s14 =	rddreg [dreg:$0x3]  }
0x4d: {  	[sflag:s6] =	ssyncset.done @!p0 $0x0;
	s15 =	sadd.s32 s9, s14  }
0x4e: {  	[sflag:s6] =	ssyncadd.s32 @!p0 $0xFFFFFF80;
	p0 =	sne.s32 s15, $0x1  }
.Ltmp0:
0x4f: {  	_ = 	snop;
	(pc) =	sbr.rel @p0 .LBB2_2-.Ltmp0, $4  }
0x50: {  	s28 =	sadd.s32 $0x1, s28;
	s31 =	sadd.s32 $0x80, s31  }
0x51: {  	s17 =	sadd.s32 $0x10, s17;
	s16 =	sadd.s32 $0x10, s16;
	s22 =	sadd.s32 $0x1, s22  }
0x52: {  	s21 =	sadd.s32 $0x1, s21;
	s29 =	sadd.s32 $0x3000, s29;
	s30 =	sadd.s32 $0x200, s30  }
0x53: {  	s0 =	sadd.s32 $0x1, s0;
	s26 =	sadd.s32 $0x3000, s26;
	s6 =	smov.u32 s9  }
0x54: {  	_ =	swait.ge [sflag:s12], $0x3000  }
0x55: {  	[sflag:s12] =	ssyncset.done $0x0  }
0x56: {  	[sflag:s12] =	ssyncadd.s32 $0xFFFFD000  }
0x57: {  	_ =	swait.ge [sflag:s13], $0x3000  }
0x58: {  	[sflag:s13] =	ssyncset.done $0x0  }
0x59: {  	[sflag:s13] =	ssyncadd.s32 $0xFFFFD000  }
0x5a: {  	[bflag:$0x0] =	sbarrier.arrive $0xFFFF  }
0x5b: {  	s0 =	rddreg [dreg:$0x8]  }
0x5c: {  	[hbm:s0], [sflag:s7] =	dma.local [spmem:s18], $0x2780  }
0x5d: {  	_ =	swait.ge [sflag:s19], $0x2780  }
0x5e: {  	s25 =	sadd.s32 $0x1, s25;
	s31 =	rddreg [dreg:$0x9]  }
0x5f: {  	p0 =	sne.s32 s25, s31  }
.Ltmp1:
0x60: {  	_ = 	snop;
	(pc) =	sbr.rel @p0 .LBB2_1-.Ltmp1, $3  }
0x61: {  	_ =	sdelay $0x1  }
0x62: {  	[sflag:s19] =	ssyncset.done $0x0  }
0x63: {  	[sflag:s19] =	ssyncadd.s32 $0xFFFFD880  }
0x64: {  	_ =	sfence.sel $0x180000  }
0x65: {  	[bflag:$0x0] =	sbarrier.arrive $0xFFFF  }
0x66: {  	_ =	strace $0x90000047  }
0x67: {  	s0 =	stileid.u32;
	[bflag:$0x2] =	sbarrier.arrive $0xFFFF  }
0x68: {  	p0 =	sne.s32 s0, $0x0;
	s0 =	rddreg [dreg:$0x2]  }
0x69: {  	s0 =	sadd.s32 @!p0 $0x100000, s0  }
0x6a: {  	[sflag:s0] =	ssyncadd.tile.s32 @!p0 $0x1;
	_ =	shalt  }
.Lfunc_end2:
_tile_overlayer_lowered:
.L_overlay_start_2:
0x6b: {  	(tag) =	ssettag $0x2  }
0x6c: {  	s0 =	rddreg [dreg:$0x0];
	s2 =	stileid.u32  }
0x6d: {  	s1 =	rddreg [dreg:$0x1];
	p0 =	sne.s32 s2, $0x0  }
0x6e: {  	s3 =	rddreg [dreg:$0x2];
	[bflag:$0x3] =	sbarrier.arrive $0xFFFF;
	s2 =	simm.s32 @!p0 $0x1C06  }
0x6f: {  	[timem:s3], [sflag:s2] =	dma.local @!p0 [hbm:s0], s1  }
0x70: {  	s0 =	simm.s32 @!p0 $0x6  }
0x71: {  	_ =	swait.ge @!p0 [sflag:s0], s1  }
0x72: {  	s1 =	ssub.s32 @!p0 $0x0, s1;
	[sflag:s0] =	ssyncset.done @!p0 $0x0  }
0x73: {  	[sflag:s0] =	ssyncadd.s32 @!p0 s1  }
0x74: {  	[bflag:$0x3] =	sbarrier.arrive $0xFFFF  }
0x75: {  	_ =	shalt  }

// kernel: kernel.13.cloned.1.call-start
scs
__scs_entry_jumppad:
0x0: {  	(pc) =	sbr.rel $0x88, $3  }
0x1: {  	(tag) =	ssettag $0x0;
	lr =	simm.s32 $0x1  }
0x2: {  	[smem:$0x3F95] =	sst lr;
	_ =	strace $0xD0000000  }
0x3: {  	_ = 	snop  }
0x4: {  	_ = 	snop  }
0x5: {  	_ = 	snop  }
0x6: {  	_ = 	snop  }
0x7: {  	_ = 	snop  }
__scs_overlays_trampoline_lowered:
0x8: {  	[smem:$0x3FA4] =	sst s0  }
0x9: {  	[smem:$0x3FA5] =	sst s1  }
0xa: {  	[smem:$0x3FA6] =	sst s2  }
0xb: {  	[smem:$0x3FA7] =	sst s3  }
0xc: {  	[smem:$0x3FA8] =	sst s4  }
0xd: {  	[smem:$0x3FA9] =	sst s5  }
0xe: {  	[smem:$0x3FAA] =	sst s6  }
0xf: {  	[smem:$0x3FAB] =	sst s7  }
0x10: {  	[smem:$0x3FAC] =	sst s8  }
0x11: {  	[smem:$0x3FAD] =	sst s9;
	s0 =	simm.s32 @!p0 $0x0  }
0x12: {  	s1 =	sld [smem:$0x3F93];
	s0 =	simm.s32 @p0 $0x1  }
0x13: {  	[smem:$0x3FAE] =	sst s0;
	s0 =	simm.s32 @!p1 $0x0  }
0x14: {  	s2 =	sld [smem:$0x3F92];
	s0 =	simm.s32 @p1 $0x1  }
0x15: {  	[smem:$0x3FAF] =	sst s0;
	s0 =	simm.s32 @!p2 $0x0  }
0x16: {  	s3 =	sld [smem:$0x3FDB];
	s0 =	simm.s32 @p2 $0x1  }
0x17: {  	s4 =	simm.s32 $0x1BF5;
	[smem:$0x3FB1] =	sst s0  }
0x18: {  	s0 =	sld [smem:$0x3F94];
	_ =	swait.ge [sflag:s4], $0x0  }
0x19: {  	s7 =	sld [smem:$0x3F95]  }
0x1a: {  	s8 =	sadd.s32 $0xFFFFE003, lr  }
0x1b: {  	s9 =	sadd.s32 $0xFFFFFEF7, lr;
	s5 =	simm.s32 $0xFFFFFFFF;
	p2 =	slt.u32 s8, $0xFFFFF086  }
0x1c: {  	p1 =	slt.u32 s9, $0xF7A;
	s5 =	simm.s32 @!p2 $0x0  }
0x1d: {  	s5 =	simm.s32 @p1 $0x1;
	p0 =	seq.s32 s7, s2  }
0x1e: {  	s7 =	smul.u32 @!p0 $0xF7A, s2;
	p2 =	seq.s32 @!p0 s5, $0x0  }
0x1f: {  	s9 =	smul.u32 $0xF7A, s1;
	s8 =	simm.s32 @!p0 $0x1BF5;
	p2 =	por !p2, p0  }
0x20: {  	[sflag:s8] =	ssyncset.s32 @!p0 $0xFFFFF086;
	s6 =	sadd.s32 @!p0 s3, s7;
	s7 =	simm.s32 @!p0 $0x108  }
0x21: {  	s3 =	sadd.s32 s3, s9;
	s6 =	sadd.s32 @!p0 $0x88, s6;
	s7 =	simm.s32 @p2 $0x1082  }
0x22: {  	[simem:s7], [sflag:s8] =	dma.local @!p0 [hbm:s6], $0xF7A  }
0x23: {  	s9 =	sor.u32 $0xD0000000, s2;
	s6 =	simm.s32 $0x108;
	_ =	swait.ge @!p0 [sflag:s8], $0x0  }
0x24: {  	s3 =	sadd.s32 $0x88, s3;
	s6 =	simm.s32 @!p1 $0x1082;
	[sflag:s4] =	ssyncset.s32 $0xFFFFF086  }
0x25: {  	[simem:s6], [sflag:s4] =	dma.local [hbm:s3], $0xF7A  }
0x26: {  	[smem:$0x3F95] =	sst s1;
	(tag) =	ssettag s2;
	_ =	strace s9  }
0x27: {  	s1 =	sld [smem:$0x3FA5]  }
0x28: {  	s2 =	sld [smem:$0x3FA6]  }
0x29: {  	s4 =	sld [smem:$0x3FA8]  }
0x2a: {  	p0 =	seq.s32 s5, $0x0;
	s5 =	sld [smem:$0x3FA9]  }
0x2b: {  	s6 =	sld [smem:$0x3FAA]  }
0x2c: {  	s7 =	sld [smem:$0x3FAB]  }
0x2d: {  	s3 =	simm.s32 $0x108;
	s8 =	sld [smem:$0x3FAC]  }
0x2e: {  	s3 =	simm.s32 @!p0 $0x1082;
	s9 =	sld [smem:$0x3FAD]  }
0x2f: {  	lr =	sadd.s32 s0, s3;
	s0 =	sld [smem:$0x3FA4]  }
0x30: {  	s3 =	sld [smem:$0x3FA7]  }
0x31: {  	[smem:$0x3FB0] =	sst s10  }
0x32: {  	s10 =	sld [smem:$0x3FAE];
	_ =	sdelay $0x3  }
0x33: {  	p0 =	seq.s32 s10, $0x1;
	s10 =	sld [smem:$0x3FB0];
	_ =	sdelay $0x3  }
0x34: {  	[smem:$0x3FB0] =	sst s10  }
0x35: {  	s10 =	sld [smem:$0x3FAF];
	_ =	sdelay $0x3  }
0x36: {  	p1 =	seq.s32 s10, $0x1;
	s10 =	sld [smem:$0x3FB0];
	_ =	sdelay $0x3  }
0x37: {  	[smem:$0x3FB0] =	sst s10  }
0x38: {  	s10 =	sld [smem:$0x3FB1]  }
0x39: {  	_ = 	snop;
	(pc) =	sbr.ind lr, $3  }
0x3a: {  	_ = 	snop  }
0x3b: {  	_ = 	snop  }
0x3c: {  	p2 =	seq.s32 s10, $0x1;
	s10 =	sld [smem:$0x3FB0]  }
0x3d: {  	_ =	shalt  }
0x3e: {  	_ =	shalt  }
0x3f: {  	_ =	shalt  }
0x40: {  	_ =	shalt  }
0x41: {  	_ =	shalt  }
0x42: {  	_ =	shalt  }
0x43: {  	_ =	shalt  }
0x44: {  	_ =	shalt  }
0x45: {  	_ =	shalt  }
0x46: {  	_ =	shalt  }
0x47: {  	_ =	shalt  }
0x48: {  	_ =	shalt  }
0x49: {  	_ =	shalt  }
0x4a: {  	_ =	shalt  }
0x4b: {  	_ =	shalt  }
0x4c: {  	_ =	shalt  }
0x4d: {  	_ =	shalt  }
0x4e: {  	_ =	shalt  }
0x4f: {  	_ =	shalt  }
0x50: {  	_ =	shalt  }
0x51: {  	_ =	shalt  }
0x52: {  	_ =	shalt  }
0x53: {  	_ =	shalt  }
0x54: {  	_ =	shalt  }
0x55: {  	_ =	shalt  }
0x56: {  	_ =	shalt  }
0x57: {  	_ =	shalt  }
0x58: {  	_ =	shalt  }
0x59: {  	_ =	shalt  }
0x5a: {  	_ =	shalt  }
0x5b: {  	_ =	shalt  }
0x5c: {  	_ =	shalt  }
0x5d: {  	_ =	shalt  }
0x5e: {  	_ =	shalt  }
0x5f: {  	_ =	shalt  }
0x60: {  	_ =	shalt  }
0x61: {  	_ =	shalt  }
0x62: {  	_ =	shalt  }
0x63: {  	_ =	shalt  }
0x64: {  	_ =	shalt  }
0x65: {  	_ =	shalt  }
0x66: {  	_ =	shalt  }
0x67: {  	_ =	shalt  }
0x68: {  	_ =	shalt  }
0x69: {  	_ =	shalt  }
0x6a: {  	_ =	shalt  }
0x6b: {  	_ =	shalt  }
0x6c: {  	_ =	shalt  }
0x6d: {  	_ =	shalt  }
0x6e: {  	_ =	shalt  }
0x6f: {  	_ =	shalt  }
0x70: {  	_ =	shalt  }
0x71: {  	_ =	shalt  }
0x72: {  	_ =	shalt  }
0x73: {  	_ =	shalt  }
0x74: {  	_ =	shalt  }
0x75: {  	_ =	shalt  }
0x76: {  	_ =	shalt  }
0x77: {  	_ =	shalt  }
0x78: {  	_ =	shalt  }
0x79: {  	_ =	shalt  }
0x7a: {  	_ =	shalt  }
0x7b: {  	_ =	shalt  }
0x7c: {  	_ =	shalt  }
0x7d: {  	_ =	shalt  }
0x7e: {  	_ =	shalt  }
0x7f: {  	_ =	shalt  }
0x80: {  	_ =	shalt  }
0x81: {  	_ =	shalt  }
0x82: {  	_ =	shalt  }
0x83: {  	_ =	shalt  }
0x84: {  	_ =	shalt  }
0x85: {  	_ =	shalt  }
0x86: {  	_ =	shalt  }
0x87: {  	_ =	shalt  }
.Lfunc_end0:
.L_simem_size_0:
called_computation.1_lowered:
.L_overlay_start_0:
0x88: {  	s2 =	sld [smem:$0x3FD9]  }
0x89: {  	s3 =	sld [smem:$0x3FFE];
	_ =	sdelay $0x1  }
0x8a: {  	s1 =	srdreg.scid  }
0x8b: {  	s0 =	sand.u32 $0x1, s1  }
0x8c: {  	s16 =	sshll.u32 s0, $0xA;
	s2 =	sadd.s32 s3, s2  }
0x8d: {  	s2 =	sadd.s32 s2, s16  }
0x8e: {  	[smem:$0x3FBC] =	sst s2  }
0x8f: {  	_ = 	snop  }
0x90: {  	(tm) =	ssettm $0x1  }
0x91: {  	s17 =	sld [smem:$0x3FFB];
	_ =	sdelay $0x3  }
0x92: {  	_ =	strace s17  }
0x93: {  	s2 =	sld [smem:$0x3FFC];
	_ =	sdelay $0x3  }
0x94: {  	_ =	strace s2  }
0x95: {  	s2 =	sld [smem:$0x3FFD];
	_ =	sdelay $0x3  }
0x96: {  	_ =	strace s2  }
0x97: {  	_ =	strace $0x8FFFFFFF  }
0x98: {  	s18 =	sld [smem:$0x3FDB];
	_ =	sdelay $0x1  }
0x99: {  	s19 =	simm.s32 $_scs_section_size  }
0x9a: {  	s4 =	simm.s32 $_size__tile_overlayer_lowered;
	s5 =	simm.s32 $_tile_overlayer_lowered  }
0x9b: {  	s22 =	simm.s32 $0x1BFF;
	s21 =	sshll.u32 s5, $0x1;
	s2 =	sadd.s32 s19, s18  }
0x9c: {  	s6 =	simm.s32 $0x0;
	s20 =	sshll.u32 s4, $0x1;
	s4 =	sadd.s32 s21, s2  }
0x9d: {  	[timem:s6], [sflag:s22] =	dma.local [hbm:s4], s20  }
0x9e: {  	_ =	swait.ge [sflag:s22], s20  }
0x9f: {  	s3 =	ssub.s32 $0x0, s20;
	[sflag:s22] =	ssyncset.done $0x0  }
0xa0: {  	[sflag:s22] =	ssyncadd.s32 s3;
	_ =	sdelay $0x1  }
0xa1: {  	s23 =	simm.s32 $0x1B8B  }
0xa2: {  	_ =	swait.ge [sflag:s23], $0x1  }
0xa3: {  	[sflag:s23] =	ssyncset.done $0x0  }
0xa4: {  	s25 =	simm.s32 $0x1B8E;
	s24 =	sld [smem:$0x3FFE];
	[sflag:s23] =	ssyncadd.s32 $0xFFFFFFFF  }
0xa5: {  	s26 =	simm.s32 $execute0_lowered;
	[smem:$0x3FD2] =	sst s25  }
0xa6: {  	s4 =	sshll.u32 s26, $0x1;
	_ =	strace $0x80000049;
	[dreg:$0x1] =	wrdreg $0xFFFFFFFF  }
0xa7: {  	s28 =	simm.s32 $_size_execute0_lowered;
	s2 =	sadd.s32 s2, s4;
	[dreg:$0x0] =	wrdreg $0x0  }
0xa8: {  	s4 =	sshll.u32 s28, $0x1;
	[dreg:$0x2] =	wrdreg s2  }
0xa9: {  	[dreg:$0x3] =	wrdreg s4  }
0xaa: {  	[dreg:$0x4] =	wrdreg $0xC0  }
0xab: {  	_ =	task [dreg:s6], $0x5FFFF  }
0xac: {  	[dreg:$0x1] =	wrdreg $0xFFFFFFFF  }
0xad: {  	[dreg:$0x0] =	wrdreg $0x60  }
0xae: {  	[dreg:$0x2] =	wrdreg s24  }
0xaf: {  	[dreg:$0x3] =	wrdreg $0x98000  }
0xb0: {  	[dreg:$0x4] =	wrdreg $0x9  }
0xb1: {  	_ =	task.clear_ibuf [dreg:s6], $0x5FFFF;
	_ =	strace $0x90000049  }
0xb2: {  	s29 =	simm.s32 $0x9;
	_ =	strace $0x8000004B  }
0xb3: {  	_ =	swait.ge [sflag:s29], $0x1  }
0xb4: {  	[sflag:s29] =	ssyncadd.s32 $0xFFFFFFFF  }
0xb5: {  	_ =	strace $0x9000004B  }
0xb6: {  	_ =	sfence  }
0xb7: {  	s30 =	sld [smem:$0x0];
	_ =	sdelay $0x2  }
0xb8: {  	s31 =	sshll.u32 s1, $0xD;
	s1 =	sshrl.u32 s1, $0x2  }
0xb9: {  	s3 =	sand.u32 $0x4000, s31;
	s1 =	sadd.s32 s1, s30  }
0xba: {  	s0 =	sor.u32 s3, s0;
	s1 =	sshll.u32 s1, $0x11  }
0xbb: {  	s0 =	sor.u32 s1, s0  }
0xbc: {  	s0 =	sadd.s32 $0x8F2B, s0  }
0xbd: {  	[sflag:s0] =	ssyncadd.remote.s32 $0x1  }
0xbe: {  	_ =	sfence.sel $0xFFFF  }
0xbf: {  	[dreg:$0x0] =	wrdreg $0xFFFFFFFF;
	(pc) =	sbr.abs _section_cstart, $3  }
0xc0: {  	[dreg:$0x1] =	wrdreg $0xFFFFFFFF  }
0xc1: {  	_ =	task.clear_ibuf [dreg:s6], $0x2FFFF;
	_ =	strace $0x9FFFFFFF  }
0xc2: {  	(tm) =	ssettm $0x7FFFFFFF  }
0xc3: {  	_ =	shalt  }
tec
execute0_lowered:
.L_overlay_start_1:
0x0: {  	(tag) =	ssettag $0x1  }
0x1: {  	s0 =	rddreg [dreg:$0x0]  }
0x2: {  	s2 =	rddreg [dreg:$0x1];
	s14 =	stileid.u32  }
0x3: {  	s1 =	srdreg.scid;
	s5 =	smul.u32 $0x13C00, s14  }
0x4: {  	s3 =	simm.s32 $0x0;
	s1 =	sand.u32 $0x1, s1;
	s8 =	smul.u32 $0x6D, s14  }
0x5: {  	[smem:$0x7FF] =	sst s3;
	s4 =	sadd.s32 $0x44E00, s0;
	s9 =	smul.u32 $0x64, s14  }
0x6: {  	s10 =	sadd.s32 $0x3200, s0;
	s11 =	sadd.s32 $0x10400, s0;
	s12 =	smul.u32 $0x4F000, s14  }
0x7: {  	s22 =	sshll.u32 s14, $0x6;
	s6 =	smul.u32 $0x13C000, s1;
	_ =	strace $0x8000004A  }
0x8: {  	p0 =	seq.s32 s1, $0x0;
	s1 =	ssub.s32 $0x2, s1;
	s7 =	sshrl.u32 s5, $0x3  }
0x9: {  	s17 =	sshrl.u32 s1, $0x1;
	s9 =	sadd.s32 $0x6D0, s9;
	s18 =	sshrl.u32 s12, $0x2  }
0xa: {  	s5 =	sadd.s32 s5, s6;
	s15 =	sadd.s32 s7, s0;
	s1 =	ssub.s32 s1, s17  }
0xb: {  	s9 =	smov.u32 @p0 s8;
	s7 =	sor.u32 $0x1C06, s22;
	s16 =	sshrl.u32 s5, $0x3  }
0xc: {  	s5 =	simm.s32 $0x6D;
	s6 =	sadd.s32 $0x1D600, s15;
	s24 =	sshll.u32 s9, $0x4  }
0xd: {  	s1 =	smax.u32 s1, $0x1;
	s5 =	simm.s32 @!p0 $0x64;
	s0 =	sadd.s32 s16, s0  }
0xe: {  	s16 =	sadd.s32 s18, s2;
	[dreg:$0x4] =	wrdreg s6;
	s25 =	sadd.s32 s10, s24  }
0xf: {  	s9 =	sadd.s32 s11, s24;
	[dreg:$0x9] =	wrdreg s1;
	s13 =	smul.u32 $0x56, s5  }
0x10: {  	s0 =	sadd.s32 $0x6C000, s0;
	s30 =	ssub.s32 $0x0, s5;
	[dreg:$0x5] =	wrdreg s9  }
0x11: {  	s31 =	sadd.s32 $0x20, s9;
	s1 =	sadd.s32 $0x20, s25;
	[dreg:$0x8] =	wrdreg s0  }
0x12: {  	s18 =	sshrl.u32 s16, $0x3;
	[dreg:$0x3] =	wrdreg s30;
	s19 =	sadd.s32 $0xFFFFFF54, s13  }
0x13: {  	[dreg:$0xa] =	wrdreg s31;
	s21 =	sadd.s32 $0xFFFFFFAA, s13;
	s20 =	sshrl.u32 s19, $0x8  }
0x14: {  	s13 =	sadd.s32 $0x10, s24;
	s23 =	sshrl.u32 s21, $0x8;
	s6 =	smul.u32 $0x3, s20  }
0x15: {  	s24 =	simm.s32 $0x2;
	s10 =	sadd.s32 s10, s13;
	s12 =	smul.u32 $0x3, s23  }
0x16: {  	s28 =	sadd.s32 s11, s13;
	s19 =	simm.s32 $0x6;
	[dreg:$0x6] =	wrdreg s10  }
0x17: {  	[dreg:$0x7] =	wrdreg s28;
	s6 =	ssub.s32 s5, s6;
	s12 =	sxor.u32 $0xFFFFFFFF, s12  }
0x18: {  	s20 =	smov.u32 s25;
	s6 =	sadd.s32 $0xFFFFFFFE, s6;
	s26 =	sadd.s32 s5, s12  }
0x19: {  	s23 =	simm.s32 $0x60;
	s6 =	sand.u32 $0xFF, s6;
	s29 =	sand.u32 $0xFF, s26  }
0x1a: {  	s25 =	simm.s32 $0x0;
	s12 =	sadd.s32 $0x3, s6;
	s13 =	sadd.s32 $0x3, s29  }
.LBB2_1:
0x1b: {  	s0 =	rddreg [dreg:$0x4]  }
0x1c: {  	[spmem:s18], [sflag:s7] =	dma.local [hbm:s0], $0x2780  }
0x1d: {  	_ =	swait.ge [sflag:s19], $0x2780  }
0x1e: {  	[sflag:s19] =	ssyncset.done $0x0  }
0x1f: {  	[sflag:s19] =	ssyncadd.s32 $0xFFFFD880  }
0x20: {  	[tilespmem:s3], [sflag:$0x6] =	stream.linear.gather [hbm4b:s20+s3], $0x80, $0x38;
	[tilespmem:$0x1D400] =	vst v63  }
0x21: {  	_ =	swait.ge [sflag:s19], $0x80  }
0x22: {  	[sflag:s19] =	ssyncset.done $0x0  }
0x23: {  	s6 =	simm.s32 $0x400;
	s16 =	rddreg [dreg:$0x5];
	[sflag:s19] =	ssyncadd.s32 $0xFFFFFF80  }
0x24: {  	[tilespmem:s6], [sflag:$0x6] =	stream.linear.gather [hbm4b:s16+s3], $0x80, $0x38;
	[tilespmem:$0x1D400] =	vst v63  }
0x25: {  	_ =	swait.ge [sflag:s19], $0x80  }
0x26: {  	[sflag:s19] =	ssyncset.done $0x0  }
0x27: {  	s21 =	simm.s32 $0x80;
	s17 =	rddreg [dreg:$0x6];
	[sflag:s19] =	ssyncadd.s32 $0xFFFFFF80  }
0x28: {  	[tilespmem:s21], [sflag:$0x6] =	stream.linear.gather [hbm4b:s17+s3], $0x80, $0x38;
	[tilespmem:$0x1D400] =	vst v63  }
0x29: {  	_ =	swait.ge [sflag:s19], $0x80  }
0x2a: {  	[sflag:s19] =	ssyncset.done $0x0  }
0x2b: {  	s26 =	simm.s32 $0x480;
	s22 =	rddreg [dreg:$0x7];
	[sflag:s19] =	ssyncadd.s32 $0xFFFFFF80  }
0x2c: {  	[tilespmem:s26], [sflag:$0x6] =	stream.linear.gather [hbm4b:s22+s3], $0x80, $0x38;
	[tilespmem:$0x1D400] =	vst v63  }
0x2d: {  	s28 =	simm.s32 $0xFFFFFFFE;
	s29 =	simm.s32 $0x3800;
	_ =	swait.ge [sflag:s19], $0x80  }
0x2e: {  	s30 =	simm.s32 $0x200;
	s31 =	simm.s32 $0x100;
	[sflag:s19] =	ssyncset.done $0x0  }
0x2f: {  	s0 =	simm.s32 $0x3;
	s6 =	simm.s32 $0x1;
	[sflag:s19] =	ssyncadd.s32 $0xFFFFFF80  }
0x30: {  	s17 =	smov.u32 s1;
	s26 =	simm.s32 $0x800;
	[bflag:$0x0] =	sbarrier.arrive $0xFFFF  }
0x31: {  	[tilespmem:s26], [sflag:$0x2] =	stream.indirect.gather [hbm4b:s4+s23], $0x80, s3, s23, $0xb8;
	[tilespmem:$0x1D400] =	vst v63  }
0x32: {  	s21 =	simm.s32 $0x1;
	s22 =	simm.s32 $0x0;
	s16 =	rddreg [dreg:$0xa]  }
.LBB2_2:
0x33: {  	s8 =	smulhi.u32 $0xAAAAAAAB, s28  }
0x34: {  	s9 =	sadd.s32 $0x1, s6;
	s10 =	smulhi.u32 $0xAAAAAAAB, s6  }
0x35: {  	s15 =	sadd.s32 $0xFFFFFFFF, s6;
	p0 =	sge.u32 s9, s5;
	s8 =	sshrl.u32 s8, $0x1  }
0x36: {  	s11 =	sand.u32 @!p0 $0x380, s31;
	s14 =	simm.s32 @!p0 $0x0;
	s8 =	smul.u32 $0xFFFFFFF4, s8  }
0x37: {  	[tilespmem:s11], [sflag:$0x1] =	stream.linear.gather @!p0 [hbm4b:s17+s14], $0x80, $0x38;
	[tilespmem:$0x1D400] =	vst v63  }
0x38: {  	s10 =	sshrl.u32 s10, $0x1;
	s11 =	sor.u32 @!p0 $0x400, s11;
	s8 =	sshra.s32 s8, $0x2  }
0x39: {  	[tilespmem:s11], [sflag:$0x1] =	stream.linear.gather @!p0 [hbm4b:s16+s14], $0x80, $0x38;
	[tilespmem:$0x1D400] =	vst v63  }
0x3a: {  	p1 =	slt.u32 s15, $0x2;
	s10 =	smul.u32 $0xFFFDC000, s10;
	s8 =	sadd.s32 s8, s21  }
0x3b: {  	_ =	swait.ge @!p1 [sflag:s8], $0x3000  }
0x3c: {  	s10 =	sshra.s32 s10, $0x2;
	s14 =	smulhi.u32 $0xAAAAAAAB, s22;
	[sflag:s8] =	ssyncset.done @!p1 $0x0  }
0x3d: {  	s10 =	sadd.s32 s10, s29;
	[sflag:s8] =	ssyncadd.s32 @!p1 $0xFFFFD000  }
0x3e: {  	s8 =	sshrl.u32 s14, $0x1;
	p1 =	sge.u32 s6, s5;
	_ =	swait.ge [sflag:s24], $0x3000  }
0x3f: {  	s15 =	smul.u32 $0xFFFFFFF4, s8;
	s11 =	sand.u32 @!p1 $0xE00, s30;
	[sflag:s24] =	ssyncset.done $0x0  }
0x40: {  	s14 =	simm.s32 @!p1 $0x60;
	s11 =	sshrl.u32 @!p1 s11, $0x2;
	[sflag:s24] =	ssyncadd.s32 $0xFFFFD000  }
0x41: {  	[tilespmem:s10], [sflag:$0x2] =	stream.indirect.gather @!p1 [hbm4b:s4+s14], $0x80, s11, s14, $0xb8;
	[tilespmem:$0x1D400] =	vst v63  }
0x42: {  	s8 =	smul.u32 $0xFFFDC000, s8;
	s11 =	sadd.s32 $0xFFFFFE00, s30  }
0x43: {  	s10 =	sand.u32 $0xE00, s11  }
0x44: {  	s6 =	sshra.s32 s15, $0x2;
	s8 =	sshra.s32 s8, $0x2;
	s10 =	sshrl.u32 s10, $0x2  }
0x45: {  	s6 =	sadd.s32 s6, s0;
	s8 =	sadd.s32 s8, s26;
	s10 =	sor.u32 $0x400, s10  }
0x46: {  	[spmem:s2] =	stream.indirect.scatter.add.f32 [tilespmem:s8], [sflag:s6], $0x80, s10, s23, $0xb8;
	[tilespmem:$0x1D400] =	vst v63  }
0x47: {  	s6 =	simm.s32 @!p0 $0x1  }
0x48: {  	_ =	swait.ge @!p0 [sflag:s6], $0x80  }
0x49: {  	[sflag:s6] =	ssyncset.done @!p0 $0x0  }
0x4a: {  	[sflag:s6] =	ssyncadd.s32 @!p0 $0xFFFFFF80  }
0x4b: {  	_ =	swait.ge @!p0 [sflag:s6], $0x80  }
0x4c: {  	s14 =	rddreg [dreg:$0x3]  }
0x4d: {  	[sflag:s6] =	ssyncset.done @!p0 $0x0;
	s15 =	sadd.s32 s9, s14  }
0x4e: {  	[sflag:s6] =	ssyncadd.s32 @!p0 $0xFFFFFF80;
	p0 =	sne.s32 s15, $0x1  }
.Ltmp0:
0x4f: {  	_ = 	snop;
	(pc) =	sbr.rel @p0 .LBB2_2-.Ltmp0, $4  }
0x50: {  	s28 =	sadd.s32 $0x1, s28;
	s31 =	sadd.s32 $0x80, s31  }
0x51: {  	s17 =	sadd.s32 $0x10, s17;
	s16 =	sadd.s32 $0x10, s16;
	s22 =	sadd.s32 $0x1, s22  }
0x52: {  	s21 =	sadd.s32 $0x1, s21;
	s29 =	sadd.s32 $0x3000, s29;
	s30 =	sadd.s32 $0x200, s30  }
0x53: {  	s0 =	sadd.s32 $0x1, s0;
	s26 =	sadd.s32 $0x3000, s26;
	s6 =	smov.u32 s9  }
0x54: {  	_ =	swait.ge [sflag:s12], $0x3000  }
0x55: {  	[sflag:s12] =	ssyncset.done $0x0  }
0x56: {  	[sflag:s12] =	ssyncadd.s32 $0xFFFFD000  }
0x57: {  	_ =	swait.ge [sflag:s13], $0x3000  }
0x58: {  	[sflag:s13] =	ssyncset.done $0x0  }
0x59: {  	[sflag:s13] =	ssyncadd.s32 $0xFFFFD000  }
0x5a: {  	[bflag:$0x0] =	sbarrier.arrive $0xFFFF  }
0x5b: {  	s0 =	rddreg [dreg:$0x8]  }
0x5c: {  	[hbm:s0], [sflag:s7] =	dma.local [spmem:s18], $0x2780  }
0x5d: {  	_ =	swait.ge [sflag:s19], $0x2780  }
0x5e: {  	s25 =	sadd.s32 $0x1, s25;
	s31 =	rddreg [dreg:$0x9]  }
0x5f: {  	p0 =	sne.s32 s25, s31  }
.Ltmp1:
0x60: {  	_ = 	snop;
	(pc) =	sbr.rel @p0 .LBB2_1-.Ltmp1, $3  }
0x61: {  	_ =	sdelay $0x1  }
0x62: {  	[sflag:s19] =	ssyncset.done $0x0  }
0x63: {  	[sflag:s19] =	ssyncadd.s32 $0xFFFFD880  }
0x64: {  	_ =	sfence.sel $0x180000  }
0x65: {  	[bflag:$0x0] =	sbarrier.arrive $0xFFFF  }
0x66: {  	_ =	strace $0x9000004A  }
0x67: {  	s0 =	stileid.u32;
	[bflag:$0x2] =	sbarrier.arrive $0xFFFF  }
0x68: {  	p0 =	sne.s32 s0, $0x0;
	s0 =	rddreg [dreg:$0x2]  }
0x69: {  	s0 =	sadd.s32 @!p0 $0x100000, s0  }
0x6a: {  	[sflag:s0] =	ssyncadd.tile.s32 @!p0 $0x1;
	_ =	shalt  }
.Lfunc_end2:
_tile_overlayer_lowered:
.L_overlay_start_2:
0x6b: {  	(tag) =	ssettag $0x2  }
0x6c: {  	s0 =	rddreg [dreg:$0x0];
	s2 =	stileid.u32  }
0x6d: {  	s1 =	rddreg [dreg:$0x1];
	p0 =	sne.s32 s2, $0x0  }
0x6e: {  	s3 =	rddreg [dreg:$0x2];
	[bflag:$0x3] =	sbarrier.arrive $0xFFFF;
	s2 =	simm.s32 @!p0 $0x1C06  }
0x6f: {  	[timem:s3], [sflag:s2] =	dma.local @!p0 [hbm:s0], s1  }
0x70: {  	s0 =	simm.s32 @!p0 $0x6  }
0x71: {  	_ =	swait.ge @!p0 [sflag:s0], s1  }
0x72: {  	s1 =	ssub.s32 @!p0 $0x0, s1;
	[sflag:s0] =	ssyncset.done @!p0 $0x0  }
0x73: {  	[sflag:s0] =	ssyncadd.s32 @!p0 s1  }
0x74: {  	[bflag:$0x3] =	sbarrier.arrive $0xFFFF  }
0x75: {  	_ =	shalt  }

// kernel: kernel.16.cloned.1.call-start
scs
__scs_entry_jumppad:
0x0: {  	(pc) =	sbr.rel $0x88, $3  }
0x1: {  	(tag) =	ssettag $0x0;
	lr =	simm.s32 $0x1  }
0x2: {  	[smem:$0x3F95] =	sst lr;
	_ =	strace $0xD0000000  }
0x3: {  	_ = 	snop  }
0x4: {  	_ = 	snop  }
0x5: {  	_ = 	snop  }
0x6: {  	_ = 	snop  }
0x7: {  	_ = 	snop  }
__scs_overlays_trampoline_lowered:
0x8: {  	[smem:$0x3FA4] =	sst s0  }
0x9: {  	[smem:$0x3FA5] =	sst s1  }
0xa: {  	[smem:$0x3FA6] =	sst s2  }
0xb: {  	[smem:$0x3FA7] =	sst s3  }
0xc: {  	[smem:$0x3FA8] =	sst s4  }
0xd: {  	[smem:$0x3FA9] =	sst s5  }
0xe: {  	[smem:$0x3FAA] =	sst s6  }
0xf: {  	[smem:$0x3FAB] =	sst s7  }
0x10: {  	[smem:$0x3FAC] =	sst s8  }
0x11: {  	[smem:$0x3FAD] =	sst s9;
	s0 =	simm.s32 @!p0 $0x0  }
0x12: {  	s1 =	sld [smem:$0x3F93];
	s0 =	simm.s32 @p0 $0x1  }
0x13: {  	[smem:$0x3FAE] =	sst s0;
	s0 =	simm.s32 @!p1 $0x0  }
0x14: {  	s2 =	sld [smem:$0x3F92];
	s0 =	simm.s32 @p1 $0x1  }
0x15: {  	[smem:$0x3FAF] =	sst s0;
	s0 =	simm.s32 @!p2 $0x0  }
0x16: {  	s3 =	sld [smem:$0x3FDB];
	s0 =	simm.s32 @p2 $0x1  }
0x17: {  	s4 =	simm.s32 $0x1BF5;
	[smem:$0x3FB1] =	sst s0  }
0x18: {  	s0 =	sld [smem:$0x3F94];
	_ =	swait.ge [sflag:s4], $0x0  }
0x19: {  	s7 =	sld [smem:$0x3F95]  }
0x1a: {  	s8 =	sadd.s32 $0xFFFFE003, lr  }
0x1b: {  	s9 =	sadd.s32 $0xFFFFFEF7, lr;
	s5 =	simm.s32 $0xFFFFFFFF;
	p2 =	slt.u32 s8, $0xFFFFF086  }
0x1c: {  	p1 =	slt.u32 s9, $0xF7A;
	s5 =	simm.s32 @!p2 $0x0  }
0x1d: {  	s5 =	simm.s32 @p1 $0x1;
	p0 =	seq.s32 s7, s2  }
0x1e: {  	s7 =	smul.u32 @!p0 $0xF7A, s2;
	p2 =	seq.s32 @!p0 s5, $0x0  }
0x1f: {  	s9 =	smul.u32 $0xF7A, s1;
	s8 =	simm.s32 @!p0 $0x1BF5;
	p2 =	por !p2, p0  }
0x20: {  	[sflag:s8] =	ssyncset.s32 @!p0 $0xFFFFF086;
	s6 =	sadd.s32 @!p0 s3, s7;
	s7 =	simm.s32 @!p0 $0x108  }
0x21: {  	s3 =	sadd.s32 s3, s9;
	s6 =	sadd.s32 @!p0 $0x88, s6;
	s7 =	simm.s32 @p2 $0x1082  }
0x22: {  	[simem:s7], [sflag:s8] =	dma.local @!p0 [hbm:s6], $0xF7A  }
0x23: {  	s9 =	sor.u32 $0xD0000000, s2;
	s6 =	simm.s32 $0x108;
	_ =	swait.ge @!p0 [sflag:s8], $0x0  }
0x24: {  	s3 =	sadd.s32 $0x88, s3;
	s6 =	simm.s32 @!p1 $0x1082;
	[sflag:s4] =	ssyncset.s32 $0xFFFFF086  }
0x25: {  	[simem:s6], [sflag:s4] =	dma.local [hbm:s3], $0xF7A  }
0x26: {  	[smem:$0x3F95] =	sst s1;
	(tag) =	ssettag s2;
	_ =	strace s9  }
0x27: {  	s1 =	sld [smem:$0x3FA5]  }
0x28: {  	s2 =	sld [smem:$0x3FA6]  }
0x29: {  	s4 =	sld [smem:$0x3FA8]  }
0x2a: {  	p0 =	seq.s32 s5, $0x0;
	s5 =	sld [smem:$0x3FA9]  }
0x2b: {  	s6 =	sld [smem:$0x3FAA]  }
0x2c: {  	s7 =	sld [smem:$0x3FAB]  }
0x2d: {  	s3 =	simm.s32 $0x108;
	s8 =	sld [smem:$0x3FAC]  }
0x2e: {  	s3 =	simm.s32 @!p0 $0x1082;
	s9 =	sld [smem:$0x3FAD]  }
0x2f: {  	lr =	sadd.s32 s0, s3;
	s0 =	sld [smem:$0x3FA4]  }
0x30: {  	s3 =	sld [smem:$0x3FA7]  }
0x31: {  	[smem:$0x3FB0] =	sst s10  }
0x32: {  	s10 =	sld [smem:$0x3FAE];
	_ =	sdelay $0x3  }
0x33: {  	p0 =	seq.s32 s10, $0x1;
	s10 =	sld [smem:$0x3FB0];
	_ =	sdelay $0x3  }
0x34: {  	[smem:$0x3FB0] =	sst s10  }
0x35: {  	s10 =	sld [smem:$0x3FAF];
	_ =	sdelay $0x3  }
0x36: {  	p1 =	seq.s32 s10, $0x1;
	s10 =	sld [smem:$0x3FB0];
	_ =	sdelay $0x3  }
0x37: {  	[smem:$0x3FB0] =	sst s10  }
0x38: {  	s10 =	sld [smem:$0x3FB1]  }
0x39: {  	_ = 	snop;
	(pc) =	sbr.ind lr, $3  }
0x3a: {  	_ = 	snop  }
0x3b: {  	_ = 	snop  }
0x3c: {  	p2 =	seq.s32 s10, $0x1;
	s10 =	sld [smem:$0x3FB0]  }
0x3d: {  	_ =	shalt  }
0x3e: {  	_ =	shalt  }
0x3f: {  	_ =	shalt  }
0x40: {  	_ =	shalt  }
0x41: {  	_ =	shalt  }
0x42: {  	_ =	shalt  }
0x43: {  	_ =	shalt  }
0x44: {  	_ =	shalt  }
0x45: {  	_ =	shalt  }
0x46: {  	_ =	shalt  }
0x47: {  	_ =	shalt  }
0x48: {  	_ =	shalt  }
0x49: {  	_ =	shalt  }
0x4a: {  	_ =	shalt  }
0x4b: {  	_ =	shalt  }
0x4c: {  	_ =	shalt  }
0x4d: {  	_ =	shalt  }
0x4e: {  	_ =	shalt  }
0x4f: {  	_ =	shalt  }
0x50: {  	_ =	shalt  }
0x51: {  	_ =	shalt  }
0x52: {  	_ =	shalt  }
0x53: {  	_ =	shalt  }
0x54: {  	_ =	shalt  }
0x55: {  	_ =	shalt  }
0x56: {  	_ =	shalt  }
0x57: {  	_ =	shalt  }
0x58: {  	_ =	shalt  }
0x59: {  	_ =	shalt  }
0x5a: {  	_ =	shalt  }
0x5b: {  	_ =	shalt  }
0x5c: {  	_ =	shalt  }
0x5d: {  	_ =	shalt  }
0x5e: {  	_ =	shalt  }
0x5f: {  	_ =	shalt  }
0x60: {  	_ =	shalt  }
0x61: {  	_ =	shalt  }
0x62: {  	_ =	shalt  }
0x63: {  	_ =	shalt  }
0x64: {  	_ =	shalt  }
0x65: {  	_ =	shalt  }
0x66: {  	_ =	shalt  }
0x67: {  	_ =	shalt  }
0x68: {  	_ =	shalt  }
0x69: {  	_ =	shalt  }
0x6a: {  	_ =	shalt  }
0x6b: {  	_ =	shalt  }
0x6c: {  	_ =	shalt  }
0x6d: {  	_ =	shalt  }
0x6e: {  	_ =	shalt  }
0x6f: {  	_ =	shalt  }
0x70: {  	_ =	shalt  }
0x71: {  	_ =	shalt  }
0x72: {  	_ =	shalt  }
0x73: {  	_ =	shalt  }
0x74: {  	_ =	shalt  }
0x75: {  	_ =	shalt  }
0x76: {  	_ =	shalt  }
0x77: {  	_ =	shalt  }
0x78: {  	_ =	shalt  }
0x79: {  	_ =	shalt  }
0x7a: {  	_ =	shalt  }
0x7b: {  	_ =	shalt  }
0x7c: {  	_ =	shalt  }
0x7d: {  	_ =	shalt  }
0x7e: {  	_ =	shalt  }
0x7f: {  	_ =	shalt  }
0x80: {  	_ =	shalt  }
0x81: {  	_ =	shalt  }
0x82: {  	_ =	shalt  }
0x83: {  	_ =	shalt  }
0x84: {  	_ =	shalt  }
0x85: {  	_ =	shalt  }
0x86: {  	_ =	shalt  }
0x87: {  	_ =	shalt  }
.Lfunc_end0:
.L_simem_size_0:
called_computation.2_lowered:
.L_overlay_start_0:
0x88: {  	s2 =	sld [smem:$0x3FD9]  }
0x89: {  	s3 =	sld [smem:$0x3FFE];
	_ =	sdelay $0x1  }
0x8a: {  	s1 =	srdreg.scid  }
0x8b: {  	s0 =	sand.u32 $0x1, s1  }
0x8c: {  	s16 =	sshll.u32 s0, $0xA;
	s2 =	sadd.s32 s3, s2  }
0x8d: {  	s2 =	sadd.s32 s2, s16  }
0x8e: {  	[smem:$0x3FBC] =	sst s2  }
0x8f: {  	_ = 	snop  }
0x90: {  	(tm) =	ssettm $0x1  }
0x91: {  	s17 =	sld [smem:$0x3FFB];
	_ =	sdelay $0x3  }
0x92: {  	_ =	strace s17  }
0x93: {  	s2 =	sld [smem:$0x3FFC];
	_ =	sdelay $0x3  }
0x94: {  	_ =	strace s2  }
0x95: {  	s2 =	sld [smem:$0x3FFD];
	_ =	sdelay $0x3  }
0x96: {  	_ =	strace s2  }
0x97: {  	_ =	strace $0x8FFFFFFF  }
0x98: {  	s18 =	sld [smem:$0x3FDB];
	_ =	sdelay $0x1  }
0x99: {  	s19 =	simm.s32 $_scs_section_size  }
0x9a: {  	s4 =	simm.s32 $_size__tile_overlayer_lowered;
	s5 =	simm.s32 $_tile_overlayer_lowered  }
0x9b: {  	s22 =	simm.s32 $0x1BFF;
	s21 =	sshll.u32 s5, $0x1;
	s2 =	sadd.s32 s19, s18  }
0x9c: {  	s6 =	simm.s32 $0x0;
	s20 =	sshll.u32 s4, $0x1;
	s4 =	sadd.s32 s21, s2  }
0x9d: {  	[timem:s6], [sflag:s22] =	dma.local [hbm:s4], s20  }
0x9e: {  	_ =	swait.ge [sflag:s22], s20  }
0x9f: {  	s3 =	ssub.s32 $0x0, s20;
	[sflag:s22] =	ssyncset.done $0x0  }
0xa0: {  	[sflag:s22] =	ssyncadd.s32 s3;
	_ =	sdelay $0x1  }
0xa1: {  	s23 =	simm.s32 $0x1B8B  }
0xa2: {  	_ =	swait.ge [sflag:s23], $0x1  }
0xa3: {  	[sflag:s23] =	ssyncset.done $0x0  }
0xa4: {  	s25 =	simm.s32 $0x1B8E;
	s24 =	sld [smem:$0x3FFE];
	[sflag:s23] =	ssyncadd.s32 $0xFFFFFFFF  }
0xa5: {  	s26 =	simm.s32 $execute0_lowered;
	[smem:$0x3FD2] =	sst s25  }
0xa6: {  	s4 =	sshll.u32 s26, $0x1;
	_ =	strace $0x8000004C;
	[dreg:$0x1] =	wrdreg $0xFFFFFFFF  }
0xa7: {  	s28 =	simm.s32 $_size_execute0_lowered;
	s2 =	sadd.s32 s2, s4;
	[dreg:$0x0] =	wrdreg $0x0  }
0xa8: {  	s4 =	sshll.u32 s28, $0x1;
	[dreg:$0x2] =	wrdreg s2  }
0xa9: {  	[dreg:$0x3] =	wrdreg s4  }
0xaa: {  	[dreg:$0x4] =	wrdreg $0xC0  }
0xab: {  	_ =	task [dreg:s6], $0x5FFFF  }
0xac: {  	[dreg:$0x1] =	wrdreg $0xFFFFFFFF  }
0xad: {  	[dreg:$0x0] =	wrdreg $0x60  }
0xae: {  	[dreg:$0x2] =	wrdreg s24  }
0xaf: {  	[dreg:$0x3] =	wrdreg $0x98000  }
0xb0: {  	[dreg:$0x4] =	wrdreg $0x9  }
0xb1: {  	_ =	task.clear_ibuf [dreg:s6], $0x5FFFF;
	_ =	strace $0x9000004C  }
0xb2: {  	s29 =	simm.s32 $0x9;
	_ =	strace $0x8000004E  }
0xb3: {  	_ =	swait.ge [sflag:s29], $0x1  }
0xb4: {  	[sflag:s29] =	ssyncadd.s32 $0xFFFFFFFF  }
0xb5: {  	_ =	strace $0x9000004E  }
0xb6: {  	_ =	sfence  }
0xb7: {  	s30 =	sld [smem:$0x0];
	_ =	sdelay $0x2  }
0xb8: {  	s31 =	sshll.u32 s1, $0xD;
	s1 =	sshrl.u32 s1, $0x2  }
0xb9: {  	s3 =	sand.u32 $0x4000, s31;
	s1 =	sadd.s32 s1, s30  }
0xba: {  	s0 =	sor.u32 s3, s0;
	s1 =	sshll.u32 s1, $0x11  }
0xbb: {  	s0 =	sor.u32 s1, s0  }
0xbc: {  	s0 =	sadd.s32 $0x8F2B, s0  }
0xbd: {  	[sflag:s0] =	ssyncadd.remote.s32 $0x1  }
0xbe: {  	_ =	sfence.sel $0xFFFF  }
0xbf: {  	[dreg:$0x0] =	wrdreg $0xFFFFFFFF;
	(pc) =	sbr.abs _section_cstart, $3  }
0xc0: {  	[dreg:$0x1] =	wrdreg $0xFFFFFFFF  }
0xc1: {  	_ =	task.clear_ibuf [dreg:s6], $0x2FFFF;
	_ =	strace $0x9FFFFFFF  }
0xc2: {  	(tm) =	ssettm $0x7FFFFFFF  }
0xc3: {  	_ =	shalt  }
tec
execute0_lowered:
.L_overlay_start_1:
0x0: {  	(tag) =	ssettag $0x1  }
0x1: {  	s0 =	rddreg [dreg:$0x0]  }
0x2: {  	s2 =	rddreg [dreg:$0x1];
	s14 =	stileid.u32  }
0x3: {  	s1 =	srdreg.scid;
	s5 =	smul.u32 $0x13C00, s14  }
0x4: {  	s3 =	simm.s32 $0x0;
	s1 =	sand.u32 $0x1, s1;
	s8 =	smul.u32 $0x6D, s14  }
0x5: {  	[smem:$0x7FF] =	sst s3;
	s4 =	sadd.s32 $0x44E00, s0;
	s9 =	smul.u32 $0x64, s14  }
0x6: {  	s10 =	sadd.s32 $0x3200, s0;
	s11 =	sadd.s32 $0x10400, s0;
	s12 =	smul.u32 $0x4F000, s14  }
0x7: {  	s22 =	sshll.u32 s14, $0x6;
	s6 =	smul.u32 $0x13C000, s1;
	_ =	strace $0x8000004D  }
0x8: {  	p0 =	seq.s32 s1, $0x0;
	s1 =	ssub.s32 $0x2, s1;
	s7 =	sshrl.u32 s5, $0x3  }
0x9: {  	s17 =	sshrl.u32 s1, $0x1;
	s9 =	sadd.s32 $0x6D0, s9;
	s18 =	sshrl.u32 s12, $0x2  }
0xa: {  	s5 =	sadd.s32 s5, s6;
	s15 =	sadd.s32 s7, s0;
	s1 =	ssub.s32 s1, s17  }
0xb: {  	s9 =	smov.u32 @p0 s8;
	s7 =	sor.u32 $0x1C06, s22;
	s16 =	sshrl.u32 s5, $0x3  }
0xc: {  	s5 =	simm.s32 $0x6D;
	s6 =	sadd.s32 $0x1D600, s15;
	s24 =	sshll.u32 s9, $0x4  }
0xd: {  	s1 =	smax.u32 s1, $0x1;
	s5 =	simm.s32 @!p0 $0x64;
	s0 =	sadd.s32 s16, s0  }
0xe: {  	s16 =	sadd.s32 s18, s2;
	[dreg:$0x4] =	wrdreg s6;
	s25 =	sadd.s32 s10, s24  }
0xf: {  	s9 =	sadd.s32 s11, s24;
	[dreg:$0x9] =	wrdreg s1;
	s13 =	smul.u32 $0x56, s5  }
0x10: {  	s0 =	sadd.s32 $0x6C000, s0;
	s30 =	ssub.s32 $0x0, s5;
	[dreg:$0x5] =	wrdreg s9  }
0x11: {  	s31 =	sadd.s32 $0x20, s9;
	s1 =	sadd.s32 $0x20, s25;
	[dreg:$0x8] =	wrdreg s0  }
0x12: {  	s18 =	sshrl.u32 s16, $0x3;
	[dreg:$0x3] =	wrdreg s30;
	s19 =	sadd.s32 $0xFFFFFF54, s13  }
0x13: {  	[dreg:$0xa] =	wrdreg s31;
	s21 =	sadd.s32 $0xFFFFFFAA, s13;
	s20 =	sshrl.u32 s19, $0x8  }
0x14: {  	s13 =	sadd.s32 $0x10, s24;
	s23 =	sshrl.u32 s21, $0x8;
	s6 =	smul.u32 $0x3, s20  }
0x15: {  	s24 =	simm.s32 $0x2;
	s10 =	sadd.s32 s10, s13;
	s12 =	smul.u32 $0x3, s23  }
0x16: {  	s28 =	sadd.s32 s11, s13;
	s19 =	simm.s32 $0x6;
	[dreg:$0x6] =	wrdreg s10  }
0x17: {  	[dreg:$0x7] =	wrdreg s28;
	s6 =	ssub.s32 s5, s6;
	s12 =	sxor.u32 $0xFFFFFFFF, s12  }
0x18: {  	s20 =	smov.u32 s25;
	s6 =	sadd.s32 $0xFFFFFFFE, s6;
	s26 =	sadd.s32 s5, s12  }
0x19: {  	s23 =	simm.s32 $0x60;
	s6 =	sand.u32 $0xFF, s6;
	s29 =	sand.u32 $0xFF, s26  }
0x1a: {  	s25 =	simm.s32 $0x0;
	s12 =	sadd.s32 $0x3, s6;
	s13 =	sadd.s32 $0x3, s29  }
.LBB2_1:
0x1b: {  	s0 =	rddreg [dreg:$0x4]  }
0x1c: {  	[spmem:s18], [sflag:s7] =	dma.local [hbm:s0], $0x2780  }
0x1d: {  	_ =	swait.ge [sflag:s19], $0x2780  }
0x1e: {  	[sflag:s19] =	ssyncset.done $0x0  }
0x1f: {  	[sflag:s19] =	ssyncadd.s32 $0xFFFFD880  }
0x20: {  	[tilespmem:s3], [sflag:$0x6] =	stream.linear.gather [hbm4b:s20+s3], $0x80, $0x38;
	[tilespmem:$0x1D400] =	vst v63  }
0x21: {  	_ =	swait.ge [sflag:s19], $0x80  }
0x22: {  	[sflag:s19] =	ssyncset.done $0x0  }
0x23: {  	s6 =	simm.s32 $0x400;
	s16 =	rddreg [dreg:$0x5];
	[sflag:s19] =	ssyncadd.s32 $0xFFFFFF80  }
0x24: {  	[tilespmem:s6], [sflag:$0x6] =	stream.linear.gather [hbm4b:s16+s3], $0x80, $0x38;
	[tilespmem:$0x1D400] =	vst v63  }
0x25: {  	_ =	swait.ge [sflag:s19], $0x80  }
0x26: {  	[sflag:s19] =	ssyncset.done $0x0  }
0x27: {  	s21 =	simm.s32 $0x80;
	s17 =	rddreg [dreg:$0x6];
	[sflag:s19] =	ssyncadd.s32 $0xFFFFFF80  }
0x28: {  	[tilespmem:s21], [sflag:$0x6] =	stream.linear.gather [hbm4b:s17+s3], $0x80, $0x38;
	[tilespmem:$0x1D400] =	vst v63  }
0x29: {  	_ =	swait.ge [sflag:s19], $0x80  }
0x2a: {  	[sflag:s19] =	ssyncset.done $0x0  }
0x2b: {  	s26 =	simm.s32 $0x480;
	s22 =	rddreg [dreg:$0x7];
	[sflag:s19] =	ssyncadd.s32 $0xFFFFFF80  }
0x2c: {  	[tilespmem:s26], [sflag:$0x6] =	stream.linear.gather [hbm4b:s22+s3], $0x80, $0x38;
	[tilespmem:$0x1D400] =	vst v63  }
0x2d: {  	s28 =	simm.s32 $0xFFFFFFFE;
	s29 =	simm.s32 $0x3800;
	_ =	swait.ge [sflag:s19], $0x80  }
0x2e: {  	s30 =	simm.s32 $0x200;
	s31 =	simm.s32 $0x100;
	[sflag:s19] =	ssyncset.done $0x0  }
0x2f: {  	s0 =	simm.s32 $0x3;
	s6 =	simm.s32 $0x1;
	[sflag:s19] =	ssyncadd.s32 $0xFFFFFF80  }
0x30: {  	s17 =	smov.u32 s1;
	s26 =	simm.s32 $0x800;
	[bflag:$0x0] =	sbarrier.arrive $0xFFFF  }
0x31: {  	[tilespmem:s26], [sflag:$0x2] =	stream.indirect.gather [hbm4b:s4+s23], $0x80, s3, s23, $0xb8;
	[tilespmem:$0x1D400] =	vst v63  }
0x32: {  	s21 =	simm.s32 $0x1;
	s22 =	simm.s32 $0x0;
	s16 =	rddreg [dreg:$0xa]  }
.LBB2_2:
0x33: {  	s8 =	smulhi.u32 $0xAAAAAAAB, s28  }
0x34: {  	s9 =	sadd.s32 $0x1, s6;
	s10 =	smulhi.u32 $0xAAAAAAAB, s6  }
0x35: {  	s15 =	sadd.s32 $0xFFFFFFFF, s6;
	p0 =	sge.u32 s9, s5;
	s8 =	sshrl.u32 s8, $0x1  }
0x36: {  	s11 =	sand.u32 @!p0 $0x380, s31;
	s14 =	simm.s32 @!p0 $0x0;
	s8 =	smul.u32 $0xFFFFFFF4, s8  }
0x37: {  	[tilespmem:s11], [sflag:$0x1] =	stream.linear.gather @!p0 [hbm4b:s17+s14], $0x80, $0x38;
	[tilespmem:$0x1D400] =	vst v63  }
0x38: {  	s10 =	sshrl.u32 s10, $0x1;
	s11 =	sor.u32 @!p0 $0x400, s11;
	s8 =	sshra.s32 s8, $0x2  }
0x39: {  	[tilespmem:s11], [sflag:$0x1] =	stream.linear.gather @!p0 [hbm4b:s16+s14], $0x80, $0x38;
	[tilespmem:$0x1D400] =	vst v63  }
0x3a: {  	p1 =	slt.u32 s15, $0x2;
	s10 =	smul.u32 $0xFFFDC000, s10;
	s8 =	sadd.s32 s8, s21  }
0x3b: {  	_ =	swait.ge @!p1 [sflag:s8], $0x3000  }
0x3c: {  	s10 =	sshra.s32 s10, $0x2;
	s14 =	smulhi.u32 $0xAAAAAAAB, s22;
	[sflag:s8] =	ssyncset.done @!p1 $0x0  }
0x3d: {  	s10 =	sadd.s32 s10, s29;
	[sflag:s8] =	ssyncadd.s32 @!p1 $0xFFFFD000  }
0x3e: {  	s8 =	sshrl.u32 s14, $0x1;
	p1 =	sge.u32 s6, s5;
	_ =	swait.ge [sflag:s24], $0x3000  }
0x3f: {  	s15 =	smul.u32 $0xFFFFFFF4, s8;
	s11 =	sand.u32 @!p1 $0xE00, s30;
	[sflag:s24] =	ssyncset.done $0x0  }
0x40: {  	s14 =	simm.s32 @!p1 $0x60;
	s11 =	sshrl.u32 @!p1 s11, $0x2;
	[sflag:s24] =	ssyncadd.s32 $0xFFFFD000  }
0x41: {  	[tilespmem:s10], [sflag:$0x2] =	stream.indirect.gather @!p1 [hbm4b:s4+s14], $0x80, s11, s14, $0xb8;
	[tilespmem:$0x1D400] =	vst v63  }
0x42: {  	s8 =	smul.u32 $0xFFFDC000, s8;
	s11 =	sadd.s32 $0xFFFFFE00, s30  }
0x43: {  	s10 =	sand.u32 $0xE00, s11  }
0x44: {  	s6 =	sshra.s32 s15, $0x2;
	s8 =	sshra.s32 s8, $0x2;
	s10 =	sshrl.u32 s10, $0x2  }
0x45: {  	s6 =	sadd.s32 s6, s0;
	s8 =	sadd.s32 s8, s26;
	s10 =	sor.u32 $0x400, s10  }
0x46: {  	[spmem:s2] =	stream.indirect.scatter.add.f32 [tilespmem:s8], [sflag:s6], $0x80, s10, s23, $0xb8;
	[tilespmem:$0x1D400] =	vst v63  }
0x47: {  	s6 =	simm.s32 @!p0 $0x1  }
0x48: {  	_ =	swait.ge @!p0 [sflag:s6], $0x80  }
0x49: {  	[sflag:s6] =	ssyncset.done @!p0 $0x0  }
0x4a: {  	[sflag:s6] =	ssyncadd.s32 @!p0 $0xFFFFFF80  }
0x4b: {  	_ =	swait.ge @!p0 [sflag:s6], $0x80  }
0x4c: {  	s14 =	rddreg [dreg:$0x3]  }
0x4d: {  	[sflag:s6] =	ssyncset.done @!p0 $0x0;
	s15 =	sadd.s32 s9, s14  }
0x4e: {  	[sflag:s6] =	ssyncadd.s32 @!p0 $0xFFFFFF80;
	p0 =	sne.s32 s15, $0x1  }
.Ltmp0:
0x4f: {  	_ = 	snop;
	(pc) =	sbr.rel @p0 .LBB2_2-.Ltmp0, $4  }
0x50: {  	s28 =	sadd.s32 $0x1, s28;
	s31 =	sadd.s32 $0x80, s31  }
0x51: {  	s17 =	sadd.s32 $0x10, s17;
	s16 =	sadd.s32 $0x10, s16;
	s22 =	sadd.s32 $0x1, s22  }
0x52: {  	s21 =	sadd.s32 $0x1, s21;
	s29 =	sadd.s32 $0x3000, s29;
	s30 =	sadd.s32 $0x200, s30  }
0x53: {  	s0 =	sadd.s32 $0x1, s0;
	s26 =	sadd.s32 $0x3000, s26;
	s6 =	smov.u32 s9  }
0x54: {  	_ =	swait.ge [sflag:s12], $0x3000  }
0x55: {  	[sflag:s12] =	ssyncset.done $0x0  }
0x56: {  	[sflag:s12] =	ssyncadd.s32 $0xFFFFD000  }
0x57: {  	_ =	swait.ge [sflag:s13], $0x3000  }
0x58: {  	[sflag:s13] =	ssyncset.done $0x0  }
0x59: {  	[sflag:s13] =	ssyncadd.s32 $0xFFFFD000  }
0x5a: {  	[bflag:$0x0] =	sbarrier.arrive $0xFFFF  }
0x5b: {  	s0 =	rddreg [dreg:$0x8]  }
0x5c: {  	[hbm:s0], [sflag:s7] =	dma.local [spmem:s18], $0x2780  }
0x5d: {  	_ =	swait.ge [sflag:s19], $0x2780  }
0x5e: {  	s25 =	sadd.s32 $0x1, s25;
	s31 =	rddreg [dreg:$0x9]  }
0x5f: {  	p0 =	sne.s32 s25, s31  }
.Ltmp1:
0x60: {  	_ = 	snop;
	(pc) =	sbr.rel @p0 .LBB2_1-.Ltmp1, $3  }
0x61: {  	_ =	sdelay $0x1  }
0x62: {  	[sflag:s19] =	ssyncset.done $0x0  }
0x63: {  	[sflag:s19] =	ssyncadd.s32 $0xFFFFD880  }
0x64: {  	_ =	sfence.sel $0x180000  }
0x65: {  	[bflag:$0x0] =	sbarrier.arrive $0xFFFF  }
0x66: {  	_ =	strace $0x9000004D  }
0x67: {  	s0 =	stileid.u32;
	[bflag:$0x2] =	sbarrier.arrive $0xFFFF  }
0x68: {  	p0 =	sne.s32 s0, $0x0;
	s0 =	rddreg [dreg:$0x2]  }
0x69: {  	s0 =	sadd.s32 @!p0 $0x100000, s0  }
0x6a: {  	[sflag:s0] =	ssyncadd.tile.s32 @!p0 $0x1;
	_ =	shalt  }
.Lfunc_end2:
_tile_overlayer_lowered:
.L_overlay_start_2:
0x6b: {  	(tag) =	ssettag $0x2  }
0x6c: {  	s0 =	rddreg [dreg:$0x0];
	s2 =	stileid.u32  }
0x6d: {  	s1 =	rddreg [dreg:$0x1];
	p0 =	sne.s32 s2, $0x0  }
0x6e: {  	s3 =	rddreg [dreg:$0x2];
	[bflag:$0x3] =	sbarrier.arrive $0xFFFF;
	s2 =	simm.s32 @!p0 $0x1C06  }
0x6f: {  	[timem:s3], [sflag:s2] =	dma.local @!p0 [hbm:s0], s1  }
0x70: {  	s0 =	simm.s32 @!p0 $0x6  }
0x71: {  	_ =	swait.ge @!p0 [sflag:s0], s1  }
0x72: {  	s1 =	ssub.s32 @!p0 $0x0, s1;
	[sflag:s0] =	ssyncset.done @!p0 $0x0  }
0x73: {  	[sflag:s0] =	ssyncadd.s32 @!p0 s1  }
0x74: {  	[bflag:$0x3] =	sbarrier.arrive $0xFFFF  }
0x75: {  	_ =	shalt  }

// kernel: kernel.19.cloned.1.call-start
scs
__scs_entry_jumppad:
0x0: {  	(pc) =	sbr.rel $0x88, $3  }
0x1: {  	(tag) =	ssettag $0x0;
	lr =	simm.s32 $0x1  }
0x2: {  	[smem:$0x3F95] =	sst lr;
	_ =	strace $0xD0000000  }
0x3: {  	_ = 	snop  }
0x4: {  	_ = 	snop  }
0x5: {  	_ = 	snop  }
0x6: {  	_ = 	snop  }
0x7: {  	_ = 	snop  }
__scs_overlays_trampoline_lowered:
0x8: {  	[smem:$0x3FA4] =	sst s0  }
0x9: {  	[smem:$0x3FA5] =	sst s1  }
0xa: {  	[smem:$0x3FA6] =	sst s2  }
0xb: {  	[smem:$0x3FA7] =	sst s3  }
0xc: {  	[smem:$0x3FA8] =	sst s4  }
0xd: {  	[smem:$0x3FA9] =	sst s5  }
0xe: {  	[smem:$0x3FAA] =	sst s6  }
0xf: {  	[smem:$0x3FAB] =	sst s7  }
0x10: {  	[smem:$0x3FAC] =	sst s8  }
0x11: {  	[smem:$0x3FAD] =	sst s9;
	s0 =	simm.s32 @!p0 $0x0  }
0x12: {  	s1 =	sld [smem:$0x3F93];
	s0 =	simm.s32 @p0 $0x1  }
0x13: {  	[smem:$0x3FAE] =	sst s0;
	s0 =	simm.s32 @!p1 $0x0  }
0x14: {  	s2 =	sld [smem:$0x3F92];
	s0 =	simm.s32 @p1 $0x1  }
0x15: {  	[smem:$0x3FAF] =	sst s0;
	s0 =	simm.s32 @!p2 $0x0  }
0x16: {  	s3 =	sld [smem:$0x3FDB];
	s0 =	simm.s32 @p2 $0x1  }
0x17: {  	s4 =	simm.s32 $0x1BF5;
	[smem:$0x3FB1] =	sst s0  }
0x18: {  	s0 =	sld [smem:$0x3F94];
	_ =	swait.ge [sflag:s4], $0x0  }
0x19: {  	s7 =	sld [smem:$0x3F95]  }
0x1a: {  	s8 =	sadd.s32 $0xFFFFE003, lr  }
0x1b: {  	s9 =	sadd.s32 $0xFFFFFEF7, lr;
	s5 =	simm.s32 $0xFFFFFFFF;
	p2 =	slt.u32 s8, $0xFFFFF086  }
0x1c: {  	p1 =	slt.u32 s9, $0xF7A;
	s5 =	simm.s32 @!p2 $0x0  }
0x1d: {  	s5 =	simm.s32 @p1 $0x1;
	p0 =	seq.s32 s7, s2  }
0x1e: {  	s7 =	smul.u32 @!p0 $0xF7A, s2;
	p2 =	seq.s32 @!p0 s5, $0x0  }
0x1f: {  	s9 =	smul.u32 $0xF7A, s1;
	s8 =	simm.s32 @!p0 $0x1BF5;
	p2 =	por !p2, p0  }
0x20: {  	[sflag:s8] =	ssyncset.s32 @!p0 $0xFFFFF086;
	s6 =	sadd.s32 @!p0 s3, s7;
	s7 =	simm.s32 @!p0 $0x108  }
0x21: {  	s3 =	sadd.s32 s3, s9;
	s6 =	sadd.s32 @!p0 $0x88, s6;
	s7 =	simm.s32 @p2 $0x1082  }
0x22: {  	[simem:s7], [sflag:s8] =	dma.local @!p0 [hbm:s6], $0xF7A  }
0x23: {  	s9 =	sor.u32 $0xD0000000, s2;
	s6 =	simm.s32 $0x108;
	_ =	swait.ge @!p0 [sflag:s8], $0x0  }
0x24: {  	s3 =	sadd.s32 $0x88, s3;
	s6 =	simm.s32 @!p1 $0x1082;
	[sflag:s4] =	ssyncset.s32 $0xFFFFF086  }
0x25: {  	[simem:s6], [sflag:s4] =	dma.local [hbm:s3], $0xF7A  }
0x26: {  	[smem:$0x3F95] =	sst s1;
	(tag) =	ssettag s2;
	_ =	strace s9  }
0x27: {  	s1 =	sld [smem:$0x3FA5]  }
0x28: {  	s2 =	sld [smem:$0x3FA6]  }
0x29: {  	s4 =	sld [smem:$0x3FA8]  }
0x2a: {  	p0 =	seq.s32 s5, $0x0;
	s5 =	sld [smem:$0x3FA9]  }
0x2b: {  	s6 =	sld [smem:$0x3FAA]  }
0x2c: {  	s7 =	sld [smem:$0x3FAB]  }
0x2d: {  	s3 =	simm.s32 $0x108;
	s8 =	sld [smem:$0x3FAC]  }
0x2e: {  	s3 =	simm.s32 @!p0 $0x1082;
	s9 =	sld [smem:$0x3FAD]  }
0x2f: {  	lr =	sadd.s32 s0, s3;
	s0 =	sld [smem:$0x3FA4]  }
0x30: {  	s3 =	sld [smem:$0x3FA7]  }
0x31: {  	[smem:$0x3FB0] =	sst s10  }
0x32: {  	s10 =	sld [smem:$0x3FAE];
	_ =	sdelay $0x3  }
0x33: {  	p0 =	seq.s32 s10, $0x1;
	s10 =	sld [smem:$0x3FB0];
	_ =	sdelay $0x3  }
0x34: {  	[smem:$0x3FB0] =	sst s10  }
0x35: {  	s10 =	sld [smem:$0x3FAF];
	_ =	sdelay $0x3  }
0x36: {  	p1 =	seq.s32 s10, $0x1;
	s10 =	sld [smem:$0x3FB0];
	_ =	sdelay $0x3  }
0x37: {  	[smem:$0x3FB0] =	sst s10  }
0x38: {  	s10 =	sld [smem:$0x3FB1]  }
0x39: {  	_ = 	snop;
	(pc) =	sbr.ind lr, $3  }
0x3a: {  	_ = 	snop  }
0x3b: {  	_ = 	snop  }
0x3c: {  	p2 =	seq.s32 s10, $0x1;
	s10 =	sld [smem:$0x3FB0]  }
0x3d: {  	_ =	shalt  }
0x3e: {  	_ =	shalt  }
0x3f: {  	_ =	shalt  }
0x40: {  	_ =	shalt  }
0x41: {  	_ =	shalt  }
0x42: {  	_ =	shalt  }
0x43: {  	_ =	shalt  }
0x44: {  	_ =	shalt  }
0x45: {  	_ =	shalt  }
0x46: {  	_ =	shalt  }
0x47: {  	_ =	shalt  }
0x48: {  	_ =	shalt  }
0x49: {  	_ =	shalt  }
0x4a: {  	_ =	shalt  }
0x4b: {  	_ =	shalt  }
0x4c: {  	_ =	shalt  }
0x4d: {  	_ =	shalt  }
0x4e: {  	_ =	shalt  }
0x4f: {  	_ =	shalt  }
0x50: {  	_ =	shalt  }
0x51: {  	_ =	shalt  }
0x52: {  	_ =	shalt  }
0x53: {  	_ =	shalt  }
0x54: {  	_ =	shalt  }
0x55: {  	_ =	shalt  }
0x56: {  	_ =	shalt  }
0x57: {  	_ =	shalt  }
0x58: {  	_ =	shalt  }
0x59: {  	_ =	shalt  }
0x5a: {  	_ =	shalt  }
0x5b: {  	_ =	shalt  }
0x5c: {  	_ =	shalt  }
0x5d: {  	_ =	shalt  }
0x5e: {  	_ =	shalt  }
0x5f: {  	_ =	shalt  }
0x60: {  	_ =	shalt  }
0x61: {  	_ =	shalt  }
0x62: {  	_ =	shalt  }
0x63: {  	_ =	shalt  }
0x64: {  	_ =	shalt  }
0x65: {  	_ =	shalt  }
0x66: {  	_ =	shalt  }
0x67: {  	_ =	shalt  }
0x68: {  	_ =	shalt  }
0x69: {  	_ =	shalt  }
0x6a: {  	_ =	shalt  }
0x6b: {  	_ =	shalt  }
0x6c: {  	_ =	shalt  }
0x6d: {  	_ =	shalt  }
0x6e: {  	_ =	shalt  }
0x6f: {  	_ =	shalt  }
0x70: {  	_ =	shalt  }
0x71: {  	_ =	shalt  }
0x72: {  	_ =	shalt  }
0x73: {  	_ =	shalt  }
0x74: {  	_ =	shalt  }
0x75: {  	_ =	shalt  }
0x76: {  	_ =	shalt  }
0x77: {  	_ =	shalt  }
0x78: {  	_ =	shalt  }
0x79: {  	_ =	shalt  }
0x7a: {  	_ =	shalt  }
0x7b: {  	_ =	shalt  }
0x7c: {  	_ =	shalt  }
0x7d: {  	_ =	shalt  }
0x7e: {  	_ =	shalt  }
0x7f: {  	_ =	shalt  }
0x80: {  	_ =	shalt  }
0x81: {  	_ =	shalt  }
0x82: {  	_ =	shalt  }
0x83: {  	_ =	shalt  }
0x84: {  	_ =	shalt  }
0x85: {  	_ =	shalt  }
0x86: {  	_ =	shalt  }
0x87: {  	_ =	shalt  }
.Lfunc_end0:
.L_simem_size_0:
called_computation.3_lowered:
.L_overlay_start_0:
0x88: {  	s2 =	sld [smem:$0x3FD9]  }
0x89: {  	s3 =	sld [smem:$0x3FFE];
	_ =	sdelay $0x1  }
0x8a: {  	s1 =	srdreg.scid  }
0x8b: {  	s0 =	sand.u32 $0x1, s1  }
0x8c: {  	s16 =	sshll.u32 s0, $0xA;
	s2 =	sadd.s32 s3, s2  }
0x8d: {  	s2 =	sadd.s32 s2, s16  }
0x8e: {  	[smem:$0x3FBC] =	sst s2  }
0x8f: {  	_ = 	snop  }
0x90: {  	(tm) =	ssettm $0x1  }
0x91: {  	s17 =	sld [smem:$0x3FFB];
	_ =	sdelay $0x3  }
0x92: {  	_ =	strace s17  }
0x93: {  	s2 =	sld [smem:$0x3FFC];
	_ =	sdelay $0x3  }
0x94: {  	_ =	strace s2  }
0x95: {  	s2 =	sld [smem:$0x3FFD];
	_ =	sdelay $0x3  }
0x96: {  	_ =	strace s2  }
0x97: {  	_ =	strace $0x8FFFFFFF  }
0x98: {  	s18 =	sld [smem:$0x3FDB];
	_ =	sdelay $0x1  }
0x99: {  	s19 =	simm.s32 $_scs_section_size  }
0x9a: {  	s4 =	simm.s32 $_size__tile_overlayer_lowered;
	s5 =	simm.s32 $_tile_overlayer_lowered  }
0x9b: {  	s22 =	simm.s32 $0x1BFF;
	s21 =	sshll.u32 s5, $0x1;
	s2 =	sadd.s32 s19, s18  }
0x9c: {  	s6 =	simm.s32 $0x0;
	s20 =	sshll.u32 s4, $0x1;
	s4 =	sadd.s32 s21, s2  }
0x9d: {  	[timem:s6], [sflag:s22] =	dma.local [hbm:s4], s20  }
0x9e: {  	_ =	swait.ge [sflag:s22], s20  }
0x9f: {  	s3 =	ssub.s32 $0x0, s20;
	[sflag:s22] =	ssyncset.done $0x0  }
0xa0: {  	[sflag:s22] =	ssyncadd.s32 s3;
	_ =	sdelay $0x1  }
0xa1: {  	s23 =	simm.s32 $0x1B8B  }
0xa2: {  	_ =	swait.ge [sflag:s23], $0x1  }
0xa3: {  	[sflag:s23] =	ssyncset.done $0x0  }
0xa4: {  	s25 =	simm.s32 $0x1B8E;
	s24 =	sld [smem:$0x3FFE];
	[sflag:s23] =	ssyncadd.s32 $0xFFFFFFFF  }
0xa5: {  	s26 =	simm.s32 $execute0_lowered;
	[smem:$0x3FD2] =	sst s25  }
0xa6: {  	s4 =	sshll.u32 s26, $0x1;
	_ =	strace $0x8000004F;
	[dreg:$0x1] =	wrdreg $0xFFFFFFFF  }
0xa7: {  	s28 =	simm.s32 $_size_execute0_lowered;
	s2 =	sadd.s32 s2, s4;
	[dreg:$0x0] =	wrdreg $0x0  }
0xa8: {  	s4 =	sshll.u32 s28, $0x1;
	[dreg:$0x2] =	wrdreg s2  }
0xa9: {  	[dreg:$0x3] =	wrdreg s4  }
0xaa: {  	[dreg:$0x4] =	wrdreg $0xC0  }
0xab: {  	_ =	task [dreg:s6], $0x5FFFF  }
0xac: {  	[dreg:$0x1] =	wrdreg $0xFFFFFFFF  }
0xad: {  	[dreg:$0x0] =	wrdreg $0x60  }
0xae: {  	[dreg:$0x2] =	wrdreg s24  }
0xaf: {  	[dreg:$0x3] =	wrdreg $0x98000  }
0xb0: {  	[dreg:$0x4] =	wrdreg $0x9  }
0xb1: {  	_ =	task.clear_ibuf [dreg:s6], $0x5FFFF;
	_ =	strace $0x9000004F  }
0xb2: {  	s29 =	simm.s32 $0x9;
	_ =	strace $0x80000051  }
0xb3: {  	_ =	swait.ge [sflag:s29], $0x1  }
0xb4: {  	[sflag:s29] =	ssyncadd.s32 $0xFFFFFFFF  }
0xb5: {  	_ =	strace $0x90000051  }
0xb6: {  	_ =	sfence  }
0xb7: {  	s30 =	sld [smem:$0x0];
	_ =	sdelay $0x2  }
0xb8: {  	s31 =	sshll.u32 s1, $0xD;
	s1 =	sshrl.u32 s1, $0x2  }
0xb9: {  	s3 =	sand.u32 $0x4000, s31;
	s1 =	sadd.s32 s1, s30  }
0xba: {  	s0 =	sor.u32 s3, s0;
	s1 =	sshll.u32 s1, $0x11  }
0xbb: {  	s0 =	sor.u32 s1, s0  }
0xbc: {  	s0 =	sadd.s32 $0x8F2B, s0  }
0xbd: {  	[sflag:s0] =	ssyncadd.remote.s32 $0x1  }
0xbe: {  	_ =	sfence.sel $0xFFFF  }
0xbf: {  	[dreg:$0x0] =	wrdreg $0xFFFFFFFF;
	(pc) =	sbr.abs _section_cstart, $3  }
0xc0: {  	[dreg:$0x1] =	wrdreg $0xFFFFFFFF  }
0xc1: {  	_ =	task.clear_ibuf [dreg:s6], $0x2FFFF;
	_ =	strace $0x9FFFFFFF  }
0xc2: {  	(tm) =	ssettm $0x7FFFFFFF  }
0xc3: {  	_ =	shalt  }
tec
execute0_lowered:
.L_overlay_start_1:
0x0: {  	(tag) =	ssettag $0x1  }
0x1: {  	s0 =	rddreg [dreg:$0x0]  }
0x2: {  	s2 =	rddreg [dreg:$0x1];
	s14 =	stileid.u32  }
0x3: {  	s1 =	srdreg.scid;
	s5 =	smul.u32 $0x13C00, s14  }
0x4: {  	s3 =	simm.s32 $0x0;
	s1 =	sand.u32 $0x1, s1;
	s8 =	smul.u32 $0x6D, s14  }
0x5: {  	[smem:$0x7FF] =	sst s3;
	s4 =	sadd.s32 $0x44E00, s0;
	s9 =	smul.u32 $0x64, s14  }
0x6: {  	s10 =	sadd.s32 $0x3200, s0;
	s11 =	sadd.s32 $0x10400, s0;
	s12 =	smul.u32 $0x4F000, s14  }
0x7: {  	s22 =	sshll.u32 s14, $0x6;
	s6 =	smul.u32 $0x13C000, s1;
	_ =	strace $0x80000050  }
0x8: {  	p0 =	seq.s32 s1, $0x0;
	s1 =	ssub.s32 $0x2, s1;
	s7 =	sshrl.u32 s5, $0x3  }
0x9: {  	s17 =	sshrl.u32 s1, $0x1;
	s9 =	sadd.s32 $0x6D0, s9;
	s18 =	sshrl.u32 s12, $0x2  }
0xa: {  	s5 =	sadd.s32 s5, s6;
	s15 =	sadd.s32 s7, s0;
	s1 =	ssub.s32 s1, s17  }
0xb: {  	s9 =	smov.u32 @p0 s8;
	s7 =	sor.u32 $0x1C06, s22;
	s16 =	sshrl.u32 s5, $0x3  }
0xc: {  	s5 =	simm.s32 $0x6D;
	s6 =	sadd.s32 $0x1D600, s15;
	s24 =	sshll.u32 s9, $0x4  }
0xd: {  	s1 =	smax.u32 s1, $0x1;
	s5 =	simm.s32 @!p0 $0x64;
	s0 =	sadd.s32 s16, s0  }
0xe: {  	s16 =	sadd.s32 s18, s2;
	[dreg:$0x4] =	wrdreg s6;
	s25 =	sadd.s32 s10, s24  }
0xf: {  	s9 =	sadd.s32 s11, s24;
	[dreg:$0x9] =	wrdreg s1;
	s13 =	smul.u32 $0x56, s5  }
0x10: {  	s0 =	sadd.s32 $0x6C000, s0;
	s30 =	ssub.s32 $0x0, s5;
	[dreg:$0x5] =	wrdreg s9  }
0x11: {  	s31 =	sadd.s32 $0x20, s9;
	s1 =	sadd.s32 $0x20, s25;
	[dreg:$0x8] =	wrdreg s0  }
0x12: {  	s18 =	sshrl.u32 s16, $0x3;
	[dreg:$0x3] =	wrdreg s30;
	s19 =	sadd.s32 $0xFFFFFF54, s13  }
0x13: {  	[dreg:$0xa] =	wrdreg s31;
	s21 =	sadd.s32 $0xFFFFFFAA, s13;
	s20 =	sshrl.u32 s19, $0x8  }
0x14: {  	s13 =	sadd.s32 $0x10, s24;
	s23 =	sshrl.u32 s21, $0x8;
	s6 =	smul.u32 $0x3, s20  }
0x15: {  	s24 =	simm.s32 $0x2;
	s10 =	sadd.s32 s10, s13;
	s12 =	smul.u32 $0x3, s23  }
0x16: {  	s28 =	sadd.s32 s11, s13;
	s19 =	simm.s32 $0x6;
	[dreg:$0x6] =	wrdreg s10  }
0x17: {  	[dreg:$0x7] =	wrdreg s28;
	s6 =	ssub.s32 s5, s6;
	s12 =	sxor.u32 $0xFFFFFFFF, s12  }
0x18: {  	s20 =	smov.u32 s25;
	s6 =	sadd.s32 $0xFFFFFFFE, s6;
	s26 =	sadd.s32 s5, s12  }
0x19: {  	s23 =	simm.s32 $0x60;
	s6 =	sand.u32 $0xFF, s6;
	s29 =	sand.u32 $0xFF, s26  }
0x1a: {  	s25 =	simm.s32 $0x0;
	s12 =	sadd.s32 $0x3, s6;
	s13 =	sadd.s32 $0x3, s29  }
.LBB2_1:
0x1b: {  	s0 =	rddreg [dreg:$0x4]  }
0x1c: {  	[spmem:s18], [sflag:s7] =	dma.local [hbm:s0], $0x2780  }
0x1d: {  	_ =	swait.ge [sflag:s19], $0x2780  }
0x1e: {  	[sflag:s19] =	ssyncset.done $0x0  }
0x1f: {  	[sflag:s19] =	ssyncadd.s32 $0xFFFFD880  }
0x20: {  	[tilespmem:s3], [sflag:$0x6] =	stream.linear.gather [hbm4b:s20+s3], $0x80, $0x38;
	[tilespmem:$0x1D400] =	vst v63  }
0x21: {  	_ =	swait.ge [sflag:s19], $0x80  }
0x22: {  	[sflag:s19] =	ssyncset.done $0x0  }
0x23: {  	s6 =	simm.s32 $0x400;
	s16 =	rddreg [dreg:$0x5];
	[sflag:s19] =	ssyncadd.s32 $0xFFFFFF80  }
0x24: {  	[tilespmem:s6], [sflag:$0x6] =	stream.linear.gather [hbm4b:s16+s3], $0x80, $0x38;
	[tilespmem:$0x1D400] =	vst v63  }
0x25: {  	_ =	swait.ge [sflag:s19], $0x80  }
0x26: {  	[sflag:s19] =	ssyncset.done $0x0  }
0x27: {  	s21 =	simm.s32 $0x80;
	s17 =	rddreg [dreg:$0x6];
	[sflag:s19] =	ssyncadd.s32 $0xFFFFFF80  }
0x28: {  	[tilespmem:s21], [sflag:$0x6] =	stream.linear.gather [hbm4b:s17+s3], $0x80, $0x38;
	[tilespmem:$0x1D400] =	vst v63  }
0x29: {  	_ =	swait.ge [sflag:s19], $0x80  }
0x2a: {  	[sflag:s19] =	ssyncset.done $0x0  }
0x2b: {  	s26 =	simm.s32 $0x480;
	s22 =	rddreg [dreg:$0x7];
	[sflag:s19] =	ssyncadd.s32 $0xFFFFFF80  }
0x2c: {  	[tilespmem:s26], [sflag:$0x6] =	stream.linear.gather [hbm4b:s22+s3], $0x80, $0x38;
	[tilespmem:$0x1D400] =	vst v63  }
0x2d: {  	s28 =	simm.s32 $0xFFFFFFFE;
	s29 =	simm.s32 $0x3800;
	_ =	swait.ge [sflag:s19], $0x80  }
0x2e: {  	s30 =	simm.s32 $0x200;
	s31 =	simm.s32 $0x100;
	[sflag:s19] =	ssyncset.done $0x0  }
0x2f: {  	s0 =	simm.s32 $0x3;
	s6 =	simm.s32 $0x1;
	[sflag:s19] =	ssyncadd.s32 $0xFFFFFF80  }
0x30: {  	s17 =	smov.u32 s1;
	s26 =	simm.s32 $0x800;
	[bflag:$0x0] =	sbarrier.arrive $0xFFFF  }
0x31: {  	[tilespmem:s26], [sflag:$0x2] =	stream.indirect.gather [hbm4b:s4+s23], $0x80, s3, s23, $0xb8;
	[tilespmem:$0x1D400] =	vst v63  }
0x32: {  	s21 =	simm.s32 $0x1;
	s22 =	simm.s32 $0x0;
	s16 =	rddreg [dreg:$0xa]  }
.LBB2_2:
0x33: {  	s8 =	smulhi.u32 $0xAAAAAAAB, s28  }
0x34: {  	s9 =	sadd.s32 $0x1, s6;
	s10 =	smulhi.u32 $0xAAAAAAAB, s6  }
0x35: {  	s15 =	sadd.s32 $0xFFFFFFFF, s6;
	p0 =	sge.u32 s9, s5;
	s8 =	sshrl.u32 s8, $0x1  }
0x36: {  	s11 =	sand.u32 @!p0 $0x380, s31;
	s14 =	simm.s32 @!p0 $0x0;
	s8 =	smul.u32 $0xFFFFFFF4, s8  }
0x37: {  	[tilespmem:s11], [sflag:$0x1] =	stream.linear.gather @!p0 [hbm4b:s17+s14], $0x80, $0x38;
	[tilespmem:$0x1D400] =	vst v63  }
0x38: {  	s10 =	sshrl.u32 s10, $0x1;
	s11 =	sor.u32 @!p0 $0x400, s11;
	s8 =	sshra.s32 s8, $0x2  }
0x39: {  	[tilespmem:s11], [sflag:$0x1] =	stream.linear.gather @!p0 [hbm4b:s16+s14], $0x80, $0x38;
	[tilespmem:$0x1D400] =	vst v63  }
0x3a: {  	p1 =	slt.u32 s15, $0x2;
	s10 =	smul.u32 $0xFFFDC000, s10;
	s8 =	sadd.s32 s8, s21  }
0x3b: {  	_ =	swait.ge @!p1 [sflag:s8], $0x3000  }
0x3c: {  	s10 =	sshra.s32 s10, $0x2;
	s14 =	smulhi.u32 $0xAAAAAAAB, s22;
	[sflag:s8] =	ssyncset.done @!p1 $0x0  }
0x3d: {  	s10 =	sadd.s32 s10, s29;
	[sflag:s8] =	ssyncadd.s32 @!p1 $0xFFFFD000  }
0x3e: {  	s8 =	sshrl.u32 s14, $0x1;
	p1 =	sge.u32 s6, s5;
	_ =	swait.ge [sflag:s24], $0x3000  }
0x3f: {  	s15 =	smul.u32 $0xFFFFFFF4, s8;
	s11 =	sand.u32 @!p1 $0xE00, s30;
	[sflag:s24] =	ssyncset.done $0x0  }
0x40: {  	s14 =	simm.s32 @!p1 $0x60;
	s11 =	sshrl.u32 @!p1 s11, $0x2;
	[sflag:s24] =	ssyncadd.s32 $0xFFFFD000  }
0x41: {  	[tilespmem:s10], [sflag:$0x2] =	stream.indirect.gather @!p1 [hbm4b:s4+s14], $0x80, s11, s14, $0xb8;
	[tilespmem:$0x1D400] =	vst v63  }
0x42: {  	s8 =	smul.u32 $0xFFFDC000, s8;
	s11 =	sadd.s32 $0xFFFFFE00, s30  }
0x43: {  	s10 =	sand.u32 $0xE00, s11  }
0x44: {  	s6 =	sshra.s32 s15, $0x2;
	s8 =	sshra.s32 s8, $0x2;
	s10 =	sshrl.u32 s10, $0x2  }
0x45: {  	s6 =	sadd.s32 s6, s0;
	s8 =	sadd.s32 s8, s26;
	s10 =	sor.u32 $0x400, s10  }
0x46: {  	[spmem:s2] =	stream.indirect.scatter.add.f32 [tilespmem:s8], [sflag:s6], $0x80, s10, s23, $0xb8;
	[tilespmem:$0x1D400] =	vst v63  }
0x47: {  	s6 =	simm.s32 @!p0 $0x1  }
0x48: {  	_ =	swait.ge @!p0 [sflag:s6], $0x80  }
0x49: {  	[sflag:s6] =	ssyncset.done @!p0 $0x0  }
0x4a: {  	[sflag:s6] =	ssyncadd.s32 @!p0 $0xFFFFFF80  }
0x4b: {  	_ =	swait.ge @!p0 [sflag:s6], $0x80  }
0x4c: {  	s14 =	rddreg [dreg:$0x3]  }
0x4d: {  	[sflag:s6] =	ssyncset.done @!p0 $0x0;
	s15 =	sadd.s32 s9, s14  }
0x4e: {  	[sflag:s6] =	ssyncadd.s32 @!p0 $0xFFFFFF80;
	p0 =	sne.s32 s15, $0x1  }
.Ltmp0:
0x4f: {  	_ = 	snop;
	(pc) =	sbr.rel @p0 .LBB2_2-.Ltmp0, $4  }
0x50: {  	s28 =	sadd.s32 $0x1, s28;
	s31 =	sadd.s32 $0x80, s31  }
0x51: {  	s17 =	sadd.s32 $0x10, s17;
	s16 =	sadd.s32 $0x10, s16;
	s22 =	sadd.s32 $0x1, s22  }
0x52: {  	s21 =	sadd.s32 $0x1, s21;
	s29 =	sadd.s32 $0x3000, s29;
	s30 =	sadd.s32 $0x200, s30  }
0x53: {  	s0 =	sadd.s32 $0x1, s0;
	s26 =	sadd.s32 $0x3000, s26;
	s6 =	smov.u32 s9  }
0x54: {  	_ =	swait.ge [sflag:s12], $0x3000  }
0x55: {  	[sflag:s12] =	ssyncset.done $0x0  }
0x56: {  	[sflag:s12] =	ssyncadd.s32 $0xFFFFD000  }
0x57: {  	_ =	swait.ge [sflag:s13], $0x3000  }
0x58: {  	[sflag:s13] =	ssyncset.done $0x0  }
0x59: {  	[sflag:s13] =	ssyncadd.s32 $0xFFFFD000  }
0x5a: {  	[bflag:$0x0] =	sbarrier.arrive $0xFFFF  }
0x5b: {  	s0 =	rddreg [dreg:$0x8]  }
0x5c: {  	[hbm:s0], [sflag:s7] =	dma.local [spmem:s18], $0x2780  }
0x5d: {  	_ =	swait.ge [sflag:s19], $0x2780  }
0x5e: {  	s25 =	sadd.s32 $0x1, s25;
	s31 =	rddreg [dreg:$0x9]  }
0x5f: {  	p0 =	sne.s32 s25, s31  }
.Ltmp1:
0x60: {  	_ = 	snop;
	(pc) =	sbr.rel @p0 .LBB2_1-.Ltmp1, $3  }
0x61: {  	_ =	sdelay $0x1  }
0x62: {  	[sflag:s19] =	ssyncset.done $0x0  }
0x63: {  	[sflag:s19] =	ssyncadd.s32 $0xFFFFD880  }
0x64: {  	_ =	sfence.sel $0x180000  }
0x65: {  	[bflag:$0x0] =	sbarrier.arrive $0xFFFF  }
0x66: {  	_ =	strace $0x90000050  }
0x67: {  	s0 =	stileid.u32;
	[bflag:$0x2] =	sbarrier.arrive $0xFFFF  }
0x68: {  	p0 =	sne.s32 s0, $0x0;
	s0 =	rddreg [dreg:$0x2]  }
0x69: {  	s0 =	sadd.s32 @!p0 $0x100000, s0  }
0x6a: {  	[sflag:s0] =	ssyncadd.tile.s32 @!p0 $0x1;
	_ =	shalt  }
.Lfunc_end2:
_tile_overlayer_lowered:
.L_overlay_start_2:
0x6b: {  	(tag) =	ssettag $0x2  }
0x6c: {  	s0 =	rddreg [dreg:$0x0];
	s2 =	stileid.u32  }
0x6d: {  	s1 =	rddreg [dreg:$0x1];
	p0 =	sne.s32 s2, $0x0  }
0x6e: {  	s3 =	rddreg [dreg:$0x2];
	[bflag:$0x3] =	sbarrier.arrive $0xFFFF;
	s2 =	simm.s32 @!p0 $0x1C06  }
0x6f: {  	[timem:s3], [sflag:s2] =	dma.local @!p0 [hbm:s0], s1  }
0x70: {  	s0 =	simm.s32 @!p0 $0x6  }
0x71: {  	_ =	swait.ge @!p0 [sflag:s0], s1  }
0x72: {  	s1 =	ssub.s32 @!p0 $0x0, s1;
	[sflag:s0] =	ssyncset.done @!p0 $0x0  }
0x73: {  	[sflag:s0] =	ssyncadd.s32 @!p0 s1  }
0x74: {  	[bflag:$0x3] =	sbarrier.arrive $0xFFFF  }
0x75: {  	_ =	shalt  }

</sc_bundles>
